<compile_context>
chip_gen: v7x
topology: tpu7x:2x2x1
jax: 0.10.2.dev20260603
libtpu: 0.0.44.dev20260713+nightly
codegen_flags: <defaults>
</compile_context>

<pallas_src>
import jax
import jax.numpy as jnp
from jax import lax
from jax.experimental import pallas as pl
from jax.experimental.pallas import tpu as pltpu
from jax.experimental.pallas import tpu_sc as plsc

M = 32
K = 8192
D = 64
N = 16384

NC = 2
NS = 16
MPC = M // NC
MG = 8
DG = 8
NCH = 2048
NCHN = N // NCH
CBT = NCH // 128
L = 16
MT = MPC // NC


def _lookup_body(codes4, cb5, out4, stage_v, tab_v, idx_v, out_v, codes_sh,
                 sem_st, sem_tab, sem_idx, sem_out):
    c = lax.axis_index("c")
    s = lax.axis_index("s")
    mg = s // DG
    dg = s % DG
    mrow0 = MPC * c

    def tab_copy(mi):
        m = mrow0 + mg * MG + mi
        return pltpu.make_async_copy(cb5.at[m, dg], tab_v, sem_tab)

    tab_copy(0).start()

    for r in range(2):
        u = 2 * s + r
        st_mg = u // 16
        st_nb = u % 16
        mb = 2 * c + st_mg

        def st_copy():
            return pltpu.make_async_copy(
                codes4.at[mb, pl.ds(st_nb * 8, 8)], stage_v, sem_st)

        st_copy().start()
        st_copy().wait()
        for mr in range(MG):
            pltpu.async_copy(
                stage_v.at[:, mr],
                codes_sh.at[st_mg * MG + mr, pl.ds(st_nb * 8, 8)],
                sem_st)
        for mr in range(MG):
            pltpu.make_async_copy(
                stage_v.at[:, mr],
                codes_sh.at[st_mg * MG + mr, pl.ds(st_nb * 8, 8)],
                sem_st).wait()
    plsc.subcore_barrier()

    def idx_copy(mi, ch, p):
        return pltpu.make_async_copy(
            codes_sh.at[mg * MG + mi, pl.ds(ch * CBT, CBT)],
            idx_v.at[p], sem_idx.at[p])

    def out_copy(mi, ch, p):
        m = mrow0 + mg * MG + mi
        rb = m * (D // 8) + dg
        return pltpu.make_async_copy(
            out_v.at[p],
            out4.at[rb, pl.ds(ch * CBT, CBT)],
            sem_out.at[p])

    idx_copy(0, 0, 0).start()

    dvecs = [jnp.full((L,), d, jnp.int32) for d in range(DG)]
    kmask = jnp.full((L,), 127, jnp.int32)

    def idx_wait(p):
        idx_copy(0, 0, p).wait()

    def out_wait(p):
        out_copy(0, 0, p).wait()

    def chunk(mi, ch, p, first, idx_pf, idx_pf_next_m):
        idx_wait(p)
        idx_pf(p)
        idx_pf_next_m(p)

        @pl.when(jnp.logical_not(first))
        def _():
            out_wait(p)

        def gcb(cb):
            def gather_round(g0):
                parts = []
                for g in (g0, g0 + 1):
                    iv = idx_v[p, cb, pl.ds(g * L, L)]
                    hi = lax.shift_right_logical(iv, 7)
                    lo = lax.bitwise_and(iv, kmask)
                    parts.append([plsc.load_gather(tab_v, [hi, dvecs[d], lo])
                                  for d in range(DG)])
                return parts

            def store_round(g0, parts):
                for gi, g in enumerate((g0, g0 + 1)):
                    for d in range(DG):
                        out_v[p, cb, d, pl.ds(g * L, L)] = parts[gi][d]

            prev = gather_round(0)
            for g0 in range(2, 128 // L, 2):
                cur = gather_round(g0)
                store_round(g0 - 2, prev)
                prev = cur
            store_round(128 // L - 2, prev)

        pl.loop(0, CBT)(gcb)
        out_copy(mi, ch, p).start()

    def m_step(mi):
        tab_copy(0).wait()

        def ch_step(chv):
            def pf_a(p):
                idx_copy(mi, chv + 1, 1 - p).start()

            def pf_none(p):
                pass

            def pf_b(p):
                @pl.when(chv + 2 < NCHN)
                def _():
                    idx_copy(mi, chv + 2, 1 - p).start()

            def pf_b2(p):
                @pl.when(jnp.logical_and(chv + 2 >= NCHN, mi + 1 < MT))
                def _():
                    idx_copy(mi + 1, 0, 1 - p).start()

            first0 = jnp.logical_and(mi == 0, chv == 0)
            chunk(mi, chv, 0, first0, pf_a, pf_none)
            chunk(mi, chv + 1, 1, first0, pf_b, pf_b2)

        pl.loop(0, NCHN, step=2)(ch_step)

        @pl.when(mi + 1 < MT)
        def _():
            tab_copy(mi + 1).start()

    pl.loop(0, MT)(m_step)

    out_wait(0)
    out_wait(1)


@jax.jit
def kernel(codes, codebook):
    codes4 = (codes.astype(jnp.int32).T
              .reshape(4, 8, 128, 128)
              .transpose(0, 2, 1, 3))
    cb5 = (codebook.transpose(0, 2, 1)
           .reshape(M, 8, 8, 64, 128)
           .transpose(0, 1, 3, 2, 4))

    mesh = plsc.VectorSubcoreMesh(core_axis_name="c", subcore_axis_name="s")
    out4 = pl.kernel(
        _lookup_body,
        mesh=mesh,
        compiler_params=pltpu.CompilerParams(use_tc_tiling_on_sc=True,
                                             needs_layout_passes=False),
        out_type=jax.ShapeDtypeStruct((M * D // 8, N // 128, 8, 128),
                                      jnp.float32),
        scratch_types=[
            pltpu.VMEM((8, MG, 128), jnp.int32),
            pltpu.VMEM((K // 128, DG, 128), jnp.float32),
            pltpu.VMEM((2, CBT, 128), jnp.int32),
            pltpu.VMEM((2, CBT, DG, 128), jnp.float32),
            pltpu.VMEM_SHARED((MPC, N // 128, 128), jnp.int32),
            pltpu.SemaphoreType.DMA,
            pltpu.SemaphoreType.DMA,
            pltpu.SemaphoreType.DMA((2,)),
            pltpu.SemaphoreType.DMA((2,)),
        ],
    )(codes4, cb5)
    return (out4.transpose(0, 2, 1, 3)
            .reshape(M, D, N)
            .transpose(2, 0, 1))

# --- scband reference (transcript-rebuilt; emitter-appended) ---
"""Pipeline reference for scband-lookup-model-54966991454343 (READ-ONLY COPY).

The authoritative reference and input builder live on the scoring server;
editing this copy changes nothing except your own understanding.
"""

import jax, jax.numpy as jnp
import numpy as np

M = 32
K = 8192
D = 64
N = 16384

def setup_inputs(seed: int = 0) -> dict:
    key = jax.random.key(seed)
    k1, k2 = jax.random.split(key)
    codes = jax.random.randint(k1, (N, M), 0, K, dtype=jnp.int64)
    codebook = jax.random.normal(k2, (M, K, D), dtype=jnp.float32) * 0.02
    return {"codes": codes, "codebook": codebook}

def reference(codes, codebook):
    # ix = self._ix.expand_as(codes); indexed = self._codebook[ix, codes]
    m = codebook.shape[0]
    ix = jnp.broadcast_to(jnp.arange(m, dtype=codes.dtype), codes.shape)
    indexed = codebook[ix, codes]  # gather -> [N, M, D]
    return indexed

if __name__ == "__main__":
    import jax
    _d = setup_inputs()
    print(jax.jit(kernel)(*tuple(_d.values())))

</pallas_src>

<mosaic_0001>
#map = affine_map<(d0, d1) -> (0, 0, 0, 0)>
#map1 = affine_map<(d0, d1) -> (0, 0, 0, 0, 0)>
module attributes {stable_mosaic.version = 14 : i64} {
  func.func @_lookup_body(%arg0: i32, %arg1: i32, %arg2: memref<4x128x8x128xi32, #tpu.memory_space<hbm>>, %arg3: memref<32x8x64x8x128xf32, #tpu.memory_space<hbm>>, %arg4: memref<256x128x8x128xf32, #tpu.memory_space<hbm>>, %arg5: memref<8x8x128xi32, #tpu.memory_space<vmem>>, %arg6: memref<64x8x128xf32, #tpu.memory_space<vmem>>, %arg7: memref<2x16x128xi32, #tpu.memory_space<vmem>>, %arg8: memref<2x16x8x128xf32, #tpu.memory_space<vmem>>, %arg9: memref<16x128x128xi32, #tpu.memory_space<vmem_shared>>, %arg10: memref<!tpu.dma_semaphore, #tpu.memory_space<semaphore_mem>>, %arg11: memref<!tpu.dma_semaphore, #tpu.memory_space<semaphore_mem>>, %arg12: memref<2x!tpu.dma_semaphore, #tpu.memory_space<semaphore_mem>>, %arg13: memref<2x!tpu.dma_semaphore, #tpu.memory_space<semaphore_mem>>) attributes {dimension_semantics = [#tpu.dimension_semantics<core_parallel>, #tpu.dimension_semantics<subcore_parallel>], iteration_bounds = array<i64: 2, 16>, scalar_prefetch = 0 : i64, scratch_operands = 9 : i64, tpu.core_type = #tpu.core_type<sc_vector_subcore>, window_params = [{transform_indices = #map}, {transform_indices = #map1}, {transform_indices = #map}]} {
    %jit3A = arith.constant 8 : i32
    %div3A = arith.divsi %arg1, %jit3A : i32
    %sign3A = arith.constant 0 : i32
    %sign3A_0 = arith.cmpi sgt, %arg1, %sign3A : i32
    %sign3A_1 = arith.extui %sign3A_0 : i1 to i32
    %sign3A_2 = arith.constant 0 : i32
    %sign3A_3 = arith.cmpi slt, %arg1, %sign3A_2 : i32
    %sign3A_4 = arith.extui %sign3A_3 : i1 to i32
    %sign3A_5 = arith.subi %sign3A_1, %sign3A_4 : i32
    %sign3A_6 = arith.constant 0 : i32
    %sign3A_7 = arith.cmpi sgt, %jit3A, %sign3A_6 : i32
    %sign3A_8 = arith.extui %sign3A_7 : i1 to i32
    %sign3A_9 = arith.constant 0 : i32
    %sign3A_10 = arith.cmpi slt, %jit3A, %sign3A_9 : i32
    %sign3A_11 = arith.extui %sign3A_10 : i1 to i32
    %sign3A_12 = arith.subi %sign3A_8, %sign3A_11 : i32
    %ne3A = arith.cmpi ne, %sign3A_5, %sign3A_12 : i32
    %rem3A = arith.remsi %arg1, %jit3A : i32
    %ne3A_13 = arith.constant 0 : i32
    %ne3A_14 = arith.cmpi ne, %rem3A, %ne3A_13 : i32
    %and3A = arith.andi %ne3A, %ne3A_14 : i1
    %sub3A = arith.constant 1 : i32
    %sub3A_15 = arith.subi %div3A, %sub3A : i32
    %select_n3A = arith.select %and3A, %sub3A_15, %div3A : i32
    %jit3A_16 = arith.constant 8 : i32
    %eq3A = arith.constant 0 : i32
    %eq3A_17 = arith.cmpi eq, %jit3A_16, %eq3A : i32
    %jit3A_18 = arith.constant 1 : i32
    %select_n3A_19 = arith.select %eq3A_17, %jit3A_18, %jit3A_16 : i32
    %rem3A_20 = arith.remsi %arg1, %select_n3A_19 : i32
    %ne3A_21 = arith.constant 0 : i32
    %ne3A_22 = arith.cmpi ne, %rem3A_20, %ne3A_21 : i32
    %lt3A = arith.constant 0 : i32
    %lt3A_23 = arith.cmpi slt, %rem3A_20, %lt3A : i32
    %lt3A_24 = arith.constant 0 : i32
    %lt3A_25 = arith.cmpi slt, %select_n3A_19, %lt3A_24 : i32
    %ne3A_26 = arith.xori %lt3A_23, %lt3A_25 : i1
    %and3A_27 = arith.andi %ne3A_26, %ne3A_22 : i1
    %add3A = arith.addi %rem3A_20, %select_n3A_19 : i32
    %select_n3A_28 = arith.select %and3A_27, %add3A, %rem3A_20 : i32
    %mul3A = arith.constant 16 : i32
    %mul3A_29 = arith.muli %mul3A, %arg0 : i32
    %mul3A_30 = arith.constant 8 : i32
    %mul3A_31 = arith.muli %select_n3A, %mul3A_30 : i32
    %add3A_32 = arith.addi %mul3A_29, %mul3A_31 : i32
    %add3A_33 = arith.constant 0 : i32
    %add3A_34 = arith.addi %add3A_32, %add3A_33 : i32
    %dma_start3A = arith.constant 0 : i32
    %dma_start3A_35 = arith.constant 0 : i32
    %dma_start3A_36 = arith.constant 0 : i32
    %dma_start3A_37 = tpu.memref_slice %arg3[%add3A_34, %select_n3A_28, %dma_start3A, %dma_start3A_35, %dma_start3A_36] : memref<32x8x64x8x128xf32, #tpu.memory_space<hbm>> -> memref<1x1x64x8x128xf32, #tpu.memory_space<hbm>>
    %dma_start3A_38 = tpu.memref_squeeze %dma_start3A_37 : memref<1x1x64x8x128xf32, #tpu.memory_space<hbm>> -> memref<64x8x128xf32, #tpu.memory_space<hbm>>
    %dma_start3A_39 = arith.constant 0 : i32
    %dma_start3A_40 = arith.constant 0 : i32
    %dma_start3A_41 = arith.constant 0 : i32
    %dma_start3A_42 = tpu.memref_slice %arg3[%add3A_34, %select_n3A_28, %dma_start3A_39, %dma_start3A_40, %dma_start3A_41] : memref<32x8x64x8x128xf32, #tpu.memory_space<hbm>> -> memref<1x1x64x8x128xf32, #tpu.memory_space<hbm>>
    %dma_start3A_43 = tpu.memref_squeeze %dma_start3A_42 : memref<1x1x64x8x128xf32, #tpu.memory_space<hbm>> -> memref<64x8x128xf32, #tpu.memory_space<hbm>>
    tpu.enqueue_dma source(%dma_start3A_43 : memref<64x8x128xf32, #tpu.memory_space<hbm>>) target(%arg6 : memref<64x8x128xf32, #tpu.memory_space<vmem>>) target_semaphore(%arg11 : memref<!tpu.dma_semaphore, #tpu.memory_space<semaphore_mem>>)
    %mul3A_44 = arith.constant 2 : i32
    %mul3A_45 = arith.muli %mul3A_44, %arg1 : i32
    %add3A_46 = arith.constant 0 : i32
    %add3A_47 = arith.addi %mul3A_45, %add3A_46 : i32
    %jit3A_48 = arith.constant 16 : i32
    %div3A_49 = arith.divsi %add3A_47, %jit3A_48 : i32
    %sign3A_50 = arith.constant 0 : i32
    %sign3A_51 = arith.cmpi sgt, %add3A_47, %sign3A_50 : i32
    %sign3A_52 = arith.extui %sign3A_51 : i1 to i32
    %sign3A_53 = arith.constant 0 : i32
    %sign3A_54 = arith.cmpi slt, %add3A_47, %sign3A_53 : i32
    %sign3A_55 = arith.extui %sign3A_54 : i1 to i32
    %sign3A_56 = arith.subi %sign3A_52, %sign3A_55 : i32
    %sign3A_57 = arith.constant 0 : i32
    %sign3A_58 = arith.cmpi sgt, %jit3A_48, %sign3A_57 : i32
    %sign3A_59 = arith.extui %sign3A_58 : i1 to i32
    %sign3A_60 = arith.constant 0 : i32
    %sign3A_61 = arith.cmpi slt, %jit3A_48, %sign3A_60 : i32
    %sign3A_62 = arith.extui %sign3A_61 : i1 to i32
    %sign3A_63 = arith.subi %sign3A_59, %sign3A_62 : i32
    %ne3A_64 = arith.cmpi ne, %sign3A_56, %sign3A_63 : i32
    %rem3A_65 = arith.remsi %add3A_47, %jit3A_48 : i32
    %ne3A_66 = arith.constant 0 : i32
    %ne3A_67 = arith.cmpi ne, %rem3A_65, %ne3A_66 : i32
    %and3A_68 = arith.andi %ne3A_64, %ne3A_67 : i1
    %sub3A_69 = arith.constant 1 : i32
    %sub3A_70 = arith.subi %div3A_49, %sub3A_69 : i32
    %select_n3A_71 = arith.select %and3A_68, %sub3A_70, %div3A_49 : i32
    %jit3A_72 = arith.constant 16 : i32
    %eq3A_73 = arith.constant 0 : i32
    %eq3A_74 = arith.cmpi eq, %jit3A_72, %eq3A_73 : i32
    %jit3A_75 = arith.constant 1 : i32
    %select_n3A_76 = arith.select %eq3A_74, %jit3A_75, %jit3A_72 : i32
    %rem3A_77 = arith.remsi %add3A_47, %select_n3A_76 : i32
    %ne3A_78 = arith.constant 0 : i32
    %ne3A_79 = arith.cmpi ne, %rem3A_77, %ne3A_78 : i32
    %lt3A_80 = arith.constant 0 : i32
    %lt3A_81 = arith.cmpi slt, %rem3A_77, %lt3A_80 : i32
    %lt3A_82 = arith.constant 0 : i32
    %lt3A_83 = arith.cmpi slt, %select_n3A_76, %lt3A_82 : i32
    %ne3A_84 = arith.xori %lt3A_81, %lt3A_83 : i1
    %and3A_85 = arith.andi %ne3A_84, %ne3A_79 : i1
    %add3A_86 = arith.addi %rem3A_77, %select_n3A_76 : i32
    %select_n3A_87 = arith.select %and3A_85, %add3A_86, %rem3A_77 : i32
    %mul3A_88 = arith.constant 2 : i32
    %mul3A_89 = arith.muli %mul3A_88, %arg0 : i32
    %add3A_90 = arith.addi %mul3A_89, %select_n3A_71 : i32
    %mul3A_91 = arith.constant 8 : i32
    %mul3A_92 = arith.muli %select_n3A_87, %mul3A_91 : i32
    %dma_start3A_93 = arith.constant 0 : i32
    %dma_start3A_94 = arith.constant 0 : i32
    %dma_start3A_95 = tpu.memref_slice %arg2[%add3A_90, %mul3A_92, %dma_start3A_93, %dma_start3A_94] : memref<4x128x8x128xi32, #tpu.memory_space<hbm>> -> memref<1x8x8x128xi32, #tpu.memory_space<hbm>>
    %dma_start3A_96 = tpu.memref_squeeze %dma_start3A_95 : memref<1x8x8x128xi32, #tpu.memory_space<hbm>> -> memref<8x8x128xi32, #tpu.memory_space<hbm>>
    %dma_start3A_97 = arith.constant 0 : i32
    %dma_start3A_98 = arith.constant 0 : i32
    %dma_start3A_99 = tpu.memref_slice %arg2[%add3A_90, %mul3A_92, %dma_start3A_97, %dma_start3A_98] : memref<4x128x8x128xi32, #tpu.memory_space<hbm>> -> memref<1x8x8x128xi32, #tpu.memory_space<hbm>>
    %dma_start3A_100 = tpu.memref_squeeze %dma_start3A_99 : memref<1x8x8x128xi32, #tpu.memory_space<hbm>> -> memref<8x8x128xi32, #tpu.memory_space<hbm>>
    tpu.enqueue_dma source(%dma_start3A_100 : memref<8x8x128xi32, #tpu.memory_space<hbm>>) target(%arg5 : memref<8x8x128xi32, #tpu.memory_space<vmem>>) target_semaphore(%arg10 : memref<!tpu.dma_semaphore, #tpu.memory_space<semaphore_mem>>)
    %mul3A_101 = arith.constant 8 : i32
    %mul3A_102 = arith.muli %select_n3A_87, %mul3A_101 : i32
    %dma_wait3A = arith.constant 0 : i32
    %dma_wait3A_103 = arith.constant 0 : i32
    %dma_wait3A_104 = tpu.memref_slice %arg2[%add3A_90, %mul3A_102, %dma_wait3A, %dma_wait3A_103] : memref<4x128x8x128xi32, #tpu.memory_space<hbm>> -> memref<1x8x8x128xi32, #tpu.memory_space<hbm>>
    %dma_wait3A_105 = tpu.memref_squeeze %dma_wait3A_104 : memref<1x8x8x128xi32, #tpu.memory_space<hbm>> -> memref<8x8x128xi32, #tpu.memory_space<hbm>>
    %dma_wait3A_106 = arith.constant 0 : i32
    %dma_wait3A_107 = arith.constant 0 : i32
    %dma_wait3A_108 = tpu.memref_slice %arg2[%add3A_90, %mul3A_102, %dma_wait3A_106, %dma_wait3A_107] : memref<4x128x8x128xi32, #tpu.memory_space<hbm>> -> memref<1x8x8x128xi32, #tpu.memory_space<hbm>>
    %dma_wait3A_109 = tpu.memref_squeeze %dma_wait3A_108 : memref<1x8x8x128xi32, #tpu.memory_space<hbm>> -> memref<8x8x128xi32, #tpu.memory_space<hbm>>
    tpu.wait_dma2 semaphore(%arg10 : memref<!tpu.dma_semaphore, #tpu.memory_space<semaphore_mem>>) src(%dma_wait3A_109 : memref<8x8x128xi32, #tpu.memory_space<hbm>>) dst(%arg5 : memref<8x8x128xi32, #tpu.memory_space<vmem>>)
    %mul3A_110 = arith.constant 8 : i32
    %mul3A_111 = arith.muli %select_n3A_71, %mul3A_110 : i32
    %add3A_112 = arith.constant 0 : i32
    %add3A_113 = arith.addi %mul3A_111, %add3A_112 : i32
    %mul3A_114 = arith.constant 8 : i32
    %mul3A_115 = arith.muli %select_n3A_87, %mul3A_114 : i32
    %dma_start3A_116 = arith.constant 0 : i32
    %dma_start3A_117 = arith.constant 0 : i32
    %dma_start3A_118 = arith.constant 0 : i32
    %dma_start3A_119 = tpu.memref_slice %arg5[%dma_start3A_117, %dma_start3A_116, %dma_start3A_118] : memref<8x8x128xi32, #tpu.memory_space<vmem>> -> memref<8x1x128xi32, #tpu.memory_space<vmem>>
    %dma_start3A_120 = tpu.memref_squeeze %dma_start3A_119 : memref<8x1x128xi32, #tpu.memory_space<vmem>> -> memref<8x128xi32, #tpu.memory_space<vmem>>
    %dma_start3A_121 = arith.constant 0 : i32
    %dma_start3A_122 = tpu.memref_slice %arg9[%add3A_113, %mul3A_115, %dma_start3A_121] : memref<16x128x128xi32, #tpu.memory_space<vmem_shared>> -> memref<1x8x128xi32, #tpu.memory_space<vmem_shared>>
    %dma_start3A_123 = tpu.memref_squeeze %dma_start3A_122 : memref<1x8x128xi32, #tpu.memory_space<vmem_shared>> -> memref<8x128xi32, #tpu.memory_space<vmem_shared>>
    %dma_start3A_124 = arith.constant 0 : i32
    %dma_start3A_125 = tpu.memref_slice %arg9[%add3A_113, %mul3A_115, %dma_start3A_124] : memref<16x128x128xi32, #tpu.memory_space<vmem_shared>> -> memref<1x8x128xi32, #tpu.memory_space<vmem_shared>>
    %dma_start3A_126 = tpu.memref_squeeze %dma_start3A_125 : memref<1x8x128xi32, #tpu.memory_space<vmem_shared>> -> memref<8x128xi32, #tpu.memory_space<vmem_shared>>
    %dma_start3A_127 = arith.constant 0 : i32
    %dma_start3A_128 = arith.constant 0 : i32
    %dma_start3A_129 = tpu.memref_slice %arg5[%dma_start3A_127, %dma_start3A_116, %dma_start3A_128] : memref<8x8x128xi32, #tpu.memory_space<vmem>> -> memref<8x1x128xi32, #tpu.memory_space<vmem>>
    %dma_start3A_130 = tpu.memref_squeeze %dma_start3A_129 : memref<8x1x128xi32, #tpu.memory_space<vmem>> -> memref<8x128xi32, #tpu.memory_space<vmem>>
    tpu.enqueue_dma source(%dma_start3A_130 : memref<8x128xi32, #tpu.memory_space<vmem>>) target(%dma_start3A_126 : memref<8x128xi32, #tpu.memory_space<vmem_shared>>) target_semaphore(%arg10 : memref<!tpu.dma_semaphore, #tpu.memory_space<semaphore_mem>>)
    %mul3A_131 = arith.constant 8 : i32
    %mul3A_132 = arith.muli %select_n3A_71, %mul3A_131 : i32
    %add3A_133 = arith.constant 1 : i32
    %add3A_134 = arith.addi %mul3A_132, %add3A_133 : i32
    %mul3A_135 = arith.constant 8 : i32
    %mul3A_136 = arith.muli %select_n3A_87, %mul3A_135 : i32
    %dma_start3A_137 = arith.constant 1 : i32
    %dma_start3A_138 = arith.constant 0 : i32
    %dma_start3A_139 = arith.constant 0 : i32
    %dma_start3A_140 = tpu.memref_slice %arg5[%dma_start3A_138, %dma_start3A_137, %dma_start3A_139] : memref<8x8x128xi32, #tpu.memory_space<vmem>> -> memref<8x1x128xi32, #tpu.memory_space<vmem>>
    %dma_start3A_141 = tpu.memref_squeeze %dma_start3A_140 : memref<8x1x128xi32, #tpu.memory_space<vmem>> -> memref<8x128xi32, #tpu.memory_space<vmem>>
    %dma_start3A_142 = arith.constant 0 : i32
    %dma_start3A_143 = tpu.memref_slice %arg9[%add3A_134, %mul3A_136, %dma_start3A_142] : memref<16x128x128xi32, #tpu.memory_space<vmem_shared>> -> memref<1x8x128xi32, #tpu.memory_space<vmem_shared>>
    %dma_start3A_144 = tpu.memref_squeeze %dma_start3A_143 : memref<1x8x128xi32, #tpu.memory_space<vmem_shared>> -> memref<8x128xi32, #tpu.memory_space<vmem_shared>>
    %dma_start3A_145 = arith.constant 0 : i32
    %dma_start3A_146 = tpu.memref_slice %arg9[%add3A_134, %mul3A_136, %dma_start3A_145] : memref<16x128x128xi32, #tpu.memory_space<vmem_shared>> -> memref<1x8x128xi32, #tpu.memory_space<vmem_shared>>
    %dma_start3A_147 = tpu.memref_squeeze %dma_start3A_146 : memref<1x8x128xi32, #tpu.memory_space<vmem_shared>> -> memref<8x128xi32, #tpu.memory_space<vmem_shared>>
    %dma_start3A_148 = arith.constant 0 : i32
    %dma_start3A_149 = arith.constant 0 : i32
    %dma_start3A_150 = tpu.memref_slice %arg5[%dma_start3A_148, %dma_start3A_137, %dma_start3A_149] : memref<8x8x128xi32, #tpu.memory_space<vmem>> -> memref<8x1x128xi32, #tpu.memory_space<vmem>>
    %dma_start3A_151 = tpu.memref_squeeze %dma_start3A_150 : memref<8x1x128xi32, #tpu.memory_space<vmem>> -> memref<8x128xi32, #tpu.memory_space<vmem>>
    tpu.enqueue_dma source(%dma_start3A_151 : memref<8x128xi32, #tpu.memory_space<vmem>>) target(%dma_start3A_147 : memref<8x128xi32, #tpu.memory_space<vmem_shared>>) target_semaphore(%arg10 : memref<!tpu.dma_semaphore, #tpu.memory_space<semaphore_mem>>)
    %mul3A_152 = arith.constant 8 : i32
    %mul3A_153 = arith.muli %select_n3A_71, %mul3A_152 : i32
    %add3A_154 = arith.constant 2 : i32
    %add3A_155 = arith.addi %mul3A_153, %add3A_154 : i32
    %mul3A_156 = arith.constant 8 : i32
    %mul3A_157 = arith.muli %select_n3A_87, %mul3A_156 : i32
    %dma_start3A_158 = arith.constant 2 : i32
    %dma_start3A_159 = arith.constant 0 : i32
    %dma_start3A_160 = arith.constant 0 : i32
    %dma_start3A_161 = tpu.memref_slice %arg5[%dma_start3A_159, %dma_start3A_158, %dma_start3A_160] : memref<8x8x128xi32, #tpu.memory_space<vmem>> -> memref<8x1x128xi32, #tpu.memory_space<vmem>>
    %dma_start3A_162 = tpu.memref_squeeze %dma_start3A_161 : memref<8x1x128xi32, #tpu.memory_space<vmem>> -> memref<8x128xi32, #tpu.memory_space<vmem>>
    %dma_start3A_163 = arith.constant 0 : i32
    %dma_start3A_164 = tpu.memref_slice %arg9[%add3A_155, %mul3A_157, %dma_start3A_163] : memref<16x128x128xi32, #tpu.memory_space<vmem_shared>> -> memref<1x8x128xi32, #tpu.memory_space<vmem_shared>>
    %dma_start3A_165 = tpu.memref_squeeze %dma_start3A_164 : memref<1x8x128xi32, #tpu.memory_space<vmem_shared>> -> memref<8x128xi32, #tpu.memory_space<vmem_shared>>
    %dma_start3A_166 = arith.constant 0 : i32
    %dma_start3A_167 = tpu.memref_slice %arg9[%add3A_155, %mul3A_157, %dma_start3A_166] : memref<16x128x128xi32, #tpu.memory_space<vmem_shared>> -> memref<1x8x128xi32, #tpu.memory_space<vmem_shared>>
    %dma_start3A_168 = tpu.memref_squeeze %dma_start3A_167 : memref<1x8x128xi32, #tpu.memory_space<vmem_shared>> -> memref<8x128xi32, #tpu.memory_space<vmem_shared>>
    %dma_start3A_169 = arith.constant 0 : i32
    %dma_start3A_170 = arith.constant 0 : i32
    %dma_start3A_171 = tpu.memref_slice %arg5[%dma_start3A_169, %dma_start3A_158, %dma_start3A_170] : memref<8x8x128xi32, #tpu.memory_space<vmem>> -> memref<8x1x128xi32, #tpu.memory_space<vmem>>
    %dma_start3A_172 = tpu.memref_squeeze %dma_start3A_171 : memref<8x1x128xi32, #tpu.memory_space<vmem>> -> memref<8x128xi32, #tpu.memory_space<vmem>>
    tpu.enqueue_dma source(%dma_start3A_172 : memref<8x128xi32, #tpu.memory_space<vmem>>) target(%dma_start3A_168 : memref<8x128xi32, #tpu.memory_space<vmem_shared>>) target_semaphore(%arg10 : memref<!tpu.dma_semaphore, #tpu.memory_space<semaphore_mem>>)
    %mul3A_173 = arith.constant 8 : i32
    %mul3A_174 = arith.muli %select_n3A_71, %mul3A_173 : i32
    %add3A_175 = arith.constant 3 : i32
    %add3A_176 = arith.addi %mul3A_174, %add3A_175 : i32
    %mul3A_177 = arith.constant 8 : i32
    %mul3A_178 = arith.muli %select_n3A_87, %mul3A_177 : i32
    %dma_start3A_179 = arith.constant 3 : i32
    %dma_start3A_180 = arith.constant 0 : i32
    %dma_start3A_181 = arith.constant 0 : i32
    %dma_start3A_182 = tpu.memref_slice %arg5[%dma_start3A_180, %dma_start3A_179, %dma_start3A_181] : memref<8x8x128xi32, #tpu.memory_space<vmem>> -> memref<8x1x128xi32, #tpu.memory_space<vmem>>
    %dma_start3A_183 = tpu.memref_squeeze %dma_start3A_182 : memref<8x1x128xi32, #tpu.memory_space<vmem>> -> memref<8x128xi32, #tpu.memory_space<vmem>>
    %dma_start3A_184 = arith.constant 0 : i32
    %dma_start3A_185 = tpu.memref_slice %arg9[%add3A_176, %mul3A_178, %dma_start3A_184] : memref<16x128x128xi32, #tpu.memory_space<vmem_shared>> -> memref<1x8x128xi32, #tpu.memory_space<vmem_shared>>
    %dma_start3A_186 = tpu.memref_squeeze %dma_start3A_185 : memref<1x8x128xi32, #tpu.memory_space<vmem_shared>> -> memref<8x128xi32, #tpu.memory_space<vmem_shared>>
    %dma_start3A_187 = arith.constant 0 : i32
    %dma_start3A_188 = tpu.memref_slice %arg9[%add3A_176, %mul3A_178, %dma_start3A_187] : memref<16x128x128xi32, #tpu.memory_space<vmem_shared>> -> memref<1x8x128xi32, #tpu.memory_space<vmem_shared>>
    %dma_start3A_189 = tpu.memref_squeeze %dma_start3A_188 : memref<1x8x128xi32, #tpu.memory_space<vmem_shared>> -> memref<8x128xi32, #tpu.memory_space<vmem_shared>>
    %dma_start3A_190 = arith.constant 0 : i32
    %dma_start3A_191 = arith.constant 0 : i32
    %dma_start3A_192 = tpu.memref_slice %arg5[%dma_start3A_190, %dma_start3A_179, %dma_start3A_191] : memref<8x8x128xi32, #tpu.memory_space<vmem>> -> memref<8x1x128xi32, #tpu.memory_space<vmem>>
    %dma_start3A_193 = tpu.memref_squeeze %dma_start3A_192 : memref<8x1x128xi32, #tpu.memory_space<vmem>> -> memref<8x128xi32, #tpu.memory_space<vmem>>
    tpu.enqueue_dma source(%dma_start3A_193 : memref<8x128xi32, #tpu.memory_space<vmem>>) target(%dma_start3A_189 : memref<8x128xi32, #tpu.memory_space<vmem_shared>>) target_semaphore(%arg10 : memref<!tpu.dma_semaphore, #tpu.memory_space<semaphore_mem>>)
    %mul3A_194 = arith.constant 8 : i32
    %mul3A_195 = arith.muli %select_n3A_71, %mul3A_194 : i32
    %add3A_196 = arith.constant 4 : i32
    %add3A_197 = arith.addi %mul3A_195, %add3A_196 : i32
    %mul3A_198 = arith.constant 8 : i32
    %mul3A_199 = arith.muli %select_n3A_87, %mul3A_198 : i32
    %dma_start3A_200 = arith.constant 4 : i32
    %dma_start3A_201 = arith.constant 0 : i32
    %dma_start3A_202 = arith.constant 0 : i32
    %dma_start3A_203 = tpu.memref_slice %arg5[%dma_start3A_201, %dma_start3A_200, %dma_start3A_202] : memref<8x8x128xi32, #tpu.memory_space<vmem>> -> memref<8x1x128xi32, #tpu.memory_space<vmem>>
    %dma_start3A_204 = tpu.memref_squeeze %dma_start3A_203 : memref<8x1x128xi32, #tpu.memory_space<vmem>> -> memref<8x128xi32, #tpu.memory_space<vmem>>
    %dma_start3A_205 = arith.constant 0 : i32
    %dma_start3A_206 = tpu.memref_slice %arg9[%add3A_197, %mul3A_199, %dma_start3A_205] : memref<16x128x128xi32, #tpu.memory_space<vmem_shared>> -> memref<1x8x128xi32, #tpu.memory_space<vmem_shared>>
    %dma_start3A_207 = tpu.memref_squeeze %dma_start3A_206 : memref<1x8x128xi32, #tpu.memory_space<vmem_shared>> -> memref<8x128xi32, #tpu.memory_space<vmem_shared>>
    %dma_start3A_208 = arith.constant 0 : i32
    %dma_start3A_209 = tpu.memref_slice %arg9[%add3A_197, %mul3A_199, %dma_start3A_208] : memref<16x128x128xi32, #tpu.memory_space<vmem_shared>> -> memref<1x8x128xi32, #tpu.memory_space<vmem_shared>>
    %dma_start3A_210 = tpu.memref_squeeze %dma_start3A_209 : memref<1x8x128xi32, #tpu.memory_space<vmem_shared>> -> memref<8x128xi32, #tpu.memory_space<vmem_shared>>
    %dma_start3A_211 = arith.constant 0 : i32
    %dma_start3A_212 = arith.constant 0 : i32
    %dma_start3A_213 = tpu.memref_slice %arg5[%dma_start3A_211, %dma_start3A_200, %dma_start3A_212] : memref<8x8x128xi32, #tpu.memory_space<vmem>> -> memref<8x1x128xi32, #tpu.memory_space<vmem>>
    %dma_start3A_214 = tpu.memref_squeeze %dma_start3A_213 : memref<8x1x128xi32, #tpu.memory_space<vmem>> -> memref<8x128xi32, #tpu.memory_space<vmem>>
    tpu.enqueue_dma source(%dma_start3A_214 : memref<8x128xi32, #tpu.memory_space<vmem>>) target(%dma_start3A_210 : memref<8x128xi32, #tpu.memory_space<vmem_shared>>) target_semaphore(%arg10 : memref<!tpu.dma_semaphore, #tpu.memory_space<semaphore_mem>>)
    %mul3A_215 = arith.constant 8 : i32
    %mul3A_216 = arith.muli %select_n3A_71, %mul3A_215 : i32
    %add3A_217 = arith.constant 5 : i32
    %add3A_218 = arith.addi %mul3A_216, %add3A_217 : i32
    %mul3A_219 = arith.constant 8 : i32
    %mul3A_220 = arith.muli %select_n3A_87, %mul3A_219 : i32
    %dma_start3A_221 = arith.constant 5 : i32
    %dma_start3A_222 = arith.constant 0 : i32
    %dma_start3A_223 = arith.constant 0 : i32
    %dma_start3A_224 = tpu.memref_slice %arg5[%dma_start3A_222, %dma_start3A_221, %dma_start3A_223] : memref<8x8x128xi32, #tpu.memory_space<vmem>> -> memref<8x1x128xi32, #tpu.memory_space<vmem>>
    %dma_start3A_225 = tpu.memref_squeeze %dma_start3A_224 : memref<8x1x128xi32, #tpu.memory_space<vmem>> -> memref<8x128xi32, #tpu.memory_space<vmem>>
    %dma_start3A_226 = arith.constant 0 : i32
    %dma_start3A_227 = tpu.memref_slice %arg9[%add3A_218, %mul3A_220, %dma_start3A_226] : memref<16x128x128xi32, #tpu.memory_space<vmem_shared>> -> memref<1x8x128xi32, #tpu.memory_space<vmem_shared>>
    %dma_start3A_228 = tpu.memref_squeeze %dma_start3A_227 : memref<1x8x128xi32, #tpu.memory_space<vmem_shared>> -> memref<8x128xi32, #tpu.memory_space<vmem_shared>>
    %dma_start3A_229 = arith.constant 0 : i32
    %dma_start3A_230 = tpu.memref_slice %arg9[%add3A_218, %mul3A_220, %dma_start3A_229] : memref<16x128x128xi32, #tpu.memory_space<vmem_shared>> -> memref<1x8x128xi32, #tpu.memory_space<vmem_shared>>
    %dma_start3A_231 = tpu.memref_squeeze %dma_start3A_230 : memref<1x8x128xi32, #tpu.memory_space<vmem_shared>> -> memref<8x128xi32, #tpu.memory_space<vmem_shared>>
    %dma_start3A_232 = arith.constant 0 : i32
    %dma_start3A_233 = arith.constant 0 : i32
    %dma_start3A_234 = tpu.memref_slice %arg5[%dma_start3A_232, %dma_start3A_221, %dma_start3A_233] : memref<8x8x128xi32, #tpu.memory_space<vmem>> -> memref<8x1x128xi32, #tpu.memory_space<vmem>>
    %dma_start3A_235 = tpu.memref_squeeze %dma_start3A_234 : memref<8x1x128xi32, #tpu.memory_space<vmem>> -> memref<8x128xi32, #tpu.memory_space<vmem>>
    tpu.enqueue_dma source(%dma_start3A_235 : memref<8x128xi32, #tpu.memory_space<vmem>>) target(%dma_start3A_231 : memref<8x128xi32, #tpu.memory_space<vmem_shared>>) target_semaphore(%arg10 : memref<!tpu.dma_semaphore, #tpu.memory_space<semaphore_mem>>)
    %mul3A_236 = arith.constant 8 : i32
    %mul3A_237 = arith.muli %select_n3A_71, %mul3A_236 : i32
    %add3A_238 = arith.constant 6 : i32
    %add3A_239 = arith.addi %mul3A_237, %add3A_238 : i32
    %mul3A_240 = arith.constant 8 : i32
    %mul3A_241 = arith.muli %select_n3A_87, %mul3A_240 : i32
    %dma_start3A_242 = arith.constant 6 : i32
    %dma_start3A_243 = arith.constant 0 : i32
    %dma_start3A_244 = arith.constant 0 : i32
    %dma_start3A_245 = tpu.memref_slice %arg5[%dma_start3A_243, %dma_start3A_242, %dma_start3A_244] : memref<8x8x128xi32, #tpu.memory_space<vmem>> -> memref<8x1x128xi32, #tpu.memory_space<vmem>>
    %dma_start3A_246 = tpu.memref_squeeze %dma_start3A_245 : memref<8x1x128xi32, #tpu.memory_space<vmem>> -> memref<8x128xi32, #tpu.memory_space<vmem>>
    %dma_start3A_247 = arith.constant 0 : i32
    %dma_start3A_248 = tpu.memref_slice %arg9[%add3A_239, %mul3A_241, %dma_start3A_247] : memref<16x128x128xi32, #tpu.memory_space<vmem_shared>> -> memref<1x8x128xi32, #tpu.memory_space<vmem_shared>>
    %dma_start3A_249 = tpu.memref_squeeze %dma_start3A_248 : memref<1x8x128xi32, #tpu.memory_space<vmem_shared>> -> memref<8x128xi32, #tpu.memory_space<vmem_shared>>
    %dma_start3A_250 = arith.constant 0 : i32
    %dma_start3A_251 = tpu.memref_slice %arg9[%add3A_239, %mul3A_241, %dma_start3A_250] : memref<16x128x128xi32, #tpu.memory_space<vmem_shared>> -> memref<1x8x128xi32, #tpu.memory_space<vmem_shared>>
    %dma_start3A_252 = tpu.memref_squeeze %dma_start3A_251 : memref<1x8x128xi32, #tpu.memory_space<vmem_shared>> -> memref<8x128xi32, #tpu.memory_space<vmem_shared>>
    %dma_start3A_253 = arith.constant 0 : i32
    %dma_start3A_254 = arith.constant 0 : i32
    %dma_start3A_255 = tpu.memref_slice %arg5[%dma_start3A_253, %dma_start3A_242, %dma_start3A_254] : memref<8x8x128xi32, #tpu.memory_space<vmem>> -> memref<8x1x128xi32, #tpu.memory_space<vmem>>
    %dma_start3A_256 = tpu.memref_squeeze %dma_start3A_255 : memref<8x1x128xi32, #tpu.memory_space<vmem>> -> memref<8x128xi32, #tpu.memory_space<vmem>>
    tpu.enqueue_dma source(%dma_start3A_256 : memref<8x128xi32, #tpu.memory_space<vmem>>) target(%dma_start3A_252 : memref<8x128xi32, #tpu.memory_space<vmem_shared>>) target_semaphore(%arg10 : memref<!tpu.dma_semaphore, #tpu.memory_space<semaphore_mem>>)
    %mul3A_257 = arith.constant 8 : i32
    %mul3A_258 = arith.muli %select_n3A_71, %mul3A_257 : i32
    %add3A_259 = arith.constant 7 : i32
    %add3A_260 = arith.addi %mul3A_258, %add3A_259 : i32
    %mul3A_261 = arith.constant 8 : i32
    %mul3A_262 = arith.muli %select_n3A_87, %mul3A_261 : i32
    %dma_start3A_263 = arith.constant 7 : i32
    %dma_start3A_264 = arith.constant 0 : i32
    %dma_start3A_265 = arith.constant 0 : i32
    %dma_start3A_266 = tpu.memref_slice %arg5[%dma_start3A_264, %dma_start3A_263, %dma_start3A_265] : memref<8x8x128xi32, #tpu.memory_space<vmem>> -> memref<8x1x128xi32, #tpu.memory_space<vmem>>
    %dma_start3A_267 = tpu.memref_squeeze %dma_start3A_266 : memref<8x1x128xi32, #tpu.memory_space<vmem>> -> memref<8x128xi32, #tpu.memory_space<vmem>>
    %dma_start3A_268 = arith.constant 0 : i32
    %dma_start3A_269 = tpu.memref_slice %arg9[%add3A_260, %mul3A_262, %dma_start3A_268] : memref<16x128x128xi32, #tpu.memory_space<vmem_shared>> -> memref<1x8x128xi32, #tpu.memory_space<vmem_shared>>
    %dma_start3A_270 = tpu.memref_squeeze %dma_start3A_269 : memref<1x8x128xi32, #tpu.memory_space<vmem_shared>> -> memref<8x128xi32, #tpu.memory_space<vmem_shared>>
    %dma_start3A_271 = arith.constant 0 : i32
    %dma_start3A_272 = tpu.memref_slice %arg9[%add3A_260, %mul3A_262, %dma_start3A_271] : memref<16x128x128xi32, #tpu.memory_space<vmem_shared>> -> memref<1x8x128xi32, #tpu.memory_space<vmem_shared>>
    %dma_start3A_273 = tpu.memref_squeeze %dma_start3A_272 : memref<1x8x128xi32, #tpu.memory_space<vmem_shared>> -> memref<8x128xi32, #tpu.memory_space<vmem_shared>>
    %dma_start3A_274 = arith.constant 0 : i32
    %dma_start3A_275 = arith.constant 0 : i32
    %dma_start3A_276 = tpu.memref_slice %arg5[%dma_start3A_274, %dma_start3A_263, %dma_start3A_275] : memref<8x8x128xi32, #tpu.memory_space<vmem>> -> memref<8x1x128xi32, #tpu.memory_space<vmem>>
    %dma_start3A_277 = tpu.memref_squeeze %dma_start3A_276 : memref<8x1x128xi32, #tpu.memory_space<vmem>> -> memref<8x128xi32, #tpu.memory_space<vmem>>
    tpu.enqueue_dma source(%dma_start3A_277 : memref<8x128xi32, #tpu.memory_space<vmem>>) target(%dma_start3A_273 : memref<8x128xi32, #tpu.memory_space<vmem_shared>>) target_semaphore(%arg10 : memref<!tpu.dma_semaphore, #tpu.memory_space<semaphore_mem>>)
    %mul3A_278 = arith.constant 8 : i32
    %mul3A_279 = arith.muli %select_n3A_71, %mul3A_278 : i32
    %add3A_280 = arith.constant 0 : i32
    %add3A_281 = arith.addi %mul3A_279, %add3A_280 : i32
    %mul3A_282 = arith.constant 8 : i32
    %mul3A_283 = arith.muli %select_n3A_87, %mul3A_282 : i32
    %dma_wait3A_284 = arith.constant 0 : i32
    %dma_wait3A_285 = arith.constant 0 : i32
    %dma_wait3A_286 = arith.constant 0 : i32
    %dma_wait3A_287 = tpu.memref_slice %arg5[%dma_wait3A_285, %dma_wait3A_284, %dma_wait3A_286] : memref<8x8x128xi32, #tpu.memory_space<vmem>> -> memref<8x1x128xi32, #tpu.memory_space<vmem>>
    %dma_wait3A_288 = tpu.memref_squeeze %dma_wait3A_287 : memref<8x1x128xi32, #tpu.memory_space<vmem>> -> memref<8x128xi32, #tpu.memory_space<vmem>>
    %dma_wait3A_289 = arith.constant 0 : i32
    %dma_wait3A_290 = tpu.memref_slice %arg9[%add3A_281, %mul3A_283, %dma_wait3A_289] : memref<16x128x128xi32, #tpu.memory_space<vmem_shared>> -> memref<1x8x128xi32, #tpu.memory_space<vmem_shared>>
    %dma_wait3A_291 = tpu.memref_squeeze %dma_wait3A_290 : memref<1x8x128xi32, #tpu.memory_space<vmem_shared>> -> memref<8x128xi32, #tpu.memory_space<vmem_shared>>
    %dma_wait3A_292 = arith.constant 0 : i32
    %dma_wait3A_293 = tpu.memref_slice %arg9[%add3A_281, %mul3A_283, %dma_wait3A_292] : memref<16x128x128xi32, #tpu.memory_space<vmem_shared>> -> memref<1x8x128xi32, #tpu.memory_space<vmem_shared>>
    %dma_wait3A_294 = tpu.memref_squeeze %dma_wait3A_293 : memref<1x8x128xi32, #tpu.memory_space<vmem_shared>> -> memref<8x128xi32, #tpu.memory_space<vmem_shared>>
    %dma_wait3A_295 = arith.constant 0 : i32
    %dma_wait3A_296 = arith.constant 0 : i32
    %dma_wait3A_297 = tpu.memref_slice %arg5[%dma_wait3A_295, %dma_wait3A_284, %dma_wait3A_296] : memref<8x8x128xi32, #tpu.memory_space<vmem>> -> memref<8x1x128xi32, #tpu.memory_space<vmem>>
    %dma_wait3A_298 = tpu.memref_squeeze %dma_wait3A_297 : memref<8x1x128xi32, #tpu.memory_space<vmem>> -> memref<8x128xi32, #tpu.memory_space<vmem>>
    tpu.wait_dma2 semaphore(%arg10 : memref<!tpu.dma_semaphore, #tpu.memory_space<semaphore_mem>>) src(%dma_wait3A_298 : memref<8x128xi32, #tpu.memory_space<vmem>>) dst(%dma_wait3A_294 : memref<8x128xi32, #tpu.memory_space<vmem_shared>>)
    %mul3A_299 = arith.constant 8 : i32
    %mul3A_300 = arith.muli %select_n3A_71, %mul3A_299 : i32
    %add3A_301 = arith.constant 1 : i32
    %add3A_302 = arith.addi %mul3A_300, %add3A_301 : i32
    %mul3A_303 = arith.constant 8 : i32
    %mul3A_304 = arith.muli %select_n3A_87, %mul3A_303 : i32
    %dma_wait3A_305 = arith.constant 1 : i32
    %dma_wait3A_306 = arith.constant 0 : i32
    %dma_wait3A_307 = arith.constant 0 : i32
    %dma_wait3A_308 = tpu.memref_slice %arg5[%dma_wait3A_306, %dma_wait3A_305, %dma_wait3A_307] : memref<8x8x128xi32, #tpu.memory_space<vmem>> -> memref<8x1x128xi32, #tpu.memory_space<vmem>>
    %dma_wait3A_309 = tpu.memref_squeeze %dma_wait3A_308 : memref<8x1x128xi32, #tpu.memory_space<vmem>> -> memref<8x128xi32, #tpu.memory_space<vmem>>
    %dma_wait3A_310 = arith.constant 0 : i32
    %dma_wait3A_311 = tpu.memref_slice %arg9[%add3A_302, %mul3A_304, %dma_wait3A_310] : memref<16x128x128xi32, #tpu.memory_space<vmem_shared>> -> memref<1x8x128xi32, #tpu.memory_space<vmem_shared>>
    %dma_wait3A_312 = tpu.memref_squeeze %dma_wait3A_311 : memref<1x8x128xi32, #tpu.memory_space<vmem_shared>> -> memref<8x128xi32, #tpu.memory_space<vmem_shared>>
    %dma_wait3A_313 = arith.constant 0 : i32
    %dma_wait3A_314 = tpu.memref_slice %arg9[%add3A_302, %mul3A_304, %dma_wait3A_313] : memref<16x128x128xi32, #tpu.memory_space<vmem_shared>> -> memref<1x8x128xi32, #tpu.memory_space<vmem_shared>>
    %dma_wait3A_315 = tpu.memref_squeeze %dma_wait3A_314 : memref<1x8x128xi32, #tpu.memory_space<vmem_shared>> -> memref<8x128xi32, #tpu.memory_space<vmem_shared>>
    %dma_wait3A_316 = arith.constant 0 : i32
    %dma_wait3A_317 = arith.constant 0 : i32
    %dma_wait3A_318 = tpu.memref_slice %arg5[%dma_wait3A_316, %dma_wait3A_305, %dma_wait3A_317] : memref<8x8x128xi32, #tpu.memory_space<vmem>> -> memref<8x1x128xi32, #tpu.memory_space<vmem>>
    %dma_wait3A_319 = tpu.memref_squeeze %dma_wait3A_318 : memref<8x1x128xi32, #tpu.memory_space<vmem>> -> memref<8x128xi32, #tpu.memory_space<vmem>>
    tpu.wait_dma2 semaphore(%arg10 : memref<!tpu.dma_semaphore, #tpu.memory_space<semaphore_mem>>) src(%dma_wait3A_319 : memref<8x128xi32, #tpu.memory_space<vmem>>) dst(%dma_wait3A_315 : memref<8x128xi32, #tpu.memory_space<vmem_shared>>)
    %mul3A_320 = arith.constant 8 : i32
    %mul3A_321 = arith.muli %select_n3A_71, %mul3A_320 : i32
    %add3A_322 = arith.constant 2 : i32
    %add3A_323 = arith.addi %mul3A_321, %add3A_322 : i32
    %mul3A_324 = arith.constant 8 : i32
    %mul3A_325 = arith.muli %select_n3A_87, %mul3A_324 : i32
    %dma_wait3A_326 = arith.constant 2 : i32
    %dma_wait3A_327 = arith.constant 0 : i32
    %dma_wait3A_328 = arith.constant 0 : i32
    %dma_wait3A_329 = tpu.memref_slice %arg5[%dma_wait3A_327, %dma_wait3A_326, %dma_wait3A_328] : memref<8x8x128xi32, #tpu.memory_space<vmem>> -> memref<8x1x128xi32, #tpu.memory_space<vmem>>
    %dma_wait3A_330 = tpu.memref_squeeze %dma_wait3A_329 : memref<8x1x128xi32, #tpu.memory_space<vmem>> -> memref<8x128xi32, #tpu.memory_space<vmem>>
    %dma_wait3A_331 = arith.constant 0 : i32
    %dma_wait3A_332 = tpu.memref_slice %arg9[%add3A_323, %mul3A_325, %dma_wait3A_331] : memref<16x128x128xi32, #tpu.memory_space<vmem_shared>> -> memref<1x8x128xi32, #tpu.memory_space<vmem_shared>>
    %dma_wait3A_333 = tpu.memref_squeeze %dma_wait3A_332 : memref<1x8x128xi32, #tpu.memory_space<vmem_shared>> -> memref<8x128xi32, #tpu.memory_space<vmem_shared>>
    %dma_wait3A_334 = arith.constant 0 : i32
    %dma_wait3A_335 = tpu.memref_slice %arg9[%add3A_323, %mul3A_325, %dma_wait3A_334] : memref<16x128x128xi32, #tpu.memory_space<vmem_shared>> -> memref<1x8x128xi32, #tpu.memory_space<vmem_shared>>
    %dma_wait3A_336 = tpu.memref_squeeze %dma_wait3A_335 : memref<1x8x128xi32, #tpu.memory_space<vmem_shared>> -> memref<8x128xi32, #tpu.memory_space<vmem_shared>>
    %dma_wait3A_337 = arith.constant 0 : i32
    %dma_wait3A_338 = arith.constant 0 : i32
    %dma_wait3A_339 = tpu.memref_slice %arg5[%dma_wait3A_337, %dma_wait3A_326, %dma_wait3A_338] : memref<8x8x128xi32, #tpu.memory_space<vmem>> -> memref<8x1x128xi32, #tpu.memory_space<vmem>>
    %dma_wait3A_340 = tpu.memref_squeeze %dma_wait3A_339 : memref<8x1x128xi32, #tpu.memory_space<vmem>> -> memref<8x128xi32, #tpu.memory_space<vmem>>
    tpu.wait_dma2 semaphore(%arg10 : memref<!tpu.dma_semaphore, #tpu.memory_space<semaphore_mem>>) src(%dma_wait3A_340 : memref<8x128xi32, #tpu.memory_space<vmem>>) dst(%dma_wait3A_336 : memref<8x128xi32, #tpu.memory_space<vmem_shared>>)
    %mul3A_341 = arith.constant 8 : i32
    %mul3A_342 = arith.muli %select_n3A_71, %mul3A_341 : i32
    %add3A_343 = arith.constant 3 : i32
    %add3A_344 = arith.addi %mul3A_342, %add3A_343 : i32
    %mul3A_345 = arith.constant 8 : i32
    %mul3A_346 = arith.muli %select_n3A_87, %mul3A_345 : i32
    %dma_wait3A_347 = arith.constant 3 : i32
    %dma_wait3A_348 = arith.constant 0 : i32
    %dma_wait3A_349 = arith.constant 0 : i32
    %dma_wait3A_350 = tpu.memref_slice %arg5[%dma_wait3A_348, %dma_wait3A_347, %dma_wait3A_349] : memref<8x8x128xi32, #tpu.memory_space<vmem>> -> memref<8x1x128xi32, #tpu.memory_space<vmem>>
    %dma_wait3A_351 = tpu.memref_squeeze %dma_wait3A_350 : memref<8x1x128xi32, #tpu.memory_space<vmem>> -> memref<8x128xi32, #tpu.memory_space<vmem>>
    %dma_wait3A_352 = arith.constant 0 : i32
    %dma_wait3A_353 = tpu.memref_slice %arg9[%add3A_344, %mul3A_346, %dma_wait3A_352] : memref<16x128x128xi32, #tpu.memory_space<vmem_shared>> -> memref<1x8x128xi32, #tpu.memory_space<vmem_shared>>
    %dma_wait3A_354 = tpu.memref_squeeze %dma_wait3A_353 : memref<1x8x128xi32, #tpu.memory_space<vmem_shared>> -> memref<8x128xi32, #tpu.memory_space<vmem_shared>>
    %dma_wait3A_355 = arith.constant 0 : i32
    %dma_wait3A_356 = tpu.memref_slice %arg9[%add3A_344, %mul3A_346, %dma_wait3A_355] : memref<16x128x128xi32, #tpu.memory_space<vmem_shared>> -> memref<1x8x128xi32, #tpu.memory_space<vmem_shared>>
    %dma_wait3A_357 = tpu.memref_squeeze %dma_wait3A_356 : memref<1x8x128xi32, #tpu.memory_space<vmem_shared>> -> memref<8x128xi32, #tpu.memory_space<vmem_shared>>
    %dma_wait3A_358 = arith.constant 0 : i32
    %dma_wait3A_359 = arith.constant 0 : i32
    %dma_wait3A_360 = tpu.memref_slice %arg5[%dma_wait3A_358, %dma_wait3A_347, %dma_wait3A_359] : memref<8x8x128xi32, #tpu.memory_space<vmem>> -> memref<8x1x128xi32, #tpu.memory_space<vmem>>
    %dma_wait3A_361 = tpu.memref_squeeze %dma_wait3A_360 : memref<8x1x128xi32, #tpu.memory_space<vmem>> -> memref<8x128xi32, #tpu.memory_space<vmem>>
    tpu.wait_dma2 semaphore(%arg10 : memref<!tpu.dma_semaphore, #tpu.memory_space<semaphore_mem>>) src(%dma_wait3A_361 : memref<8x128xi32, #tpu.memory_space<vmem>>) dst(%dma_wait3A_357 : memref<8x128xi32, #tpu.memory_space<vmem_shared>>)
    %mul3A_362 = arith.constant 8 : i32
    %mul3A_363 = arith.muli %select_n3A_71, %mul3A_362 : i32
    %add3A_364 = arith.constant 4 : i32
    %add3A_365 = arith.addi %mul3A_363, %add3A_364 : i32
    %mul3A_366 = arith.constant 8 : i32
    %mul3A_367 = arith.muli %select_n3A_87, %mul3A_366 : i32
    %dma_wait3A_368 = arith.constant 4 : i32
    %dma_wait3A_369 = arith.constant 0 : i32
    %dma_wait3A_370 = arith.constant 0 : i32
    %dma_wait3A_371 = tpu.memref_slice %arg5[%dma_wait3A_369, %dma_wait3A_368, %dma_wait3A_370] : memref<8x8x128xi32, #tpu.memory_space<vmem>> -> memref<8x1x128xi32, #tpu.memory_space<vmem>>
    %dma_wait3A_372 = tpu.memref_squeeze %dma_wait3A_371 : memref<8x1x128xi32, #tpu.memory_space<vmem>> -> memref<8x128xi32, #tpu.memory_space<vmem>>
    %dma_wait3A_373 = arith.constant 0 : i32
    %dma_wait3A_374 = tpu.memref_slice %arg9[%add3A_365, %mul3A_367, %dma_wait3A_373] : memref<16x128x128xi32, #tpu.memory_space<vmem_shared>> -> memref<1x8x128xi32, #tpu.memory_space<vmem_shared>>
    %dma_wait3A_375 = tpu.memref_squeeze %dma_wait3A_374 : memref<1x8x128xi32, #tpu.memory_space<vmem_shared>> -> memref<8x128xi32, #tpu.memory_space<vmem_shared>>
    %dma_wait3A_376 = arith.constant 0 : i32
    %dma_wait3A_377 = tpu.memref_slice %arg9[%add3A_365, %mul3A_367, %dma_wait3A_376] : memref<16x128x128xi32, #tpu.memory_space<vmem_shared>> -> memref<1x8x128xi32, #tpu.memory_space<vmem_shared>>
    %dma_wait3A_378 = tpu.memref_squeeze %dma_wait3A_377 : memref<1x8x128xi32, #tpu.memory_space<vmem_shared>> -> memref<8x128xi32, #tpu.memory_space<vmem_shared>>
    %dma_wait3A_379 = arith.constant 0 : i32
    %dma_wait3A_380 = arith.constant 0 : i32
    %dma_wait3A_381 = tpu.memref_slice %arg5[%dma_wait3A_379, %dma_wait3A_368, %dma_wait3A_380] : memref<8x8x128xi32, #tpu.memory_space<vmem>> -> memref<8x1x128xi32, #tpu.memory_space<vmem>>
    %dma_wait3A_382 = tpu.memref_squeeze %dma_wait3A_381 : memref<8x1x128xi32, #tpu.memory_space<vmem>> -> memref<8x128xi32, #tpu.memory_space<vmem>>
    tpu.wait_dma2 semaphore(%arg10 : memref<!tpu.dma_semaphore, #tpu.memory_space<semaphore_mem>>) src(%dma_wait3A_382 : memref<8x128xi32, #tpu.memory_space<vmem>>) dst(%dma_wait3A_378 : memref<8x128xi32, #tpu.memory_space<vmem_shared>>)
    %mul3A_383 = arith.constant 8 : i32
    %mul3A_384 = arith.muli %select_n3A_71, %mul3A_383 : i32
    %add3A_385 = arith.constant 5 : i32
    %add3A_386 = arith.addi %mul3A_384, %add3A_385 : i32
    %mul3A_387 = arith.constant 8 : i32
    %mul3A_388 = arith.muli %select_n3A_87, %mul3A_387 : i32
    %dma_wait3A_389 = arith.constant 5 : i32
    %dma_wait3A_390 = arith.constant 0 : i32
    %dma_wait3A_391 = arith.constant 0 : i32
    %dma_wait3A_392 = tpu.memref_slice %arg5[%dma_wait3A_390, %dma_wait3A_389, %dma_wait3A_391] : memref<8x8x128xi32, #tpu.memory_space<vmem>> -> memref<8x1x128xi32, #tpu.memory_space<vmem>>
    %dma_wait3A_393 = tpu.memref_squeeze %dma_wait3A_392 : memref<8x1x128xi32, #tpu.memory_space<vmem>> -> memref<8x128xi32, #tpu.memory_space<vmem>>
    %dma_wait3A_394 = arith.constant 0 : i32
    %dma_wait3A_395 = tpu.memref_slice %arg9[%add3A_386, %mul3A_388, %dma_wait3A_394] : memref<16x128x128xi32, #tpu.memory_space<vmem_shared>> -> memref<1x8x128xi32, #tpu.memory_space<vmem_shared>>
    %dma_wait3A_396 = tpu.memref_squeeze %dma_wait3A_395 : memref<1x8x128xi32, #tpu.memory_space<vmem_shared>> -> memref<8x128xi32, #tpu.memory_space<vmem_shared>>
    %dma_wait3A_397 = arith.constant 0 : i32
    %dma_wait3A_398 = tpu.memref_slice %arg9[%add3A_386, %mul3A_388, %dma_wait3A_397] : memref<16x128x128xi32, #tpu.memory_space<vmem_shared>> -> memref<1x8x128xi32, #tpu.memory_space<vmem_shared>>
    %dma_wait3A_399 = tpu.memref_squeeze %dma_wait3A_398 : memref<1x8x128xi32, #tpu.memory_space<vmem_shared>> -> memref<8x128xi32, #tpu.memory_space<vmem_shared>>
    %dma_wait3A_400 = arith.constant 0 : i32
    %dma_wait3A_401 = arith.constant 0 : i32
    %dma_wait3A_402 = tpu.memref_slice %arg5[%dma_wait3A_400, %dma_wait3A_389, %dma_wait3A_401] : memref<8x8x128xi32, #tpu.memory_space<vmem>> -> memref<8x1x128xi32, #tpu.memory_space<vmem>>
    %dma_wait3A_403 = tpu.memref_squeeze %dma_wait3A_402 : memref<8x1x128xi32, #tpu.memory_space<vmem>> -> memref<8x128xi32, #tpu.memory_space<vmem>>
    tpu.wait_dma2 semaphore(%arg10 : memref<!tpu.dma_semaphore, #tpu.memory_space<semaphore_mem>>) src(%dma_wait3A_403 : memref<8x128xi32, #tpu.memory_space<vmem>>) dst(%dma_wait3A_399 : memref<8x128xi32, #tpu.memory_space<vmem_shared>>)
    %mul3A_404 = arith.constant 8 : i32
    %mul3A_405 = arith.muli %select_n3A_71, %mul3A_404 : i32
    %add3A_406 = arith.constant 6 : i32
    %add3A_407 = arith.addi %mul3A_405, %add3A_406 : i32
    %mul3A_408 = arith.constant 8 : i32
    %mul3A_409 = arith.muli %select_n3A_87, %mul3A_408 : i32
    %dma_wait3A_410 = arith.constant 6 : i32
    %dma_wait3A_411 = arith.constant 0 : i32
    %dma_wait3A_412 = arith.constant 0 : i32
    %dma_wait3A_413 = tpu.memref_slice %arg5[%dma_wait3A_411, %dma_wait3A_410, %dma_wait3A_412] : memref<8x8x128xi32, #tpu.memory_space<vmem>> -> memref<8x1x128xi32, #tpu.memory_space<vmem>>
    %dma_wait3A_414 = tpu.memref_squeeze %dma_wait3A_413 : memref<8x1x128xi32, #tpu.memory_space<vmem>> -> memref<8x128xi32, #tpu.memory_space<vmem>>
    %dma_wait3A_415 = arith.constant 0 : i32
    %dma_wait3A_416 = tpu.memref_slice %arg9[%add3A_407, %mul3A_409, %dma_wait3A_415] : memref<16x128x128xi32, #tpu.memory_space<vmem_shared>> -> memref<1x8x128xi32, #tpu.memory_space<vmem_shared>>
    %dma_wait3A_417 = tpu.memref_squeeze %dma_wait3A_416 : memref<1x8x128xi32, #tpu.memory_space<vmem_shared>> -> memref<8x128xi32, #tpu.memory_space<vmem_shared>>
    %dma_wait3A_418 = arith.constant 0 : i32
    %dma_wait3A_419 = tpu.memref_slice %arg9[%add3A_407, %mul3A_409, %dma_wait3A_418] : memref<16x128x128xi32, #tpu.memory_space<vmem_shared>> -> memref<1x8x128xi32, #tpu.memory_space<vmem_shared>>
    %dma_wait3A_420 = tpu.memref_squeeze %dma_wait3A_419 : memref<1x8x128xi32, #tpu.memory_space<vmem_shared>> -> memref<8x128xi32, #tpu.memory_space<vmem_shared>>
    %dma_wait3A_421 = arith.constant 0 : i32
    %dma_wait3A_422 = arith.constant 0 : i32
    %dma_wait3A_423 = tpu.memref_slice %arg5[%dma_wait3A_421, %dma_wait3A_410, %dma_wait3A_422] : memref<8x8x128xi32, #tpu.memory_space<vmem>> -> memref<8x1x128xi32, #tpu.memory_space<vmem>>
    %dma_wait3A_424 = tpu.memref_squeeze %dma_wait3A_423 : memref<8x1x128xi32, #tpu.memory_space<vmem>> -> memref<8x128xi32, #tpu.memory_space<vmem>>
    tpu.wait_dma2 semaphore(%arg10 : memref<!tpu.dma_semaphore, #tpu.memory_space<semaphore_mem>>) src(%dma_wait3A_424 : memref<8x128xi32, #tpu.memory_space<vmem>>) dst(%dma_wait3A_420 : memref<8x128xi32, #tpu.memory_space<vmem_shared>>)
    %mul3A_425 = arith.constant 8 : i32
    %mul3A_426 = arith.muli %select_n3A_71, %mul3A_425 : i32
    %add3A_427 = arith.constant 7 : i32
    %add3A_428 = arith.addi %mul3A_426, %add3A_427 : i32
    %mul3A_429 = arith.constant 8 : i32
    %mul3A_430 = arith.muli %select_n3A_87, %mul3A_429 : i32
    %dma_wait3A_431 = arith.constant 7 : i32
    %dma_wait3A_432 = arith.constant 0 : i32
    %dma_wait3A_433 = arith.constant 0 : i32
    %dma_wait3A_434 = tpu.memref_slice %arg5[%dma_wait3A_432, %dma_wait3A_431, %dma_wait3A_433] : memref<8x8x128xi32, #tpu.memory_space<vmem>> -> memref<8x1x128xi32, #tpu.memory_space<vmem>>
    %dma_wait3A_435 = tpu.memref_squeeze %dma_wait3A_434 : memref<8x1x128xi32, #tpu.memory_space<vmem>> -> memref<8x128xi32, #tpu.memory_space<vmem>>
    %dma_wait3A_436 = arith.constant 0 : i32
    %dma_wait3A_437 = tpu.memref_slice %arg9[%add3A_428, %mul3A_430, %dma_wait3A_436] : memref<16x128x128xi32, #tpu.memory_space<vmem_shared>> -> memref<1x8x128xi32, #tpu.memory_space<vmem_shared>>
    %dma_wait3A_438 = tpu.memref_squeeze %dma_wait3A_437 : memref<1x8x128xi32, #tpu.memory_space<vmem_shared>> -> memref<8x128xi32, #tpu.memory_space<vmem_shared>>
    %dma_wait3A_439 = arith.constant 0 : i32
    %dma_wait3A_440 = tpu.memref_slice %arg9[%add3A_428, %mul3A_430, %dma_wait3A_439] : memref<16x128x128xi32, #tpu.memory_space<vmem_shared>> -> memref<1x8x128xi32, #tpu.memory_space<vmem_shared>>
    %dma_wait3A_441 = tpu.memref_squeeze %dma_wait3A_440 : memref<1x8x128xi32, #tpu.memory_space<vmem_shared>> -> memref<8x128xi32, #tpu.memory_space<vmem_shared>>
    %dma_wait3A_442 = arith.constant 0 : i32
    %dma_wait3A_443 = arith.constant 0 : i32
    %dma_wait3A_444 = tpu.memref_slice %arg5[%dma_wait3A_442, %dma_wait3A_431, %dma_wait3A_443] : memref<8x8x128xi32, #tpu.memory_space<vmem>> -> memref<8x1x128xi32, #tpu.memory_space<vmem>>
    %dma_wait3A_445 = tpu.memref_squeeze %dma_wait3A_444 : memref<8x1x128xi32, #tpu.memory_space<vmem>> -> memref<8x128xi32, #tpu.memory_space<vmem>>
    tpu.wait_dma2 semaphore(%arg10 : memref<!tpu.dma_semaphore, #tpu.memory_space<semaphore_mem>>) src(%dma_wait3A_445 : memref<8x128xi32, #tpu.memory_space<vmem>>) dst(%dma_wait3A_441 : memref<8x128xi32, #tpu.memory_space<vmem_shared>>)
    %mul3A_446 = arith.constant 2 : i32
    %mul3A_447 = arith.muli %mul3A_446, %arg1 : i32
    %add3A_448 = arith.constant 1 : i32
    %add3A_449 = arith.addi %mul3A_447, %add3A_448 : i32
    %jit3A_450 = arith.constant 16 : i32
    %div3A_451 = arith.divsi %add3A_449, %jit3A_450 : i32
    %sign3A_452 = arith.constant 0 : i32
    %sign3A_453 = arith.cmpi sgt, %add3A_449, %sign3A_452 : i32
    %sign3A_454 = arith.extui %sign3A_453 : i1 to i32
    %sign3A_455 = arith.constant 0 : i32
    %sign3A_456 = arith.cmpi slt, %add3A_449, %sign3A_455 : i32
    %sign3A_457 = arith.extui %sign3A_456 : i1 to i32
    %sign3A_458 = arith.subi %sign3A_454, %sign3A_457 : i32
    %sign3A_459 = arith.constant 0 : i32
    %sign3A_460 = arith.cmpi sgt, %jit3A_450, %sign3A_459 : i32
    %sign3A_461 = arith.extui %sign3A_460 : i1 to i32
    %sign3A_462 = arith.constant 0 : i32
    %sign3A_463 = arith.cmpi slt, %jit3A_450, %sign3A_462 : i32
    %sign3A_464 = arith.extui %sign3A_463 : i1 to i32
    %sign3A_465 = arith.subi %sign3A_461, %sign3A_464 : i32
    %ne3A_466 = arith.cmpi ne, %sign3A_458, %sign3A_465 : i32
    %rem3A_467 = arith.remsi %add3A_449, %jit3A_450 : i32
    %ne3A_468 = arith.constant 0 : i32
    %ne3A_469 = arith.cmpi ne, %rem3A_467, %ne3A_468 : i32
    %and3A_470 = arith.andi %ne3A_466, %ne3A_469 : i1
    %sub3A_471 = arith.constant 1 : i32
    %sub3A_472 = arith.subi %div3A_451, %sub3A_471 : i32
    %select_n3A_473 = arith.select %and3A_470, %sub3A_472, %div3A_451 : i32
    %jit3A_474 = arith.constant 16 : i32
    %eq3A_475 = arith.constant 0 : i32
    %eq3A_476 = arith.cmpi eq, %jit3A_474, %eq3A_475 : i32
    %jit3A_477 = arith.constant 1 : i32
    %select_n3A_478 = arith.select %eq3A_476, %jit3A_477, %jit3A_474 : i32
    %rem3A_479 = arith.remsi %add3A_449, %select_n3A_478 : i32
    %ne3A_480 = arith.constant 0 : i32
    %ne3A_481 = arith.cmpi ne, %rem3A_479, %ne3A_480 : i32
    %lt3A_482 = arith.constant 0 : i32
    %lt3A_483 = arith.cmpi slt, %rem3A_479, %lt3A_482 : i32
    %lt3A_484 = arith.constant 0 : i32
    %lt3A_485 = arith.cmpi slt, %select_n3A_478, %lt3A_484 : i32
    %ne3A_486 = arith.xori %lt3A_483, %lt3A_485 : i1
    %and3A_487 = arith.andi %ne3A_486, %ne3A_481 : i1
    %add3A_488 = arith.addi %rem3A_479, %select_n3A_478 : i32
    %select_n3A_489 = arith.select %and3A_487, %add3A_488, %rem3A_479 : i32
    %mul3A_490 = arith.constant 2 : i32
    %mul3A_491 = arith.muli %mul3A_490, %arg0 : i32
    %add3A_492 = arith.addi %mul3A_491, %select_n3A_473 : i32
    %mul3A_493 = arith.constant 8 : i32
    %mul3A_494 = arith.muli %select_n3A_489, %mul3A_493 : i32
    %dma_start3A_495 = arith.constant 0 : i32
    %dma_start3A_496 = arith.constant 0 : i32
    %dma_start3A_497 = tpu.memref_slice %arg2[%add3A_492, %mul3A_494, %dma_start3A_495, %dma_start3A_496] : memref<4x128x8x128xi32, #tpu.memory_space<hbm>> -> memref<1x8x8x128xi32, #tpu.memory_space<hbm>>
    %dma_start3A_498 = tpu.memref_squeeze %dma_start3A_497 : memref<1x8x8x128xi32, #tpu.memory_space<hbm>> -> memref<8x8x128xi32, #tpu.memory_space<hbm>>
    %dma_start3A_499 = arith.constant 0 : i32
    %dma_start3A_500 = arith.constant 0 : i32
    %dma_start3A_501 = tpu.memref_slice %arg2[%add3A_492, %mul3A_494, %dma_start3A_499, %dma_start3A_500] : memref<4x128x8x128xi32, #tpu.memory_space<hbm>> -> memref<1x8x8x128xi32, #tpu.memory_space<hbm>>
    %dma_start3A_502 = tpu.memref_squeeze %dma_start3A_501 : memref<1x8x8x128xi32, #tpu.memory_space<hbm>> -> memref<8x8x128xi32, #tpu.memory_space<hbm>>
    tpu.enqueue_dma source(%dma_start3A_502 : memref<8x8x128xi32, #tpu.memory_space<hbm>>) target(%arg5 : memref<8x8x128xi32, #tpu.memory_space<vmem>>) target_semaphore(%arg10 : memref<!tpu.dma_semaphore, #tpu.memory_space<semaphore_mem>>)
    %mul3A_503 = arith.constant 8 : i32
    %mul3A_504 = arith.muli %select_n3A_489, %mul3A_503 : i32
    %dma_wait3A_505 = arith.constant 0 : i32
    %dma_wait3A_506 = arith.constant 0 : i32
    %dma_wait3A_507 = tpu.memref_slice %arg2[%add3A_492, %mul3A_504, %dma_wait3A_505, %dma_wait3A_506] : memref<4x128x8x128xi32, #tpu.memory_space<hbm>> -> memref<1x8x8x128xi32, #tpu.memory_space<hbm>>
    %dma_wait3A_508 = tpu.memref_squeeze %dma_wait3A_507 : memref<1x8x8x128xi32, #tpu.memory_space<hbm>> -> memref<8x8x128xi32, #tpu.memory_space<hbm>>
    %dma_wait3A_509 = arith.constant 0 : i32
    %dma_wait3A_510 = arith.constant 0 : i32
    %dma_wait3A_511 = tpu.memref_slice %arg2[%add3A_492, %mul3A_504, %dma_wait3A_509, %dma_wait3A_510] : memref<4x128x8x128xi32, #tpu.memory_space<hbm>> -> memref<1x8x8x128xi32, #tpu.memory_space<hbm>>
    %dma_wait3A_512 = tpu.memref_squeeze %dma_wait3A_511 : memref<1x8x8x128xi32, #tpu.memory_space<hbm>> -> memref<8x8x128xi32, #tpu.memory_space<hbm>>
    tpu.wait_dma2 semaphore(%arg10 : memref<!tpu.dma_semaphore, #tpu.memory_space<semaphore_mem>>) src(%dma_wait3A_512 : memref<8x8x128xi32, #tpu.memory_space<hbm>>) dst(%arg5 : memref<8x8x128xi32, #tpu.memory_space<vmem>>)
    %mul3A_513 = arith.constant 8 : i32
    %mul3A_514 = arith.muli %select_n3A_473, %mul3A_513 : i32
    %add3A_515 = arith.constant 0 : i32
    %add3A_516 = arith.addi %mul3A_514, %add3A_515 : i32
    %mul3A_517 = arith.constant 8 : i32
    %mul3A_518 = arith.muli %select_n3A_489, %mul3A_517 : i32
    %dma_start3A_519 = arith.constant 0 : i32
    %dma_start3A_520 = arith.constant 0 : i32
    %dma_start3A_521 = arith.constant 0 : i32
    %dma_start3A_522 = tpu.memref_slice %arg5[%dma_start3A_520, %dma_start3A_519, %dma_start3A_521] : memref<8x8x128xi32, #tpu.memory_space<vmem>> -> memref<8x1x128xi32, #tpu.memory_space<vmem>>
    %dma_start3A_523 = tpu.memref_squeeze %dma_start3A_522 : memref<8x1x128xi32, #tpu.memory_space<vmem>> -> memref<8x128xi32, #tpu.memory_space<vmem>>
    %dma_start3A_524 = arith.constant 0 : i32
    %dma_start3A_525 = tpu.memref_slice %arg9[%add3A_516, %mul3A_518, %dma_start3A_524] : memref<16x128x128xi32, #tpu.memory_space<vmem_shared>> -> memref<1x8x128xi32, #tpu.memory_space<vmem_shared>>
    %dma_start3A_526 = tpu.memref_squeeze %dma_start3A_525 : memref<1x8x128xi32, #tpu.memory_space<vmem_shared>> -> memref<8x128xi32, #tpu.memory_space<vmem_shared>>
    %dma_start3A_527 = arith.constant 0 : i32
    %dma_start3A_528 = tpu.memref_slice %arg9[%add3A_516, %mul3A_518, %dma_start3A_527] : memref<16x128x128xi32, #tpu.memory_space<vmem_shared>> -> memref<1x8x128xi32, #tpu.memory_space<vmem_shared>>
    %dma_start3A_529 = tpu.memref_squeeze %dma_start3A_528 : memref<1x8x128xi32, #tpu.memory_space<vmem_shared>> -> memref<8x128xi32, #tpu.memory_space<vmem_shared>>
    %dma_start3A_530 = arith.constant 0 : i32
    %dma_start3A_531 = arith.constant 0 : i32
    %dma_start3A_532 = tpu.memref_slice %arg5[%dma_start3A_530, %dma_start3A_519, %dma_start3A_531] : memref<8x8x128xi32, #tpu.memory_space<vmem>> -> memref<8x1x128xi32, #tpu.memory_space<vmem>>
    %dma_start3A_533 = tpu.memref_squeeze %dma_start3A_532 : memref<8x1x128xi32, #tpu.memory_space<vmem>> -> memref<8x128xi32, #tpu.memory_space<vmem>>
    tpu.enqueue_dma source(%dma_start3A_533 : memref<8x128xi32, #tpu.memory_space<vmem>>) target(%dma_start3A_529 : memref<8x128xi32, #tpu.memory_space<vmem_shared>>) target_semaphore(%arg10 : memref<!tpu.dma_semaphore, #tpu.memory_space<semaphore_mem>>)
    %mul3A_534 = arith.constant 8 : i32
    %mul3A_535 = arith.muli %select_n3A_473, %mul3A_534 : i32
    %add3A_536 = arith.constant 1 : i32
    %add3A_537 = arith.addi %mul3A_535, %add3A_536 : i32
    %mul3A_538 = arith.constant 8 : i32
    %mul3A_539 = arith.muli %select_n3A_489, %mul3A_538 : i32
    %dma_start3A_540 = arith.constant 1 : i32
    %dma_start3A_541 = arith.constant 0 : i32
    %dma_start3A_542 = arith.constant 0 : i32
    %dma_start3A_543 = tpu.memref_slice %arg5[%dma_start3A_541, %dma_start3A_540, %dma_start3A_542] : memref<8x8x128xi32, #tpu.memory_space<vmem>> -> memref<8x1x128xi32, #tpu.memory_space<vmem>>
    %dma_start3A_544 = tpu.memref_squeeze %dma_start3A_543 : memref<8x1x128xi32, #tpu.memory_space<vmem>> -> memref<8x128xi32, #tpu.memory_space<vmem>>
    %dma_start3A_545 = arith.constant 0 : i32
    %dma_start3A_546 = tpu.memref_slice %arg9[%add3A_537, %mul3A_539, %dma_start3A_545] : memref<16x128x128xi32, #tpu.memory_space<vmem_shared>> -> memref<1x8x128xi32, #tpu.memory_space<vmem_shared>>
    %dma_start3A_547 = tpu.memref_squeeze %dma_start3A_546 : memref<1x8x128xi32, #tpu.memory_space<vmem_shared>> -> memref<8x128xi32, #tpu.memory_space<vmem_shared>>
    %dma_start3A_548 = arith.constant 0 : i32
    %dma_start3A_549 = tpu.memref_slice %arg9[%add3A_537, %mul3A_539, %dma_start3A_548] : memref<16x128x128xi32, #tpu.memory_space<vmem_shared>> -> memref<1x8x128xi32, #tpu.memory_space<vmem_shared>>
    %dma_start3A_550 = tpu.memref_squeeze %dma_start3A_549 : memref<1x8x128xi32, #tpu.memory_space<vmem_shared>> -> memref<8x128xi32, #tpu.memory_space<vmem_shared>>
    %dma_start3A_551 = arith.constant 0 : i32
    %dma_start3A_552 = arith.constant 0 : i32
    %dma_start3A_553 = tpu.memref_slice %arg5[%dma_start3A_551, %dma_start3A_540, %dma_start3A_552] : memref<8x8x128xi32, #tpu.memory_space<vmem>> -> memref<8x1x128xi32, #tpu.memory_space<vmem>>
    %dma_start3A_554 = tpu.memref_squeeze %dma_start3A_553 : memref<8x1x128xi32, #tpu.memory_space<vmem>> -> memref<8x128xi32, #tpu.memory_space<vmem>>
    tpu.enqueue_dma source(%dma_start3A_554 : memref<8x128xi32, #tpu.memory_space<vmem>>) target(%dma_start3A_550 : memref<8x128xi32, #tpu.memory_space<vmem_shared>>) target_semaphore(%arg10 : memref<!tpu.dma_semaphore, #tpu.memory_space<semaphore_mem>>)
    %mul3A_555 = arith.constant 8 : i32
    %mul3A_556 = arith.muli %select_n3A_473, %mul3A_555 : i32
    %add3A_557 = arith.constant 2 : i32
    %add3A_558 = arith.addi %mul3A_556, %add3A_557 : i32
    %mul3A_559 = arith.constant 8 : i32
    %mul3A_560 = arith.muli %select_n3A_489, %mul3A_559 : i32
    %dma_start3A_561 = arith.constant 2 : i32
    %dma_start3A_562 = arith.constant 0 : i32
    %dma_start3A_563 = arith.constant 0 : i32
    %dma_start3A_564 = tpu.memref_slice %arg5[%dma_start3A_562, %dma_start3A_561, %dma_start3A_563] : memref<8x8x128xi32, #tpu.memory_space<vmem>> -> memref<8x1x128xi32, #tpu.memory_space<vmem>>
    %dma_start3A_565 = tpu.memref_squeeze %dma_start3A_564 : memref<8x1x128xi32, #tpu.memory_space<vmem>> -> memref<8x128xi32, #tpu.memory_space<vmem>>
    %dma_start3A_566 = arith.constant 0 : i32
    %dma_start3A_567 = tpu.memref_slice %arg9[%add3A_558, %mul3A_560, %dma_start3A_566] : memref<16x128x128xi32, #tpu.memory_space<vmem_shared>> -> memref<1x8x128xi32, #tpu.memory_space<vmem_shared>>
    %dma_start3A_568 = tpu.memref_squeeze %dma_start3A_567 : memref<1x8x128xi32, #tpu.memory_space<vmem_shared>> -> memref<8x128xi32, #tpu.memory_space<vmem_shared>>
    %dma_start3A_569 = arith.constant 0 : i32
    %dma_start3A_570 = tpu.memref_slice %arg9[%add3A_558, %mul3A_560, %dma_start3A_569] : memref<16x128x128xi32, #tpu.memory_space<vmem_shared>> -> memref<1x8x128xi32, #tpu.memory_space<vmem_shared>>
    %dma_start3A_571 = tpu.memref_squeeze %dma_start3A_570 : memref<1x8x128xi32, #tpu.memory_space<vmem_shared>> -> memref<8x128xi32, #tpu.memory_space<vmem_shared>>
    %dma_start3A_572 = arith.constant 0 : i32
    %dma_start3A_573 = arith.constant 0 : i32
    %dma_start3A_574 = tpu.memref_slice %arg5[%dma_start3A_572, %dma_start3A_561, %dma_start3A_573] : memref<8x8x128xi32, #tpu.memory_space<vmem>> -> memref<8x1x128xi32, #tpu.memory_space<vmem>>
    %dma_start3A_575 = tpu.memref_squeeze %dma_start3A_574 : memref<8x1x128xi32, #tpu.memory_space<vmem>> -> memref<8x128xi32, #tpu.memory_space<vmem>>
    tpu.enqueue_dma source(%dma_start3A_575 : memref<8x128xi32, #tpu.memory_space<vmem>>) target(%dma_start3A_571 : memref<8x128xi32, #tpu.memory_space<vmem_shared>>) target_semaphore(%arg10 : memref<!tpu.dma_semaphore, #tpu.memory_space<semaphore_mem>>)
    %mul3A_576 = arith.constant 8 : i32
    %mul3A_577 = arith.muli %select_n3A_473, %mul3A_576 : i32
    %add3A_578 = arith.constant 3 : i32
    %add3A_579 = arith.addi %mul3A_577, %add3A_578 : i32
    %mul3A_580 = arith.constant 8 : i32
    %mul3A_581 = arith.muli %select_n3A_489, %mul3A_580 : i32
    %dma_start3A_582 = arith.constant 3 : i32
    %dma_start3A_583 = arith.constant 0 : i32
    %dma_start3A_584 = arith.constant 0 : i32
    %dma_start3A_585 = tpu.memref_slice %arg5[%dma_start3A_583, %dma_start3A_582, %dma_start3A_584] : memref<8x8x128xi32, #tpu.memory_space<vmem>> -> memref<8x1x128xi32, #tpu.memory_space<vmem>>
    %dma_start3A_586 = tpu.memref_squeeze %dma_start3A_585 : memref<8x1x128xi32, #tpu.memory_space<vmem>> -> memref<8x128xi32, #tpu.memory_space<vmem>>
    %dma_start3A_587 = arith.constant 0 : i32
    %dma_start3A_588 = tpu.memref_slice %arg9[%add3A_579, %mul3A_581, %dma_start3A_587] : memref<16x128x128xi32, #tpu.memory_space<vmem_shared>> -> memref<1x8x128xi32, #tpu.memory_space<vmem_shared>>
    %dma_start3A_589 = tpu.memref_squeeze %dma_start3A_588 : memref<1x8x128xi32, #tpu.memory_space<vmem_shared>> -> memref<8x128xi32, #tpu.memory_space<vmem_shared>>
    %dma_start3A_590 = arith.constant 0 : i32
    %dma_start3A_591 = tpu.memref_slice %arg9[%add3A_579, %mul3A_581, %dma_start3A_590] : memref<16x128x128xi32, #tpu.memory_space<vmem_shared>> -> memref<1x8x128xi32, #tpu.memory_space<vmem_shared>>
    %dma_start3A_592 = tpu.memref_squeeze %dma_start3A_591 : memref<1x8x128xi32, #tpu.memory_space<vmem_shared>> -> memref<8x128xi32, #tpu.memory_space<vmem_shared>>
    %dma_start3A_593 = arith.constant 0 : i32
    %dma_start3A_594 = arith.constant 0 : i32
    %dma_start3A_595 = tpu.memref_slice %arg5[%dma_start3A_593, %dma_start3A_582, %dma_start3A_594] : memref<8x8x128xi32, #tpu.memory_space<vmem>> -> memref<8x1x128xi32, #tpu.memory_space<vmem>>
    %dma_start3A_596 = tpu.memref_squeeze %dma_start3A_595 : memref<8x1x128xi32, #tpu.memory_space<vmem>> -> memref<8x128xi32, #tpu.memory_space<vmem>>
    tpu.enqueue_dma source(%dma_start3A_596 : memref<8x128xi32, #tpu.memory_space<vmem>>) target(%dma_start3A_592 : memref<8x128xi32, #tpu.memory_space<vmem_shared>>) target_semaphore(%arg10 : memref<!tpu.dma_semaphore, #tpu.memory_space<semaphore_mem>>)
    %mul3A_597 = arith.constant 8 : i32
    %mul3A_598 = arith.muli %select_n3A_473, %mul3A_597 : i32
    %add3A_599 = arith.constant 4 : i32
    %add3A_600 = arith.addi %mul3A_598, %add3A_599 : i32
    %mul3A_601 = arith.constant 8 : i32
    %mul3A_602 = arith.muli %select_n3A_489, %mul3A_601 : i32
    %dma_start3A_603 = arith.constant 4 : i32
    %dma_start3A_604 = arith.constant 0 : i32
    %dma_start3A_605 = arith.constant 0 : i32
    %dma_start3A_606 = tpu.memref_slice %arg5[%dma_start3A_604, %dma_start3A_603, %dma_start3A_605] : memref<8x8x128xi32, #tpu.memory_space<vmem>> -> memref<8x1x128xi32, #tpu.memory_space<vmem>>
    %dma_start3A_607 = tpu.memref_squeeze %dma_start3A_606 : memref<8x1x128xi32, #tpu.memory_space<vmem>> -> memref<8x128xi32, #tpu.memory_space<vmem>>
    %dma_start3A_608 = arith.constant 0 : i32
    %dma_start3A_609 = tpu.memref_slice %arg9[%add3A_600, %mul3A_602, %dma_start3A_608] : memref<16x128x128xi32, #tpu.memory_space<vmem_shared>> -> memref<1x8x128xi32, #tpu.memory_space<vmem_shared>>
    %dma_start3A_610 = tpu.memref_squeeze %dma_start3A_609 : memref<1x8x128xi32, #tpu.memory_space<vmem_shared>> -> memref<8x128xi32, #tpu.memory_space<vmem_shared>>
    %dma_start3A_611 = arith.constant 0 : i32
    %dma_start3A_612 = tpu.memref_slice %arg9[%add3A_600, %mul3A_602, %dma_start3A_611] : memref<16x128x128xi32, #tpu.memory_space<vmem_shared>> -> memref<1x8x128xi32, #tpu.memory_space<vmem_shared>>
    %dma_start3A_613 = tpu.memref_squeeze %dma_start3A_612 : memref<1x8x128xi32, #tpu.memory_space<vmem_shared>> -> memref<8x128xi32, #tpu.memory_space<vmem_shared>>
    %dma_start3A_614 = arith.constant 0 : i32
    %dma_start3A_615 = arith.constant 0 : i32
    %dma_start3A_616 = tpu.memref_slice %arg5[%dma_start3A_614, %dma_start3A_603, %dma_start3A_615] : memref<8x8x128xi32, #tpu.memory_space<vmem>> -> memref<8x1x128xi32, #tpu.memory_space<vmem>>
    %dma_start3A_617 = tpu.memref_squeeze %dma_start3A_616 : memref<8x1x128xi32, #tpu.memory_space<vmem>> -> memref<8x128xi32, #tpu.memory_space<vmem>>
    tpu.enqueue_dma source(%dma_start3A_617 : memref<8x128xi32, #tpu.memory_space<vmem>>) target(%dma_start3A_613 : memref<8x128xi32, #tpu.memory_space<vmem_shared>>) target_semaphore(%arg10 : memref<!tpu.dma_semaphore, #tpu.memory_space<semaphore_mem>>)
    %mul3A_618 = arith.constant 8 : i32
    %mul3A_619 = arith.muli %select_n3A_473, %mul3A_618 : i32
    %add3A_620 = arith.constant 5 : i32
    %add3A_621 = arith.addi %mul3A_619, %add3A_620 : i32
    %mul3A_622 = arith.constant 8 : i32
    %mul3A_623 = arith.muli %select_n3A_489, %mul3A_622 : i32
    %dma_start3A_624 = arith.constant 5 : i32
    %dma_start3A_625 = arith.constant 0 : i32
    %dma_start3A_626 = arith.constant 0 : i32
    %dma_start3A_627 = tpu.memref_slice %arg5[%dma_start3A_625, %dma_start3A_624, %dma_start3A_626] : memref<8x8x128xi32, #tpu.memory_space<vmem>> -> memref<8x1x128xi32, #tpu.memory_space<vmem>>
    %dma_start3A_628 = tpu.memref_squeeze %dma_start3A_627 : memref<8x1x128xi32, #tpu.memory_space<vmem>> -> memref<8x128xi32, #tpu.memory_space<vmem>>
    %dma_start3A_629 = arith.constant 0 : i32
    %dma_start3A_630 = tpu.memref_slice %arg9[%add3A_621, %mul3A_623, %dma_start3A_629] : memref<16x128x128xi32, #tpu.memory_space<vmem_shared>> -> memref<1x8x128xi32, #tpu.memory_space<vmem_shared>>
    %dma_start3A_631 = tpu.memref_squeeze %dma_start3A_630 : memref<1x8x128xi32, #tpu.memory_space<vmem_shared>> -> memref<8x128xi32, #tpu.memory_space<vmem_shared>>
    %dma_start3A_632 = arith.constant 0 : i32
    %dma_start3A_633 = tpu.memref_slice %arg9[%add3A_621, %mul3A_623, %dma_start3A_632] : memref<16x128x128xi32, #tpu.memory_space<vmem_shared>> -> memref<1x8x128xi32, #tpu.memory_space<vmem_shared>>
    %dma_start3A_634 = tpu.memref_squeeze %dma_start3A_633 : memref<1x8x128xi32, #tpu.memory_space<vmem_shared>> -> memref<8x128xi32, #tpu.memory_space<vmem_shared>>
    %dma_start3A_635 = arith.constant 0 : i32
    %dma_start3A_636 = arith.constant 0 : i32
    %dma_start3A_637 = tpu.memref_slice %arg5[%dma_start3A_635, %dma_start3A_624, %dma_start3A_636] : memref<8x8x128xi32, #tpu.memory_space<vmem>> -> memref<8x1x128xi32, #tpu.memory_space<vmem>>
    %dma_start3A_638 = tpu.memref_squeeze %dma_start3A_637 : memref<8x1x128xi32, #tpu.memory_space<vmem>> -> memref<8x128xi32, #tpu.memory_space<vmem>>
    tpu.enqueue_dma source(%dma_start3A_638 : memref<8x128xi32, #tpu.memory_space<vmem>>) target(%dma_start3A_634 : memref<8x128xi32, #tpu.memory_space<vmem_shared>>) target_semaphore(%arg10 : memref<!tpu.dma_semaphore, #tpu.memory_space<semaphore_mem>>)
    %mul3A_639 = arith.constant 8 : i32
    %mul3A_640 = arith.muli %select_n3A_473, %mul3A_639 : i32
    %add3A_641 = arith.constant 6 : i32
    %add3A_642 = arith.addi %mul3A_640, %add3A_641 : i32
    %mul3A_643 = arith.constant 8 : i32
    %mul3A_644 = arith.muli %select_n3A_489, %mul3A_643 : i32
    %dma_start3A_645 = arith.constant 6 : i32
    %dma_start3A_646 = arith.constant 0 : i32
    %dma_start3A_647 = arith.constant 0 : i32
    %dma_start3A_648 = tpu.memref_slice %arg5[%dma_start3A_646, %dma_start3A_645, %dma_start3A_647] : memref<8x8x128xi32, #tpu.memory_space<vmem>> -> memref<8x1x128xi32, #tpu.memory_space<vmem>>
    %dma_start3A_649 = tpu.memref_squeeze %dma_start3A_648 : memref<8x1x128xi32, #tpu.memory_space<vmem>> -> memref<8x128xi32, #tpu.memory_space<vmem>>
    %dma_start3A_650 = arith.constant 0 : i32
    %dma_start3A_651 = tpu.memref_slice %arg9[%add3A_642, %mul3A_644, %dma_start3A_650] : memref<16x128x128xi32, #tpu.memory_space<vmem_shared>> -> memref<1x8x128xi32, #tpu.memory_space<vmem_shared>>
    %dma_start3A_652 = tpu.memref_squeeze %dma_start3A_651 : memref<1x8x128xi32, #tpu.memory_space<vmem_shared>> -> memref<8x128xi32, #tpu.memory_space<vmem_shared>>
    %dma_start3A_653 = arith.constant 0 : i32
    %dma_start3A_654 = tpu.memref_slice %arg9[%add3A_642, %mul3A_644, %dma_start3A_653] : memref<16x128x128xi32, #tpu.memory_space<vmem_shared>> -> memref<1x8x128xi32, #tpu.memory_space<vmem_shared>>
    %dma_start3A_655 = tpu.memref_squeeze %dma_start3A_654 : memref<1x8x128xi32, #tpu.memory_space<vmem_shared>> -> memref<8x128xi32, #tpu.memory_space<vmem_shared>>
    %dma_start3A_656 = arith.constant 0 : i32
    %dma_start3A_657 = arith.constant 0 : i32
    %dma_start3A_658 = tpu.memref_slice %arg5[%dma_start3A_656, %dma_start3A_645, %dma_start3A_657] : memref<8x8x128xi32, #tpu.memory_space<vmem>> -> memref<8x1x128xi32, #tpu.memory_space<vmem>>
    %dma_start3A_659 = tpu.memref_squeeze %dma_start3A_658 : memref<8x1x128xi32, #tpu.memory_space<vmem>> -> memref<8x128xi32, #tpu.memory_space<vmem>>
    tpu.enqueue_dma source(%dma_start3A_659 : memref<8x128xi32, #tpu.memory_space<vmem>>) target(%dma_start3A_655 : memref<8x128xi32, #tpu.memory_space<vmem_shared>>) target_semaphore(%arg10 : memref<!tpu.dma_semaphore, #tpu.memory_space<semaphore_mem>>)
    %mul3A_660 = arith.constant 8 : i32
    %mul3A_661 = arith.muli %select_n3A_473, %mul3A_660 : i32
    %add3A_662 = arith.constant 7 : i32
    %add3A_663 = arith.addi %mul3A_661, %add3A_662 : i32
    %mul3A_664 = arith.constant 8 : i32
    %mul3A_665 = arith.muli %select_n3A_489, %mul3A_664 : i32
    %dma_start3A_666 = arith.constant 7 : i32
    %dma_start3A_667 = arith.constant 0 : i32
    %dma_start3A_668 = arith.constant 0 : i32
    %dma_start3A_669 = tpu.memref_slice %arg5[%dma_start3A_667, %dma_start3A_666, %dma_start3A_668] : memref<8x8x128xi32, #tpu.memory_space<vmem>> -> memref<8x1x128xi32, #tpu.memory_space<vmem>>
    %dma_start3A_670 = tpu.memref_squeeze %dma_start3A_669 : memref<8x1x128xi32, #tpu.memory_space<vmem>> -> memref<8x128xi32, #tpu.memory_space<vmem>>
    %dma_start3A_671 = arith.constant 0 : i32
    %dma_start3A_672 = tpu.memref_slice %arg9[%add3A_663, %mul3A_665, %dma_start3A_671] : memref<16x128x128xi32, #tpu.memory_space<vmem_shared>> -> memref<1x8x128xi32, #tpu.memory_space<vmem_shared>>
    %dma_start3A_673 = tpu.memref_squeeze %dma_start3A_672 : memref<1x8x128xi32, #tpu.memory_space<vmem_shared>> -> memref<8x128xi32, #tpu.memory_space<vmem_shared>>
    %dma_start3A_674 = arith.constant 0 : i32
    %dma_start3A_675 = tpu.memref_slice %arg9[%add3A_663, %mul3A_665, %dma_start3A_674] : memref<16x128x128xi32, #tpu.memory_space<vmem_shared>> -> memref<1x8x128xi32, #tpu.memory_space<vmem_shared>>
    %dma_start3A_676 = tpu.memref_squeeze %dma_start3A_675 : memref<1x8x128xi32, #tpu.memory_space<vmem_shared>> -> memref<8x128xi32, #tpu.memory_space<vmem_shared>>
    %dma_start3A_677 = arith.constant 0 : i32
    %dma_start3A_678 = arith.constant 0 : i32
    %dma_start3A_679 = tpu.memref_slice %arg5[%dma_start3A_677, %dma_start3A_666, %dma_start3A_678] : memref<8x8x128xi32, #tpu.memory_space<vmem>> -> memref<8x1x128xi32, #tpu.memory_space<vmem>>
    %dma_start3A_680 = tpu.memref_squeeze %dma_start3A_679 : memref<8x1x128xi32, #tpu.memory_space<vmem>> -> memref<8x128xi32, #tpu.memory_space<vmem>>
    tpu.enqueue_dma source(%dma_start3A_680 : memref<8x128xi32, #tpu.memory_space<vmem>>) target(%dma_start3A_676 : memref<8x128xi32, #tpu.memory_space<vmem_shared>>) target_semaphore(%arg10 : memref<!tpu.dma_semaphore, #tpu.memory_space<semaphore_mem>>)
    %mul3A_681 = arith.constant 8 : i32
    %mul3A_682 = arith.muli %select_n3A_473, %mul3A_681 : i32
    %add3A_683 = arith.constant 0 : i32
    %add3A_684 = arith.addi %mul3A_682, %add3A_683 : i32
    %mul3A_685 = arith.constant 8 : i32
    %mul3A_686 = arith.muli %select_n3A_489, %mul3A_685 : i32
    %dma_wait3A_687 = arith.constant 0 : i32
    %dma_wait3A_688 = arith.constant 0 : i32
    %dma_wait3A_689 = arith.constant 0 : i32
    %dma_wait3A_690 = tpu.memref_slice %arg5[%dma_wait3A_688, %dma_wait3A_687, %dma_wait3A_689] : memref<8x8x128xi32, #tpu.memory_space<vmem>> -> memref<8x1x128xi32, #tpu.memory_space<vmem>>
    %dma_wait3A_691 = tpu.memref_squeeze %dma_wait3A_690 : memref<8x1x128xi32, #tpu.memory_space<vmem>> -> memref<8x128xi32, #tpu.memory_space<vmem>>
    %dma_wait3A_692 = arith.constant 0 : i32
    %dma_wait3A_693 = tpu.memref_slice %arg9[%add3A_684, %mul3A_686, %dma_wait3A_692] : memref<16x128x128xi32, #tpu.memory_space<vmem_shared>> -> memref<1x8x128xi32, #tpu.memory_space<vmem_shared>>
    %dma_wait3A_694 = tpu.memref_squeeze %dma_wait3A_693 : memref<1x8x128xi32, #tpu.memory_space<vmem_shared>> -> memref<8x128xi32, #tpu.memory_space<vmem_shared>>
    %dma_wait3A_695 = arith.constant 0 : i32
    %dma_wait3A_696 = tpu.memref_slice %arg9[%add3A_684, %mul3A_686, %dma_wait3A_695] : memref<16x128x128xi32, #tpu.memory_space<vmem_shared>> -> memref<1x8x128xi32, #tpu.memory_space<vmem_shared>>
    %dma_wait3A_697 = tpu.memref_squeeze %dma_wait3A_696 : memref<1x8x128xi32, #tpu.memory_space<vmem_shared>> -> memref<8x128xi32, #tpu.memory_space<vmem_shared>>
    %dma_wait3A_698 = arith.constant 0 : i32
    %dma_wait3A_699 = arith.constant 0 : i32
    %dma_wait3A_700 = tpu.memref_slice %arg5[%dma_wait3A_698, %dma_wait3A_687, %dma_wait3A_699] : memref<8x8x128xi32, #tpu.memory_space<vmem>> -> memref<8x1x128xi32, #tpu.memory_space<vmem>>
    %dma_wait3A_701 = tpu.memref_squeeze %dma_wait3A_700 : memref<8x1x128xi32, #tpu.memory_space<vmem>> -> memref<8x128xi32, #tpu.memory_space<vmem>>
    tpu.wait_dma2 semaphore(%arg10 : memref<!tpu.dma_semaphore, #tpu.memory_space<semaphore_mem>>) src(%dma_wait3A_701 : memref<8x128xi32, #tpu.memory_space<vmem>>) dst(%dma_wait3A_697 : memref<8x128xi32, #tpu.memory_space<vmem_shared>>)
    %mul3A_702 = arith.constant 8 : i32
    %mul3A_703 = arith.muli %select_n3A_473, %mul3A_702 : i32
    %add3A_704 = arith.constant 1 : i32
    %add3A_705 = arith.addi %mul3A_703, %add3A_704 : i32
    %mul3A_706 = arith.constant 8 : i32
    %mul3A_707 = arith.muli %select_n3A_489, %mul3A_706 : i32
    %dma_wait3A_708 = arith.constant 1 : i32
    %dma_wait3A_709 = arith.constant 0 : i32
    %dma_wait3A_710 = arith.constant 0 : i32
    %dma_wait3A_711 = tpu.memref_slice %arg5[%dma_wait3A_709, %dma_wait3A_708, %dma_wait3A_710] : memref<8x8x128xi32, #tpu.memory_space<vmem>> -> memref<8x1x128xi32, #tpu.memory_space<vmem>>
    %dma_wait3A_712 = tpu.memref_squeeze %dma_wait3A_711 : memref<8x1x128xi32, #tpu.memory_space<vmem>> -> memref<8x128xi32, #tpu.memory_space<vmem>>
    %dma_wait3A_713 = arith.constant 0 : i32
    %dma_wait3A_714 = tpu.memref_slice %arg9[%add3A_705, %mul3A_707, %dma_wait3A_713] : memref<16x128x128xi32, #tpu.memory_space<vmem_shared>> -> memref<1x8x128xi32, #tpu.memory_space<vmem_shared>>
    %dma_wait3A_715 = tpu.memref_squeeze %dma_wait3A_714 : memref<1x8x128xi32, #tpu.memory_space<vmem_shared>> -> memref<8x128xi32, #tpu.memory_space<vmem_shared>>
    %dma_wait3A_716 = arith.constant 0 : i32
    %dma_wait3A_717 = tpu.memref_slice %arg9[%add3A_705, %mul3A_707, %dma_wait3A_716] : memref<16x128x128xi32, #tpu.memory_space<vmem_shared>> -> memref<1x8x128xi32, #tpu.memory_space<vmem_shared>>
    %dma_wait3A_718 = tpu.memref_squeeze %dma_wait3A_717 : memref<1x8x128xi32, #tpu.memory_space<vmem_shared>> -> memref<8x128xi32, #tpu.memory_space<vmem_shared>>
    %dma_wait3A_719 = arith.constant 0 : i32
    %dma_wait3A_720 = arith.constant 0 : i32
    %dma_wait3A_721 = tpu.memref_slice %arg5[%dma_wait3A_719, %dma_wait3A_708, %dma_wait3A_720] : memref<8x8x128xi32, #tpu.memory_space<vmem>> -> memref<8x1x128xi32, #tpu.memory_space<vmem>>
    %dma_wait3A_722 = tpu.memref_squeeze %dma_wait3A_721 : memref<8x1x128xi32, #tpu.memory_space<vmem>> -> memref<8x128xi32, #tpu.memory_space<vmem>>
    tpu.wait_dma2 semaphore(%arg10 : memref<!tpu.dma_semaphore, #tpu.memory_space<semaphore_mem>>) src(%dma_wait3A_722 : memref<8x128xi32, #tpu.memory_space<vmem>>) dst(%dma_wait3A_718 : memref<8x128xi32, #tpu.memory_space<vmem_shared>>)
    %mul3A_723 = arith.constant 8 : i32
    %mul3A_724 = arith.muli %select_n3A_473, %mul3A_723 : i32
    %add3A_725 = arith.constant 2 : i32
    %add3A_726 = arith.addi %mul3A_724, %add3A_725 : i32
    %mul3A_727 = arith.constant 8 : i32
    %mul3A_728 = arith.muli %select_n3A_489, %mul3A_727 : i32
    %dma_wait3A_729 = arith.constant 2 : i32
    %dma_wait3A_730 = arith.constant 0 : i32
    %dma_wait3A_731 = arith.constant 0 : i32
    %dma_wait3A_732 = tpu.memref_slice %arg5[%dma_wait3A_730, %dma_wait3A_729, %dma_wait3A_731] : memref<8x8x128xi32, #tpu.memory_space<vmem>> -> memref<8x1x128xi32, #tpu.memory_space<vmem>>
    %dma_wait3A_733 = tpu.memref_squeeze %dma_wait3A_732 : memref<8x1x128xi32, #tpu.memory_space<vmem>> -> memref<8x128xi32, #tpu.memory_space<vmem>>
    %dma_wait3A_734 = arith.constant 0 : i32
    %dma_wait3A_735 = tpu.memref_slice %arg9[%add3A_726, %mul3A_728, %dma_wait3A_734] : memref<16x128x128xi32, #tpu.memory_space<vmem_shared>> -> memref<1x8x128xi32, #tpu.memory_space<vmem_shared>>
    %dma_wait3A_736 = tpu.memref_squeeze %dma_wait3A_735 : memref<1x8x128xi32, #tpu.memory_space<vmem_shared>> -> memref<8x128xi32, #tpu.memory_space<vmem_shared>>
    %dma_wait3A_737 = arith.constant 0 : i32
    %dma_wait3A_738 = tpu.memref_slice %arg9[%add3A_726, %mul3A_728, %dma_wait3A_737] : memref<16x128x128xi32, #tpu.memory_space<vmem_shared>> -> memref<1x8x128xi32, #tpu.memory_space<vmem_shared>>
    %dma_wait3A_739 = tpu.memref_squeeze %dma_wait3A_738 : memref<1x8x128xi32, #tpu.memory_space<vmem_shared>> -> memref<8x128xi32, #tpu.memory_space<vmem_shared>>
    %dma_wait3A_740 = arith.constant 0 : i32
    %dma_wait3A_741 = arith.constant 0 : i32
    %dma_wait3A_742 = tpu.memref_slice %arg5[%dma_wait3A_740, %dma_wait3A_729, %dma_wait3A_741] : memref<8x8x128xi32, #tpu.memory_space<vmem>> -> memref<8x1x128xi32, #tpu.memory_space<vmem>>
    %dma_wait3A_743 = tpu.memref_squeeze %dma_wait3A_742 : memref<8x1x128xi32, #tpu.memory_space<vmem>> -> memref<8x128xi32, #tpu.memory_space<vmem>>
    tpu.wait_dma2 semaphore(%arg10 : memref<!tpu.dma_semaphore, #tpu.memory_space<semaphore_mem>>) src(%dma_wait3A_743 : memref<8x128xi32, #tpu.memory_space<vmem>>) dst(%dma_wait3A_739 : memref<8x128xi32, #tpu.memory_space<vmem_shared>>)
    %mul3A_744 = arith.constant 8 : i32
    %mul3A_745 = arith.muli %select_n3A_473, %mul3A_744 : i32
    %add3A_746 = arith.constant 3 : i32
    %add3A_747 = arith.addi %mul3A_745, %add3A_746 : i32
    %mul3A_748 = arith.constant 8 : i32
    %mul3A_749 = arith.muli %select_n3A_489, %mul3A_748 : i32
    %dma_wait3A_750 = arith.constant 3 : i32
    %dma_wait3A_751 = arith.constant 0 : i32
    %dma_wait3A_752 = arith.constant 0 : i32
    %dma_wait3A_753 = tpu.memref_slice %arg5[%dma_wait3A_751, %dma_wait3A_750, %dma_wait3A_752] : memref<8x8x128xi32, #tpu.memory_space<vmem>> -> memref<8x1x128xi32, #tpu.memory_space<vmem>>
    %dma_wait3A_754 = tpu.memref_squeeze %dma_wait3A_753 : memref<8x1x128xi32, #tpu.memory_space<vmem>> -> memref<8x128xi32, #tpu.memory_space<vmem>>
    %dma_wait3A_755 = arith.constant 0 : i32
    %dma_wait3A_756 = tpu.memref_slice %arg9[%add3A_747, %mul3A_749, %dma_wait3A_755] : memref<16x128x128xi32, #tpu.memory_space<vmem_shared>> -> memref<1x8x128xi32, #tpu.memory_space<vmem_shared>>
    %dma_wait3A_757 = tpu.memref_squeeze %dma_wait3A_756 : memref<1x8x128xi32, #tpu.memory_space<vmem_shared>> -> memref<8x128xi32, #tpu.memory_space<vmem_shared>>
    %dma_wait3A_758 = arith.constant 0 : i32
    %dma_wait3A_759 = tpu.memref_slice %arg9[%add3A_747, %mul3A_749, %dma_wait3A_758] : memref<16x128x128xi32, #tpu.memory_space<vmem_shared>> -> memref<1x8x128xi32, #tpu.memory_space<vmem_shared>>
    %dma_wait3A_760 = tpu.memref_squeeze %dma_wait3A_759 : memref<1x8x128xi32, #tpu.memory_space<vmem_shared>> -> memref<8x128xi32, #tpu.memory_space<vmem_shared>>
    %dma_wait3A_761 = arith.constant 0 : i32
    %dma_wait3A_762 = arith.constant 0 : i32
    %dma_wait3A_763 = tpu.memref_slice %arg5[%dma_wait3A_761, %dma_wait3A_750, %dma_wait3A_762] : memref<8x8x128xi32, #tpu.memory_space<vmem>> -> memref<8x1x128xi32, #tpu.memory_space<vmem>>
    %dma_wait3A_764 = tpu.memref_squeeze %dma_wait3A_763 : memref<8x1x128xi32, #tpu.memory_space<vmem>> -> memref<8x128xi32, #tpu.memory_space<vmem>>
    tpu.wait_dma2 semaphore(%arg10 : memref<!tpu.dma_semaphore, #tpu.memory_space<semaphore_mem>>) src(%dma_wait3A_764 : memref<8x128xi32, #tpu.memory_space<vmem>>) dst(%dma_wait3A_760 : memref<8x128xi32, #tpu.memory_space<vmem_shared>>)
    %mul3A_765 = arith.constant 8 : i32
    %mul3A_766 = arith.muli %select_n3A_473, %mul3A_765 : i32
    %add3A_767 = arith.constant 4 : i32
    %add3A_768 = arith.addi %mul3A_766, %add3A_767 : i32
    %mul3A_769 = arith.constant 8 : i32
    %mul3A_770 = arith.muli %select_n3A_489, %mul3A_769 : i32
    %dma_wait3A_771 = arith.constant 4 : i32
    %dma_wait3A_772 = arith.constant 0 : i32
    %dma_wait3A_773 = arith.constant 0 : i32
    %dma_wait3A_774 = tpu.memref_slice %arg5[%dma_wait3A_772, %dma_wait3A_771, %dma_wait3A_773] : memref<8x8x128xi32, #tpu.memory_space<vmem>> -> memref<8x1x128xi32, #tpu.memory_space<vmem>>
    %dma_wait3A_775 = tpu.memref_squeeze %dma_wait3A_774 : memref<8x1x128xi32, #tpu.memory_space<vmem>> -> memref<8x128xi32, #tpu.memory_space<vmem>>
    %dma_wait3A_776 = arith.constant 0 : i32
    %dma_wait3A_777 = tpu.memref_slice %arg9[%add3A_768, %mul3A_770, %dma_wait3A_776] : memref<16x128x128xi32, #tpu.memory_space<vmem_shared>> -> memref<1x8x128xi32, #tpu.memory_space<vmem_shared>>
    %dma_wait3A_778 = tpu.memref_squeeze %dma_wait3A_777 : memref<1x8x128xi32, #tpu.memory_space<vmem_shared>> -> memref<8x128xi32, #tpu.memory_space<vmem_shared>>
    %dma_wait3A_779 = arith.constant 0 : i32
    %dma_wait3A_780 = tpu.memref_slice %arg9[%add3A_768, %mul3A_770, %dma_wait3A_779] : memref<16x128x128xi32, #tpu.memory_space<vmem_shared>> -> memref<1x8x128xi32, #tpu.memory_space<vmem_shared>>
    %dma_wait3A_781 = tpu.memref_squeeze %dma_wait3A_780 : memref<1x8x128xi32, #tpu.memory_space<vmem_shared>> -> memref<8x128xi32, #tpu.memory_space<vmem_shared>>
    %dma_wait3A_782 = arith.constant 0 : i32
    %dma_wait3A_783 = arith.constant 0 : i32
    %dma_wait3A_784 = tpu.memref_slice %arg5[%dma_wait3A_782, %dma_wait3A_771, %dma_wait3A_783] : memref<8x8x128xi32, #tpu.memory_space<vmem>> -> memref<8x1x128xi32, #tpu.memory_space<vmem>>
    %dma_wait3A_785 = tpu.memref_squeeze %dma_wait3A_784 : memref<8x1x128xi32, #tpu.memory_space<vmem>> -> memref<8x128xi32, #tpu.memory_space<vmem>>
    tpu.wait_dma2 semaphore(%arg10 : memref<!tpu.dma_semaphore, #tpu.memory_space<semaphore_mem>>) src(%dma_wait3A_785 : memref<8x128xi32, #tpu.memory_space<vmem>>) dst(%dma_wait3A_781 : memref<8x128xi32, #tpu.memory_space<vmem_shared>>)
    %mul3A_786 = arith.constant 8 : i32
    %mul3A_787 = arith.muli %select_n3A_473, %mul3A_786 : i32
    %add3A_788 = arith.constant 5 : i32
    %add3A_789 = arith.addi %mul3A_787, %add3A_788 : i32
    %mul3A_790 = arith.constant 8 : i32
    %mul3A_791 = arith.muli %select_n3A_489, %mul3A_790 : i32
    %dma_wait3A_792 = arith.constant 5 : i32
    %dma_wait3A_793 = arith.constant 0 : i32
    %dma_wait3A_794 = arith.constant 0 : i32
    %dma_wait3A_795 = tpu.memref_slice %arg5[%dma_wait3A_793, %dma_wait3A_792, %dma_wait3A_794] : memref<8x8x128xi32, #tpu.memory_space<vmem>> -> memref<8x1x128xi32, #tpu.memory_space<vmem>>
    %dma_wait3A_796 = tpu.memref_squeeze %dma_wait3A_795 : memref<8x1x128xi32, #tpu.memory_space<vmem>> -> memref<8x128xi32, #tpu.memory_space<vmem>>
    %dma_wait3A_797 = arith.constant 0 : i32
    %dma_wait3A_798 = tpu.memref_slice %arg9[%add3A_789, %mul3A_791, %dma_wait3A_797] : memref<16x128x128xi32, #tpu.memory_space<vmem_shared>> -> memref<1x8x128xi32, #tpu.memory_space<vmem_shared>>
    %dma_wait3A_799 = tpu.memref_squeeze %dma_wait3A_798 : memref<1x8x128xi32, #tpu.memory_space<vmem_shared>> -> memref<8x128xi32, #tpu.memory_space<vmem_shared>>
    %dma_wait3A_800 = arith.constant 0 : i32
    %dma_wait3A_801 = tpu.memref_slice %arg9[%add3A_789, %mul3A_791, %dma_wait3A_800] : memref<16x128x128xi32, #tpu.memory_space<vmem_shared>> -> memref<1x8x128xi32, #tpu.memory_space<vmem_shared>>
    %dma_wait3A_802 = tpu.memref_squeeze %dma_wait3A_801 : memref<1x8x128xi32, #tpu.memory_space<vmem_shared>> -> memref<8x128xi32, #tpu.memory_space<vmem_shared>>
    %dma_wait3A_803 = arith.constant 0 : i32
    %dma_wait3A_804 = arith.constant 0 : i32
    %dma_wait3A_805 = tpu.memref_slice %arg5[%dma_wait3A_803, %dma_wait3A_792, %dma_wait3A_804] : memref<8x8x128xi32, #tpu.memory_space<vmem>> -> memref<8x1x128xi32, #tpu.memory_space<vmem>>
    %dma_wait3A_806 = tpu.memref_squeeze %dma_wait3A_805 : memref<8x1x128xi32, #tpu.memory_space<vmem>> -> memref<8x128xi32, #tpu.memory_space<vmem>>
    tpu.wait_dma2 semaphore(%arg10 : memref<!tpu.dma_semaphore, #tpu.memory_space<semaphore_mem>>) src(%dma_wait3A_806 : memref<8x128xi32, #tpu.memory_space<vmem>>) dst(%dma_wait3A_802 : memref<8x128xi32, #tpu.memory_space<vmem_shared>>)
    %mul3A_807 = arith.constant 8 : i32
    %mul3A_808 = arith.muli %select_n3A_473, %mul3A_807 : i32
    %add3A_809 = arith.constant 6 : i32
    %add3A_810 = arith.addi %mul3A_808, %add3A_809 : i32
    %mul3A_811 = arith.constant 8 : i32
    %mul3A_812 = arith.muli %select_n3A_489, %mul3A_811 : i32
    %dma_wait3A_813 = arith.constant 6 : i32
    %dma_wait3A_814 = arith.constant 0 : i32
    %dma_wait3A_815 = arith.constant 0 : i32
    %dma_wait3A_816 = tpu.memref_slice %arg5[%dma_wait3A_814, %dma_wait3A_813, %dma_wait3A_815] : memref<8x8x128xi32, #tpu.memory_space<vmem>> -> memref<8x1x128xi32, #tpu.memory_space<vmem>>
    %dma_wait3A_817 = tpu.memref_squeeze %dma_wait3A_816 : memref<8x1x128xi32, #tpu.memory_space<vmem>> -> memref<8x128xi32, #tpu.memory_space<vmem>>
    %dma_wait3A_818 = arith.constant 0 : i32
    %dma_wait3A_819 = tpu.memref_slice %arg9[%add3A_810, %mul3A_812, %dma_wait3A_818] : memref<16x128x128xi32, #tpu.memory_space<vmem_shared>> -> memref<1x8x128xi32, #tpu.memory_space<vmem_shared>>
    %dma_wait3A_820 = tpu.memref_squeeze %dma_wait3A_819 : memref<1x8x128xi32, #tpu.memory_space<vmem_shared>> -> memref<8x128xi32, #tpu.memory_space<vmem_shared>>
    %dma_wait3A_821 = arith.constant 0 : i32
    %dma_wait3A_822 = tpu.memref_slice %arg9[%add3A_810, %mul3A_812, %dma_wait3A_821] : memref<16x128x128xi32, #tpu.memory_space<vmem_shared>> -> memref<1x8x128xi32, #tpu.memory_space<vmem_shared>>
    %dma_wait3A_823 = tpu.memref_squeeze %dma_wait3A_822 : memref<1x8x128xi32, #tpu.memory_space<vmem_shared>> -> memref<8x128xi32, #tpu.memory_space<vmem_shared>>
    %dma_wait3A_824 = arith.constant 0 : i32
    %dma_wait3A_825 = arith.constant 0 : i32
    %dma_wait3A_826 = tpu.memref_slice %arg5[%dma_wait3A_824, %dma_wait3A_813, %dma_wait3A_825] : memref<8x8x128xi32, #tpu.memory_space<vmem>> -> memref<8x1x128xi32, #tpu.memory_space<vmem>>
    %dma_wait3A_827 = tpu.memref_squeeze %dma_wait3A_826 : memref<8x1x128xi32, #tpu.memory_space<vmem>> -> memref<8x128xi32, #tpu.memory_space<vmem>>
    tpu.wait_dma2 semaphore(%arg10 : memref<!tpu.dma_semaphore, #tpu.memory_space<semaphore_mem>>) src(%dma_wait3A_827 : memref<8x128xi32, #tpu.memory_space<vmem>>) dst(%dma_wait3A_823 : memref<8x128xi32, #tpu.memory_space<vmem_shared>>)
    %mul3A_828 = arith.constant 8 : i32
    %mul3A_829 = arith.muli %select_n3A_473, %mul3A_828 : i32
    %add3A_830 = arith.constant 7 : i32
    %add3A_831 = arith.addi %mul3A_829, %add3A_830 : i32
    %mul3A_832 = arith.constant 8 : i32
    %mul3A_833 = arith.muli %select_n3A_489, %mul3A_832 : i32
    %dma_wait3A_834 = arith.constant 7 : i32
    %dma_wait3A_835 = arith.constant 0 : i32
    %dma_wait3A_836 = arith.constant 0 : i32
    %dma_wait3A_837 = tpu.memref_slice %arg5[%dma_wait3A_835, %dma_wait3A_834, %dma_wait3A_836] : memref<8x8x128xi32, #tpu.memory_space<vmem>> -> memref<8x1x128xi32, #tpu.memory_space<vmem>>
    %dma_wait3A_838 = tpu.memref_squeeze %dma_wait3A_837 : memref<8x1x128xi32, #tpu.memory_space<vmem>> -> memref<8x128xi32, #tpu.memory_space<vmem>>
    %dma_wait3A_839 = arith.constant 0 : i32
    %dma_wait3A_840 = tpu.memref_slice %arg9[%add3A_831, %mul3A_833, %dma_wait3A_839] : memref<16x128x128xi32, #tpu.memory_space<vmem_shared>> -> memref<1x8x128xi32, #tpu.memory_space<vmem_shared>>
    %dma_wait3A_841 = tpu.memref_squeeze %dma_wait3A_840 : memref<1x8x128xi32, #tpu.memory_space<vmem_shared>> -> memref<8x128xi32, #tpu.memory_space<vmem_shared>>
    %dma_wait3A_842 = arith.constant 0 : i32
    %dma_wait3A_843 = tpu.memref_slice %arg9[%add3A_831, %mul3A_833, %dma_wait3A_842] : memref<16x128x128xi32, #tpu.memory_space<vmem_shared>> -> memref<1x8x128xi32, #tpu.memory_space<vmem_shared>>
    %dma_wait3A_844 = tpu.memref_squeeze %dma_wait3A_843 : memref<1x8x128xi32, #tpu.memory_space<vmem_shared>> -> memref<8x128xi32, #tpu.memory_space<vmem_shared>>
    %dma_wait3A_845 = arith.constant 0 : i32
    %dma_wait3A_846 = arith.constant 0 : i32
    %dma_wait3A_847 = tpu.memref_slice %arg5[%dma_wait3A_845, %dma_wait3A_834, %dma_wait3A_846] : memref<8x8x128xi32, #tpu.memory_space<vmem>> -> memref<8x1x128xi32, #tpu.memory_space<vmem>>
    %dma_wait3A_848 = tpu.memref_squeeze %dma_wait3A_847 : memref<8x1x128xi32, #tpu.memory_space<vmem>> -> memref<8x128xi32, #tpu.memory_space<vmem>>
    tpu.wait_dma2 semaphore(%arg10 : memref<!tpu.dma_semaphore, #tpu.memory_space<semaphore_mem>>) src(%dma_wait3A_848 : memref<8x128xi32, #tpu.memory_space<vmem>>) dst(%dma_wait3A_844 : memref<8x128xi32, #tpu.memory_space<vmem_shared>>)
    %barrier3A = arith.constant 0 : index
    tpu.barrier barrier_id(%barrier3A)
    %mul3A_849 = arith.constant 8 : i32
    %mul3A_850 = arith.muli %select_n3A, %mul3A_849 : i32
    %add3A_851 = arith.constant 0 : i32
    %add3A_852 = arith.addi %mul3A_850, %add3A_851 : i32
    %dma_start3A_853 = arith.constant 0 : i32
    %dma_start3A_854 = arith.constant 0 : i32
    %dma_start3A_855 = arith.constant 0 : i32
    %dma_start3A_856 = arith.constant 0 : i32
    %dma_start3A_857 = tpu.memref_slice %arg7[%dma_start3A_853, %dma_start3A_855, %dma_start3A_856] : memref<2x16x128xi32, #tpu.memory_space<vmem>> -> memref<1x16x128xi32, #tpu.memory_space<vmem>>
    %dma_start3A_858 = tpu.memref_squeeze %dma_start3A_857 : memref<1x16x128xi32, #tpu.memory_space<vmem>> -> memref<16x128xi32, #tpu.memory_space<vmem>>
    %dma_start3A_859 = arith.constant 0 : i32
    %dma_start3A_860 = arith.constant 0 : i32
    %dma_start3A_861 = tpu.memref_slice %arg9[%add3A_852, %dma_start3A_859, %dma_start3A_860] : memref<16x128x128xi32, #tpu.memory_space<vmem_shared>> -> memref<1x16x128xi32, #tpu.memory_space<vmem_shared>>
    %dma_start3A_862 = tpu.memref_squeeze %dma_start3A_861 : memref<1x16x128xi32, #tpu.memory_space<vmem_shared>> -> memref<16x128xi32, #tpu.memory_space<vmem_shared>>
    %dma_start3A_863 = tpu.memref_slice %arg12[%dma_start3A_854] : memref<2x!tpu.dma_semaphore, #tpu.memory_space<semaphore_mem>> -> memref<1x!tpu.dma_semaphore, #tpu.memory_space<semaphore_mem>>
    %dma_start3A_864 = tpu.memref_squeeze %dma_start3A_863 : memref<1x!tpu.dma_semaphore, #tpu.memory_space<semaphore_mem>> -> memref<!tpu.dma_semaphore, #tpu.memory_space<semaphore_mem>>
    %dma_start3A_865 = arith.constant 0 : i32
    %dma_start3A_866 = arith.constant 0 : i32
    %dma_start3A_867 = tpu.memref_slice %arg7[%dma_start3A_853, %dma_start3A_865, %dma_start3A_866] : memref<2x16x128xi32, #tpu.memory_space<vmem>> -> memref<1x16x128xi32, #tpu.memory_space<vmem>>
    %dma_start3A_868 = tpu.memref_squeeze %dma_start3A_867 : memref<1x16x128xi32, #tpu.memory_space<vmem>> -> memref<16x128xi32, #tpu.memory_space<vmem>>
    %dma_start3A_869 = arith.constant 0 : i32
    %dma_start3A_870 = arith.constant 0 : i32
    %dma_start3A_871 = tpu.memref_slice %arg9[%add3A_852, %dma_start3A_869, %dma_start3A_870] : memref<16x128x128xi32, #tpu.memory_space<vmem_shared>> -> memref<1x16x128xi32, #tpu.memory_space<vmem_shared>>
    %dma_start3A_872 = tpu.memref_squeeze %dma_start3A_871 : memref<1x16x128xi32, #tpu.memory_space<vmem_shared>> -> memref<16x128xi32, #tpu.memory_space<vmem_shared>>
    tpu.enqueue_dma source(%dma_start3A_872 : memref<16x128xi32, #tpu.memory_space<vmem_shared>>) target(%dma_start3A_868 : memref<16x128xi32, #tpu.memory_space<vmem>>) target_semaphore(%dma_start3A_864 : memref<!tpu.dma_semaphore, #tpu.memory_space<semaphore_mem>>)
    %broadcast_in_dim3A = arith.constant 0 : i32
    %broadcast_in_dim3A_873 = vector.broadcast %broadcast_in_dim3A : i32 to vector<16xi32>
    %broadcast_in_dim3A_874 = arith.constant 1 : i32
    %broadcast_in_dim3A_875 = vector.broadcast %broadcast_in_dim3A_874 : i32 to vector<16xi32>
    %broadcast_in_dim3A_876 = arith.constant 2 : i32
    %broadcast_in_dim3A_877 = vector.broadcast %broadcast_in_dim3A_876 : i32 to vector<16xi32>
    %broadcast_in_dim3A_878 = arith.constant 3 : i32
    %broadcast_in_dim3A_879 = vector.broadcast %broadcast_in_dim3A_878 : i32 to vector<16xi32>
    %broadcast_in_dim3A_880 = arith.constant 4 : i32
    %broadcast_in_dim3A_881 = vector.broadcast %broadcast_in_dim3A_880 : i32 to vector<16xi32>
    %broadcast_in_dim3A_882 = arith.constant 5 : i32
    %broadcast_in_dim3A_883 = vector.broadcast %broadcast_in_dim3A_882 : i32 to vector<16xi32>
    %broadcast_in_dim3A_884 = arith.constant 6 : i32
    %broadcast_in_dim3A_885 = vector.broadcast %broadcast_in_dim3A_884 : i32 to vector<16xi32>
    %broadcast_in_dim3A_886 = arith.constant 7 : i32
    %broadcast_in_dim3A_887 = vector.broadcast %broadcast_in_dim3A_886 : i32 to vector<16xi32>
    %broadcast_in_dim3A_888 = arith.constant 127 : i32
    %broadcast_in_dim3A_889 = vector.broadcast %broadcast_in_dim3A_888 : i32 to vector<16xi32>
    %scan3A = arith.constant 0 : i32
    %scan3A_890 = arith.constant 8 : i32
    %scan3A_891 = arith.addi %scan3A, %scan3A_890 : i32
    %scan3A_892 = arith.constant 1 : i32
    scf.for %scan3A_958 = %scan3A to %scan3A_891 step %scan3A_892  : i32 {
      %mul3A_959 = arith.constant 1 : i32
      %mul3A_960 = arith.muli %scan3A_958, %mul3A_959 : i32
      %add3A_961 = arith.constant 0 : i32
      %add3A_962 = arith.addi %add3A_961, %mul3A_960 : i32
      %mul3A_963 = arith.constant 8 : i32
      %mul3A_964 = arith.muli %select_n3A, %mul3A_963 : i32
      %add3A_965 = arith.addi %mul3A_29, %mul3A_964 : i32
      %add3A_966 = arith.constant 0 : i32
      %add3A_967 = arith.addi %add3A_965, %add3A_966 : i32
      %dma_wait3A_968 = arith.constant 0 : i32
      %dma_wait3A_969 = arith.constant 0 : i32
      %dma_wait3A_970 = arith.constant 0 : i32
      %dma_wait3A_971 = tpu.memref_slice %arg3[%add3A_967, %select_n3A_28, %dma_wait3A_968, %dma_wait3A_969, %dma_wait3A_970] : memref<32x8x64x8x128xf32, #tpu.memory_space<hbm>> -> memref<1x1x64x8x128xf32, #tpu.memory_space<hbm>>
      %dma_wait3A_972 = tpu.memref_squeeze %dma_wait3A_971 : memref<1x1x64x8x128xf32, #tpu.memory_space<hbm>> -> memref<64x8x128xf32, #tpu.memory_space<hbm>>
      %dma_wait3A_973 = arith.constant 0 : i32
      %dma_wait3A_974 = arith.constant 0 : i32
      %dma_wait3A_975 = arith.constant 0 : i32
      %dma_wait3A_976 = tpu.memref_slice %arg3[%add3A_967, %select_n3A_28, %dma_wait3A_973, %dma_wait3A_974, %dma_wait3A_975] : memref<32x8x64x8x128xf32, #tpu.memory_space<hbm>> -> memref<1x1x64x8x128xf32, #tpu.memory_space<hbm>>
      %dma_wait3A_977 = tpu.memref_squeeze %dma_wait3A_976 : memref<1x1x64x8x128xf32, #tpu.memory_space<hbm>> -> memref<64x8x128xf32, #tpu.memory_space<hbm>>
      tpu.wait_dma2 semaphore(%arg11 : memref<!tpu.dma_semaphore, #tpu.memory_space<semaphore_mem>>) src(%dma_wait3A_977 : memref<64x8x128xf32, #tpu.memory_space<hbm>>) dst(%arg6 : memref<64x8x128xf32, #tpu.memory_space<vmem>>)
      %scan3A_978 = arith.constant 0 : i32
      %scan3A_979 = arith.constant 4 : i32
      %scan3A_980 = arith.addi %scan3A_978, %scan3A_979 : i32
      %scan3A_981 = arith.constant 1 : i32
      scf.for %scan3A_988 = %scan3A_978 to %scan3A_980 step %scan3A_981  : i32 {
        %mul3A_989 = arith.constant 2 : i32
        %mul3A_990 = arith.muli %scan3A_988, %mul3A_989 : i32
        %add3A_991 = arith.constant 0 : i32
        %add3A_992 = arith.addi %add3A_991, %mul3A_990 : i32
        %eq3A_993 = arith.constant 0 : i32
        %eq3A_994 = arith.cmpi eq, %add3A_962, %eq3A_993 : i32
        %eq3A_995 = arith.constant 0 : i32
        %eq3A_996 = arith.cmpi eq, %add3A_992, %eq3A_995 : i32
        %and3A_997 = arith.andi %eq3A_994, %eq3A_996 : i1
        %mul3A_998 = arith.constant 8 : i32
        %mul3A_999 = arith.muli %select_n3A, %mul3A_998 : i32
        %add3A_1000 = arith.constant 0 : i32
        %add3A_1001 = arith.addi %mul3A_999, %add3A_1000 : i32
        %dma_wait3A_1002 = arith.constant 0 : i32
        %dma_wait3A_1003 = arith.constant 0 : i32
        %dma_wait3A_1004 = arith.constant 0 : i32
        %dma_wait3A_1005 = arith.constant 0 : i32
        %dma_wait3A_1006 = tpu.memref_slice %arg7[%dma_wait3A_1002, %dma_wait3A_1004, %dma_wait3A_1005] : memref<2x16x128xi32, #tpu.memory_space<vmem>> -> memref<1x16x128xi32, #tpu.memory_space<vmem>>
        %dma_wait3A_1007 = tpu.memref_squeeze %dma_wait3A_1006 : memref<1x16x128xi32, #tpu.memory_space<vmem>> -> memref<16x128xi32, #tpu.memory_space<vmem>>
        %dma_wait3A_1008 = arith.constant 0 : i32
        %dma_wait3A_1009 = arith.constant 0 : i32
        %dma_wait3A_1010 = tpu.memref_slice %arg9[%add3A_1001, %dma_wait3A_1008, %dma_wait3A_1009] : memref<16x128x128xi32, #tpu.memory_space<vmem_shared>> -> memref<1x16x128xi32, #tpu.memory_space<vmem_shared>>
        %dma_wait3A_1011 = tpu.memref_squeeze %dma_wait3A_1010 : memref<1x16x128xi32, #tpu.memory_space<vmem_shared>> -> memref<16x128xi32, #tpu.memory_space<vmem_shared>>
        %dma_wait3A_1012 = tpu.memref_slice %arg12[%dma_wait3A_1003] : memref<2x!tpu.dma_semaphore, #tpu.memory_space<semaphore_mem>> -> memref<1x!tpu.dma_semaphore, #tpu.memory_space<semaphore_mem>>
        %dma_wait3A_1013 = tpu.memref_squeeze %dma_wait3A_1012 : memref<1x!tpu.dma_semaphore, #tpu.memory_space<semaphore_mem>> -> memref<!tpu.dma_semaphore, #tpu.memory_space<semaphore_mem>>
        %dma_wait3A_1014 = arith.constant 0 : i32
        %dma_wait3A_1015 = arith.constant 0 : i32
        %dma_wait3A_1016 = tpu.memref_slice %arg7[%dma_wait3A_1002, %dma_wait3A_1014, %dma_wait3A_1015] : memref<2x16x128xi32, #tpu.memory_space<vmem>> -> memref<1x16x128xi32, #tpu.memory_space<vmem>>
        %dma_wait3A_1017 = tpu.memref_squeeze %dma_wait3A_1016 : memref<1x16x128xi32, #tpu.memory_space<vmem>> -> memref<16x128xi32, #tpu.memory_space<vmem>>
        %dma_wait3A_1018 = arith.constant 0 : i32
        %dma_wait3A_1019 = arith.constant 0 : i32
        %dma_wait3A_1020 = tpu.memref_slice %arg9[%add3A_1001, %dma_wait3A_1018, %dma_wait3A_1019] : memref<16x128x128xi32, #tpu.memory_space<vmem_shared>> -> memref<1x16x128xi32, #tpu.memory_space<vmem_shared>>
        %dma_wait3A_1021 = tpu.memref_squeeze %dma_wait3A_1020 : memref<1x16x128xi32, #tpu.memory_space<vmem_shared>> -> memref<16x128xi32, #tpu.memory_space<vmem_shared>>
        tpu.wait_dma2 semaphore(%dma_wait3A_1013 : memref<!tpu.dma_semaphore, #tpu.memory_space<semaphore_mem>>) src(%dma_wait3A_1021 : memref<16x128xi32, #tpu.memory_space<vmem_shared>>) dst(%dma_wait3A_1017 : memref<16x128xi32, #tpu.memory_space<vmem>>)
        %add3A_1022 = arith.constant 1 : i32
        %add3A_1023 = arith.addi %add3A_992, %add3A_1022 : i32
        %mul3A_1024 = arith.constant 8 : i32
        %mul3A_1025 = arith.muli %select_n3A, %mul3A_1024 : i32
        %add3A_1026 = arith.addi %mul3A_1025, %add3A_962 : i32
        %mul3A_1027 = arith.constant 16 : i32
        %mul3A_1028 = arith.muli %add3A_1023, %mul3A_1027 : i32
        %dma_start3A_1029 = arith.constant 1 : i32
        %dma_start3A_1030 = arith.constant 1 : i32
        %dma_start3A_1031 = arith.constant 0 : i32
        %dma_start3A_1032 = arith.constant 0 : i32
        %dma_start3A_1033 = tpu.memref_slice %arg7[%dma_start3A_1029, %dma_start3A_1031, %dma_start3A_1032] : memref<2x16x128xi32, #tpu.memory_space<vmem>> -> memref<1x16x128xi32, #tpu.memory_space<vmem>>
        %dma_start3A_1034 = tpu.memref_squeeze %dma_start3A_1033 : memref<1x16x128xi32, #tpu.memory_space<vmem>> -> memref<16x128xi32, #tpu.memory_space<vmem>>
        %dma_start3A_1035 = arith.constant 0 : i32
        %dma_start3A_1036 = tpu.memref_slice %arg9[%add3A_1026, %mul3A_1028, %dma_start3A_1035] : memref<16x128x128xi32, #tpu.memory_space<vmem_shared>> -> memref<1x16x128xi32, #tpu.memory_space<vmem_shared>>
        %dma_start3A_1037 = tpu.memref_squeeze %dma_start3A_1036 : memref<1x16x128xi32, #tpu.memory_space<vmem_shared>> -> memref<16x128xi32, #tpu.memory_space<vmem_shared>>
        %dma_start3A_1038 = tpu.memref_slice %arg12[%dma_start3A_1030] : memref<2x!tpu.dma_semaphore, #tpu.memory_space<semaphore_mem>> -> memref<1x!tpu.dma_semaphore, #tpu.memory_space<semaphore_mem>>
        %dma_start3A_1039 = tpu.memref_squeeze %dma_start3A_1038 : memref<1x!tpu.dma_semaphore, #tpu.memory_space<semaphore_mem>> -> memref<!tpu.dma_semaphore, #tpu.memory_space<semaphore_mem>>
        %dma_start3A_1040 = arith.constant 0 : i32
        %dma_start3A_1041 = arith.constant 0 : i32
        %dma_start3A_1042 = tpu.memref_slice %arg7[%dma_start3A_1029, %dma_start3A_1040, %dma_start3A_1041] : memref<2x16x128xi32, #tpu.memory_space<vmem>> -> memref<1x16x128xi32, #tpu.memory_space<vmem>>
        %dma_start3A_1043 = tpu.memref_squeeze %dma_start3A_1042 : memref<1x16x128xi32, #tpu.memory_space<vmem>> -> memref<16x128xi32, #tpu.memory_space<vmem>>
        %dma_start3A_1044 = arith.constant 0 : i32
        %dma_start3A_1045 = tpu.memref_slice %arg9[%add3A_1026, %mul3A_1028, %dma_start3A_1044] : memref<16x128x128xi32, #tpu.memory_space<vmem_shared>> -> memref<1x16x128xi32, #tpu.memory_space<vmem_shared>>
        %dma_start3A_1046 = tpu.memref_squeeze %dma_start3A_1045 : memref<1x16x128xi32, #tpu.memory_space<vmem_shared>> -> memref<16x128xi32, #tpu.memory_space<vmem_shared>>
        tpu.enqueue_dma source(%dma_start3A_1046 : memref<16x128xi32, #tpu.memory_space<vmem_shared>>) target(%dma_start3A_1043 : memref<16x128xi32, #tpu.memory_space<vmem>>) target_semaphore(%dma_start3A_1039 : memref<!tpu.dma_semaphore, #tpu.memory_space<semaphore_mem>>)
        %not3A = arith.constant true
        %not3A_1047 = arith.xori %and3A_997, %not3A : i1
        %convert_element_type3A_1048 = arith.extui %not3A_1047 : i1 to i32
        %cond3A_1049 = arith.constant 0 : i32
        %cond3A_1050 = arith.cmpi ne, %convert_element_type3A_1048, %cond3A_1049 : i32
        scf.if %cond3A_1050 {
          %mul3A_1172 = arith.constant 8 : i32
          %mul3A_1173 = arith.muli %select_n3A, %mul3A_1172 : i32
          %add3A_1174 = arith.addi %mul3A_29, %mul3A_1173 : i32
          %add3A_1175 = arith.constant 0 : i32
          %add3A_1176 = arith.addi %add3A_1174, %add3A_1175 : i32
          %mul3A_1177 = arith.constant 8 : i32
          %mul3A_1178 = arith.muli %add3A_1176, %mul3A_1177 : i32
          %add3A_1179 = arith.addi %mul3A_1178, %select_n3A_28 : i32
          %dma_wait3A_1180 = arith.constant 0 : i32
          %dma_wait3A_1181 = arith.constant 0 : i32
          %dma_wait3A_1182 = arith.constant 0 : i32
          %dma_wait3A_1183 = arith.constant 0 : i32
          %dma_wait3A_1184 = arith.constant 0 : i32
          %dma_wait3A_1185 = tpu.memref_slice %arg8[%dma_wait3A_1180, %dma_wait3A_1182, %dma_wait3A_1183, %dma_wait3A_1184] : memref<2x16x8x128xf32, #tpu.memory_space<vmem>> -> memref<1x16x8x128xf32, #tpu.memory_space<vmem>>
          %dma_wait3A_1186 = tpu.memref_squeeze %dma_wait3A_1185 : memref<1x16x8x128xf32, #tpu.memory_space<vmem>> -> memref<16x8x128xf32, #tpu.memory_space<vmem>>
          %dma_wait3A_1187 = arith.constant 0 : i32
          %dma_wait3A_1188 = arith.constant 0 : i32
          %dma_wait3A_1189 = arith.constant 0 : i32
          %dma_wait3A_1190 = tpu.memref_slice %arg4[%add3A_1179, %dma_wait3A_1187, %dma_wait3A_1188, %dma_wait3A_1189] : memref<256x128x8x128xf32, #tpu.memory_space<hbm>> -> memref<1x16x8x128xf32, #tpu.memory_space<hbm>>
          %dma_wait3A_1191 = tpu.memref_squeeze %dma_wait3A_1190 : memref<1x16x8x128xf32, #tpu.memory_space<hbm>> -> memref<16x8x128xf32, #tpu.memory_space<hbm>>
          %dma_wait3A_1192 = tpu.memref_slice %arg13[%dma_wait3A_1181] : memref<2x!tpu.dma_semaphore, #tpu.memory_space<semaphore_mem>> -> memref<1x!tpu.dma_semaphore, #tpu.memory_space<semaphore_mem>>
          %dma_wait3A_1193 = tpu.memref_squeeze %dma_wait3A_1192 : memref<1x!tpu.dma_semaphore, #tpu.memory_space<semaphore_mem>> -> memref<!tpu.dma_semaphore, #tpu.memory_space<semaphore_mem>>
          %dma_wait3A_1194 = arith.constant 0 : i32
          %dma_wait3A_1195 = arith.constant 0 : i32
          %dma_wait3A_1196 = arith.constant 0 : i32
          %dma_wait3A_1197 = tpu.memref_slice %arg4[%add3A_1179, %dma_wait3A_1194, %dma_wait3A_1195, %dma_wait3A_1196] : memref<256x128x8x128xf32, #tpu.memory_space<hbm>> -> memref<1x16x8x128xf32, #tpu.memory_space<hbm>>
          %dma_wait3A_1198 = tpu.memref_squeeze %dma_wait3A_1197 : memref<1x16x8x128xf32, #tpu.memory_space<hbm>> -> memref<16x8x128xf32, #tpu.memory_space<hbm>>
          %dma_wait3A_1199 = arith.constant 0 : i32
          %dma_wait3A_1200 = arith.constant 0 : i32
          %dma_wait3A_1201 = arith.constant 0 : i32
          %dma_wait3A_1202 = tpu.memref_slice %arg8[%dma_wait3A_1180, %dma_wait3A_1199, %dma_wait3A_1200, %dma_wait3A_1201] : memref<2x16x8x128xf32, #tpu.memory_space<vmem>> -> memref<1x16x8x128xf32, #tpu.memory_space<vmem>>
          %dma_wait3A_1203 = tpu.memref_squeeze %dma_wait3A_1202 : memref<1x16x8x128xf32, #tpu.memory_space<vmem>> -> memref<16x8x128xf32, #tpu.memory_space<vmem>>
          tpu.wait_dma2 semaphore(%dma_wait3A_1193 : memref<!tpu.dma_semaphore, #tpu.memory_space<semaphore_mem>>) src(%dma_wait3A_1203 : memref<16x8x128xf32, #tpu.memory_space<vmem>>) dst(%dma_wait3A_1198 : memref<16x8x128xf32, #tpu.memory_space<hbm>>)
        } else {
        }
        %scan3A_1051 = arith.constant 0 : i32
        %scan3A_1052 = arith.constant 16 : i32
        %scan3A_1053 = arith.addi %scan3A_1051, %scan3A_1052 : i32
        %scan3A_1054 = arith.constant 1 : i32
        scf.for %scan3A_1172 = %scan3A_1051 to %scan3A_1053 step %scan3A_1054  : i32 {
          %mul3A_1173 = arith.constant 1 : i32
          %mul3A_1174 = arith.muli %scan3A_1172, %mul3A_1173 : i32
          %add3A_1175 = arith.constant 0 : i32
          %add3A_1176 = arith.addi %add3A_1175, %mul3A_1174 : i32
          %get3A = arith.constant 0 : i32
          %get3A_1177 = arith.index_cast %get3A : i32 to index
          %get3A_1178 = arith.index_cast %add3A_1176 : i32 to index
          %get3A_1179 = arith.constant 0 : index
          %get3A_1180 = tpu.vector_load %arg7[%get3A_1177, %get3A_1178, %get3A_1179] {strides = array<i32>} : memref<2x16x128xi32, #tpu.memory_space<vmem>>, vector<16xi32>,
          %shift_right_logical3A = arith.constant 7 : i32
          %shift_right_logical3A_1181 = vector.broadcast %shift_right_logical3A : i32 to vector<16xi32>
          %shift_right_logical3A_1182 = arith.shrui %get3A_1180, %shift_right_logical3A_1181 : vector<16xi32>
          %and3A_1183 = arith.andi %get3A_1180, %broadcast_in_dim3A_889 : vector<16xi32>
          %gather3A = tpu.vector_load_idx %arg6[%shift_right_logical3A_1182, %broadcast_in_dim3A_873, %and3A_1183] : memref<64x8x128xf32, #tpu.memory_space<vmem>>[vector<16xi32>, vector<16xi32>, vector<16xi32>], vector<16xf32>,
          %gather3A_1184 = tpu.vector_load_idx %arg6[%shift_right_logical3A_1182, %broadcast_in_dim3A_875, %and3A_1183] : memref<64x8x128xf32, #tpu.memory_space<vmem>>[vector<16xi32>, vector<16xi32>, vector<16xi32>], vector<16xf32>,
          %gather3A_1185 = tpu.vector_load_idx %arg6[%shift_right_logical3A_1182, %broadcast_in_dim3A_877, %and3A_1183] : memref<64x8x128xf32, #tpu.memory_space<vmem>>[vector<16xi32>, vector<16xi32>, vector<16xi32>], vector<16xf32>,
          %gather3A_1186 = tpu.vector_load_idx %arg6[%shift_right_logical3A_1182, %broadcast_in_dim3A_879, %and3A_1183] : memref<64x8x128xf32, #tpu.memory_space<vmem>>[vector<16xi32>, vector<16xi32>, vector<16xi32>], vector<16xf32>,
          %gather3A_1187 = tpu.vector_load_idx %arg6[%shift_right_logical3A_1182, %broadcast_in_dim3A_881, %and3A_1183] : memref<64x8x128xf32, #tpu.memory_space<vmem>>[vector<16xi32>, vector<16xi32>, vector<16xi32>], vector<16xf32>,
          %gather3A_1188 = tpu.vector_load_idx %arg6[%shift_right_logical3A_1182, %broadcast_in_dim3A_883, %and3A_1183] : memref<64x8x128xf32, #tpu.memory_space<vmem>>[vector<16xi32>, vector<16xi32>, vector<16xi32>], vector<16xf32>,
          %gather3A_1189 = tpu.vector_load_idx %arg6[%shift_right_logical3A_1182, %broadcast_in_dim3A_885, %and3A_1183] : memref<64x8x128xf32, #tpu.memory_space<vmem>>[vector<16xi32>, vector<16xi32>, vector<16xi32>], vector<16xf32>,
          %gather3A_1190 = tpu.vector_load_idx %arg6[%shift_right_logical3A_1182, %broadcast_in_dim3A_887, %and3A_1183] : memref<64x8x128xf32, #tpu.memory_space<vmem>>[vector<16xi32>, vector<16xi32>, vector<16xi32>], vector<16xf32>,
          %get3A_1191 = arith.constant 0 : i32
          %get3A_1192 = arith.index_cast %get3A_1191 : i32 to index
          %get3A_1193 = arith.index_cast %add3A_1176 : i32 to index
          %get3A_1194 = arith.constant 16 : index
          %get3A_1195 = tpu.vector_load %arg7[%get3A_1192, %get3A_1193, %get3A_1194] {strides = array<i32>} : memref<2x16x128xi32, #tpu.memory_space<vmem>>, vector<16xi32>,
          %shift_right_logical3A_1196 = arith.constant 7 : i32
          %shift_right_logical3A_1197 = vector.broadcast %shift_right_logical3A_1196 : i32 to vector<16xi32>
          %shift_right_logical3A_1198 = arith.shrui %get3A_1195, %shift_right_logical3A_1197 : vector<16xi32>
          %and3A_1199 = arith.andi %get3A_1195, %broadcast_in_dim3A_889 : vector<16xi32>
          %gather3A_1200 = tpu.vector_load_idx %arg6[%shift_right_logical3A_1198, %broadcast_in_dim3A_873, %and3A_1199] : memref<64x8x128xf32, #tpu.memory_space<vmem>>[vector<16xi32>, vector<16xi32>, vector<16xi32>], vector<16xf32>,
          %gather3A_1201 = tpu.vector_load_idx %arg6[%shift_right_logical3A_1198, %broadcast_in_dim3A_875, %and3A_1199] : memref<64x8x128xf32, #tpu.memory_space<vmem>>[vector<16xi32>, vector<16xi32>, vector<16xi32>], vector<16xf32>,
          %gather3A_1202 = tpu.vector_load_idx %arg6[%shift_right_logical3A_1198, %broadcast_in_dim3A_877, %and3A_1199] : memref<64x8x128xf32, #tpu.memory_space<vmem>>[vector<16xi32>, vector<16xi32>, vector<16xi32>], vector<16xf32>,
          %gather3A_1203 = tpu.vector_load_idx %arg6[%shift_right_logical3A_1198, %broadcast_in_dim3A_879, %and3A_1199] : memref<64x8x128xf32, #tpu.memory_space<vmem>>[vector<16xi32>, vector<16xi32>, vector<16xi32>], vector<16xf32>,
          %gather3A_1204 = tpu.vector_load_idx %arg6[%shift_right_logical3A_1198, %broadcast_in_dim3A_881, %and3A_1199] : memref<64x8x128xf32, #tpu.memory_space<vmem>>[vector<16xi32>, vector<16xi32>, vector<16xi32>], vector<16xf32>,
          %gather3A_1205 = tpu.vector_load_idx %arg6[%shift_right_logical3A_1198, %broadcast_in_dim3A_883, %and3A_1199] : memref<64x8x128xf32, #tpu.memory_space<vmem>>[vector<16xi32>, vector<16xi32>, vector<16xi32>], vector<16xf32>,
          %gather3A_1206 = tpu.vector_load_idx %arg6[%shift_right_logical3A_1198, %broadcast_in_dim3A_885, %and3A_1199] : memref<64x8x128xf32, #tpu.memory_space<vmem>>[vector<16xi32>, vector<16xi32>, vector<16xi32>], vector<16xf32>,
          %gather3A_1207 = tpu.vector_load_idx %arg6[%shift_right_logical3A_1198, %broadcast_in_dim3A_887, %and3A_1199] : memref<64x8x128xf32, #tpu.memory_space<vmem>>[vector<16xi32>, vector<16xi32>, vector<16xi32>], vector<16xf32>,
          %get3A_1208 = arith.constant 0 : i32
          %get3A_1209 = arith.index_cast %get3A_1208 : i32 to index
          %get3A_1210 = arith.index_cast %add3A_1176 : i32 to index
          %get3A_1211 = arith.constant 32 : index
          %get3A_1212 = tpu.vector_load %arg7[%get3A_1209, %get3A_1210, %get3A_1211] {strides = array<i32>} : memref<2x16x128xi32, #tpu.memory_space<vmem>>, vector<16xi32>,
          %shift_right_logical3A_1213 = arith.constant 7 : i32
          %shift_right_logical3A_1214 = vector.broadcast %shift_right_logical3A_1213 : i32 to vector<16xi32>
          %shift_right_logical3A_1215 = arith.shrui %get3A_1212, %shift_right_logical3A_1214 : vector<16xi32>
          %and3A_1216 = arith.andi %get3A_1212, %broadcast_in_dim3A_889 : vector<16xi32>
          %gather3A_1217 = tpu.vector_load_idx %arg6[%shift_right_logical3A_1215, %broadcast_in_dim3A_873, %and3A_1216] : memref<64x8x128xf32, #tpu.memory_space<vmem>>[vector<16xi32>, vector<16xi32>, vector<16xi32>], vector<16xf32>,
          %gather3A_1218 = tpu.vector_load_idx %arg6[%shift_right_logical3A_1215, %broadcast_in_dim3A_875, %and3A_1216] : memref<64x8x128xf32, #tpu.memory_space<vmem>>[vector<16xi32>, vector<16xi32>, vector<16xi32>], vector<16xf32>,
          %gather3A_1219 = tpu.vector_load_idx %arg6[%shift_right_logical3A_1215, %broadcast_in_dim3A_877, %and3A_1216] : memref<64x8x128xf32, #tpu.memory_space<vmem>>[vector<16xi32>, vector<16xi32>, vector<16xi32>], vector<16xf32>,
          %gather3A_1220 = tpu.vector_load_idx %arg6[%shift_right_logical3A_1215, %broadcast_in_dim3A_879, %and3A_1216] : memref<64x8x128xf32, #tpu.memory_space<vmem>>[vector<16xi32>, vector<16xi32>, vector<16xi32>], vector<16xf32>,
          %gather3A_1221 = tpu.vector_load_idx %arg6[%shift_right_logical3A_1215, %broadcast_in_dim3A_881, %and3A_1216] : memref<64x8x128xf32, #tpu.memory_space<vmem>>[vector<16xi32>, vector<16xi32>, vector<16xi32>], vector<16xf32>,
          %gather3A_1222 = tpu.vector_load_idx %arg6[%shift_right_logical3A_1215, %broadcast_in_dim3A_883, %and3A_1216] : memref<64x8x128xf32, #tpu.memory_space<vmem>>[vector<16xi32>, vector<16xi32>, vector<16xi32>], vector<16xf32>,
          %gather3A_1223 = tpu.vector_load_idx %arg6[%shift_right_logical3A_1215, %broadcast_in_dim3A_885, %and3A_1216] : memref<64x8x128xf32, #tpu.memory_space<vmem>>[vector<16xi32>, vector<16xi32>, vector<16xi32>], vector<16xf32>,
          %gather3A_1224 = tpu.vector_load_idx %arg6[%shift_right_logical3A_1215, %broadcast_in_dim3A_887, %and3A_1216] : memref<64x8x128xf32, #tpu.memory_space<vmem>>[vector<16xi32>, vector<16xi32>, vector<16xi32>], vector<16xf32>,
          %get3A_1225 = arith.constant 0 : i32
          %get3A_1226 = arith.index_cast %get3A_1225 : i32 to index
          %get3A_1227 = arith.index_cast %add3A_1176 : i32 to index
          %get3A_1228 = arith.constant 48 : index
          %get3A_1229 = tpu.vector_load %arg7[%get3A_1226, %get3A_1227, %get3A_1228] {strides = array<i32>} : memref<2x16x128xi32, #tpu.memory_space<vmem>>, vector<16xi32>,
          %shift_right_logical3A_1230 = arith.constant 7 : i32
          %shift_right_logical3A_1231 = vector.broadcast %shift_right_logical3A_1230 : i32 to vector<16xi32>
          %shift_right_logical3A_1232 = arith.shrui %get3A_1229, %shift_right_logical3A_1231 : vector<16xi32>
          %and3A_1233 = arith.andi %get3A_1229, %broadcast_in_dim3A_889 : vector<16xi32>
          %gather3A_1234 = tpu.vector_load_idx %arg6[%shift_right_logical3A_1232, %broadcast_in_dim3A_873, %and3A_1233] : memref<64x8x128xf32, #tpu.memory_space<vmem>>[vector<16xi32>, vector<16xi32>, vector<16xi32>], vector<16xf32>,
          %gather3A_1235 = tpu.vector_load_idx %arg6[%shift_right_logical3A_1232, %broadcast_in_dim3A_875, %and3A_1233] : memref<64x8x128xf32, #tpu.memory_space<vmem>>[vector<16xi32>, vector<16xi32>, vector<16xi32>], vector<16xf32>,
          %gather3A_1236 = tpu.vector_load_idx %arg6[%shift_right_logical3A_1232, %broadcast_in_dim3A_877, %and3A_1233] : memref<64x8x128xf32, #tpu.memory_space<vmem>>[vector<16xi32>, vector<16xi32>, vector<16xi32>], vector<16xf32>,
          %gather3A_1237 = tpu.vector_load_idx %arg6[%shift_right_logical3A_1232, %broadcast_in_dim3A_879, %and3A_1233] : memref<64x8x128xf32, #tpu.memory_space<vmem>>[vector<16xi32>, vector<16xi32>, vector<16xi32>], vector<16xf32>,
          %gather3A_1238 = tpu.vector_load_idx %arg6[%shift_right_logical3A_1232, %broadcast_in_dim3A_881, %and3A_1233] : memref<64x8x128xf32, #tpu.memory_space<vmem>>[vector<16xi32>, vector<16xi32>, vector<16xi32>], vector<16xf32>,
          %gather3A_1239 = tpu.vector_load_idx %arg6[%shift_right_logical3A_1232, %broadcast_in_dim3A_883, %and3A_1233] : memref<64x8x128xf32, #tpu.memory_space<vmem>>[vector<16xi32>, vector<16xi32>, vector<16xi32>], vector<16xf32>,
          %gather3A_1240 = tpu.vector_load_idx %arg6[%shift_right_logical3A_1232, %broadcast_in_dim3A_885, %and3A_1233] : memref<64x8x128xf32, #tpu.memory_space<vmem>>[vector<16xi32>, vector<16xi32>, vector<16xi32>], vector<16xf32>,
          %gather3A_1241 = tpu.vector_load_idx %arg6[%shift_right_logical3A_1232, %broadcast_in_dim3A_887, %and3A_1233] : memref<64x8x128xf32, #tpu.memory_space<vmem>>[vector<16xi32>, vector<16xi32>, vector<16xi32>], vector<16xf32>,
          %swap3A = arith.constant 0 : i32
          %swap3A_1242 = arith.constant 0 : i32
          %swap3A_1243 = arith.index_cast %swap3A : i32 to index
          %swap3A_1244 = arith.index_cast %add3A_1176 : i32 to index
          %swap3A_1245 = arith.index_cast %swap3A_1242 : i32 to index
          %swap3A_1246 = arith.constant 0 : index
          %swap3A_1247 = tpu.vector_load %arg8[%swap3A_1243, %swap3A_1244, %swap3A_1245, %swap3A_1246] {strides = array<i32>} : memref<2x16x8x128xf32, #tpu.memory_space<vmem>>, vector<16xf32>,
          tpu.vector_store %arg8[%swap3A_1243, %swap3A_1244, %swap3A_1245, %swap3A_1246], %gather3A {strides = array<i32>} : memref<2x16x8x128xf32, #tpu.memory_space<vmem>>, vector<16xf32>,
          %swap3A_1248 = arith.constant 0 : i32
          %swap3A_1249 = arith.constant 1 : i32
          %swap3A_1250 = arith.index_cast %swap3A_1248 : i32 to index
          %swap3A_1251 = arith.index_cast %add3A_1176 : i32 to index
          %swap3A_1252 = arith.index_cast %swap3A_1249 : i32 to index
          %swap3A_1253 = arith.constant 0 : index
          %swap3A_1254 = tpu.vector_load %arg8[%swap3A_1250, %swap3A_1251, %swap3A_1252, %swap3A_1253] {strides = array<i32>} : memref<2x16x8x128xf32, #tpu.memory_space<vmem>>, vector<16xf32>,
          tpu.vector_store %arg8[%swap3A_1250, %swap3A_1251, %swap3A_1252, %swap3A_1253], %gather3A_1184 {strides = array<i32>} : memref<2x16x8x128xf32, #tpu.memory_space<vmem>>, vector<16xf32>,
          %swap3A_1255 = arith.constant 0 : i32
          %swap3A_1256 = arith.constant 2 : i32
          %swap3A_1257 = arith.index_cast %swap3A_1255 : i32 to index
          %swap3A_1258 = arith.index_cast %add3A_1176 : i32 to index
          %swap3A_1259 = arith.index_cast %swap3A_1256 : i32 to index
          %swap3A_1260 = arith.constant 0 : index
          %swap3A_1261 = tpu.vector_load %arg8[%swap3A_1257, %swap3A_1258, %swap3A_1259, %swap3A_1260] {strides = array<i32>} : memref<2x16x8x128xf32, #tpu.memory_space<vmem>>, vector<16xf32>,
          tpu.vector_store %arg8[%swap3A_1257, %swap3A_1258, %swap3A_1259, %swap3A_1260], %gather3A_1185 {strides = array<i32>} : memref<2x16x8x128xf32, #tpu.memory_space<vmem>>, vector<16xf32>,
          %swap3A_1262 = arith.constant 0 : i32
          %swap3A_1263 = arith.constant 3 : i32
          %swap3A_1264 = arith.index_cast %swap3A_1262 : i32 to index
          %swap3A_1265 = arith.index_cast %add3A_1176 : i32 to index
          %swap3A_1266 = arith.index_cast %swap3A_1263 : i32 to index
          %swap3A_1267 = arith.constant 0 : index
          %swap3A_1268 = tpu.vector_load %arg8[%swap3A_1264, %swap3A_1265, %swap3A_1266, %swap3A_1267] {strides = array<i32>} : memref<2x16x8x128xf32, #tpu.memory_space<vmem>>, vector<16xf32>,
          tpu.vector_store %arg8[%swap3A_1264, %swap3A_1265, %swap3A_1266, %swap3A_1267], %gather3A_1186 {strides = array<i32>} : memref<2x16x8x128xf32, #tpu.memory_space<vmem>>, vector<16xf32>,
          %swap3A_1269 = arith.constant 0 : i32
          %swap3A_1270 = arith.constant 4 : i32
          %swap3A_1271 = arith.index_cast %swap3A_1269 : i32 to index
          %swap3A_1272 = arith.index_cast %add3A_1176 : i32 to index
          %swap3A_1273 = arith.index_cast %swap3A_1270 : i32 to index
          %swap3A_1274 = arith.constant 0 : index
          %swap3A_1275 = tpu.vector_load %arg8[%swap3A_1271, %swap3A_1272, %swap3A_1273, %swap3A_1274] {strides = array<i32>} : memref<2x16x8x128xf32, #tpu.memory_space<vmem>>, vector<16xf32>,
          tpu.vector_store %arg8[%swap3A_1271, %swap3A_1272, %swap3A_1273, %swap3A_1274], %gather3A_1187 {strides = array<i32>} : memref<2x16x8x128xf32, #tpu.memory_space<vmem>>, vector<16xf32>,
          %swap3A_1276 = arith.constant 0 : i32
          %swap3A_1277 = arith.constant 5 : i32
          %swap3A_1278 = arith.index_cast %swap3A_1276 : i32 to index
          %swap3A_1279 = arith.index_cast %add3A_1176 : i32 to index
          %swap3A_1280 = arith.index_cast %swap3A_1277 : i32 to index
          %swap3A_1281 = arith.constant 0 : index
          %swap3A_1282 = tpu.vector_load %arg8[%swap3A_1278, %swap3A_1279, %swap3A_1280, %swap3A_1281] {strides = array<i32>} : memref<2x16x8x128xf32, #tpu.memory_space<vmem>>, vector<16xf32>,
          tpu.vector_store %arg8[%swap3A_1278, %swap3A_1279, %swap3A_1280, %swap3A_1281], %gather3A_1188 {strides = array<i32>} : memref<2x16x8x128xf32, #tpu.memory_space<vmem>>, vector<16xf32>,
          %swap3A_1283 = arith.constant 0 : i32
          %swap3A_1284 = arith.constant 6 : i32
          %swap3A_1285 = arith.index_cast %swap3A_1283 : i32 to index
          %swap3A_1286 = arith.index_cast %add3A_1176 : i32 to index
          %swap3A_1287 = arith.index_cast %swap3A_1284 : i32 to index
          %swap3A_1288 = arith.constant 0 : index
          %swap3A_1289 = tpu.vector_load %arg8[%swap3A_1285, %swap3A_1286, %swap3A_1287, %swap3A_1288] {strides = array<i32>} : memref<2x16x8x128xf32, #tpu.memory_space<vmem>>, vector<16xf32>,
          tpu.vector_store %arg8[%swap3A_1285, %swap3A_1286, %swap3A_1287, %swap3A_1288], %gather3A_1189 {strides = array<i32>} : memref<2x16x8x128xf32, #tpu.memory_space<vmem>>, vector<16xf32>,
          %swap3A_1290 = arith.constant 0 : i32
          %swap3A_1291 = arith.constant 7 : i32
          %swap3A_1292 = arith.index_cast %swap3A_1290 : i32 to index
          %swap3A_1293 = arith.index_cast %add3A_1176 : i32 to index
          %swap3A_1294 = arith.index_cast %swap3A_1291 : i32 to index
          %swap3A_1295 = arith.constant 0 : index
          %swap3A_1296 = tpu.vector_load %arg8[%swap3A_1292, %swap3A_1293, %swap3A_1294, %swap3A_1295] {strides = array<i32>} : memref<2x16x8x128xf32, #tpu.memory_space<vmem>>, vector<16xf32>,
          tpu.vector_store %arg8[%swap3A_1292, %swap3A_1293, %swap3A_1294, %swap3A_1295], %gather3A_1190 {strides = array<i32>} : memref<2x16x8x128xf32, #tpu.memory_space<vmem>>, vector<16xf32>,
          %swap3A_1297 = arith.constant 0 : i32
          %swap3A_1298 = arith.constant 0 : i32
          %swap3A_1299 = arith.index_cast %swap3A_1297 : i32 to index
          %swap3A_1300 = arith.index_cast %add3A_1176 : i32 to index
          %swap3A_1301 = arith.index_cast %swap3A_1298 : i32 to index
          %swap3A_1302 = arith.constant 16 : index
          %swap3A_1303 = tpu.vector_load %arg8[%swap3A_1299, %swap3A_1300, %swap3A_1301, %swap3A_1302] {strides = array<i32>} : memref<2x16x8x128xf32, #tpu.memory_space<vmem>>, vector<16xf32>,
          tpu.vector_store %arg8[%swap3A_1299, %swap3A_1300, %swap3A_1301, %swap3A_1302], %gather3A_1200 {strides = array<i32>} : memref<2x16x8x128xf32, #tpu.memory_space<vmem>>, vector<16xf32>,
          %swap3A_1304 = arith.constant 0 : i32
          %swap3A_1305 = arith.constant 1 : i32
          %swap3A_1306 = arith.index_cast %swap3A_1304 : i32 to index
          %swap3A_1307 = arith.index_cast %add3A_1176 : i32 to index
          %swap3A_1308 = arith.index_cast %swap3A_1305 : i32 to index
          %swap3A_1309 = arith.constant 16 : index
          %swap3A_1310 = tpu.vector_load %arg8[%swap3A_1306, %swap3A_1307, %swap3A_1308, %swap3A_1309] {strides = array<i32>} : memref<2x16x8x128xf32, #tpu.memory_space<vmem>>, vector<16xf32>,
          tpu.vector_store %arg8[%swap3A_1306, %swap3A_1307, %swap3A_1308, %swap3A_1309], %gather3A_1201 {strides = array<i32>} : memref<2x16x8x128xf32, #tpu.memory_space<vmem>>, vector<16xf32>,
          %swap3A_1311 = arith.constant 0 : i32
          %swap3A_1312 = arith.constant 2 : i32
          %swap3A_1313 = arith.index_cast %swap3A_1311 : i32 to index
          %swap3A_1314 = arith.index_cast %add3A_1176 : i32 to index
          %swap3A_1315 = arith.index_cast %swap3A_1312 : i32 to index
          %swap3A_1316 = arith.constant 16 : index
          %swap3A_1317 = tpu.vector_load %arg8[%swap3A_1313, %swap3A_1314, %swap3A_1315, %swap3A_1316] {strides = array<i32>} : memref<2x16x8x128xf32, #tpu.memory_space<vmem>>, vector<16xf32>,
          tpu.vector_store %arg8[%swap3A_1313, %swap3A_1314, %swap3A_1315, %swap3A_1316], %gather3A_1202 {strides = array<i32>} : memref<2x16x8x128xf32, #tpu.memory_space<vmem>>, vector<16xf32>,
          %swap3A_1318 = arith.constant 0 : i32
          %swap3A_1319 = arith.constant 3 : i32
          %swap3A_1320 = arith.index_cast %swap3A_1318 : i32 to index
          %swap3A_1321 = arith.index_cast %add3A_1176 : i32 to index
          %swap3A_1322 = arith.index_cast %swap3A_1319 : i32 to index
          %swap3A_1323 = arith.constant 16 : index
          %swap3A_1324 = tpu.vector_load %arg8[%swap3A_1320, %swap3A_1321, %swap3A_1322, %swap3A_1323] {strides = array<i32>} : memref<2x16x8x128xf32, #tpu.memory_space<vmem>>, vector<16xf32>,
          tpu.vector_store %arg8[%swap3A_1320, %swap3A_1321, %swap3A_1322, %swap3A_1323], %gather3A_1203 {strides = array<i32>} : memref<2x16x8x128xf32, #tpu.memory_space<vmem>>, vector<16xf32>,
          %swap3A_1325 = arith.constant 0 : i32
          %swap3A_1326 = arith.constant 4 : i32
          %swap3A_1327 = arith.index_cast %swap3A_1325 : i32 to index
          %swap3A_1328 = arith.index_cast %add3A_1176 : i32 to index
          %swap3A_1329 = arith.index_cast %swap3A_1326 : i32 to index
          %swap3A_1330 = arith.constant 16 : index
          %swap3A_1331 = tpu.vector_load %arg8[%swap3A_1327, %swap3A_1328, %swap3A_1329, %swap3A_1330] {strides = array<i32>} : memref<2x16x8x128xf32, #tpu.memory_space<vmem>>, vector<16xf32>,
          tpu.vector_store %arg8[%swap3A_1327, %swap3A_1328, %swap3A_1329, %swap3A_1330], %gather3A_1204 {strides = array<i32>} : memref<2x16x8x128xf32, #tpu.memory_space<vmem>>, vector<16xf32>,
          %swap3A_1332 = arith.constant 0 : i32
          %swap3A_1333 = arith.constant 5 : i32
          %swap3A_1334 = arith.index_cast %swap3A_1332 : i32 to index
          %swap3A_1335 = arith.index_cast %add3A_1176 : i32 to index
          %swap3A_1336 = arith.index_cast %swap3A_1333 : i32 to index
          %swap3A_1337 = arith.constant 16 : index
          %swap3A_1338 = tpu.vector_load %arg8[%swap3A_1334, %swap3A_1335, %swap3A_1336, %swap3A_1337] {strides = array<i32>} : memref<2x16x8x128xf32, #tpu.memory_space<vmem>>, vector<16xf32>,
          tpu.vector_store %arg8[%swap3A_1334, %swap3A_1335, %swap3A_1336, %swap3A_1337], %gather3A_1205 {strides = array<i32>} : memref<2x16x8x128xf32, #tpu.memory_space<vmem>>, vector<16xf32>,
          %swap3A_1339 = arith.constant 0 : i32
          %swap3A_1340 = arith.constant 6 : i32
          %swap3A_1341 = arith.index_cast %swap3A_1339 : i32 to index
          %swap3A_1342 = arith.index_cast %add3A_1176 : i32 to index
          %swap3A_1343 = arith.index_cast %swap3A_1340 : i32 to index
          %swap3A_1344 = arith.constant 16 : index
          %swap3A_1345 = tpu.vector_load %arg8[%swap3A_1341, %swap3A_1342, %swap3A_1343, %swap3A_1344] {strides = array<i32>} : memref<2x16x8x128xf32, #tpu.memory_space<vmem>>, vector<16xf32>,
          tpu.vector_store %arg8[%swap3A_1341, %swap3A_1342, %swap3A_1343, %swap3A_1344], %gather3A_1206 {strides = array<i32>} : memref<2x16x8x128xf32, #tpu.memory_space<vmem>>, vector<16xf32>,
          %swap3A_1346 = arith.constant 0 : i32
          %swap3A_1347 = arith.constant 7 : i32
          %swap3A_1348 = arith.index_cast %swap3A_1346 : i32 to index
          %swap3A_1349 = arith.index_cast %add3A_1176 : i32 to index
          %swap3A_1350 = arith.index_cast %swap3A_1347 : i32 to index
          %swap3A_1351 = arith.constant 16 : index
          %swap3A_1352 = tpu.vector_load %arg8[%swap3A_1348, %swap3A_1349, %swap3A_1350, %swap3A_1351] {strides = array<i32>} : memref<2x16x8x128xf32, #tpu.memory_space<vmem>>, vector<16xf32>,
          tpu.vector_store %arg8[%swap3A_1348, %swap3A_1349, %swap3A_1350, %swap3A_1351], %gather3A_1207 {strides = array<i32>} : memref<2x16x8x128xf32, #tpu.memory_space<vmem>>, vector<16xf32>,
          %get3A_1353 = arith.constant 0 : i32
          %get3A_1354 = arith.index_cast %get3A_1353 : i32 to index
          %get3A_1355 = arith.index_cast %add3A_1176 : i32 to index
          %get3A_1356 = arith.constant 64 : index
          %get3A_1357 = tpu.vector_load %arg7[%get3A_1354, %get3A_1355, %get3A_1356] {strides = array<i32>} : memref<2x16x128xi32, #tpu.memory_space<vmem>>, vector<16xi32>,
          %shift_right_logical3A_1358 = arith.constant 7 : i32
          %shift_right_logical3A_1359 = vector.broadcast %shift_right_logical3A_1358 : i32 to vector<16xi32>
          %shift_right_logical3A_1360 = arith.shrui %get3A_1357, %shift_right_logical3A_1359 : vector<16xi32>
          %and3A_1361 = arith.andi %get3A_1357, %broadcast_in_dim3A_889 : vector<16xi32>
          %gather3A_1362 = tpu.vector_load_idx %arg6[%shift_right_logical3A_1360, %broadcast_in_dim3A_873, %and3A_1361] : memref<64x8x128xf32, #tpu.memory_space<vmem>>[vector<16xi32>, vector<16xi32>, vector<16xi32>], vector<16xf32>,
          %gather3A_1363 = tpu.vector_load_idx %arg6[%shift_right_logical3A_1360, %broadcast_in_dim3A_875, %and3A_1361] : memref<64x8x128xf32, #tpu.memory_space<vmem>>[vector<16xi32>, vector<16xi32>, vector<16xi32>], vector<16xf32>,
          %gather3A_1364 = tpu.vector_load_idx %arg6[%shift_right_logical3A_1360, %broadcast_in_dim3A_877, %and3A_1361] : memref<64x8x128xf32, #tpu.memory_space<vmem>>[vector<16xi32>, vector<16xi32>, vector<16xi32>], vector<16xf32>,
          %gather3A_1365 = tpu.vector_load_idx %arg6[%shift_right_logical3A_1360, %broadcast_in_dim3A_879, %and3A_1361] : memref<64x8x128xf32, #tpu.memory_space<vmem>>[vector<16xi32>, vector<16xi32>, vector<16xi32>], vector<16xf32>,
          %gather3A_1366 = tpu.vector_load_idx %arg6[%shift_right_logical3A_1360, %broadcast_in_dim3A_881, %and3A_1361] : memref<64x8x128xf32, #tpu.memory_space<vmem>>[vector<16xi32>, vector<16xi32>, vector<16xi32>], vector<16xf32>,
          %gather3A_1367 = tpu.vector_load_idx %arg6[%shift_right_logical3A_1360, %broadcast_in_dim3A_883, %and3A_1361] : memref<64x8x128xf32, #tpu.memory_space<vmem>>[vector<16xi32>, vector<16xi32>, vector<16xi32>], vector<16xf32>,
          %gather3A_1368 = tpu.vector_load_idx %arg6[%shift_right_logical3A_1360, %broadcast_in_dim3A_885, %and3A_1361] : memref<64x8x128xf32, #tpu.memory_space<vmem>>[vector<16xi32>, vector<16xi32>, vector<16xi32>], vector<16xf32>,
          %gather3A_1369 = tpu.vector_load_idx %arg6[%shift_right_logical3A_1360, %broadcast_in_dim3A_887, %and3A_1361] : memref<64x8x128xf32, #tpu.memory_space<vmem>>[vector<16xi32>, vector<16xi32>, vector<16xi32>], vector<16xf32>,
          %get3A_1370 = arith.constant 0 : i32
          %get3A_1371 = arith.index_cast %get3A_1370 : i32 to index
          %get3A_1372 = arith.index_cast %add3A_1176 : i32 to index
          %get3A_1373 = arith.constant 80 : index
          %get3A_1374 = tpu.vector_load %arg7[%get3A_1371, %get3A_1372, %get3A_1373] {strides = array<i32>} : memref<2x16x128xi32, #tpu.memory_space<vmem>>, vector<16xi32>,
          %shift_right_logical3A_1375 = arith.constant 7 : i32
          %shift_right_logical3A_1376 = vector.broadcast %shift_right_logical3A_1375 : i32 to vector<16xi32>
          %shift_right_logical3A_1377 = arith.shrui %get3A_1374, %shift_right_logical3A_1376 : vector<16xi32>
          %and3A_1378 = arith.andi %get3A_1374, %broadcast_in_dim3A_889 : vector<16xi32>
          %gather3A_1379 = tpu.vector_load_idx %arg6[%shift_right_logical3A_1377, %broadcast_in_dim3A_873, %and3A_1378] : memref<64x8x128xf32, #tpu.memory_space<vmem>>[vector<16xi32>, vector<16xi32>, vector<16xi32>], vector<16xf32>,
          %gather3A_1380 = tpu.vector_load_idx %arg6[%shift_right_logical3A_1377, %broadcast_in_dim3A_875, %and3A_1378] : memref<64x8x128xf32, #tpu.memory_space<vmem>>[vector<16xi32>, vector<16xi32>, vector<16xi32>], vector<16xf32>,
          %gather3A_1381 = tpu.vector_load_idx %arg6[%shift_right_logical3A_1377, %broadcast_in_dim3A_877, %and3A_1378] : memref<64x8x128xf32, #tpu.memory_space<vmem>>[vector<16xi32>, vector<16xi32>, vector<16xi32>], vector<16xf32>,
          %gather3A_1382 = tpu.vector_load_idx %arg6[%shift_right_logical3A_1377, %broadcast_in_dim3A_879, %and3A_1378] : memref<64x8x128xf32, #tpu.memory_space<vmem>>[vector<16xi32>, vector<16xi32>, vector<16xi32>], vector<16xf32>,
          %gather3A_1383 = tpu.vector_load_idx %arg6[%shift_right_logical3A_1377, %broadcast_in_dim3A_881, %and3A_1378] : memref<64x8x128xf32, #tpu.memory_space<vmem>>[vector<16xi32>, vector<16xi32>, vector<16xi32>], vector<16xf32>,
          %gather3A_1384 = tpu.vector_load_idx %arg6[%shift_right_logical3A_1377, %broadcast_in_dim3A_883, %and3A_1378] : memref<64x8x128xf32, #tpu.memory_space<vmem>>[vector<16xi32>, vector<16xi32>, vector<16xi32>], vector<16xf32>,
          %gather3A_1385 = tpu.vector_load_idx %arg6[%shift_right_logical3A_1377, %broadcast_in_dim3A_885, %and3A_1378] : memref<64x8x128xf32, #tpu.memory_space<vmem>>[vector<16xi32>, vector<16xi32>, vector<16xi32>], vector<16xf32>,
          %gather3A_1386 = tpu.vector_load_idx %arg6[%shift_right_logical3A_1377, %broadcast_in_dim3A_887, %and3A_1378] : memref<64x8x128xf32, #tpu.memory_space<vmem>>[vector<16xi32>, vector<16xi32>, vector<16xi32>], vector<16xf32>,
          %swap3A_1387 = arith.constant 0 : i32
          %swap3A_1388 = arith.constant 0 : i32
          %swap3A_1389 = arith.index_cast %swap3A_1387 : i32 to index
          %swap3A_1390 = arith.index_cast %add3A_1176 : i32 to index
          %swap3A_1391 = arith.index_cast %swap3A_1388 : i32 to index
          %swap3A_1392 = arith.constant 32 : index
          %swap3A_1393 = tpu.vector_load %arg8[%swap3A_1389, %swap3A_1390, %swap3A_1391, %swap3A_1392] {strides = array<i32>} : memref<2x16x8x128xf32, #tpu.memory_space<vmem>>, vector<16xf32>,
          tpu.vector_store %arg8[%swap3A_1389, %swap3A_1390, %swap3A_1391, %swap3A_1392], %gather3A_1217 {strides = array<i32>} : memref<2x16x8x128xf32, #tpu.memory_space<vmem>>, vector<16xf32>,
          %swap3A_1394 = arith.constant 0 : i32
          %swap3A_1395 = arith.constant 1 : i32
          %swap3A_1396 = arith.index_cast %swap3A_1394 : i32 to index
          %swap3A_1397 = arith.index_cast %add3A_1176 : i32 to index
          %swap3A_1398 = arith.index_cast %swap3A_1395 : i32 to index
          %swap3A_1399 = arith.constant 32 : index
          %swap3A_1400 = tpu.vector_load %arg8[%swap3A_1396, %swap3A_1397, %swap3A_1398, %swap3A_1399] {strides = array<i32>} : memref<2x16x8x128xf32, #tpu.memory_space<vmem>>, vector<16xf32>,
          tpu.vector_store %arg8[%swap3A_1396, %swap3A_1397, %swap3A_1398, %swap3A_1399], %gather3A_1218 {strides = array<i32>} : memref<2x16x8x128xf32, #tpu.memory_space<vmem>>, vector<16xf32>,
          %swap3A_1401 = arith.constant 0 : i32
          %swap3A_1402 = arith.constant 2 : i32
          %swap3A_1403 = arith.index_cast %swap3A_1401 : i32 to index
          %swap3A_1404 = arith.index_cast %add3A_1176 : i32 to index
          %swap3A_1405 = arith.index_cast %swap3A_1402 : i32 to index
          %swap3A_1406 = arith.constant 32 : index
          %swap3A_1407 = tpu.vector_load %arg8[%swap3A_1403, %swap3A_1404, %swap3A_1405, %swap3A_1406] {strides = array<i32>} : memref<2x16x8x128xf32, #tpu.memory_space<vmem>>, vector<16xf32>,
          tpu.vector_store %arg8[%swap3A_1403, %swap3A_1404, %swap3A_1405, %swap3A_1406], %gather3A_1219 {strides = array<i32>} : memref<2x16x8x128xf32, #tpu.memory_space<vmem>>, vector<16xf32>,
          %swap3A_1408 = arith.constant 0 : i32
          %swap3A_1409 = arith.constant 3 : i32
          %swap3A_1410 = arith.index_cast %swap3A_1408 : i32 to index
          %swap3A_1411 = arith.index_cast %add3A_1176 : i32 to index
          %swap3A_1412 = arith.index_cast %swap3A_1409 : i32 to index
          %swap3A_1413 = arith.constant 32 : index
          %swap3A_1414 = tpu.vector_load %arg8[%swap3A_1410, %swap3A_1411, %swap3A_1412, %swap3A_1413] {strides = array<i32>} : memref<2x16x8x128xf32, #tpu.memory_space<vmem>>, vector<16xf32>,
          tpu.vector_store %arg8[%swap3A_1410, %swap3A_1411, %swap3A_1412, %swap3A_1413], %gather3A_1220 {strides = array<i32>} : memref<2x16x8x128xf32, #tpu.memory_space<vmem>>, vector<16xf32>,
          %swap3A_1415 = arith.constant 0 : i32
          %swap3A_1416 = arith.constant 4 : i32
          %swap3A_1417 = arith.index_cast %swap3A_1415 : i32 to index
          %swap3A_1418 = arith.index_cast %add3A_1176 : i32 to index
          %swap3A_1419 = arith.index_cast %swap3A_1416 : i32 to index
          %swap3A_1420 = arith.constant 32 : index
          %swap3A_1421 = tpu.vector_load %arg8[%swap3A_1417, %swap3A_1418, %swap3A_1419, %swap3A_1420] {strides = array<i32>} : memref<2x16x8x128xf32, #tpu.memory_space<vmem>>, vector<16xf32>,
          tpu.vector_store %arg8[%swap3A_1417, %swap3A_1418, %swap3A_1419, %swap3A_1420], %gather3A_1221 {strides = array<i32>} : memref<2x16x8x128xf32, #tpu.memory_space<vmem>>, vector<16xf32>,
          %swap3A_1422 = arith.constant 0 : i32
          %swap3A_1423 = arith.constant 5 : i32
          %swap3A_1424 = arith.index_cast %swap3A_1422 : i32 to index
          %swap3A_1425 = arith.index_cast %add3A_1176 : i32 to index
          %swap3A_1426 = arith.index_cast %swap3A_1423 : i32 to index
          %swap3A_1427 = arith.constant 32 : index
          %swap3A_1428 = tpu.vector_load %arg8[%swap3A_1424, %swap3A_1425, %swap3A_1426, %swap3A_1427] {strides = array<i32>} : memref<2x16x8x128xf32, #tpu.memory_space<vmem>>, vector<16xf32>,
          tpu.vector_store %arg8[%swap3A_1424, %swap3A_1425, %swap3A_1426, %swap3A_1427], %gather3A_1222 {strides = array<i32>} : memref<2x16x8x128xf32, #tpu.memory_space<vmem>>, vector<16xf32>,
          %swap3A_1429 = arith.constant 0 : i32
          %swap3A_1430 = arith.constant 6 : i32
          %swap3A_1431 = arith.index_cast %swap3A_1429 : i32 to index
          %swap3A_1432 = arith.index_cast %add3A_1176 : i32 to index
          %swap3A_1433 = arith.index_cast %swap3A_1430 : i32 to index
          %swap3A_1434 = arith.constant 32 : index
          %swap3A_1435 = tpu.vector_load %arg8[%swap3A_1431, %swap3A_1432, %swap3A_1433, %swap3A_1434] {strides = array<i32>} : memref<2x16x8x128xf32, #tpu.memory_space<vmem>>, vector<16xf32>,
          tpu.vector_store %arg8[%swap3A_1431, %swap3A_1432, %swap3A_1433, %swap3A_1434], %gather3A_1223 {strides = array<i32>} : memref<2x16x8x128xf32, #tpu.memory_space<vmem>>, vector<16xf32>,
          %swap3A_1436 = arith.constant 0 : i32
          %swap3A_1437 = arith.constant 7 : i32
          %swap3A_1438 = arith.index_cast %swap3A_1436 : i32 to index
          %swap3A_1439 = arith.index_cast %add3A_1176 : i32 to index
          %swap3A_1440 = arith.index_cast %swap3A_1437 : i32 to index
          %swap3A_1441 = arith.constant 32 : index
          %swap3A_1442 = tpu.vector_load %arg8[%swap3A_1438, %swap3A_1439, %swap3A_1440, %swap3A_1441] {strides = array<i32>} : memref<2x16x8x128xf32, #tpu.memory_space<vmem>>, vector<16xf32>,
          tpu.vector_store %arg8[%swap3A_1438, %swap3A_1439, %swap3A_1440, %swap3A_1441], %gather3A_1224 {strides = array<i32>} : memref<2x16x8x128xf32, #tpu.memory_space<vmem>>, vector<16xf32>,
          %swap3A_1443 = arith.constant 0 : i32
          %swap3A_1444 = arith.constant 0 : i32
          %swap3A_1445 = arith.index_cast %swap3A_1443 : i32 to index
          %swap3A_1446 = arith.index_cast %add3A_1176 : i32 to index
          %swap3A_1447 = arith.index_cast %swap3A_1444 : i32 to index
          %swap3A_1448 = arith.constant 48 : index
          %swap3A_1449 = tpu.vector_load %arg8[%swap3A_1445, %swap3A_1446, %swap3A_1447, %swap3A_1448] {strides = array<i32>} : memref<2x16x8x128xf32, #tpu.memory_space<vmem>>, vector<16xf32>,
          tpu.vector_store %arg8[%swap3A_1445, %swap3A_1446, %swap3A_1447, %swap3A_1448], %gather3A_1234 {strides = array<i32>} : memref<2x16x8x128xf32, #tpu.memory_space<vmem>>, vector<16xf32>,
          %swap3A_1450 = arith.constant 0 : i32
          %swap3A_1451 = arith.constant 1 : i32
          %swap3A_1452 = arith.index_cast %swap3A_1450 : i32 to index
          %swap3A_1453 = arith.index_cast %add3A_1176 : i32 to index
          %swap3A_1454 = arith.index_cast %swap3A_1451 : i32 to index
          %swap3A_1455 = arith.constant 48 : index
          %swap3A_1456 = tpu.vector_load %arg8[%swap3A_1452, %swap3A_1453, %swap3A_1454, %swap3A_1455] {strides = array<i32>} : memref<2x16x8x128xf32, #tpu.memory_space<vmem>>, vector<16xf32>,
          tpu.vector_store %arg8[%swap3A_1452, %swap3A_1453, %swap3A_1454, %swap3A_1455], %gather3A_1235 {strides = array<i32>} : memref<2x16x8x128xf32, #tpu.memory_space<vmem>>, vector<16xf32>,
          %swap3A_1457 = arith.constant 0 : i32
          %swap3A_1458 = arith.constant 2 : i32
          %swap3A_1459 = arith.index_cast %swap3A_1457 : i32 to index
          %swap3A_1460 = arith.index_cast %add3A_1176 : i32 to index
          %swap3A_1461 = arith.index_cast %swap3A_1458 : i32 to index
          %swap3A_1462 = arith.constant 48 : index
          %swap3A_1463 = tpu.vector_load %arg8[%swap3A_1459, %swap3A_1460, %swap3A_1461, %swap3A_1462] {strides = array<i32>} : memref<2x16x8x128xf32, #tpu.memory_space<vmem>>, vector<16xf32>,
          tpu.vector_store %arg8[%swap3A_1459, %swap3A_1460, %swap3A_1461, %swap3A_1462], %gather3A_1236 {strides = array<i32>} : memref<2x16x8x128xf32, #tpu.memory_space<vmem>>, vector<16xf32>,
          %swap3A_1464 = arith.constant 0 : i32
          %swap3A_1465 = arith.constant 3 : i32
          %swap3A_1466 = arith.index_cast %swap3A_1464 : i32 to index
          %swap3A_1467 = arith.index_cast %add3A_1176 : i32 to index
          %swap3A_1468 = arith.index_cast %swap3A_1465 : i32 to index
          %swap3A_1469 = arith.constant 48 : index
          %swap3A_1470 = tpu.vector_load %arg8[%swap3A_1466, %swap3A_1467, %swap3A_1468, %swap3A_1469] {strides = array<i32>} : memref<2x16x8x128xf32, #tpu.memory_space<vmem>>, vector<16xf32>,
          tpu.vector_store %arg8[%swap3A_1466, %swap3A_1467, %swap3A_1468, %swap3A_1469], %gather3A_1237 {strides = array<i32>} : memref<2x16x8x128xf32, #tpu.memory_space<vmem>>, vector<16xf32>,
          %swap3A_1471 = arith.constant 0 : i32
          %swap3A_1472 = arith.constant 4 : i32
          %swap3A_1473 = arith.index_cast %swap3A_1471 : i32 to index
          %swap3A_1474 = arith.index_cast %add3A_1176 : i32 to index
          %swap3A_1475 = arith.index_cast %swap3A_1472 : i32 to index
          %swap3A_1476 = arith.constant 48 : index
          %swap3A_1477 = tpu.vector_load %arg8[%swap3A_1473, %swap3A_1474, %swap3A_1475, %swap3A_1476] {strides = array<i32>} : memref<2x16x8x128xf32, #tpu.memory_space<vmem>>, vector<16xf32>,
          tpu.vector_store %arg8[%swap3A_1473, %swap3A_1474, %swap3A_1475, %swap3A_1476], %gather3A_1238 {strides = array<i32>} : memref<2x16x8x128xf32, #tpu.memory_space<vmem>>, vector<16xf32>,
          %swap3A_1478 = arith.constant 0 : i32
          %swap3A_1479 = arith.constant 5 : i32
          %swap3A_1480 = arith.index_cast %swap3A_1478 : i32 to index
          %swap3A_1481 = arith.index_cast %add3A_1176 : i32 to index
          %swap3A_1482 = arith.index_cast %swap3A_1479 : i32 to index
          %swap3A_1483 = arith.constant 48 : index
          %swap3A_1484 = tpu.vector_load %arg8[%swap3A_1480, %swap3A_1481, %swap3A_1482, %swap3A_1483] {strides = array<i32>} : memref<2x16x8x128xf32, #tpu.memory_space<vmem>>, vector<16xf32>,
          tpu.vector_store %arg8[%swap3A_1480, %swap3A_1481, %swap3A_1482, %swap3A_1483], %gather3A_1239 {strides = array<i32>} : memref<2x16x8x128xf32, #tpu.memory_space<vmem>>, vector<16xf32>,
          %swap3A_1485 = arith.constant 0 : i32
          %swap3A_1486 = arith.constant 6 : i32
          %swap3A_1487 = arith.index_cast %swap3A_1485 : i32 to index
          %swap3A_1488 = arith.index_cast %add3A_1176 : i32 to index
          %swap3A_1489 = arith.index_cast %swap3A_1486 : i32 to index
          %swap3A_1490 = arith.constant 48 : index
          %swap3A_1491 = tpu.vector_load %arg8[%swap3A_1487, %swap3A_1488, %swap3A_1489, %swap3A_1490] {strides = array<i32>} : memref<2x16x8x128xf32, #tpu.memory_space<vmem>>, vector<16xf32>,
          tpu.vector_store %arg8[%swap3A_1487, %swap3A_1488, %swap3A_1489, %swap3A_1490], %gather3A_1240 {strides = array<i32>} : memref<2x16x8x128xf32, #tpu.memory_space<vmem>>, vector<16xf32>,
          %swap3A_1492 = arith.constant 0 : i32
          %swap3A_1493 = arith.constant 7 : i32
          %swap3A_1494 = arith.index_cast %swap3A_1492 : i32 to index
          %swap3A_1495 = arith.index_cast %add3A_1176 : i32 to index
          %swap3A_1496 = arith.index_cast %swap3A_1493 : i32 to index
          %swap3A_1497 = arith.constant 48 : index
          %swap3A_1498 = tpu.vector_load %arg8[%swap3A_1494, %swap3A_1495, %swap3A_1496, %swap3A_1497] {strides = array<i32>} : memref<2x16x8x128xf32, #tpu.memory_space<vmem>>, vector<16xf32>,
          tpu.vector_store %arg8[%swap3A_1494, %swap3A_1495, %swap3A_1496, %swap3A_1497], %gather3A_1241 {strides = array<i32>} : memref<2x16x8x128xf32, #tpu.memory_space<vmem>>, vector<16xf32>,
          %get3A_1499 = arith.constant 0 : i32
          %get3A_1500 = arith.index_cast %get3A_1499 : i32 to index
          %get3A_1501 = arith.index_cast %add3A_1176 : i32 to index
          %get3A_1502 = arith.constant 96 : index
          %get3A_1503 = tpu.vector_load %arg7[%get3A_1500, %get3A_1501, %get3A_1502] {strides = array<i32>} : memref<2x16x128xi32, #tpu.memory_space<vmem>>, vector<16xi32>,
          %shift_right_logical3A_1504 = arith.constant 7 : i32
          %shift_right_logical3A_1505 = vector.broadcast %shift_right_logical3A_1504 : i32 to vector<16xi32>
          %shift_right_logical3A_1506 = arith.shrui %get3A_1503, %shift_right_logical3A_1505 : vector<16xi32>
          %and3A_1507 = arith.andi %get3A_1503, %broadcast_in_dim3A_889 : vector<16xi32>
          %gather3A_1508 = tpu.vector_load_idx %arg6[%shift_right_logical3A_1506, %broadcast_in_dim3A_873, %and3A_1507] : memref<64x8x128xf32, #tpu.memory_space<vmem>>[vector<16xi32>, vector<16xi32>, vector<16xi32>], vector<16xf32>,
          %gather3A_1509 = tpu.vector_load_idx %arg6[%shift_right_logical3A_1506, %broadcast_in_dim3A_875, %and3A_1507] : memref<64x8x128xf32, #tpu.memory_space<vmem>>[vector<16xi32>, vector<16xi32>, vector<16xi32>], vector<16xf32>,
          %gather3A_1510 = tpu.vector_load_idx %arg6[%shift_right_logical3A_1506, %broadcast_in_dim3A_877, %and3A_1507] : memref<64x8x128xf32, #tpu.memory_space<vmem>>[vector<16xi32>, vector<16xi32>, vector<16xi32>], vector<16xf32>,
          %gather3A_1511 = tpu.vector_load_idx %arg6[%shift_right_logical3A_1506, %broadcast_in_dim3A_879, %and3A_1507] : memref<64x8x128xf32, #tpu.memory_space<vmem>>[vector<16xi32>, vector<16xi32>, vector<16xi32>], vector<16xf32>,
          %gather3A_1512 = tpu.vector_load_idx %arg6[%shift_right_logical3A_1506, %broadcast_in_dim3A_881, %and3A_1507] : memref<64x8x128xf32, #tpu.memory_space<vmem>>[vector<16xi32>, vector<16xi32>, vector<16xi32>], vector<16xf32>,
          %gather3A_1513 = tpu.vector_load_idx %arg6[%shift_right_logical3A_1506, %broadcast_in_dim3A_883, %and3A_1507] : memref<64x8x128xf32, #tpu.memory_space<vmem>>[vector<16xi32>, vector<16xi32>, vector<16xi32>], vector<16xf32>,
          %gather3A_1514 = tpu.vector_load_idx %arg6[%shift_right_logical3A_1506, %broadcast_in_dim3A_885, %and3A_1507] : memref<64x8x128xf32, #tpu.memory_space<vmem>>[vector<16xi32>, vector<16xi32>, vector<16xi32>], vector<16xf32>,
          %gather3A_1515 = tpu.vector_load_idx %arg6[%shift_right_logical3A_1506, %broadcast_in_dim3A_887, %and3A_1507] : memref<64x8x128xf32, #tpu.memory_space<vmem>>[vector<16xi32>, vector<16xi32>, vector<16xi32>], vector<16xf32>,
          %get3A_1516 = arith.constant 0 : i32
          %get3A_1517 = arith.index_cast %get3A_1516 : i32 to index
          %get3A_1518 = arith.index_cast %add3A_1176 : i32 to index
          %get3A_1519 = arith.constant 112 : index
          %get3A_1520 = tpu.vector_load %arg7[%get3A_1517, %get3A_1518, %get3A_1519] {strides = array<i32>} : memref<2x16x128xi32, #tpu.memory_space<vmem>>, vector<16xi32>,
          %shift_right_logical3A_1521 = arith.constant 7 : i32
          %shift_right_logical3A_1522 = vector.broadcast %shift_right_logical3A_1521 : i32 to vector<16xi32>
          %shift_right_logical3A_1523 = arith.shrui %get3A_1520, %shift_right_logical3A_1522 : vector<16xi32>
          %and3A_1524 = arith.andi %get3A_1520, %broadcast_in_dim3A_889 : vector<16xi32>
          %gather3A_1525 = tpu.vector_load_idx %arg6[%shift_right_logical3A_1523, %broadcast_in_dim3A_873, %and3A_1524] : memref<64x8x128xf32, #tpu.memory_space<vmem>>[vector<16xi32>, vector<16xi32>, vector<16xi32>], vector<16xf32>,
          %gather3A_1526 = tpu.vector_load_idx %arg6[%shift_right_logical3A_1523, %broadcast_in_dim3A_875, %and3A_1524] : memref<64x8x128xf32, #tpu.memory_space<vmem>>[vector<16xi32>, vector<16xi32>, vector<16xi32>], vector<16xf32>,
          %gather3A_1527 = tpu.vector_load_idx %arg6[%shift_right_logical3A_1523, %broadcast_in_dim3A_877, %and3A_1524] : memref<64x8x128xf32, #tpu.memory_space<vmem>>[vector<16xi32>, vector<16xi32>, vector<16xi32>], vector<16xf32>,
          %gather3A_1528 = tpu.vector_load_idx %arg6[%shift_right_logical3A_1523, %broadcast_in_dim3A_879, %and3A_1524] : memref<64x8x128xf32, #tpu.memory_space<vmem>>[vector<16xi32>, vector<16xi32>, vector<16xi32>], vector<16xf32>,
          %gather3A_1529 = tpu.vector_load_idx %arg6[%shift_right_logical3A_1523, %broadcast_in_dim3A_881, %and3A_1524] : memref<64x8x128xf32, #tpu.memory_space<vmem>>[vector<16xi32>, vector<16xi32>, vector<16xi32>], vector<16xf32>,
          %gather3A_1530 = tpu.vector_load_idx %arg6[%shift_right_logical3A_1523, %broadcast_in_dim3A_883, %and3A_1524] : memref<64x8x128xf32, #tpu.memory_space<vmem>>[vector<16xi32>, vector<16xi32>, vector<16xi32>], vector<16xf32>,
          %gather3A_1531 = tpu.vector_load_idx %arg6[%shift_right_logical3A_1523, %broadcast_in_dim3A_885, %and3A_1524] : memref<64x8x128xf32, #tpu.memory_space<vmem>>[vector<16xi32>, vector<16xi32>, vector<16xi32>], vector<16xf32>,
          %gather3A_1532 = tpu.vector_load_idx %arg6[%shift_right_logical3A_1523, %broadcast_in_dim3A_887, %and3A_1524] : memref<64x8x128xf32, #tpu.memory_space<vmem>>[vector<16xi32>, vector<16xi32>, vector<16xi32>], vector<16xf32>,
          %swap3A_1533 = arith.constant 0 : i32
          %swap3A_1534 = arith.constant 0 : i32
          %swap3A_1535 = arith.index_cast %swap3A_1533 : i32 to index
          %swap3A_1536 = arith.index_cast %add3A_1176 : i32 to index
          %swap3A_1537 = arith.index_cast %swap3A_1534 : i32 to index
          %swap3A_1538 = arith.constant 64 : index
          %swap3A_1539 = tpu.vector_load %arg8[%swap3A_1535, %swap3A_1536, %swap3A_1537, %swap3A_1538] {strides = array<i32>} : memref<2x16x8x128xf32, #tpu.memory_space<vmem>>, vector<16xf32>,
          tpu.vector_store %arg8[%swap3A_1535, %swap3A_1536, %swap3A_1537, %swap3A_1538], %gather3A_1362 {strides = array<i32>} : memref<2x16x8x128xf32, #tpu.memory_space<vmem>>, vector<16xf32>,
          %swap3A_1540 = arith.constant 0 : i32
          %swap3A_1541 = arith.constant 1 : i32
          %swap3A_1542 = arith.index_cast %swap3A_1540 : i32 to index
          %swap3A_1543 = arith.index_cast %add3A_1176 : i32 to index
          %swap3A_1544 = arith.index_cast %swap3A_1541 : i32 to index
          %swap3A_1545 = arith.constant 64 : index
          %swap3A_1546 = tpu.vector_load %arg8[%swap3A_1542, %swap3A_1543, %swap3A_1544, %swap3A_1545] {strides = array<i32>} : memref<2x16x8x128xf32, #tpu.memory_space<vmem>>, vector<16xf32>,
          tpu.vector_store %arg8[%swap3A_1542, %swap3A_1543, %swap3A_1544, %swap3A_1545], %gather3A_1363 {strides = array<i32>} : memref<2x16x8x128xf32, #tpu.memory_space<vmem>>, vector<16xf32>,
          %swap3A_1547 = arith.constant 0 : i32
          %swap3A_1548 = arith.constant 2 : i32
          %swap3A_1549 = arith.index_cast %swap3A_1547 : i32 to index
          %swap3A_1550 = arith.index_cast %add3A_1176 : i32 to index
          %swap3A_1551 = arith.index_cast %swap3A_1548 : i32 to index
          %swap3A_1552 = arith.constant 64 : index
          %swap3A_1553 = tpu.vector_load %arg8[%swap3A_1549, %swap3A_1550, %swap3A_1551, %swap3A_1552] {strides = array<i32>} : memref<2x16x8x128xf32, #tpu.memory_space<vmem>>, vector<16xf32>,
          tpu.vector_store %arg8[%swap3A_1549, %swap3A_1550, %swap3A_1551, %swap3A_1552], %gather3A_1364 {strides = array<i32>} : memref<2x16x8x128xf32, #tpu.memory_space<vmem>>, vector<16xf32>,
          %swap3A_1554 = arith.constant 0 : i32
          %swap3A_1555 = arith.constant 3 : i32
          %swap3A_1556 = arith.index_cast %swap3A_1554 : i32 to index
          %swap3A_1557 = arith.index_cast %add3A_1176 : i32 to index
          %swap3A_1558 = arith.index_cast %swap3A_1555 : i32 to index
          %swap3A_1559 = arith.constant 64 : index
          %swap3A_1560 = tpu.vector_load %arg8[%swap3A_1556, %swap3A_1557, %swap3A_1558, %swap3A_1559] {strides = array<i32>} : memref<2x16x8x128xf32, #tpu.memory_space<vmem>>, vector<16xf32>,
          tpu.vector_store %arg8[%swap3A_1556, %swap3A_1557, %swap3A_1558, %swap3A_1559], %gather3A_1365 {strides = array<i32>} : memref<2x16x8x128xf32, #tpu.memory_space<vmem>>, vector<16xf32>,
          %swap3A_1561 = arith.constant 0 : i32
          %swap3A_1562 = arith.constant 4 : i32
          %swap3A_1563 = arith.index_cast %swap3A_1561 : i32 to index
          %swap3A_1564 = arith.index_cast %add3A_1176 : i32 to index
          %swap3A_1565 = arith.index_cast %swap3A_1562 : i32 to index
          %swap3A_1566 = arith.constant 64 : index
          %swap3A_1567 = tpu.vector_load %arg8[%swap3A_1563, %swap3A_1564, %swap3A_1565, %swap3A_1566] {strides = array<i32>} : memref<2x16x8x128xf32, #tpu.memory_space<vmem>>, vector<16xf32>,
          tpu.vector_store %arg8[%swap3A_1563, %swap3A_1564, %swap3A_1565, %swap3A_1566], %gather3A_1366 {strides = array<i32>} : memref<2x16x8x128xf32, #tpu.memory_space<vmem>>, vector<16xf32>,
          %swap3A_1568 = arith.constant 0 : i32
          %swap3A_1569 = arith.constant 5 : i32
          %swap3A_1570 = arith.index_cast %swap3A_1568 : i32 to index
          %swap3A_1571 = arith.index_cast %add3A_1176 : i32 to index
          %swap3A_1572 = arith.index_cast %swap3A_1569 : i32 to index
          %swap3A_1573 = arith.constant 64 : index
          %swap3A_1574 = tpu.vector_load %arg8[%swap3A_1570, %swap3A_1571, %swap3A_1572, %swap3A_1573] {strides = array<i32>} : memref<2x16x8x128xf32, #tpu.memory_space<vmem>>, vector<16xf32>,
          tpu.vector_store %arg8[%swap3A_1570, %swap3A_1571, %swap3A_1572, %swap3A_1573], %gather3A_1367 {strides = array<i32>} : memref<2x16x8x128xf32, #tpu.memory_space<vmem>>, vector<16xf32>,
          %swap3A_1575 = arith.constant 0 : i32
          %swap3A_1576 = arith.constant 6 : i32
          %swap3A_1577 = arith.index_cast %swap3A_1575 : i32 to index
          %swap3A_1578 = arith.index_cast %add3A_1176 : i32 to index
          %swap3A_1579 = arith.index_cast %swap3A_1576 : i32 to index
          %swap3A_1580 = arith.constant 64 : index
          %swap3A_1581 = tpu.vector_load %arg8[%swap3A_1577, %swap3A_1578, %swap3A_1579, %swap3A_1580] {strides = array<i32>} : memref<2x16x8x128xf32, #tpu.memory_space<vmem>>, vector<16xf32>,
          tpu.vector_store %arg8[%swap3A_1577, %swap3A_1578, %swap3A_1579, %swap3A_1580], %gather3A_1368 {strides = array<i32>} : memref<2x16x8x128xf32, #tpu.memory_space<vmem>>, vector<16xf32>,
          %swap3A_1582 = arith.constant 0 : i32
          %swap3A_1583 = arith.constant 7 : i32
          %swap3A_1584 = arith.index_cast %swap3A_1582 : i32 to index
          %swap3A_1585 = arith.index_cast %add3A_1176 : i32 to index
          %swap3A_1586 = arith.index_cast %swap3A_1583 : i32 to index
          %swap3A_1587 = arith.constant 64 : index
          %swap3A_1588 = tpu.vector_load %arg8[%swap3A_1584, %swap3A_1585, %swap3A_1586, %swap3A_1587] {strides = array<i32>} : memref<2x16x8x128xf32, #tpu.memory_space<vmem>>, vector<16xf32>,
          tpu.vector_store %arg8[%swap3A_1584, %swap3A_1585, %swap3A_1586, %swap3A_1587], %gather3A_1369 {strides = array<i32>} : memref<2x16x8x128xf32, #tpu.memory_space<vmem>>, vector<16xf32>,
          %swap3A_1589 = arith.constant 0 : i32
          %swap3A_1590 = arith.constant 0 : i32
          %swap3A_1591 = arith.index_cast %swap3A_1589 : i32 to index
          %swap3A_1592 = arith.index_cast %add3A_1176 : i32 to index
          %swap3A_1593 = arith.index_cast %swap3A_1590 : i32 to index
          %swap3A_1594 = arith.constant 80 : index
          %swap3A_1595 = tpu.vector_load %arg8[%swap3A_1591, %swap3A_1592, %swap3A_1593, %swap3A_1594] {strides = array<i32>} : memref<2x16x8x128xf32, #tpu.memory_space<vmem>>, vector<16xf32>,
          tpu.vector_store %arg8[%swap3A_1591, %swap3A_1592, %swap3A_1593, %swap3A_1594], %gather3A_1379 {strides = array<i32>} : memref<2x16x8x128xf32, #tpu.memory_space<vmem>>, vector<16xf32>,
          %swap3A_1596 = arith.constant 0 : i32
          %swap3A_1597 = arith.constant 1 : i32
          %swap3A_1598 = arith.index_cast %swap3A_1596 : i32 to index
          %swap3A_1599 = arith.index_cast %add3A_1176 : i32 to index
          %swap3A_1600 = arith.index_cast %swap3A_1597 : i32 to index
          %swap3A_1601 = arith.constant 80 : index
          %swap3A_1602 = tpu.vector_load %arg8[%swap3A_1598, %swap3A_1599, %swap3A_1600, %swap3A_1601] {strides = array<i32>} : memref<2x16x8x128xf32, #tpu.memory_space<vmem>>, vector<16xf32>,
          tpu.vector_store %arg8[%swap3A_1598, %swap3A_1599, %swap3A_1600, %swap3A_1601], %gather3A_1380 {strides = array<i32>} : memref<2x16x8x128xf32, #tpu.memory_space<vmem>>, vector<16xf32>,
          %swap3A_1603 = arith.constant 0 : i32
          %swap3A_1604 = arith.constant 2 : i32
          %swap3A_1605 = arith.index_cast %swap3A_1603 : i32 to index
          %swap3A_1606 = arith.index_cast %add3A_1176 : i32 to index
          %swap3A_1607 = arith.index_cast %swap3A_1604 : i32 to index
          %swap3A_1608 = arith.constant 80 : index
          %swap3A_1609 = tpu.vector_load %arg8[%swap3A_1605, %swap3A_1606, %swap3A_1607, %swap3A_1608] {strides = array<i32>} : memref<2x16x8x128xf32, #tpu.memory_space<vmem>>, vector<16xf32>,
          tpu.vector_store %arg8[%swap3A_1605, %swap3A_1606, %swap3A_1607, %swap3A_1608], %gather3A_1381 {strides = array<i32>} : memref<2x16x8x128xf32, #tpu.memory_space<vmem>>, vector<16xf32>,
          %swap3A_1610 = arith.constant 0 : i32
          %swap3A_1611 = arith.constant 3 : i32
          %swap3A_1612 = arith.index_cast %swap3A_1610 : i32 to index
          %swap3A_1613 = arith.index_cast %add3A_1176 : i32 to index
          %swap3A_1614 = arith.index_cast %swap3A_1611 : i32 to index
          %swap3A_1615 = arith.constant 80 : index
          %swap3A_1616 = tpu.vector_load %arg8[%swap3A_1612, %swap3A_1613, %swap3A_1614, %swap3A_1615] {strides = array<i32>} : memref<2x16x8x128xf32, #tpu.memory_space<vmem>>, vector<16xf32>,
          tpu.vector_store %arg8[%swap3A_1612, %swap3A_1613, %swap3A_1614, %swap3A_1615], %gather3A_1382 {strides = array<i32>} : memref<2x16x8x128xf32, #tpu.memory_space<vmem>>, vector<16xf32>,
          %swap3A_1617 = arith.constant 0 : i32
          %swap3A_1618 = arith.constant 4 : i32
          %swap3A_1619 = arith.index_cast %swap3A_1617 : i32 to index
          %swap3A_1620 = arith.index_cast %add3A_1176 : i32 to index
          %swap3A_1621 = arith.index_cast %swap3A_1618 : i32 to index
          %swap3A_1622 = arith.constant 80 : index
          %swap3A_1623 = tpu.vector_load %arg8[%swap3A_1619, %swap3A_1620, %swap3A_1621, %swap3A_1622] {strides = array<i32>} : memref<2x16x8x128xf32, #tpu.memory_space<vmem>>, vector<16xf32>,
          tpu.vector_store %arg8[%swap3A_1619, %swap3A_1620, %swap3A_1621, %swap3A_1622], %gather3A_1383 {strides = array<i32>} : memref<2x16x8x128xf32, #tpu.memory_space<vmem>>, vector<16xf32>,
          %swap3A_1624 = arith.constant 0 : i32
          %swap3A_1625 = arith.constant 5 : i32
          %swap3A_1626 = arith.index_cast %swap3A_1624 : i32 to index
          %swap3A_1627 = arith.index_cast %add3A_1176 : i32 to index
          %swap3A_1628 = arith.index_cast %swap3A_1625 : i32 to index
          %swap3A_1629 = arith.constant 80 : index
          %swap3A_1630 = tpu.vector_load %arg8[%swap3A_1626, %swap3A_1627, %swap3A_1628, %swap3A_1629] {strides = array<i32>} : memref<2x16x8x128xf32, #tpu.memory_space<vmem>>, vector<16xf32>,
          tpu.vector_store %arg8[%swap3A_1626, %swap3A_1627, %swap3A_1628, %swap3A_1629], %gather3A_1384 {strides = array<i32>} : memref<2x16x8x128xf32, #tpu.memory_space<vmem>>, vector<16xf32>,
          %swap3A_1631 = arith.constant 0 : i32
          %swap3A_1632 = arith.constant 6 : i32
          %swap3A_1633 = arith.index_cast %swap3A_1631 : i32 to index
          %swap3A_1634 = arith.index_cast %add3A_1176 : i32 to index
          %swap3A_1635 = arith.index_cast %swap3A_1632 : i32 to index
          %swap3A_1636 = arith.constant 80 : index
          %swap3A_1637 = tpu.vector_load %arg8[%swap3A_1633, %swap3A_1634, %swap3A_1635, %swap3A_1636] {strides = array<i32>} : memref<2x16x8x128xf32, #tpu.memory_space<vmem>>, vector<16xf32>,
          tpu.vector_store %arg8[%swap3A_1633, %swap3A_1634, %swap3A_1635, %swap3A_1636], %gather3A_1385 {strides = array<i32>} : memref<2x16x8x128xf32, #tpu.memory_space<vmem>>, vector<16xf32>,
          %swap3A_1638 = arith.constant 0 : i32
          %swap3A_1639 = arith.constant 7 : i32
          %swap3A_1640 = arith.index_cast %swap3A_1638 : i32 to index
          %swap3A_1641 = arith.index_cast %add3A_1176 : i32 to index
          %swap3A_1642 = arith.index_cast %swap3A_1639 : i32 to index
          %swap3A_1643 = arith.constant 80 : index
          %swap3A_1644 = tpu.vector_load %arg8[%swap3A_1640, %swap3A_1641, %swap3A_1642, %swap3A_1643] {strides = array<i32>} : memref<2x16x8x128xf32, #tpu.memory_space<vmem>>, vector<16xf32>,
          tpu.vector_store %arg8[%swap3A_1640, %swap3A_1641, %swap3A_1642, %swap3A_1643], %gather3A_1386 {strides = array<i32>} : memref<2x16x8x128xf32, #tpu.memory_space<vmem>>, vector<16xf32>,
          %swap3A_1645 = arith.constant 0 : i32
          %swap3A_1646 = arith.constant 0 : i32
          %swap3A_1647 = arith.index_cast %swap3A_1645 : i32 to index
          %swap3A_1648 = arith.index_cast %add3A_1176 : i32 to index
          %swap3A_1649 = arith.index_cast %swap3A_1646 : i32 to index
          %swap3A_1650 = arith.constant 96 : index
          %swap3A_1651 = tpu.vector_load %arg8[%swap3A_1647, %swap3A_1648, %swap3A_1649, %swap3A_1650] {strides = array<i32>} : memref<2x16x8x128xf32, #tpu.memory_space<vmem>>, vector<16xf32>,
          tpu.vector_store %arg8[%swap3A_1647, %swap3A_1648, %swap3A_1649, %swap3A_1650], %gather3A_1508 {strides = array<i32>} : memref<2x16x8x128xf32, #tpu.memory_space<vmem>>, vector<16xf32>,
          %swap3A_1652 = arith.constant 0 : i32
          %swap3A_1653 = arith.constant 1 : i32
          %swap3A_1654 = arith.index_cast %swap3A_1652 : i32 to index
          %swap3A_1655 = arith.index_cast %add3A_1176 : i32 to index
          %swap3A_1656 = arith.index_cast %swap3A_1653 : i32 to index
          %swap3A_1657 = arith.constant 96 : index
          %swap3A_1658 = tpu.vector_load %arg8[%swap3A_1654, %swap3A_1655, %swap3A_1656, %swap3A_1657] {strides = array<i32>} : memref<2x16x8x128xf32, #tpu.memory_space<vmem>>, vector<16xf32>,
          tpu.vector_store %arg8[%swap3A_1654, %swap3A_1655, %swap3A_1656, %swap3A_1657], %gather3A_1509 {strides = array<i32>} : memref<2x16x8x128xf32, #tpu.memory_space<vmem>>, vector<16xf32>,
          %swap3A_1659 = arith.constant 0 : i32
          %swap3A_1660 = arith.constant 2 : i32
          %swap3A_1661 = arith.index_cast %swap3A_1659 : i32 to index
          %swap3A_1662 = arith.index_cast %add3A_1176 : i32 to index
          %swap3A_1663 = arith.index_cast %swap3A_1660 : i32 to index
          %swap3A_1664 = arith.constant 96 : index
          %swap3A_1665 = tpu.vector_load %arg8[%swap3A_1661, %swap3A_1662, %swap3A_1663, %swap3A_1664] {strides = array<i32>} : memref<2x16x8x128xf32, #tpu.memory_space<vmem>>, vector<16xf32>,
          tpu.vector_store %arg8[%swap3A_1661, %swap3A_1662, %swap3A_1663, %swap3A_1664], %gather3A_1510 {strides = array<i32>} : memref<2x16x8x128xf32, #tpu.memory_space<vmem>>, vector<16xf32>,
          %swap3A_1666 = arith.constant 0 : i32
          %swap3A_1667 = arith.constant 3 : i32
          %swap3A_1668 = arith.index_cast %swap3A_1666 : i32 to index
          %swap3A_1669 = arith.index_cast %add3A_1176 : i32 to index
          %swap3A_1670 = arith.index_cast %swap3A_1667 : i32 to index
          %swap3A_1671 = arith.constant 96 : index
          %swap3A_1672 = tpu.vector_load %arg8[%swap3A_1668, %swap3A_1669, %swap3A_1670, %swap3A_1671] {strides = array<i32>} : memref<2x16x8x128xf32, #tpu.memory_space<vmem>>, vector<16xf32>,
          tpu.vector_store %arg8[%swap3A_1668, %swap3A_1669, %swap3A_1670, %swap3A_1671], %gather3A_1511 {strides = array<i32>} : memref<2x16x8x128xf32, #tpu.memory_space<vmem>>, vector<16xf32>,
          %swap3A_1673 = arith.constant 0 : i32
          %swap3A_1674 = arith.constant 4 : i32
          %swap3A_1675 = arith.index_cast %swap3A_1673 : i32 to index
          %swap3A_1676 = arith.index_cast %add3A_1176 : i32 to index
          %swap3A_1677 = arith.index_cast %swap3A_1674 : i32 to index
          %swap3A_1678 = arith.constant 96 : index
          %swap3A_1679 = tpu.vector_load %arg8[%swap3A_1675, %swap3A_1676, %swap3A_1677, %swap3A_1678] {strides = array<i32>} : memref<2x16x8x128xf32, #tpu.memory_space<vmem>>, vector<16xf32>,
          tpu.vector_store %arg8[%swap3A_1675, %swap3A_1676, %swap3A_1677, %swap3A_1678], %gather3A_1512 {strides = array<i32>} : memref<2x16x8x128xf32, #tpu.memory_space<vmem>>, vector<16xf32>,
          %swap3A_1680 = arith.constant 0 : i32
          %swap3A_1681 = arith.constant 5 : i32
          %swap3A_1682 = arith.index_cast %swap3A_1680 : i32 to index
          %swap3A_1683 = arith.index_cast %add3A_1176 : i32 to index
          %swap3A_1684 = arith.index_cast %swap3A_1681 : i32 to index
          %swap3A_1685 = arith.constant 96 : index
          %swap3A_1686 = tpu.vector_load %arg8[%swap3A_1682, %swap3A_1683, %swap3A_1684, %swap3A_1685] {strides = array<i32>} : memref<2x16x8x128xf32, #tpu.memory_space<vmem>>, vector<16xf32>,
          tpu.vector_store %arg8[%swap3A_1682, %swap3A_1683, %swap3A_1684, %swap3A_1685], %gather3A_1513 {strides = array<i32>} : memref<2x16x8x128xf32, #tpu.memory_space<vmem>>, vector<16xf32>,
          %swap3A_1687 = arith.constant 0 : i32
          %swap3A_1688 = arith.constant 6 : i32
          %swap3A_1689 = arith.index_cast %swap3A_1687 : i32 to index
          %swap3A_1690 = arith.index_cast %add3A_1176 : i32 to index
          %swap3A_1691 = arith.index_cast %swap3A_1688 : i32 to index
          %swap3A_1692 = arith.constant 96 : index
          %swap3A_1693 = tpu.vector_load %arg8[%swap3A_1689, %swap3A_1690, %swap3A_1691, %swap3A_1692] {strides = array<i32>} : memref<2x16x8x128xf32, #tpu.memory_space<vmem>>, vector<16xf32>,
          tpu.vector_store %arg8[%swap3A_1689, %swap3A_1690, %swap3A_1691, %swap3A_1692], %gather3A_1514 {strides = array<i32>} : memref<2x16x8x128xf32, #tpu.memory_space<vmem>>, vector<16xf32>,
          %swap3A_1694 = arith.constant 0 : i32
          %swap3A_1695 = arith.constant 7 : i32
          %swap3A_1696 = arith.index_cast %swap3A_1694 : i32 to index
          %swap3A_1697 = arith.index_cast %add3A_1176 : i32 to index
          %swap3A_1698 = arith.index_cast %swap3A_1695 : i32 to index
          %swap3A_1699 = arith.constant 96 : index
          %swap3A_1700 = tpu.vector_load %arg8[%swap3A_1696, %swap3A_1697, %swap3A_1698, %swap3A_1699] {strides = array<i32>} : memref<2x16x8x128xf32, #tpu.memory_space<vmem>>, vector<16xf32>,
          tpu.vector_store %arg8[%swap3A_1696, %swap3A_1697, %swap3A_1698, %swap3A_1699], %gather3A_1515 {strides = array<i32>} : memref<2x16x8x128xf32, #tpu.memory_space<vmem>>, vector<16xf32>,
          %swap3A_1701 = arith.constant 0 : i32
          %swap3A_1702 = arith.constant 0 : i32
          %swap3A_1703 = arith.index_cast %swap3A_1701 : i32 to index
          %swap3A_1704 = arith.index_cast %add3A_1176 : i32 to index
          %swap3A_1705 = arith.index_cast %swap3A_1702 : i32 to index
          %swap3A_1706 = arith.constant 112 : index
          %swap3A_1707 = tpu.vector_load %arg8[%swap3A_1703, %swap3A_1704, %swap3A_1705, %swap3A_1706] {strides = array<i32>} : memref<2x16x8x128xf32, #tpu.memory_space<vmem>>, vector<16xf32>,
          tpu.vector_store %arg8[%swap3A_1703, %swap3A_1704, %swap3A_1705, %swap3A_1706], %gather3A_1525 {strides = array<i32>} : memref<2x16x8x128xf32, #tpu.memory_space<vmem>>, vector<16xf32>,
          %swap3A_1708 = arith.constant 0 : i32
          %swap3A_1709 = arith.constant 1 : i32
          %swap3A_1710 = arith.index_cast %swap3A_1708 : i32 to index
          %swap3A_1711 = arith.index_cast %add3A_1176 : i32 to index
          %swap3A_1712 = arith.index_cast %swap3A_1709 : i32 to index
          %swap3A_1713 = arith.constant 112 : index
          %swap3A_1714 = tpu.vector_load %arg8[%swap3A_1710, %swap3A_1711, %swap3A_1712, %swap3A_1713] {strides = array<i32>} : memref<2x16x8x128xf32, #tpu.memory_space<vmem>>, vector<16xf32>,
          tpu.vector_store %arg8[%swap3A_1710, %swap3A_1711, %swap3A_1712, %swap3A_1713], %gather3A_1526 {strides = array<i32>} : memref<2x16x8x128xf32, #tpu.memory_space<vmem>>, vector<16xf32>,
          %swap3A_1715 = arith.constant 0 : i32
          %swap3A_1716 = arith.constant 2 : i32
          %swap3A_1717 = arith.index_cast %swap3A_1715 : i32 to index
          %swap3A_1718 = arith.index_cast %add3A_1176 : i32 to index
          %swap3A_1719 = arith.index_cast %swap3A_1716 : i32 to index
          %swap3A_1720 = arith.constant 112 : index
          %swap3A_1721 = tpu.vector_load %arg8[%swap3A_1717, %swap3A_1718, %swap3A_1719, %swap3A_1720] {strides = array<i32>} : memref<2x16x8x128xf32, #tpu.memory_space<vmem>>, vector<16xf32>,
          tpu.vector_store %arg8[%swap3A_1717, %swap3A_1718, %swap3A_1719, %swap3A_1720], %gather3A_1527 {strides = array<i32>} : memref<2x16x8x128xf32, #tpu.memory_space<vmem>>, vector<16xf32>,
          %swap3A_1722 = arith.constant 0 : i32
          %swap3A_1723 = arith.constant 3 : i32
          %swap3A_1724 = arith.index_cast %swap3A_1722 : i32 to index
          %swap3A_1725 = arith.index_cast %add3A_1176 : i32 to index
          %swap3A_1726 = arith.index_cast %swap3A_1723 : i32 to index
          %swap3A_1727 = arith.constant 112 : index
          %swap3A_1728 = tpu.vector_load %arg8[%swap3A_1724, %swap3A_1725, %swap3A_1726, %swap3A_1727] {strides = array<i32>} : memref<2x16x8x128xf32, #tpu.memory_space<vmem>>, vector<16xf32>,
          tpu.vector_store %arg8[%swap3A_1724, %swap3A_1725, %swap3A_1726, %swap3A_1727], %gather3A_1528 {strides = array<i32>} : memref<2x16x8x128xf32, #tpu.memory_space<vmem>>, vector<16xf32>,
          %swap3A_1729 = arith.constant 0 : i32
          %swap3A_1730 = arith.constant 4 : i32
          %swap3A_1731 = arith.index_cast %swap3A_1729 : i32 to index
          %swap3A_1732 = arith.index_cast %add3A_1176 : i32 to index
          %swap3A_1733 = arith.index_cast %swap3A_1730 : i32 to index
          %swap3A_1734 = arith.constant 112 : index
          %swap3A_1735 = tpu.vector_load %arg8[%swap3A_1731, %swap3A_1732, %swap3A_1733, %swap3A_1734] {strides = array<i32>} : memref<2x16x8x128xf32, #tpu.memory_space<vmem>>, vector<16xf32>,
          tpu.vector_store %arg8[%swap3A_1731, %swap3A_1732, %swap3A_1733, %swap3A_1734], %gather3A_1529 {strides = array<i32>} : memref<2x16x8x128xf32, #tpu.memory_space<vmem>>, vector<16xf32>,
          %swap3A_1736 = arith.constant 0 : i32
          %swap3A_1737 = arith.constant 5 : i32
          %swap3A_1738 = arith.index_cast %swap3A_1736 : i32 to index
          %swap3A_1739 = arith.index_cast %add3A_1176 : i32 to index
          %swap3A_1740 = arith.index_cast %swap3A_1737 : i32 to index
          %swap3A_1741 = arith.constant 112 : index
          %swap3A_1742 = tpu.vector_load %arg8[%swap3A_1738, %swap3A_1739, %swap3A_1740, %swap3A_1741] {strides = array<i32>} : memref<2x16x8x128xf32, #tpu.memory_space<vmem>>, vector<16xf32>,
          tpu.vector_store %arg8[%swap3A_1738, %swap3A_1739, %swap3A_1740, %swap3A_1741], %gather3A_1530 {strides = array<i32>} : memref<2x16x8x128xf32, #tpu.memory_space<vmem>>, vector<16xf32>,
          %swap3A_1743 = arith.constant 0 : i32
          %swap3A_1744 = arith.constant 6 : i32
          %swap3A_1745 = arith.index_cast %swap3A_1743 : i32 to index
          %swap3A_1746 = arith.index_cast %add3A_1176 : i32 to index
          %swap3A_1747 = arith.index_cast %swap3A_1744 : i32 to index
          %swap3A_1748 = arith.constant 112 : index
          %swap3A_1749 = tpu.vector_load %arg8[%swap3A_1745, %swap3A_1746, %swap3A_1747, %swap3A_1748] {strides = array<i32>} : memref<2x16x8x128xf32, #tpu.memory_space<vmem>>, vector<16xf32>,
          tpu.vector_store %arg8[%swap3A_1745, %swap3A_1746, %swap3A_1747, %swap3A_1748], %gather3A_1531 {strides = array<i32>} : memref<2x16x8x128xf32, #tpu.memory_space<vmem>>, vector<16xf32>,
          %swap3A_1750 = arith.constant 0 : i32
          %swap3A_1751 = arith.constant 7 : i32
          %swap3A_1752 = arith.index_cast %swap3A_1750 : i32 to index
          %swap3A_1753 = arith.index_cast %add3A_1176 : i32 to index
          %swap3A_1754 = arith.index_cast %swap3A_1751 : i32 to index
          %swap3A_1755 = arith.constant 112 : index
          %swap3A_1756 = tpu.vector_load %arg8[%swap3A_1752, %swap3A_1753, %swap3A_1754, %swap3A_1755] {strides = array<i32>} : memref<2x16x8x128xf32, #tpu.memory_space<vmem>>, vector<16xf32>,
          tpu.vector_store %arg8[%swap3A_1752, %swap3A_1753, %swap3A_1754, %swap3A_1755], %gather3A_1532 {strides = array<i32>} : memref<2x16x8x128xf32, #tpu.memory_space<vmem>>, vector<16xf32>,
        }
        %scan3A_1055 = arith.constant 16 : i32
        %mul3A_1056 = arith.constant 8 : i32
        %mul3A_1057 = arith.muli %select_n3A, %mul3A_1056 : i32
        %add3A_1058 = arith.addi %mul3A_29, %mul3A_1057 : i32
        %add3A_1059 = arith.addi %add3A_1058, %add3A_962 : i32
        %mul3A_1060 = arith.constant 8 : i32
        %mul3A_1061 = arith.muli %add3A_1059, %mul3A_1060 : i32
        %add3A_1062 = arith.addi %mul3A_1061, %select_n3A_28 : i32
        %mul3A_1063 = arith.constant 16 : i32
        %mul3A_1064 = arith.muli %add3A_992, %mul3A_1063 : i32
        %dma_start3A_1065 = arith.constant 0 : i32
        %dma_start3A_1066 = arith.constant 0 : i32
        %dma_start3A_1067 = arith.constant 0 : i32
        %dma_start3A_1068 = arith.constant 0 : i32
        %dma_start3A_1069 = arith.constant 0 : i32
        %dma_start3A_1070 = tpu.memref_slice %arg8[%dma_start3A_1065, %dma_start3A_1067, %dma_start3A_1068, %dma_start3A_1069] : memref<2x16x8x128xf32, #tpu.memory_space<vmem>> -> memref<1x16x8x128xf32, #tpu.memory_space<vmem>>
        %dma_start3A_1071 = tpu.memref_squeeze %dma_start3A_1070 : memref<1x16x8x128xf32, #tpu.memory_space<vmem>> -> memref<16x8x128xf32, #tpu.memory_space<vmem>>
        %dma_start3A_1072 = arith.constant 0 : i32
        %dma_start3A_1073 = arith.constant 0 : i32
        %dma_start3A_1074 = tpu.memref_slice %arg4[%add3A_1062, %mul3A_1064, %dma_start3A_1072, %dma_start3A_1073] : memref<256x128x8x128xf32, #tpu.memory_space<hbm>> -> memref<1x16x8x128xf32, #tpu.memory_space<hbm>>
        %dma_start3A_1075 = tpu.memref_squeeze %dma_start3A_1074 : memref<1x16x8x128xf32, #tpu.memory_space<hbm>> -> memref<16x8x128xf32, #tpu.memory_space<hbm>>
        %dma_start3A_1076 = tpu.memref_slice %arg13[%dma_start3A_1066] : memref<2x!tpu.dma_semaphore, #tpu.memory_space<semaphore_mem>> -> memref<1x!tpu.dma_semaphore, #tpu.memory_space<semaphore_mem>>
        %dma_start3A_1077 = tpu.memref_squeeze %dma_start3A_1076 : memref<1x!tpu.dma_semaphore, #tpu.memory_space<semaphore_mem>> -> memref<!tpu.dma_semaphore, #tpu.memory_space<semaphore_mem>>
        %dma_start3A_1078 = arith.constant 0 : i32
        %dma_start3A_1079 = arith.constant 0 : i32
        %dma_start3A_1080 = tpu.memref_slice %arg4[%add3A_1062, %mul3A_1064, %dma_start3A_1078, %dma_start3A_1079] : memref<256x128x8x128xf32, #tpu.memory_space<hbm>> -> memref<1x16x8x128xf32, #tpu.memory_space<hbm>>
        %dma_start3A_1081 = tpu.memref_squeeze %dma_start3A_1080 : memref<1x16x8x128xf32, #tpu.memory_space<hbm>> -> memref<16x8x128xf32, #tpu.memory_space<hbm>>
        %dma_start3A_1082 = arith.constant 0 : i32
        %dma_start3A_1083 = arith.constant 0 : i32
        %dma_start3A_1084 = arith.constant 0 : i32
        %dma_start3A_1085 = tpu.memref_slice %arg8[%dma_start3A_1065, %dma_start3A_1082, %dma_start3A_1083, %dma_start3A_1084] : memref<2x16x8x128xf32, #tpu.memory_space<vmem>> -> memref<1x16x8x128xf32, #tpu.memory_space<vmem>>
        %dma_start3A_1086 = tpu.memref_squeeze %dma_start3A_1085 : memref<1x16x8x128xf32, #tpu.memory_space<vmem>> -> memref<16x8x128xf32, #tpu.memory_space<vmem>>
        tpu.enqueue_dma source(%dma_start3A_1086 : memref<16x8x128xf32, #tpu.memory_space<vmem>>) target(%dma_start3A_1081 : memref<16x8x128xf32, #tpu.memory_space<hbm>>) target_semaphore(%dma_start3A_1077 : memref<!tpu.dma_semaphore, #tpu.memory_space<semaphore_mem>>)
        %add3A_1087 = arith.constant 1 : i32
        %add3A_1088 = arith.addi %add3A_992, %add3A_1087 : i32
        %mul3A_1089 = arith.constant 8 : i32
        %mul3A_1090 = arith.muli %select_n3A, %mul3A_1089 : i32
        %add3A_1091 = arith.constant 0 : i32
        %add3A_1092 = arith.addi %mul3A_1090, %add3A_1091 : i32
        %dma_wait3A_1093 = arith.constant 1 : i32
        %dma_wait3A_1094 = arith.constant 1 : i32
        %dma_wait3A_1095 = arith.constant 0 : i32
        %dma_wait3A_1096 = arith.constant 0 : i32
        %dma_wait3A_1097 = tpu.memref_slice %arg7[%dma_wait3A_1093, %dma_wait3A_1095, %dma_wait3A_1096] : memref<2x16x128xi32, #tpu.memory_space<vmem>> -> memref<1x16x128xi32, #tpu.memory_space<vmem>>
        %dma_wait3A_1098 = tpu.memref_squeeze %dma_wait3A_1097 : memref<1x16x128xi32, #tpu.memory_space<vmem>> -> memref<16x128xi32, #tpu.memory_space<vmem>>
        %dma_wait3A_1099 = arith.constant 0 : i32
        %dma_wait3A_1100 = arith.constant 0 : i32
        %dma_wait3A_1101 = tpu.memref_slice %arg9[%add3A_1092, %dma_wait3A_1099, %dma_wait3A_1100] : memref<16x128x128xi32, #tpu.memory_space<vmem_shared>> -> memref<1x16x128xi32, #tpu.memory_space<vmem_shared>>
        %dma_wait3A_1102 = tpu.memref_squeeze %dma_wait3A_1101 : memref<1x16x128xi32, #tpu.memory_space<vmem_shared>> -> memref<16x128xi32, #tpu.memory_space<vmem_shared>>
        %dma_wait3A_1103 = tpu.memref_slice %arg12[%dma_wait3A_1094] : memref<2x!tpu.dma_semaphore, #tpu.memory_space<semaphore_mem>> -> memref<1x!tpu.dma_semaphore, #tpu.memory_space<semaphore_mem>>
        %dma_wait3A_1104 = tpu.memref_squeeze %dma_wait3A_1103 : memref<1x!tpu.dma_semaphore, #tpu.memory_space<semaphore_mem>> -> memref<!tpu.dma_semaphore, #tpu.memory_space<semaphore_mem>>
        %dma_wait3A_1105 = arith.constant 0 : i32
        %dma_wait3A_1106 = arith.constant 0 : i32
        %dma_wait3A_1107 = tpu.memref_slice %arg7[%dma_wait3A_1093, %dma_wait3A_1105, %dma_wait3A_1106] : memref<2x16x128xi32, #tpu.memory_space<vmem>> -> memref<1x16x128xi32, #tpu.memory_space<vmem>>
        %dma_wait3A_1108 = tpu.memref_squeeze %dma_wait3A_1107 : memref<1x16x128xi32, #tpu.memory_space<vmem>> -> memref<16x128xi32, #tpu.memory_space<vmem>>
        %dma_wait3A_1109 = arith.constant 0 : i32
        %dma_wait3A_1110 = arith.constant 0 : i32
        %dma_wait3A_1111 = tpu.memref_slice %arg9[%add3A_1092, %dma_wait3A_1109, %dma_wait3A_1110] : memref<16x128x128xi32, #tpu.memory_space<vmem_shared>> -> memref<1x16x128xi32, #tpu.memory_space<vmem_shared>>
        %dma_wait3A_1112 = tpu.memref_squeeze %dma_wait3A_1111 : memref<1x16x128xi32, #tpu.memory_space<vmem_shared>> -> memref<16x128xi32, #tpu.memory_space<vmem_shared>>
        tpu.wait_dma2 semaphore(%dma_wait3A_1104 : memref<!tpu.dma_semaphore, #tpu.memory_space<semaphore_mem>>) src(%dma_wait3A_1112 : memref<16x128xi32, #tpu.memory_space<vmem_shared>>) dst(%dma_wait3A_1108 : memref<16x128xi32, #tpu.memory_space<vmem>>)
        %add3A_1113 = arith.constant 2 : i32
        %add3A_1114 = arith.addi %add3A_992, %add3A_1113 : i32
        %lt3A_1115 = arith.constant 8 : i32
        %lt3A_1116 = arith.cmpi slt, %add3A_1114, %lt3A_1115 : i32
        %convert_element_type3A_1117 = arith.extui %lt3A_1116 : i1 to i32
        %cond3A_1118 = arith.constant 0 : i32
        %cond3A_1119 = arith.cmpi ne, %convert_element_type3A_1117, %cond3A_1118 : i32
        scf.if %cond3A_1119 {
          %add3A_1172 = arith.constant 2 : i32
          %add3A_1173 = arith.addi %add3A_992, %add3A_1172 : i32
          %mul3A_1174 = arith.constant 8 : i32
          %mul3A_1175 = arith.muli %select_n3A, %mul3A_1174 : i32
          %add3A_1176 = arith.addi %mul3A_1175, %add3A_962 : i32
          %mul3A_1177 = arith.constant 16 : i32
          %mul3A_1178 = arith.muli %add3A_1173, %mul3A_1177 : i32
          %dma_start3A_1179 = arith.constant 0 : i32
          %dma_start3A_1180 = arith.constant 0 : i32
          %dma_start3A_1181 = arith.constant 0 : i32
          %dma_start3A_1182 = arith.constant 0 : i32
          %dma_start3A_1183 = tpu.memref_slice %arg7[%dma_start3A_1179, %dma_start3A_1181, %dma_start3A_1182] : memref<2x16x128xi32, #tpu.memory_space<vmem>> -> memref<1x16x128xi32, #tpu.memory_space<vmem>>
          %dma_start3A_1184 = tpu.memref_squeeze %dma_start3A_1183 : memref<1x16x128xi32, #tpu.memory_space<vmem>> -> memref<16x128xi32, #tpu.memory_space<vmem>>
          %dma_start3A_1185 = arith.constant 0 : i32
          %dma_start3A_1186 = tpu.memref_slice %arg9[%add3A_1176, %mul3A_1178, %dma_start3A_1185] : memref<16x128x128xi32, #tpu.memory_space<vmem_shared>> -> memref<1x16x128xi32, #tpu.memory_space<vmem_shared>>
          %dma_start3A_1187 = tpu.memref_squeeze %dma_start3A_1186 : memref<1x16x128xi32, #tpu.memory_space<vmem_shared>> -> memref<16x128xi32, #tpu.memory_space<vmem_shared>>
          %dma_start3A_1188 = tpu.memref_slice %arg12[%dma_start3A_1180] : memref<2x!tpu.dma_semaphore, #tpu.memory_space<semaphore_mem>> -> memref<1x!tpu.dma_semaphore, #tpu.memory_space<semaphore_mem>>
          %dma_start3A_1189 = tpu.memref_squeeze %dma_start3A_1188 : memref<1x!tpu.dma_semaphore, #tpu.memory_space<semaphore_mem>> -> memref<!tpu.dma_semaphore, #tpu.memory_space<semaphore_mem>>
          %dma_start3A_1190 = arith.constant 0 : i32
          %dma_start3A_1191 = arith.constant 0 : i32
          %dma_start3A_1192 = tpu.memref_slice %arg7[%dma_start3A_1179, %dma_start3A_1190, %dma_start3A_1191] : memref<2x16x128xi32, #tpu.memory_space<vmem>> -> memref<1x16x128xi32, #tpu.memory_space<vmem>>
          %dma_start3A_1193 = tpu.memref_squeeze %dma_start3A_1192 : memref<1x16x128xi32, #tpu.memory_space<vmem>> -> memref<16x128xi32, #tpu.memory_space<vmem>>
          %dma_start3A_1194 = arith.constant 0 : i32
          %dma_start3A_1195 = tpu.memref_slice %arg9[%add3A_1176, %mul3A_1178, %dma_start3A_1194] : memref<16x128x128xi32, #tpu.memory_space<vmem_shared>> -> memref<1x16x128xi32, #tpu.memory_space<vmem_shared>>
          %dma_start3A_1196 = tpu.memref_squeeze %dma_start3A_1195 : memref<1x16x128xi32, #tpu.memory_space<vmem_shared>> -> memref<16x128xi32, #tpu.memory_space<vmem_shared>>
          tpu.enqueue_dma source(%dma_start3A_1196 : memref<16x128xi32, #tpu.memory_space<vmem_shared>>) target(%dma_start3A_1193 : memref<16x128xi32, #tpu.memory_space<vmem>>) target_semaphore(%dma_start3A_1189 : memref<!tpu.dma_semaphore, #tpu.memory_space<semaphore_mem>>)
        } else {
        }
        %add3A_1120 = arith.constant 2 : i32
        %add3A_1121 = arith.addi %add3A_992, %add3A_1120 : i32
        %ge3A = arith.constant 8 : i32
        %ge3A_1122 = arith.cmpi sge, %add3A_1121, %ge3A : i32
        %add3A_1123 = arith.constant 1 : i32
        %add3A_1124 = arith.addi %add3A_962, %add3A_1123 : i32
        %lt3A_1125 = arith.constant 8 : i32
        %lt3A_1126 = arith.cmpi slt, %add3A_1124, %lt3A_1125 : i32
        %and3A_1127 = arith.andi %ge3A_1122, %lt3A_1126 : i1
        %convert_element_type3A_1128 = arith.extui %and3A_1127 : i1 to i32
        %cond3A_1129 = arith.constant 0 : i32
        %cond3A_1130 = arith.cmpi ne, %convert_element_type3A_1128, %cond3A_1129 : i32
        scf.if %cond3A_1130 {
          %add3A_1172 = arith.constant 1 : i32
          %add3A_1173 = arith.addi %add3A_962, %add3A_1172 : i32
          %mul3A_1174 = arith.constant 8 : i32
          %mul3A_1175 = arith.muli %select_n3A, %mul3A_1174 : i32
          %add3A_1176 = arith.addi %mul3A_1175, %add3A_1173 : i32
          %dma_start3A_1177 = arith.constant 0 : i32
          %dma_start3A_1178 = arith.constant 0 : i32
          %dma_start3A_1179 = arith.constant 0 : i32
          %dma_start3A_1180 = arith.constant 0 : i32
          %dma_start3A_1181 = tpu.memref_slice %arg7[%dma_start3A_1177, %dma_start3A_1179, %dma_start3A_1180] : memref<2x16x128xi32, #tpu.memory_space<vmem>> -> memref<1x16x128xi32, #tpu.memory_space<vmem>>
          %dma_start3A_1182 = tpu.memref_squeeze %dma_start3A_1181 : memref<1x16x128xi32, #tpu.memory_space<vmem>> -> memref<16x128xi32, #tpu.memory_space<vmem>>
          %dma_start3A_1183 = arith.constant 0 : i32
          %dma_start3A_1184 = arith.constant 0 : i32
          %dma_start3A_1185 = tpu.memref_slice %arg9[%add3A_1176, %dma_start3A_1183, %dma_start3A_1184] : memref<16x128x128xi32, #tpu.memory_space<vmem_shared>> -> memref<1x16x128xi32, #tpu.memory_space<vmem_shared>>
          %dma_start3A_1186 = tpu.memref_squeeze %dma_start3A_1185 : memref<1x16x128xi32, #tpu.memory_space<vmem_shared>> -> memref<16x128xi32, #tpu.memory_space<vmem_shared>>
          %dma_start3A_1187 = tpu.memref_slice %arg12[%dma_start3A_1178] : memref<2x!tpu.dma_semaphore, #tpu.memory_space<semaphore_mem>> -> memref<1x!tpu.dma_semaphore, #tpu.memory_space<semaphore_mem>>
          %dma_start3A_1188 = tpu.memref_squeeze %dma_start3A_1187 : memref<1x!tpu.dma_semaphore, #tpu.memory_space<semaphore_mem>> -> memref<!tpu.dma_semaphore, #tpu.memory_space<semaphore_mem>>
          %dma_start3A_1189 = arith.constant 0 : i32
          %dma_start3A_1190 = arith.constant 0 : i32
          %dma_start3A_1191 = tpu.memref_slice %arg7[%dma_start3A_1177, %dma_start3A_1189, %dma_start3A_1190] : memref<2x16x128xi32, #tpu.memory_space<vmem>> -> memref<1x16x128xi32, #tpu.memory_space<vmem>>
          %dma_start3A_1192 = tpu.memref_squeeze %dma_start3A_1191 : memref<1x16x128xi32, #tpu.memory_space<vmem>> -> memref<16x128xi32, #tpu.memory_space<vmem>>
          %dma_start3A_1193 = arith.constant 0 : i32
          %dma_start3A_1194 = arith.constant 0 : i32
          %dma_start3A_1195 = tpu.memref_slice %arg9[%add3A_1176, %dma_start3A_1193, %dma_start3A_1194] : memref<16x128x128xi32, #tpu.memory_space<vmem_shared>> -> memref<1x16x128xi32, #tpu.memory_space<vmem_shared>>
          %dma_start3A_1196 = tpu.memref_squeeze %dma_start3A_1195 : memref<1x16x128xi32, #tpu.memory_space<vmem_shared>> -> memref<16x128xi32, #tpu.memory_space<vmem_shared>>
          tpu.enqueue_dma source(%dma_start3A_1196 : memref<16x128xi32, #tpu.memory_space<vmem_shared>>) target(%dma_start3A_1192 : memref<16x128xi32, #tpu.memory_space<vmem>>) target_semaphore(%dma_start3A_1188 : memref<!tpu.dma_semaphore, #tpu.memory_space<semaphore_mem>>)
        } else {
        }
        %not3A_1131 = arith.constant true
        %not3A_1132 = arith.xori %and3A_997, %not3A_1131 : i1
        %convert_element_type3A_1133 = arith.extui %not3A_1132 : i1 to i32
        %cond3A_1134 = arith.constant 0 : i32
        %cond3A_1135 = arith.cmpi ne, %convert_element_type3A_1133, %cond3A_1134 : i32
        scf.if %cond3A_1135 {
          %mul3A_1172 = arith.constant 8 : i32
          %mul3A_1173 = arith.muli %select_n3A, %mul3A_1172 : i32
          %add3A_1174 = arith.addi %mul3A_29, %mul3A_1173 : i32
          %add3A_1175 = arith.constant 0 : i32
          %add3A_1176 = arith.addi %add3A_1174, %add3A_1175 : i32
          %mul3A_1177 = arith.constant 8 : i32
          %mul3A_1178 = arith.muli %add3A_1176, %mul3A_1177 : i32
          %add3A_1179 = arith.addi %mul3A_1178, %select_n3A_28 : i32
          %dma_wait3A_1180 = arith.constant 1 : i32
          %dma_wait3A_1181 = arith.constant 1 : i32
          %dma_wait3A_1182 = arith.constant 0 : i32
          %dma_wait3A_1183 = arith.constant 0 : i32
          %dma_wait3A_1184 = arith.constant 0 : i32
          %dma_wait3A_1185 = tpu.memref_slice %arg8[%dma_wait3A_1180, %dma_wait3A_1182, %dma_wait3A_1183, %dma_wait3A_1184] : memref<2x16x8x128xf32, #tpu.memory_space<vmem>> -> memref<1x16x8x128xf32, #tpu.memory_space<vmem>>
          %dma_wait3A_1186 = tpu.memref_squeeze %dma_wait3A_1185 : memref<1x16x8x128xf32, #tpu.memory_space<vmem>> -> memref<16x8x128xf32, #tpu.memory_space<vmem>>
          %dma_wait3A_1187 = arith.constant 0 : i32
          %dma_wait3A_1188 = arith.constant 0 : i32
          %dma_wait3A_1189 = arith.constant 0 : i32
          %dma_wait3A_1190 = tpu.memref_slice %arg4[%add3A_1179, %dma_wait3A_1187, %dma_wait3A_1188, %dma_wait3A_1189] : memref<256x128x8x128xf32, #tpu.memory_space<hbm>> -> memref<1x16x8x128xf32, #tpu.memory_space<hbm>>
          %dma_wait3A_1191 = tpu.memref_squeeze %dma_wait3A_1190 : memref<1x16x8x128xf32, #tpu.memory_space<hbm>> -> memref<16x8x128xf32, #tpu.memory_space<hbm>>
          %dma_wait3A_1192 = tpu.memref_slice %arg13[%dma_wait3A_1181] : memref<2x!tpu.dma_semaphore, #tpu.memory_space<semaphore_mem>> -> memref<1x!tpu.dma_semaphore, #tpu.memory_space<semaphore_mem>>
          %dma_wait3A_1193 = tpu.memref_squeeze %dma_wait3A_1192 : memref<1x!tpu.dma_semaphore, #tpu.memory_space<semaphore_mem>> -> memref<!tpu.dma_semaphore, #tpu.memory_space<semaphore_mem>>
          %dma_wait3A_1194 = arith.constant 0 : i32
          %dma_wait3A_1195 = arith.constant 0 : i32
          %dma_wait3A_1196 = arith.constant 0 : i32
          %dma_wait3A_1197 = tpu.memref_slice %arg4[%add3A_1179, %dma_wait3A_1194, %dma_wait3A_1195, %dma_wait3A_1196] : memref<256x128x8x128xf32, #tpu.memory_space<hbm>> -> memref<1x16x8x128xf32, #tpu.memory_space<hbm>>
          %dma_wait3A_1198 = tpu.memref_squeeze %dma_wait3A_1197 : memref<1x16x8x128xf32, #tpu.memory_space<hbm>> -> memref<16x8x128xf32, #tpu.memory_space<hbm>>
          %dma_wait3A_1199 = arith.constant 0 : i32
          %dma_wait3A_1200 = arith.constant 0 : i32
          %dma_wait3A_1201 = arith.constant 0 : i32
          %dma_wait3A_1202 = tpu.memref_slice %arg8[%dma_wait3A_1180, %dma_wait3A_1199, %dma_wait3A_1200, %dma_wait3A_1201] : memref<2x16x8x128xf32, #tpu.memory_space<vmem>> -> memref<1x16x8x128xf32, #tpu.memory_space<vmem>>
          %dma_wait3A_1203 = tpu.memref_squeeze %dma_wait3A_1202 : memref<1x16x8x128xf32, #tpu.memory_space<vmem>> -> memref<16x8x128xf32, #tpu.memory_space<vmem>>
          tpu.wait_dma2 semaphore(%dma_wait3A_1193 : memref<!tpu.dma_semaphore, #tpu.memory_space<semaphore_mem>>) src(%dma_wait3A_1203 : memref<16x8x128xf32, #tpu.memory_space<vmem>>) dst(%dma_wait3A_1198 : memref<16x8x128xf32, #tpu.memory_space<hbm>>)
        } else {
        }
        %scan3A_1136 = arith.constant 0 : i32
        %scan3A_1137 = arith.constant 16 : i32
        %scan3A_1138 = arith.addi %scan3A_1136, %scan3A_1137 : i32
        %scan3A_1139 = arith.constant 1 : i32
        scf.for %scan3A_1172 = %scan3A_1136 to %scan3A_1138 step %scan3A_1139  : i32 {
          %mul3A_1173 = arith.constant 1 : i32
          %mul3A_1174 = arith.muli %scan3A_1172, %mul3A_1173 : i32
          %add3A_1175 = arith.constant 0 : i32
          %add3A_1176 = arith.addi %add3A_1175, %mul3A_1174 : i32
          %get3A = arith.constant 1 : i32
          %get3A_1177 = arith.index_cast %get3A : i32 to index
          %get3A_1178 = arith.index_cast %add3A_1176 : i32 to index
          %get3A_1179 = arith.constant 0 : index
          %get3A_1180 = tpu.vector_load %arg7[%get3A_1177, %get3A_1178, %get3A_1179] {strides = array<i32>} : memref<2x16x128xi32, #tpu.memory_space<vmem>>, vector<16xi32>,
          %shift_right_logical3A = arith.constant 7 : i32
          %shift_right_logical3A_1181 = vector.broadcast %shift_right_logical3A : i32 to vector<16xi32>
          %shift_right_logical3A_1182 = arith.shrui %get3A_1180, %shift_right_logical3A_1181 : vector<16xi32>
          %and3A_1183 = arith.andi %get3A_1180, %broadcast_in_dim3A_889 : vector<16xi32>
          %gather3A = tpu.vector_load_idx %arg6[%shift_right_logical3A_1182, %broadcast_in_dim3A_873, %and3A_1183] : memref<64x8x128xf32, #tpu.memory_space<vmem>>[vector<16xi32>, vector<16xi32>, vector<16xi32>], vector<16xf32>,
          %gather3A_1184 = tpu.vector_load_idx %arg6[%shift_right_logical3A_1182, %broadcast_in_dim3A_875, %and3A_1183] : memref<64x8x128xf32, #tpu.memory_space<vmem>>[vector<16xi32>, vector<16xi32>, vector<16xi32>], vector<16xf32>,
          %gather3A_1185 = tpu.vector_load_idx %arg6[%shift_right_logical3A_1182, %broadcast_in_dim3A_877, %and3A_1183] : memref<64x8x128xf32, #tpu.memory_space<vmem>>[vector<16xi32>, vector<16xi32>, vector<16xi32>], vector<16xf32>,
          %gather3A_1186 = tpu.vector_load_idx %arg6[%shift_right_logical3A_1182, %broadcast_in_dim3A_879, %and3A_1183] : memref<64x8x128xf32, #tpu.memory_space<vmem>>[vector<16xi32>, vector<16xi32>, vector<16xi32>], vector<16xf32>,
          %gather3A_1187 = tpu.vector_load_idx %arg6[%shift_right_logical3A_1182, %broadcast_in_dim3A_881, %and3A_1183] : memref<64x8x128xf32, #tpu.memory_space<vmem>>[vector<16xi32>, vector<16xi32>, vector<16xi32>], vector<16xf32>,
          %gather3A_1188 = tpu.vector_load_idx %arg6[%shift_right_logical3A_1182, %broadcast_in_dim3A_883, %and3A_1183] : memref<64x8x128xf32, #tpu.memory_space<vmem>>[vector<16xi32>, vector<16xi32>, vector<16xi32>], vector<16xf32>,
          %gather3A_1189 = tpu.vector_load_idx %arg6[%shift_right_logical3A_1182, %broadcast_in_dim3A_885, %and3A_1183] : memref<64x8x128xf32, #tpu.memory_space<vmem>>[vector<16xi32>, vector<16xi32>, vector<16xi32>], vector<16xf32>,
          %gather3A_1190 = tpu.vector_load_idx %arg6[%shift_right_logical3A_1182, %broadcast_in_dim3A_887, %and3A_1183] : memref<64x8x128xf32, #tpu.memory_space<vmem>>[vector<16xi32>, vector<16xi32>, vector<16xi32>], vector<16xf32>,
          %get3A_1191 = arith.constant 1 : i32
          %get3A_1192 = arith.index_cast %get3A_1191 : i32 to index
          %get3A_1193 = arith.index_cast %add3A_1176 : i32 to index
          %get3A_1194 = arith.constant 16 : index
          %get3A_1195 = tpu.vector_load %arg7[%get3A_1192, %get3A_1193, %get3A_1194] {strides = array<i32>} : memref<2x16x128xi32, #tpu.memory_space<vmem>>, vector<16xi32>,
          %shift_right_logical3A_1196 = arith.constant 7 : i32
          %shift_right_logical3A_1197 = vector.broadcast %shift_right_logical3A_1196 : i32 to vector<16xi32>
          %shift_right_logical3A_1198 = arith.shrui %get3A_1195, %shift_right_logical3A_1197 : vector<16xi32>
          %and3A_1199 = arith.andi %get3A_1195, %broadcast_in_dim3A_889 : vector<16xi32>
          %gather3A_1200 = tpu.vector_load_idx %arg6[%shift_right_logical3A_1198, %broadcast_in_dim3A_873, %and3A_1199] : memref<64x8x128xf32, #tpu.memory_space<vmem>>[vector<16xi32>, vector<16xi32>, vector<16xi32>], vector<16xf32>,
          %gather3A_1201 = tpu.vector_load_idx %arg6[%shift_right_logical3A_1198, %broadcast_in_dim3A_875, %and3A_1199] : memref<64x8x128xf32, #tpu.memory_space<vmem>>[vector<16xi32>, vector<16xi32>, vector<16xi32>], vector<16xf32>,
          %gather3A_1202 = tpu.vector_load_idx %arg6[%shift_right_logical3A_1198, %broadcast_in_dim3A_877, %and3A_1199] : memref<64x8x128xf32, #tpu.memory_space<vmem>>[vector<16xi32>, vector<16xi32>, vector<16xi32>], vector<16xf32>,
          %gather3A_1203 = tpu.vector_load_idx %arg6[%shift_right_logical3A_1198, %broadcast_in_dim3A_879, %and3A_1199] : memref<64x8x128xf32, #tpu.memory_space<vmem>>[vector<16xi32>, vector<16xi32>, vector<16xi32>], vector<16xf32>,
          %gather3A_1204 = tpu.vector_load_idx %arg6[%shift_right_logical3A_1198, %broadcast_in_dim3A_881, %and3A_1199] : memref<64x8x128xf32, #tpu.memory_space<vmem>>[vector<16xi32>, vector<16xi32>, vector<16xi32>], vector<16xf32>,
          %gather3A_1205 = tpu.vector_load_idx %arg6[%shift_right_logical3A_1198, %broadcast_in_dim3A_883, %and3A_1199] : memref<64x8x128xf32, #tpu.memory_space<vmem>>[vector<16xi32>, vector<16xi32>, vector<16xi32>], vector<16xf32>,
          %gather3A_1206 = tpu.vector_load_idx %arg6[%shift_right_logical3A_1198, %broadcast_in_dim3A_885, %and3A_1199] : memref<64x8x128xf32, #tpu.memory_space<vmem>>[vector<16xi32>, vector<16xi32>, vector<16xi32>], vector<16xf32>,
          %gather3A_1207 = tpu.vector_load_idx %arg6[%shift_right_logical3A_1198, %broadcast_in_dim3A_887, %and3A_1199] : memref<64x8x128xf32, #tpu.memory_space<vmem>>[vector<16xi32>, vector<16xi32>, vector<16xi32>], vector<16xf32>,
          %get3A_1208 = arith.constant 1 : i32
          %get3A_1209 = arith.index_cast %get3A_1208 : i32 to index
          %get3A_1210 = arith.index_cast %add3A_1176 : i32 to index
          %get3A_1211 = arith.constant 32 : index
          %get3A_1212 = tpu.vector_load %arg7[%get3A_1209, %get3A_1210, %get3A_1211] {strides = array<i32>} : memref<2x16x128xi32, #tpu.memory_space<vmem>>, vector<16xi32>,
          %shift_right_logical3A_1213 = arith.constant 7 : i32
          %shift_right_logical3A_1214 = vector.broadcast %shift_right_logical3A_1213 : i32 to vector<16xi32>
          %shift_right_logical3A_1215 = arith.shrui %get3A_1212, %shift_right_logical3A_1214 : vector<16xi32>
          %and3A_1216 = arith.andi %get3A_1212, %broadcast_in_dim3A_889 : vector<16xi32>
          %gather3A_1217 = tpu.vector_load_idx %arg6[%shift_right_logical3A_1215, %broadcast_in_dim3A_873, %and3A_1216] : memref<64x8x128xf32, #tpu.memory_space<vmem>>[vector<16xi32>, vector<16xi32>, vector<16xi32>], vector<16xf32>,
          %gather3A_1218 = tpu.vector_load_idx %arg6[%shift_right_logical3A_1215, %broadcast_in_dim3A_875, %and3A_1216] : memref<64x8x128xf32, #tpu.memory_space<vmem>>[vector<16xi32>, vector<16xi32>, vector<16xi32>], vector<16xf32>,
          %gather3A_1219 = tpu.vector_load_idx %arg6[%shift_right_logical3A_1215, %broadcast_in_dim3A_877, %and3A_1216] : memref<64x8x128xf32, #tpu.memory_space<vmem>>[vector<16xi32>, vector<16xi32>, vector<16xi32>], vector<16xf32>,
          %gather3A_1220 = tpu.vector_load_idx %arg6[%shift_right_logical3A_1215, %broadcast_in_dim3A_879, %and3A_1216] : memref<64x8x128xf32, #tpu.memory_space<vmem>>[vector<16xi32>, vector<16xi32>, vector<16xi32>], vector<16xf32>,
          %gather3A_1221 = tpu.vector_load_idx %arg6[%shift_right_logical3A_1215, %broadcast_in_dim3A_881, %and3A_1216] : memref<64x8x128xf32, #tpu.memory_space<vmem>>[vector<16xi32>, vector<16xi32>, vector<16xi32>], vector<16xf32>,
          %gather3A_1222 = tpu.vector_load_idx %arg6[%shift_right_logical3A_1215, %broadcast_in_dim3A_883, %and3A_1216] : memref<64x8x128xf32, #tpu.memory_space<vmem>>[vector<16xi32>, vector<16xi32>, vector<16xi32>], vector<16xf32>,
          %gather3A_1223 = tpu.vector_load_idx %arg6[%shift_right_logical3A_1215, %broadcast_in_dim3A_885, %and3A_1216] : memref<64x8x128xf32, #tpu.memory_space<vmem>>[vector<16xi32>, vector<16xi32>, vector<16xi32>], vector<16xf32>,
          %gather3A_1224 = tpu.vector_load_idx %arg6[%shift_right_logical3A_1215, %broadcast_in_dim3A_887, %and3A_1216] : memref<64x8x128xf32, #tpu.memory_space<vmem>>[vector<16xi32>, vector<16xi32>, vector<16xi32>], vector<16xf32>,
          %get3A_1225 = arith.constant 1 : i32
          %get3A_1226 = arith.index_cast %get3A_1225 : i32 to index
          %get3A_1227 = arith.index_cast %add3A_1176 : i32 to index
          %get3A_1228 = arith.constant 48 : index
          %get3A_1229 = tpu.vector_load %arg7[%get3A_1226, %get3A_1227, %get3A_1228] {strides = array<i32>} : memref<2x16x128xi32, #tpu.memory_space<vmem>>, vector<16xi32>,
          %shift_right_logical3A_1230 = arith.constant 7 : i32
          %shift_right_logical3A_1231 = vector.broadcast %shift_right_logical3A_1230 : i32 to vector<16xi32>
          %shift_right_logical3A_1232 = arith.shrui %get3A_1229, %shift_right_logical3A_1231 : vector<16xi32>
          %and3A_1233 = arith.andi %get3A_1229, %broadcast_in_dim3A_889 : vector<16xi32>
          %gather3A_1234 = tpu.vector_load_idx %arg6[%shift_right_logical3A_1232, %broadcast_in_dim3A_873, %and3A_1233] : memref<64x8x128xf32, #tpu.memory_space<vmem>>[vector<16xi32>, vector<16xi32>, vector<16xi32>], vector<16xf32>,
          %gather3A_1235 = tpu.vector_load_idx %arg6[%shift_right_logical3A_1232, %broadcast_in_dim3A_875, %and3A_1233] : memref<64x8x128xf32, #tpu.memory_space<vmem>>[vector<16xi32>, vector<16xi32>, vector<16xi32>], vector<16xf32>,
          %gather3A_1236 = tpu.vector_load_idx %arg6[%shift_right_logical3A_1232, %broadcast_in_dim3A_877, %and3A_1233] : memref<64x8x128xf32, #tpu.memory_space<vmem>>[vector<16xi32>, vector<16xi32>, vector<16xi32>], vector<16xf32>,
          %gather3A_1237 = tpu.vector_load_idx %arg6[%shift_right_logical3A_1232, %broadcast_in_dim3A_879, %and3A_1233] : memref<64x8x128xf32, #tpu.memory_space<vmem>>[vector<16xi32>, vector<16xi32>, vector<16xi32>], vector<16xf32>,
          %gather3A_1238 = tpu.vector_load_idx %arg6[%shift_right_logical3A_1232, %broadcast_in_dim3A_881, %and3A_1233] : memref<64x8x128xf32, #tpu.memory_space<vmem>>[vector<16xi32>, vector<16xi32>, vector<16xi32>], vector<16xf32>,
          %gather3A_1239 = tpu.vector_load_idx %arg6[%shift_right_logical3A_1232, %broadcast_in_dim3A_883, %and3A_1233] : memref<64x8x128xf32, #tpu.memory_space<vmem>>[vector<16xi32>, vector<16xi32>, vector<16xi32>], vector<16xf32>,
          %gather3A_1240 = tpu.vector_load_idx %arg6[%shift_right_logical3A_1232, %broadcast_in_dim3A_885, %and3A_1233] : memref<64x8x128xf32, #tpu.memory_space<vmem>>[vector<16xi32>, vector<16xi32>, vector<16xi32>], vector<16xf32>,
          %gather3A_1241 = tpu.vector_load_idx %arg6[%shift_right_logical3A_1232, %broadcast_in_dim3A_887, %and3A_1233] : memref<64x8x128xf32, #tpu.memory_space<vmem>>[vector<16xi32>, vector<16xi32>, vector<16xi32>], vector<16xf32>,
          %swap3A = arith.constant 1 : i32
          %swap3A_1242 = arith.constant 0 : i32
          %swap3A_1243 = arith.index_cast %swap3A : i32 to index
          %swap3A_1244 = arith.index_cast %add3A_1176 : i32 to index
          %swap3A_1245 = arith.index_cast %swap3A_1242 : i32 to index
          %swap3A_1246 = arith.constant 0 : index
          %swap3A_1247 = tpu.vector_load %arg8[%swap3A_1243, %swap3A_1244, %swap3A_1245, %swap3A_1246] {strides = array<i32>} : memref<2x16x8x128xf32, #tpu.memory_space<vmem>>, vector<16xf32>,
          tpu.vector_store %arg8[%swap3A_1243, %swap3A_1244, %swap3A_1245, %swap3A_1246], %gather3A {strides = array<i32>} : memref<2x16x8x128xf32, #tpu.memory_space<vmem>>, vector<16xf32>,
          %swap3A_1248 = arith.constant 1 : i32
          %swap3A_1249 = arith.constant 1 : i32
          %swap3A_1250 = arith.index_cast %swap3A_1248 : i32 to index
          %swap3A_1251 = arith.index_cast %add3A_1176 : i32 to index
          %swap3A_1252 = arith.index_cast %swap3A_1249 : i32 to index
          %swap3A_1253 = arith.constant 0 : index
          %swap3A_1254 = tpu.vector_load %arg8[%swap3A_1250, %swap3A_1251, %swap3A_1252, %swap3A_1253] {strides = array<i32>} : memref<2x16x8x128xf32, #tpu.memory_space<vmem>>, vector<16xf32>,
          tpu.vector_store %arg8[%swap3A_1250, %swap3A_1251, %swap3A_1252, %swap3A_1253], %gather3A_1184 {strides = array<i32>} : memref<2x16x8x128xf32, #tpu.memory_space<vmem>>, vector<16xf32>,
          %swap3A_1255 = arith.constant 1 : i32
          %swap3A_1256 = arith.constant 2 : i32
          %swap3A_1257 = arith.index_cast %swap3A_1255 : i32 to index
          %swap3A_1258 = arith.index_cast %add3A_1176 : i32 to index
          %swap3A_1259 = arith.index_cast %swap3A_1256 : i32 to index
          %swap3A_1260 = arith.constant 0 : index
          %swap3A_1261 = tpu.vector_load %arg8[%swap3A_1257, %swap3A_1258, %swap3A_1259, %swap3A_1260] {strides = array<i32>} : memref<2x16x8x128xf32, #tpu.memory_space<vmem>>, vector<16xf32>,
          tpu.vector_store %arg8[%swap3A_1257, %swap3A_1258, %swap3A_1259, %swap3A_1260], %gather3A_1185 {strides = array<i32>} : memref<2x16x8x128xf32, #tpu.memory_space<vmem>>, vector<16xf32>,
          %swap3A_1262 = arith.constant 1 : i32
          %swap3A_1263 = arith.constant 3 : i32
          %swap3A_1264 = arith.index_cast %swap3A_1262 : i32 to index
          %swap3A_1265 = arith.index_cast %add3A_1176 : i32 to index
          %swap3A_1266 = arith.index_cast %swap3A_1263 : i32 to index
          %swap3A_1267 = arith.constant 0 : index
          %swap3A_1268 = tpu.vector_load %arg8[%swap3A_1264, %swap3A_1265, %swap3A_1266, %swap3A_1267] {strides = array<i32>} : memref<2x16x8x128xf32, #tpu.memory_space<vmem>>, vector<16xf32>,
          tpu.vector_store %arg8[%swap3A_1264, %swap3A_1265, %swap3A_1266, %swap3A_1267], %gather3A_1186 {strides = array<i32>} : memref<2x16x8x128xf32, #tpu.memory_space<vmem>>, vector<16xf32>,
          %swap3A_1269 = arith.constant 1 : i32
          %swap3A_1270 = arith.constant 4 : i32
          %swap3A_1271 = arith.index_cast %swap3A_1269 : i32 to index
          %swap3A_1272 = arith.index_cast %add3A_1176 : i32 to index
          %swap3A_1273 = arith.index_cast %swap3A_1270 : i32 to index
          %swap3A_1274 = arith.constant 0 : index
          %swap3A_1275 = tpu.vector_load %arg8[%swap3A_1271, %swap3A_1272, %swap3A_1273, %swap3A_1274] {strides = array<i32>} : memref<2x16x8x128xf32, #tpu.memory_space<vmem>>, vector<16xf32>,
          tpu.vector_store %arg8[%swap3A_1271, %swap3A_1272, %swap3A_1273, %swap3A_1274], %gather3A_1187 {strides = array<i32>} : memref<2x16x8x128xf32, #tpu.memory_space<vmem>>, vector<16xf32>,
          %swap3A_1276 = arith.constant 1 : i32
          %swap3A_1277 = arith.constant 5 : i32
          %swap3A_1278 = arith.index_cast %swap3A_1276 : i32 to index
          %swap3A_1279 = arith.index_cast %add3A_1176 : i32 to index
          %swap3A_1280 = arith.index_cast %swap3A_1277 : i32 to index
          %swap3A_1281 = arith.constant 0 : index
          %swap3A_1282 = tpu.vector_load %arg8[%swap3A_1278, %swap3A_1279, %swap3A_1280, %swap3A_1281] {strides = array<i32>} : memref<2x16x8x128xf32, #tpu.memory_space<vmem>>, vector<16xf32>,
          tpu.vector_store %arg8[%swap3A_1278, %swap3A_1279, %swap3A_1280, %swap3A_1281], %gather3A_1188 {strides = array<i32>} : memref<2x16x8x128xf32, #tpu.memory_space<vmem>>, vector<16xf32>,
          %swap3A_1283 = arith.constant 1 : i32
          %swap3A_1284 = arith.constant 6 : i32
          %swap3A_1285 = arith.index_cast %swap3A_1283 : i32 to index
          %swap3A_1286 = arith.index_cast %add3A_1176 : i32 to index
          %swap3A_1287 = arith.index_cast %swap3A_1284 : i32 to index
          %swap3A_1288 = arith.constant 0 : index
          %swap3A_1289 = tpu.vector_load %arg8[%swap3A_1285, %swap3A_1286, %swap3A_1287, %swap3A_1288] {strides = array<i32>} : memref<2x16x8x128xf32, #tpu.memory_space<vmem>>, vector<16xf32>,
          tpu.vector_store %arg8[%swap3A_1285, %swap3A_1286, %swap3A_1287, %swap3A_1288], %gather3A_1189 {strides = array<i32>} : memref<2x16x8x128xf32, #tpu.memory_space<vmem>>, vector<16xf32>,
          %swap3A_1290 = arith.constant 1 : i32
          %swap3A_1291 = arith.constant 7 : i32
          %swap3A_1292 = arith.index_cast %swap3A_1290 : i32 to index
          %swap3A_1293 = arith.index_cast %add3A_1176 : i32 to index
          %swap3A_1294 = arith.index_cast %swap3A_1291 : i32 to index
          %swap3A_1295 = arith.constant 0 : index
          %swap3A_1296 = tpu.vector_load %arg8[%swap3A_1292, %swap3A_1293, %swap3A_1294, %swap3A_1295] {strides = array<i32>} : memref<2x16x8x128xf32, #tpu.memory_space<vmem>>, vector<16xf32>,
          tpu.vector_store %arg8[%swap3A_1292, %swap3A_1293, %swap3A_1294, %swap3A_1295], %gather3A_1190 {strides = array<i32>} : memref<2x16x8x128xf32, #tpu.memory_space<vmem>>, vector<16xf32>,
          %swap3A_1297 = arith.constant 1 : i32
          %swap3A_1298 = arith.constant 0 : i32
          %swap3A_1299 = arith.index_cast %swap3A_1297 : i32 to index
          %swap3A_1300 = arith.index_cast %add3A_1176 : i32 to index
          %swap3A_1301 = arith.index_cast %swap3A_1298 : i32 to index
          %swap3A_1302 = arith.constant 16 : index
          %swap3A_1303 = tpu.vector_load %arg8[%swap3A_1299, %swap3A_1300, %swap3A_1301, %swap3A_1302] {strides = array<i32>} : memref<2x16x8x128xf32, #tpu.memory_space<vmem>>, vector<16xf32>,
          tpu.vector_store %arg8[%swap3A_1299, %swap3A_1300, %swap3A_1301, %swap3A_1302], %gather3A_1200 {strides = array<i32>} : memref<2x16x8x128xf32, #tpu.memory_space<vmem>>, vector<16xf32>,
          %swap3A_1304 = arith.constant 1 : i32
          %swap3A_1305 = arith.constant 1 : i32
          %swap3A_1306 = arith.index_cast %swap3A_1304 : i32 to index
          %swap3A_1307 = arith.index_cast %add3A_1176 : i32 to index
          %swap3A_1308 = arith.index_cast %swap3A_1305 : i32 to index
          %swap3A_1309 = arith.constant 16 : index
          %swap3A_1310 = tpu.vector_load %arg8[%swap3A_1306, %swap3A_1307, %swap3A_1308, %swap3A_1309] {strides = array<i32>} : memref<2x16x8x128xf32, #tpu.memory_space<vmem>>, vector<16xf32>,
          tpu.vector_store %arg8[%swap3A_1306, %swap3A_1307, %swap3A_1308, %swap3A_1309], %gather3A_1201 {strides = array<i32>} : memref<2x16x8x128xf32, #tpu.memory_space<vmem>>, vector<16xf32>,
          %swap3A_1311 = arith.constant 1 : i32
          %swap3A_1312 = arith.constant 2 : i32
          %swap3A_1313 = arith.index_cast %swap3A_1311 : i32 to index
          %swap3A_1314 = arith.index_cast %add3A_1176 : i32 to index
          %swap3A_1315 = arith.index_cast %swap3A_1312 : i32 to index
          %swap3A_1316 = arith.constant 16 : index
          %swap3A_1317 = tpu.vector_load %arg8[%swap3A_1313, %swap3A_1314, %swap3A_1315, %swap3A_1316] {strides = array<i32>} : memref<2x16x8x128xf32, #tpu.memory_space<vmem>>, vector<16xf32>,
          tpu.vector_store %arg8[%swap3A_1313, %swap3A_1314, %swap3A_1315, %swap3A_1316], %gather3A_1202 {strides = array<i32>} : memref<2x16x8x128xf32, #tpu.memory_space<vmem>>, vector<16xf32>,
          %swap3A_1318 = arith.constant 1 : i32
          %swap3A_1319 = arith.constant 3 : i32
          %swap3A_1320 = arith.index_cast %swap3A_1318 : i32 to index
          %swap3A_1321 = arith.index_cast %add3A_1176 : i32 to index
          %swap3A_1322 = arith.index_cast %swap3A_1319 : i32 to index
          %swap3A_1323 = arith.constant 16 : index
          %swap3A_1324 = tpu.vector_load %arg8[%swap3A_1320, %swap3A_1321, %swap3A_1322, %swap3A_1323] {strides = array<i32>} : memref<2x16x8x128xf32, #tpu.memory_space<vmem>>, vector<16xf32>,
          tpu.vector_store %arg8[%swap3A_1320, %swap3A_1321, %swap3A_1322, %swap3A_1323], %gather3A_1203 {strides = array<i32>} : memref<2x16x8x128xf32, #tpu.memory_space<vmem>>, vector<16xf32>,
          %swap3A_1325 = arith.constant 1 : i32
          %swap3A_1326 = arith.constant 4 : i32
          %swap3A_1327 = arith.index_cast %swap3A_1325 : i32 to index
          %swap3A_1328 = arith.index_cast %add3A_1176 : i32 to index
          %swap3A_1329 = arith.index_cast %swap3A_1326 : i32 to index
          %swap3A_1330 = arith.constant 16 : index
          %swap3A_1331 = tpu.vector_load %arg8[%swap3A_1327, %swap3A_1328, %swap3A_1329, %swap3A_1330] {strides = array<i32>} : memref<2x16x8x128xf32, #tpu.memory_space<vmem>>, vector<16xf32>,
          tpu.vector_store %arg8[%swap3A_1327, %swap3A_1328, %swap3A_1329, %swap3A_1330], %gather3A_1204 {strides = array<i32>} : memref<2x16x8x128xf32, #tpu.memory_space<vmem>>, vector<16xf32>,
          %swap3A_1332 = arith.constant 1 : i32
          %swap3A_1333 = arith.constant 5 : i32
          %swap3A_1334 = arith.index_cast %swap3A_1332 : i32 to index
          %swap3A_1335 = arith.index_cast %add3A_1176 : i32 to index
          %swap3A_1336 = arith.index_cast %swap3A_1333 : i32 to index
          %swap3A_1337 = arith.constant 16 : index
          %swap3A_1338 = tpu.vector_load %arg8[%swap3A_1334, %swap3A_1335, %swap3A_1336, %swap3A_1337] {strides = array<i32>} : memref<2x16x8x128xf32, #tpu.memory_space<vmem>>, vector<16xf32>,
          tpu.vector_store %arg8[%swap3A_1334, %swap3A_1335, %swap3A_1336, %swap3A_1337], %gather3A_1205 {strides = array<i32>} : memref<2x16x8x128xf32, #tpu.memory_space<vmem>>, vector<16xf32>,
          %swap3A_1339 = arith.constant 1 : i32
          %swap3A_1340 = arith.constant 6 : i32
          %swap3A_1341 = arith.index_cast %swap3A_1339 : i32 to index
          %swap3A_1342 = arith.index_cast %add3A_1176 : i32 to index
          %swap3A_1343 = arith.index_cast %swap3A_1340 : i32 to index
          %swap3A_1344 = arith.constant 16 : index
          %swap3A_1345 = tpu.vector_load %arg8[%swap3A_1341, %swap3A_1342, %swap3A_1343, %swap3A_1344] {strides = array<i32>} : memref<2x16x8x128xf32, #tpu.memory_space<vmem>>, vector<16xf32>,
          tpu.vector_store %arg8[%swap3A_1341, %swap3A_1342, %swap3A_1343, %swap3A_1344], %gather3A_1206 {strides = array<i32>} : memref<2x16x8x128xf32, #tpu.memory_space<vmem>>, vector<16xf32>,
          %swap3A_1346 = arith.constant 1 : i32
          %swap3A_1347 = arith.constant 7 : i32
          %swap3A_1348 = arith.index_cast %swap3A_1346 : i32 to index
          %swap3A_1349 = arith.index_cast %add3A_1176 : i32 to index
          %swap3A_1350 = arith.index_cast %swap3A_1347 : i32 to index
          %swap3A_1351 = arith.constant 16 : index
          %swap3A_1352 = tpu.vector_load %arg8[%swap3A_1348, %swap3A_1349, %swap3A_1350, %swap3A_1351] {strides = array<i32>} : memref<2x16x8x128xf32, #tpu.memory_space<vmem>>, vector<16xf32>,
          tpu.vector_store %arg8[%swap3A_1348, %swap3A_1349, %swap3A_1350, %swap3A_1351], %gather3A_1207 {strides = array<i32>} : memref<2x16x8x128xf32, #tpu.memory_space<vmem>>, vector<16xf32>,
          %get3A_1353 = arith.constant 1 : i32
          %get3A_1354 = arith.index_cast %get3A_1353 : i32 to index
          %get3A_1355 = arith.index_cast %add3A_1176 : i32 to index
          %get3A_1356 = arith.constant 64 : index
          %get3A_1357 = tpu.vector_load %arg7[%get3A_1354, %get3A_1355, %get3A_1356] {strides = array<i32>} : memref<2x16x128xi32, #tpu.memory_space<vmem>>, vector<16xi32>,
          %shift_right_logical3A_1358 = arith.constant 7 : i32
          %shift_right_logical3A_1359 = vector.broadcast %shift_right_logical3A_1358 : i32 to vector<16xi32>
          %shift_right_logical3A_1360 = arith.shrui %get3A_1357, %shift_right_logical3A_1359 : vector<16xi32>
          %and3A_1361 = arith.andi %get3A_1357, %broadcast_in_dim3A_889 : vector<16xi32>
          %gather3A_1362 = tpu.vector_load_idx %arg6[%shift_right_logical3A_1360, %broadcast_in_dim3A_873, %and3A_1361] : memref<64x8x128xf32, #tpu.memory_space<vmem>>[vector<16xi32>, vector<16xi32>, vector<16xi32>], vector<16xf32>,
          %gather3A_1363 = tpu.vector_load_idx %arg6[%shift_right_logical3A_1360, %broadcast_in_dim3A_875, %and3A_1361] : memref<64x8x128xf32, #tpu.memory_space<vmem>>[vector<16xi32>, vector<16xi32>, vector<16xi32>], vector<16xf32>,
          %gather3A_1364 = tpu.vector_load_idx %arg6[%shift_right_logical3A_1360, %broadcast_in_dim3A_877, %and3A_1361] : memref<64x8x128xf32, #tpu.memory_space<vmem>>[vector<16xi32>, vector<16xi32>, vector<16xi32>], vector<16xf32>,
          %gather3A_1365 = tpu.vector_load_idx %arg6[%shift_right_logical3A_1360, %broadcast_in_dim3A_879, %and3A_1361] : memref<64x8x128xf32, #tpu.memory_space<vmem>>[vector<16xi32>, vector<16xi32>, vector<16xi32>], vector<16xf32>,
          %gather3A_1366 = tpu.vector_load_idx %arg6[%shift_right_logical3A_1360, %broadcast_in_dim3A_881, %and3A_1361] : memref<64x8x128xf32, #tpu.memory_space<vmem>>[vector<16xi32>, vector<16xi32>, vector<16xi32>], vector<16xf32>,
          %gather3A_1367 = tpu.vector_load_idx %arg6[%shift_right_logical3A_1360, %broadcast_in_dim3A_883, %and3A_1361] : memref<64x8x128xf32, #tpu.memory_space<vmem>>[vector<16xi32>, vector<16xi32>, vector<16xi32>], vector<16xf32>,
          %gather3A_1368 = tpu.vector_load_idx %arg6[%shift_right_logical3A_1360, %broadcast_in_dim3A_885, %and3A_1361] : memref<64x8x128xf32, #tpu.memory_space<vmem>>[vector<16xi32>, vector<16xi32>, vector<16xi32>], vector<16xf32>,
          %gather3A_1369 = tpu.vector_load_idx %arg6[%shift_right_logical3A_1360, %broadcast_in_dim3A_887, %and3A_1361] : memref<64x8x128xf32, #tpu.memory_space<vmem>>[vector<16xi32>, vector<16xi32>, vector<16xi32>], vector<16xf32>,
          %get3A_1370 = arith.constant 1 : i32
          %get3A_1371 = arith.index_cast %get3A_1370 : i32 to index
          %get3A_1372 = arith.index_cast %add3A_1176 : i32 to index
          %get3A_1373 = arith.constant 80 : index
          %get3A_1374 = tpu.vector_load %arg7[%get3A_1371, %get3A_1372, %get3A_1373] {strides = array<i32>} : memref<2x16x128xi32, #tpu.memory_space<vmem>>, vector<16xi32>,
          %shift_right_logical3A_1375 = arith.constant 7 : i32
          %shift_right_logical3A_1376 = vector.broadcast %shift_right_logical3A_1375 : i32 to vector<16xi32>
          %shift_right_logical3A_1377 = arith.shrui %get3A_1374, %shift_right_logical3A_1376 : vector<16xi32>
          %and3A_1378 = arith.andi %get3A_1374, %broadcast_in_dim3A_889 : vector<16xi32>
          %gather3A_1379 = tpu.vector_load_idx %arg6[%shift_right_logical3A_1377, %broadcast_in_dim3A_873, %and3A_1378] : memref<64x8x128xf32, #tpu.memory_space<vmem>>[vector<16xi32>, vector<16xi32>, vector<16xi32>], vector<16xf32>,
          %gather3A_1380 = tpu.vector_load_idx %arg6[%shift_right_logical3A_1377, %broadcast_in_dim3A_875, %and3A_1378] : memref<64x8x128xf32, #tpu.memory_space<vmem>>[vector<16xi32>, vector<16xi32>, vector<16xi32>], vector<16xf32>,
          %gather3A_1381 = tpu.vector_load_idx %arg6[%shift_right_logical3A_1377, %broadcast_in_dim3A_877, %and3A_1378] : memref<64x8x128xf32, #tpu.memory_space<vmem>>[vector<16xi32>, vector<16xi32>, vector<16xi32>], vector<16xf32>,
          %gather3A_1382 = tpu.vector_load_idx %arg6[%shift_right_logical3A_1377, %broadcast_in_dim3A_879, %and3A_1378] : memref<64x8x128xf32, #tpu.memory_space<vmem>>[vector<16xi32>, vector<16xi32>, vector<16xi32>], vector<16xf32>,
          %gather3A_1383 = tpu.vector_load_idx %arg6[%shift_right_logical3A_1377, %broadcast_in_dim3A_881, %and3A_1378] : memref<64x8x128xf32, #tpu.memory_space<vmem>>[vector<16xi32>, vector<16xi32>, vector<16xi32>], vector<16xf32>,
          %gather3A_1384 = tpu.vector_load_idx %arg6[%shift_right_logical3A_1377, %broadcast_in_dim3A_883, %and3A_1378] : memref<64x8x128xf32, #tpu.memory_space<vmem>>[vector<16xi32>, vector<16xi32>, vector<16xi32>], vector<16xf32>,
          %gather3A_1385 = tpu.vector_load_idx %arg6[%shift_right_logical3A_1377, %broadcast_in_dim3A_885, %and3A_1378] : memref<64x8x128xf32, #tpu.memory_space<vmem>>[vector<16xi32>, vector<16xi32>, vector<16xi32>], vector<16xf32>,
          %gather3A_1386 = tpu.vector_load_idx %arg6[%shift_right_logical3A_1377, %broadcast_in_dim3A_887, %and3A_1378] : memref<64x8x128xf32, #tpu.memory_space<vmem>>[vector<16xi32>, vector<16xi32>, vector<16xi32>], vector<16xf32>,
          %swap3A_1387 = arith.constant 1 : i32
          %swap3A_1388 = arith.constant 0 : i32
          %swap3A_1389 = arith.index_cast %swap3A_1387 : i32 to index
          %swap3A_1390 = arith.index_cast %add3A_1176 : i32 to index
          %swap3A_1391 = arith.index_cast %swap3A_1388 : i32 to index
          %swap3A_1392 = arith.constant 32 : index
          %swap3A_1393 = tpu.vector_load %arg8[%swap3A_1389, %swap3A_1390, %swap3A_1391, %swap3A_1392] {strides = array<i32>} : memref<2x16x8x128xf32, #tpu.memory_space<vmem>>, vector<16xf32>,
          tpu.vector_store %arg8[%swap3A_1389, %swap3A_1390, %swap3A_1391, %swap3A_1392], %gather3A_1217 {strides = array<i32>} : memref<2x16x8x128xf32, #tpu.memory_space<vmem>>, vector<16xf32>,
          %swap3A_1394 = arith.constant 1 : i32
          %swap3A_1395 = arith.constant 1 : i32
          %swap3A_1396 = arith.index_cast %swap3A_1394 : i32 to index
          %swap3A_1397 = arith.index_cast %add3A_1176 : i32 to index
          %swap3A_1398 = arith.index_cast %swap3A_1395 : i32 to index
          %swap3A_1399 = arith.constant 32 : index
          %swap3A_1400 = tpu.vector_load %arg8[%swap3A_1396, %swap3A_1397, %swap3A_1398, %swap3A_1399] {strides = array<i32>} : memref<2x16x8x128xf32, #tpu.memory_space<vmem>>, vector<16xf32>,
          tpu.vector_store %arg8[%swap3A_1396, %swap3A_1397, %swap3A_1398, %swap3A_1399], %gather3A_1218 {strides = array<i32>} : memref<2x16x8x128xf32, #tpu.memory_space<vmem>>, vector<16xf32>,
          %swap3A_1401 = arith.constant 1 : i32
          %swap3A_1402 = arith.constant 2 : i32
          %swap3A_1403 = arith.index_cast %swap3A_1401 : i32 to index
          %swap3A_1404 = arith.index_cast %add3A_1176 : i32 to index
          %swap3A_1405 = arith.index_cast %swap3A_1402 : i32 to index
          %swap3A_1406 = arith.constant 32 : index
          %swap3A_1407 = tpu.vector_load %arg8[%swap3A_1403, %swap3A_1404, %swap3A_1405, %swap3A_1406] {strides = array<i32>} : memref<2x16x8x128xf32, #tpu.memory_space<vmem>>, vector<16xf32>,
          tpu.vector_store %arg8[%swap3A_1403, %swap3A_1404, %swap3A_1405, %swap3A_1406], %gather3A_1219 {strides = array<i32>} : memref<2x16x8x128xf32, #tpu.memory_space<vmem>>, vector<16xf32>,
          %swap3A_1408 = arith.constant 1 : i32
          %swap3A_1409 = arith.constant 3 : i32
          %swap3A_1410 = arith.index_cast %swap3A_1408 : i32 to index
          %swap3A_1411 = arith.index_cast %add3A_1176 : i32 to index
          %swap3A_1412 = arith.index_cast %swap3A_1409 : i32 to index
          %swap3A_1413 = arith.constant 32 : index
          %swap3A_1414 = tpu.vector_load %arg8[%swap3A_1410, %swap3A_1411, %swap3A_1412, %swap3A_1413] {strides = array<i32>} : memref<2x16x8x128xf32, #tpu.memory_space<vmem>>, vector<16xf32>,
          tpu.vector_store %arg8[%swap3A_1410, %swap3A_1411, %swap3A_1412, %swap3A_1413], %gather3A_1220 {strides = array<i32>} : memref<2x16x8x128xf32, #tpu.memory_space<vmem>>, vector<16xf32>,
          %swap3A_1415 = arith.constant 1 : i32
          %swap3A_1416 = arith.constant 4 : i32
          %swap3A_1417 = arith.index_cast %swap3A_1415 : i32 to index
          %swap3A_1418 = arith.index_cast %add3A_1176 : i32 to index
          %swap3A_1419 = arith.index_cast %swap3A_1416 : i32 to index
          %swap3A_1420 = arith.constant 32 : index
          %swap3A_1421 = tpu.vector_load %arg8[%swap3A_1417, %swap3A_1418, %swap3A_1419, %swap3A_1420] {strides = array<i32>} : memref<2x16x8x128xf32, #tpu.memory_space<vmem>>, vector<16xf32>,
          tpu.vector_store %arg8[%swap3A_1417, %swap3A_1418, %swap3A_1419, %swap3A_1420], %gather3A_1221 {strides = array<i32>} : memref<2x16x8x128xf32, #tpu.memory_space<vmem>>, vector<16xf32>,
          %swap3A_1422 = arith.constant 1 : i32
          %swap3A_1423 = arith.constant 5 : i32
          %swap3A_1424 = arith.index_cast %swap3A_1422 : i32 to index
          %swap3A_1425 = arith.index_cast %add3A_1176 : i32 to index
          %swap3A_1426 = arith.index_cast %swap3A_1423 : i32 to index
          %swap3A_1427 = arith.constant 32 : index
          %swap3A_1428 = tpu.vector_load %arg8[%swap3A_1424, %swap3A_1425, %swap3A_1426, %swap3A_1427] {strides = array<i32>} : memref<2x16x8x128xf32, #tpu.memory_space<vmem>>, vector<16xf32>,
          tpu.vector_store %arg8[%swap3A_1424, %swap3A_1425, %swap3A_1426, %swap3A_1427], %gather3A_1222 {strides = array<i32>} : memref<2x16x8x128xf32, #tpu.memory_space<vmem>>, vector<16xf32>,
          %swap3A_1429 = arith.constant 1 : i32
          %swap3A_1430 = arith.constant 6 : i32
          %swap3A_1431 = arith.index_cast %swap3A_1429 : i32 to index
          %swap3A_1432 = arith.index_cast %add3A_1176 : i32 to index
          %swap3A_1433 = arith.index_cast %swap3A_1430 : i32 to index
          %swap3A_1434 = arith.constant 32 : index
          %swap3A_1435 = tpu.vector_load %arg8[%swap3A_1431, %swap3A_1432, %swap3A_1433, %swap3A_1434] {strides = array<i32>} : memref<2x16x8x128xf32, #tpu.memory_space<vmem>>, vector<16xf32>,
          tpu.vector_store %arg8[%swap3A_1431, %swap3A_1432, %swap3A_1433, %swap3A_1434], %gather3A_1223 {strides = array<i32>} : memref<2x16x8x128xf32, #tpu.memory_space<vmem>>, vector<16xf32>,
          %swap3A_1436 = arith.constant 1 : i32
          %swap3A_1437 = arith.constant 7 : i32
          %swap3A_1438 = arith.index_cast %swap3A_1436 : i32 to index
          %swap3A_1439 = arith.index_cast %add3A_1176 : i32 to index
          %swap3A_1440 = arith.index_cast %swap3A_1437 : i32 to index
          %swap3A_1441 = arith.constant 32 : index
          %swap3A_1442 = tpu.vector_load %arg8[%swap3A_1438, %swap3A_1439, %swap3A_1440, %swap3A_1441] {strides = array<i32>} : memref<2x16x8x128xf32, #tpu.memory_space<vmem>>, vector<16xf32>,
          tpu.vector_store %arg8[%swap3A_1438, %swap3A_1439, %swap3A_1440, %swap3A_1441], %gather3A_1224 {strides = array<i32>} : memref<2x16x8x128xf32, #tpu.memory_space<vmem>>, vector<16xf32>,
          %swap3A_1443 = arith.constant 1 : i32
          %swap3A_1444 = arith.constant 0 : i32
          %swap3A_1445 = arith.index_cast %swap3A_1443 : i32 to index
          %swap3A_1446 = arith.index_cast %add3A_1176 : i32 to index
          %swap3A_1447 = arith.index_cast %swap3A_1444 : i32 to index
          %swap3A_1448 = arith.constant 48 : index
          %swap3A_1449 = tpu.vector_load %arg8[%swap3A_1445, %swap3A_1446, %swap3A_1447, %swap3A_1448] {strides = array<i32>} : memref<2x16x8x128xf32, #tpu.memory_space<vmem>>, vector<16xf32>,
          tpu.vector_store %arg8[%swap3A_1445, %swap3A_1446, %swap3A_1447, %swap3A_1448], %gather3A_1234 {strides = array<i32>} : memref<2x16x8x128xf32, #tpu.memory_space<vmem>>, vector<16xf32>,
          %swap3A_1450 = arith.constant 1 : i32
          %swap3A_1451 = arith.constant 1 : i32
          %swap3A_1452 = arith.index_cast %swap3A_1450 : i32 to index
          %swap3A_1453 = arith.index_cast %add3A_1176 : i32 to index
          %swap3A_1454 = arith.index_cast %swap3A_1451 : i32 to index
          %swap3A_1455 = arith.constant 48 : index
          %swap3A_1456 = tpu.vector_load %arg8[%swap3A_1452, %swap3A_1453, %swap3A_1454, %swap3A_1455] {strides = array<i32>} : memref<2x16x8x128xf32, #tpu.memory_space<vmem>>, vector<16xf32>,
          tpu.vector_store %arg8[%swap3A_1452, %swap3A_1453, %swap3A_1454, %swap3A_1455], %gather3A_1235 {strides = array<i32>} : memref<2x16x8x128xf32, #tpu.memory_space<vmem>>, vector<16xf32>,
          %swap3A_1457 = arith.constant 1 : i32
          %swap3A_1458 = arith.constant 2 : i32
          %swap3A_1459 = arith.index_cast %swap3A_1457 : i32 to index
          %swap3A_1460 = arith.index_cast %add3A_1176 : i32 to index
          %swap3A_1461 = arith.index_cast %swap3A_1458 : i32 to index
          %swap3A_1462 = arith.constant 48 : index
          %swap3A_1463 = tpu.vector_load %arg8[%swap3A_1459, %swap3A_1460, %swap3A_1461, %swap3A_1462] {strides = array<i32>} : memref<2x16x8x128xf32, #tpu.memory_space<vmem>>, vector<16xf32>,
          tpu.vector_store %arg8[%swap3A_1459, %swap3A_1460, %swap3A_1461, %swap3A_1462], %gather3A_1236 {strides = array<i32>} : memref<2x16x8x128xf32, #tpu.memory_space<vmem>>, vector<16xf32>,
          %swap3A_1464 = arith.constant 1 : i32
          %swap3A_1465 = arith.constant 3 : i32
          %swap3A_1466 = arith.index_cast %swap3A_1464 : i32 to index
          %swap3A_1467 = arith.index_cast %add3A_1176 : i32 to index
          %swap3A_1468 = arith.index_cast %swap3A_1465 : i32 to index
          %swap3A_1469 = arith.constant 48 : index
          %swap3A_1470 = tpu.vector_load %arg8[%swap3A_1466, %swap3A_1467, %swap3A_1468, %swap3A_1469] {strides = array<i32>} : memref<2x16x8x128xf32, #tpu.memory_space<vmem>>, vector<16xf32>,
          tpu.vector_store %arg8[%swap3A_1466, %swap3A_1467, %swap3A_1468, %swap3A_1469], %gather3A_1237 {strides = array<i32>} : memref<2x16x8x128xf32, #tpu.memory_space<vmem>>, vector<16xf32>,
          %swap3A_1471 = arith.constant 1 : i32
          %swap3A_1472 = arith.constant 4 : i32
          %swap3A_1473 = arith.index_cast %swap3A_1471 : i32 to index
          %swap3A_1474 = arith.index_cast %add3A_1176 : i32 to index
          %swap3A_1475 = arith.index_cast %swap3A_1472 : i32 to index
          %swap3A_1476 = arith.constant 48 : index
          %swap3A_1477 = tpu.vector_load %arg8[%swap3A_1473, %swap3A_1474, %swap3A_1475, %swap3A_1476] {strides = array<i32>} : memref<2x16x8x128xf32, #tpu.memory_space<vmem>>, vector<16xf32>,
          tpu.vector_store %arg8[%swap3A_1473, %swap3A_1474, %swap3A_1475, %swap3A_1476], %gather3A_1238 {strides = array<i32>} : memref<2x16x8x128xf32, #tpu.memory_space<vmem>>, vector<16xf32>,
          %swap3A_1478 = arith.constant 1 : i32
          %swap3A_1479 = arith.constant 5 : i32
          %swap3A_1480 = arith.index_cast %swap3A_1478 : i32 to index
          %swap3A_1481 = arith.index_cast %add3A_1176 : i32 to index
          %swap3A_1482 = arith.index_cast %swap3A_1479 : i32 to index
          %swap3A_1483 = arith.constant 48 : index
          %swap3A_1484 = tpu.vector_load %arg8[%swap3A_1480, %swap3A_1481, %swap3A_1482, %swap3A_1483] {strides = array<i32>} : memref<2x16x8x128xf32, #tpu.memory_space<vmem>>, vector<16xf32>,
          tpu.vector_store %arg8[%swap3A_1480, %swap3A_1481, %swap3A_1482, %swap3A_1483], %gather3A_1239 {strides = array<i32>} : memref<2x16x8x128xf32, #tpu.memory_space<vmem>>, vector<16xf32>,
          %swap3A_1485 = arith.constant 1 : i32
          %swap3A_1486 = arith.constant 6 : i32
          %swap3A_1487 = arith.index_cast %swap3A_1485 : i32 to index
          %swap3A_1488 = arith.index_cast %add3A_1176 : i32 to index
          %swap3A_1489 = arith.index_cast %swap3A_1486 : i32 to index
          %swap3A_1490 = arith.constant 48 : index
          %swap3A_1491 = tpu.vector_load %arg8[%swap3A_1487, %swap3A_1488, %swap3A_1489, %swap3A_1490] {strides = array<i32>} : memref<2x16x8x128xf32, #tpu.memory_space<vmem>>, vector<16xf32>,
          tpu.vector_store %arg8[%swap3A_1487, %swap3A_1488, %swap3A_1489, %swap3A_1490], %gather3A_1240 {strides = array<i32>} : memref<2x16x8x128xf32, #tpu.memory_space<vmem>>, vector<16xf32>,
          %swap3A_1492 = arith.constant 1 : i32
          %swap3A_1493 = arith.constant 7 : i32
          %swap3A_1494 = arith.index_cast %swap3A_1492 : i32 to index
          %swap3A_1495 = arith.index_cast %add3A_1176 : i32 to index
          %swap3A_1496 = arith.index_cast %swap3A_1493 : i32 to index
          %swap3A_1497 = arith.constant 48 : index
          %swap3A_1498 = tpu.vector_load %arg8[%swap3A_1494, %swap3A_1495, %swap3A_1496, %swap3A_1497] {strides = array<i32>} : memref<2x16x8x128xf32, #tpu.memory_space<vmem>>, vector<16xf32>,
          tpu.vector_store %arg8[%swap3A_1494, %swap3A_1495, %swap3A_1496, %swap3A_1497], %gather3A_1241 {strides = array<i32>} : memref<2x16x8x128xf32, #tpu.memory_space<vmem>>, vector<16xf32>,
          %get3A_1499 = arith.constant 1 : i32
          %get3A_1500 = arith.index_cast %get3A_1499 : i32 to index
          %get3A_1501 = arith.index_cast %add3A_1176 : i32 to index
          %get3A_1502 = arith.constant 96 : index
          %get3A_1503 = tpu.vector_load %arg7[%get3A_1500, %get3A_1501, %get3A_1502] {strides = array<i32>} : memref<2x16x128xi32, #tpu.memory_space<vmem>>, vector<16xi32>,
          %shift_right_logical3A_1504 = arith.constant 7 : i32
          %shift_right_logical3A_1505 = vector.broadcast %shift_right_logical3A_1504 : i32 to vector<16xi32>
          %shift_right_logical3A_1506 = arith.shrui %get3A_1503, %shift_right_logical3A_1505 : vector<16xi32>
          %and3A_1507 = arith.andi %get3A_1503, %broadcast_in_dim3A_889 : vector<16xi32>
          %gather3A_1508 = tpu.vector_load_idx %arg6[%shift_right_logical3A_1506, %broadcast_in_dim3A_873, %and3A_1507] : memref<64x8x128xf32, #tpu.memory_space<vmem>>[vector<16xi32>, vector<16xi32>, vector<16xi32>], vector<16xf32>,
          %gather3A_1509 = tpu.vector_load_idx %arg6[%shift_right_logical3A_1506, %broadcast_in_dim3A_875, %and3A_1507] : memref<64x8x128xf32, #tpu.memory_space<vmem>>[vector<16xi32>, vector<16xi32>, vector<16xi32>], vector<16xf32>,
          %gather3A_1510 = tpu.vector_load_idx %arg6[%shift_right_logical3A_1506, %broadcast_in_dim3A_877, %and3A_1507] : memref<64x8x128xf32, #tpu.memory_space<vmem>>[vector<16xi32>, vector<16xi32>, vector<16xi32>], vector<16xf32>,
          %gather3A_1511 = tpu.vector_load_idx %arg6[%shift_right_logical3A_1506, %broadcast_in_dim3A_879, %and3A_1507] : memref<64x8x128xf32, #tpu.memory_space<vmem>>[vector<16xi32>, vector<16xi32>, vector<16xi32>], vector<16xf32>,
          %gather3A_1512 = tpu.vector_load_idx %arg6[%shift_right_logical3A_1506, %broadcast_in_dim3A_881, %and3A_1507] : memref<64x8x128xf32, #tpu.memory_space<vmem>>[vector<16xi32>, vector<16xi32>, vector<16xi32>], vector<16xf32>,
          %gather3A_1513 = tpu.vector_load_idx %arg6[%shift_right_logical3A_1506, %broadcast_in_dim3A_883, %and3A_1507] : memref<64x8x128xf32, #tpu.memory_space<vmem>>[vector<16xi32>, vector<16xi32>, vector<16xi32>], vector<16xf32>,
          %gather3A_1514 = tpu.vector_load_idx %arg6[%shift_right_logical3A_1506, %broadcast_in_dim3A_885, %and3A_1507] : memref<64x8x128xf32, #tpu.memory_space<vmem>>[vector<16xi32>, vector<16xi32>, vector<16xi32>], vector<16xf32>,
          %gather3A_1515 = tpu.vector_load_idx %arg6[%shift_right_logical3A_1506, %broadcast_in_dim3A_887, %and3A_1507] : memref<64x8x128xf32, #tpu.memory_space<vmem>>[vector<16xi32>, vector<16xi32>, vector<16xi32>], vector<16xf32>,
          %get3A_1516 = arith.constant 1 : i32
          %get3A_1517 = arith.index_cast %get3A_1516 : i32 to index
          %get3A_1518 = arith.index_cast %add3A_1176 : i32 to index
          %get3A_1519 = arith.constant 112 : index
          %get3A_1520 = tpu.vector_load %arg7[%get3A_1517, %get3A_1518, %get3A_1519] {strides = array<i32>} : memref<2x16x128xi32, #tpu.memory_space<vmem>>, vector<16xi32>,
          %shift_right_logical3A_1521 = arith.constant 7 : i32
          %shift_right_logical3A_1522 = vector.broadcast %shift_right_logical3A_1521 : i32 to vector<16xi32>
          %shift_right_logical3A_1523 = arith.shrui %get3A_1520, %shift_right_logical3A_1522 : vector<16xi32>
          %and3A_1524 = arith.andi %get3A_1520, %broadcast_in_dim3A_889 : vector<16xi32>
          %gather3A_1525 = tpu.vector_load_idx %arg6[%shift_right_logical3A_1523, %broadcast_in_dim3A_873, %and3A_1524] : memref<64x8x128xf32, #tpu.memory_space<vmem>>[vector<16xi32>, vector<16xi32>, vector<16xi32>], vector<16xf32>,
          %gather3A_1526 = tpu.vector_load_idx %arg6[%shift_right_logical3A_1523, %broadcast_in_dim3A_875, %and3A_1524] : memref<64x8x128xf32, #tpu.memory_space<vmem>>[vector<16xi32>, vector<16xi32>, vector<16xi32>], vector<16xf32>,
          %gather3A_1527 = tpu.vector_load_idx %arg6[%shift_right_logical3A_1523, %broadcast_in_dim3A_877, %and3A_1524] : memref<64x8x128xf32, #tpu.memory_space<vmem>>[vector<16xi32>, vector<16xi32>, vector<16xi32>], vector<16xf32>,
          %gather3A_1528 = tpu.vector_load_idx %arg6[%shift_right_logical3A_1523, %broadcast_in_dim3A_879, %and3A_1524] : memref<64x8x128xf32, #tpu.memory_space<vmem>>[vector<16xi32>, vector<16xi32>, vector<16xi32>], vector<16xf32>,
          %gather3A_1529 = tpu.vector_load_idx %arg6[%shift_right_logical3A_1523, %broadcast_in_dim3A_881, %and3A_1524] : memref<64x8x128xf32, #tpu.memory_space<vmem>>[vector<16xi32>, vector<16xi32>, vector<16xi32>], vector<16xf32>,
          %gather3A_1530 = tpu.vector_load_idx %arg6[%shift_right_logical3A_1523, %broadcast_in_dim3A_883, %and3A_1524] : memref<64x8x128xf32, #tpu.memory_space<vmem>>[vector<16xi32>, vector<16xi32>, vector<16xi32>], vector<16xf32>,
          %gather3A_1531 = tpu.vector_load_idx %arg6[%shift_right_logical3A_1523, %broadcast_in_dim3A_885, %and3A_1524] : memref<64x8x128xf32, #tpu.memory_space<vmem>>[vector<16xi32>, vector<16xi32>, vector<16xi32>], vector<16xf32>,
          %gather3A_1532 = tpu.vector_load_idx %arg6[%shift_right_logical3A_1523, %broadcast_in_dim3A_887, %and3A_1524] : memref<64x8x128xf32, #tpu.memory_space<vmem>>[vector<16xi32>, vector<16xi32>, vector<16xi32>], vector<16xf32>,
          %swap3A_1533 = arith.constant 1 : i32
          %swap3A_1534 = arith.constant 0 : i32
          %swap3A_1535 = arith.index_cast %swap3A_1533 : i32 to index
          %swap3A_1536 = arith.index_cast %add3A_1176 : i32 to index
          %swap3A_1537 = arith.index_cast %swap3A_1534 : i32 to index
          %swap3A_1538 = arith.constant 64 : index
          %swap3A_1539 = tpu.vector_load %arg8[%swap3A_1535, %swap3A_1536, %swap3A_1537, %swap3A_1538] {strides = array<i32>} : memref<2x16x8x128xf32, #tpu.memory_space<vmem>>, vector<16xf32>,
          tpu.vector_store %arg8[%swap3A_1535, %swap3A_1536, %swap3A_1537, %swap3A_1538], %gather3A_1362 {strides = array<i32>} : memref<2x16x8x128xf32, #tpu.memory_space<vmem>>, vector<16xf32>,
          %swap3A_1540 = arith.constant 1 : i32
          %swap3A_1541 = arith.constant 1 : i32
          %swap3A_1542 = arith.index_cast %swap3A_1540 : i32 to index
          %swap3A_1543 = arith.index_cast %add3A_1176 : i32 to index
          %swap3A_1544 = arith.index_cast %swap3A_1541 : i32 to index
          %swap3A_1545 = arith.constant 64 : index
          %swap3A_1546 = tpu.vector_load %arg8[%swap3A_1542, %swap3A_1543, %swap3A_1544, %swap3A_1545] {strides = array<i32>} : memref<2x16x8x128xf32, #tpu.memory_space<vmem>>, vector<16xf32>,
          tpu.vector_store %arg8[%swap3A_1542, %swap3A_1543, %swap3A_1544, %swap3A_1545], %gather3A_1363 {strides = array<i32>} : memref<2x16x8x128xf32, #tpu.memory_space<vmem>>, vector<16xf32>,
          %swap3A_1547 = arith.constant 1 : i32
          %swap3A_1548 = arith.constant 2 : i32
          %swap3A_1549 = arith.index_cast %swap3A_1547 : i32 to index
          %swap3A_1550 = arith.index_cast %add3A_1176 : i32 to index
          %swap3A_1551 = arith.index_cast %swap3A_1548 : i32 to index
          %swap3A_1552 = arith.constant 64 : index
          %swap3A_1553 = tpu.vector_load %arg8[%swap3A_1549, %swap3A_1550, %swap3A_1551, %swap3A_1552] {strides = array<i32>} : memref<2x16x8x128xf32, #tpu.memory_space<vmem>>, vector<16xf32>,
          tpu.vector_store %arg8[%swap3A_1549, %swap3A_1550, %swap3A_1551, %swap3A_1552], %gather3A_1364 {strides = array<i32>} : memref<2x16x8x128xf32, #tpu.memory_space<vmem>>, vector<16xf32>,
          %swap3A_1554 = arith.constant 1 : i32
          %swap3A_1555 = arith.constant 3 : i32
          %swap3A_1556 = arith.index_cast %swap3A_1554 : i32 to index
          %swap3A_1557 = arith.index_cast %add3A_1176 : i32 to index
          %swap3A_1558 = arith.index_cast %swap3A_1555 : i32 to index
          %swap3A_1559 = arith.constant 64 : index
          %swap3A_1560 = tpu.vector_load %arg8[%swap3A_1556, %swap3A_1557, %swap3A_1558, %swap3A_1559] {strides = array<i32>} : memref<2x16x8x128xf32, #tpu.memory_space<vmem>>, vector<16xf32>,
          tpu.vector_store %arg8[%swap3A_1556, %swap3A_1557, %swap3A_1558, %swap3A_1559], %gather3A_1365 {strides = array<i32>} : memref<2x16x8x128xf32, #tpu.memory_space<vmem>>, vector<16xf32>,
          %swap3A_1561 = arith.constant 1 : i32
          %swap3A_1562 = arith.constant 4 : i32
          %swap3A_1563 = arith.index_cast %swap3A_1561 : i32 to index
          %swap3A_1564 = arith.index_cast %add3A_1176 : i32 to index
          %swap3A_1565 = arith.index_cast %swap3A_1562 : i32 to index
          %swap3A_1566 = arith.constant 64 : index
          %swap3A_1567 = tpu.vector_load %arg8[%swap3A_1563, %swap3A_1564, %swap3A_1565, %swap3A_1566] {strides = array<i32>} : memref<2x16x8x128xf32, #tpu.memory_space<vmem>>, vector<16xf32>,
          tpu.vector_store %arg8[%swap3A_1563, %swap3A_1564, %swap3A_1565, %swap3A_1566], %gather3A_1366 {strides = array<i32>} : memref<2x16x8x128xf32, #tpu.memory_space<vmem>>, vector<16xf32>,
          %swap3A_1568 = arith.constant 1 : i32
          %swap3A_1569 = arith.constant 5 : i32
          %swap3A_1570 = arith.index_cast %swap3A_1568 : i32 to index
          %swap3A_1571 = arith.index_cast %add3A_1176 : i32 to index
          %swap3A_1572 = arith.index_cast %swap3A_1569 : i32 to index
          %swap3A_1573 = arith.constant 64 : index
          %swap3A_1574 = tpu.vector_load %arg8[%swap3A_1570, %swap3A_1571, %swap3A_1572, %swap3A_1573] {strides = array<i32>} : memref<2x16x8x128xf32, #tpu.memory_space<vmem>>, vector<16xf32>,
          tpu.vector_store %arg8[%swap3A_1570, %swap3A_1571, %swap3A_1572, %swap3A_1573], %gather3A_1367 {strides = array<i32>} : memref<2x16x8x128xf32, #tpu.memory_space<vmem>>, vector<16xf32>,
          %swap3A_1575 = arith.constant 1 : i32
          %swap3A_1576 = arith.constant 6 : i32
          %swap3A_1577 = arith.index_cast %swap3A_1575 : i32 to index
          %swap3A_1578 = arith.index_cast %add3A_1176 : i32 to index
          %swap3A_1579 = arith.index_cast %swap3A_1576 : i32 to index
          %swap3A_1580 = arith.constant 64 : index
          %swap3A_1581 = tpu.vector_load %arg8[%swap3A_1577, %swap3A_1578, %swap3A_1579, %swap3A_1580] {strides = array<i32>} : memref<2x16x8x128xf32, #tpu.memory_space<vmem>>, vector<16xf32>,
          tpu.vector_store %arg8[%swap3A_1577, %swap3A_1578, %swap3A_1579, %swap3A_1580], %gather3A_1368 {strides = array<i32>} : memref<2x16x8x128xf32, #tpu.memory_space<vmem>>, vector<16xf32>,
          %swap3A_1582 = arith.constant 1 : i32
          %swap3A_1583 = arith.constant 7 : i32
          %swap3A_1584 = arith.index_cast %swap3A_1582 : i32 to index
          %swap3A_1585 = arith.index_cast %add3A_1176 : i32 to index
          %swap3A_1586 = arith.index_cast %swap3A_1583 : i32 to index
          %swap3A_1587 = arith.constant 64 : index
          %swap3A_1588 = tpu.vector_load %arg8[%swap3A_1584, %swap3A_1585, %swap3A_1586, %swap3A_1587] {strides = array<i32>} : memref<2x16x8x128xf32, #tpu.memory_space<vmem>>, vector<16xf32>,
          tpu.vector_store %arg8[%swap3A_1584, %swap3A_1585, %swap3A_1586, %swap3A_1587], %gather3A_1369 {strides = array<i32>} : memref<2x16x8x128xf32, #tpu.memory_space<vmem>>, vector<16xf32>,
          %swap3A_1589 = arith.constant 1 : i32
          %swap3A_1590 = arith.constant 0 : i32
          %swap3A_1591 = arith.index_cast %swap3A_1589 : i32 to index
          %swap3A_1592 = arith.index_cast %add3A_1176 : i32 to index
          %swap3A_1593 = arith.index_cast %swap3A_1590 : i32 to index
          %swap3A_1594 = arith.constant 80 : index
          %swap3A_1595 = tpu.vector_load %arg8[%swap3A_1591, %swap3A_1592, %swap3A_1593, %swap3A_1594] {strides = array<i32>} : memref<2x16x8x128xf32, #tpu.memory_space<vmem>>, vector<16xf32>,
          tpu.vector_store %arg8[%swap3A_1591, %swap3A_1592, %swap3A_1593, %swap3A_1594], %gather3A_1379 {strides = array<i32>} : memref<2x16x8x128xf32, #tpu.memory_space<vmem>>, vector<16xf32>,
          %swap3A_1596 = arith.constant 1 : i32
          %swap3A_1597 = arith.constant 1 : i32
          %swap3A_1598 = arith.index_cast %swap3A_1596 : i32 to index
          %swap3A_1599 = arith.index_cast %add3A_1176 : i32 to index
          %swap3A_1600 = arith.index_cast %swap3A_1597 : i32 to index
          %swap3A_1601 = arith.constant 80 : index
          %swap3A_1602 = tpu.vector_load %arg8[%swap3A_1598, %swap3A_1599, %swap3A_1600, %swap3A_1601] {strides = array<i32>} : memref<2x16x8x128xf32, #tpu.memory_space<vmem>>, vector<16xf32>,
          tpu.vector_store %arg8[%swap3A_1598, %swap3A_1599, %swap3A_1600, %swap3A_1601], %gather3A_1380 {strides = array<i32>} : memref<2x16x8x128xf32, #tpu.memory_space<vmem>>, vector<16xf32>,
          %swap3A_1603 = arith.constant 1 : i32
          %swap3A_1604 = arith.constant 2 : i32
          %swap3A_1605 = arith.index_cast %swap3A_1603 : i32 to index
          %swap3A_1606 = arith.index_cast %add3A_1176 : i32 to index
          %swap3A_1607 = arith.index_cast %swap3A_1604 : i32 to index
          %swap3A_1608 = arith.constant 80 : index
          %swap3A_1609 = tpu.vector_load %arg8[%swap3A_1605, %swap3A_1606, %swap3A_1607, %swap3A_1608] {strides = array<i32>} : memref<2x16x8x128xf32, #tpu.memory_space<vmem>>, vector<16xf32>,
          tpu.vector_store %arg8[%swap3A_1605, %swap3A_1606, %swap3A_1607, %swap3A_1608], %gather3A_1381 {strides = array<i32>} : memref<2x16x8x128xf32, #tpu.memory_space<vmem>>, vector<16xf32>,
          %swap3A_1610 = arith.constant 1 : i32
          %swap3A_1611 = arith.constant 3 : i32
          %swap3A_1612 = arith.index_cast %swap3A_1610 : i32 to index
          %swap3A_1613 = arith.index_cast %add3A_1176 : i32 to index
          %swap3A_1614 = arith.index_cast %swap3A_1611 : i32 to index
          %swap3A_1615 = arith.constant 80 : index
          %swap3A_1616 = tpu.vector_load %arg8[%swap3A_1612, %swap3A_1613, %swap3A_1614, %swap3A_1615] {strides = array<i32>} : memref<2x16x8x128xf32, #tpu.memory_space<vmem>>, vector<16xf32>,
          tpu.vector_store %arg8[%swap3A_1612, %swap3A_1613, %swap3A_1614, %swap3A_1615], %gather3A_1382 {strides = array<i32>} : memref<2x16x8x128xf32, #tpu.memory_space<vmem>>, vector<16xf32>,
          %swap3A_1617 = arith.constant 1 : i32
          %swap3A_1618 = arith.constant 4 : i32
          %swap3A_1619 = arith.index_cast %swap3A_1617 : i32 to index
          %swap3A_1620 = arith.index_cast %add3A_1176 : i32 to index
          %swap3A_1621 = arith.index_cast %swap3A_1618 : i32 to index
          %swap3A_1622 = arith.constant 80 : index
          %swap3A_1623 = tpu.vector_load %arg8[%swap3A_1619, %swap3A_1620, %swap3A_1621, %swap3A_1622] {strides = array<i32>} : memref<2x16x8x128xf32, #tpu.memory_space<vmem>>, vector<16xf32>,
          tpu.vector_store %arg8[%swap3A_1619, %swap3A_1620, %swap3A_1621, %swap3A_1622], %gather3A_1383 {strides = array<i32>} : memref<2x16x8x128xf32, #tpu.memory_space<vmem>>, vector<16xf32>,
          %swap3A_1624 = arith.constant 1 : i32
          %swap3A_1625 = arith.constant 5 : i32
          %swap3A_1626 = arith.index_cast %swap3A_1624 : i32 to index
          %swap3A_1627 = arith.index_cast %add3A_1176 : i32 to index
          %swap3A_1628 = arith.index_cast %swap3A_1625 : i32 to index
          %swap3A_1629 = arith.constant 80 : index
          %swap3A_1630 = tpu.vector_load %arg8[%swap3A_1626, %swap3A_1627, %swap3A_1628, %swap3A_1629] {strides = array<i32>} : memref<2x16x8x128xf32, #tpu.memory_space<vmem>>, vector<16xf32>,
          tpu.vector_store %arg8[%swap3A_1626, %swap3A_1627, %swap3A_1628, %swap3A_1629], %gather3A_1384 {strides = array<i32>} : memref<2x16x8x128xf32, #tpu.memory_space<vmem>>, vector<16xf32>,
          %swap3A_1631 = arith.constant 1 : i32
          %swap3A_1632 = arith.constant 6 : i32
          %swap3A_1633 = arith.index_cast %swap3A_1631 : i32 to index
          %swap3A_1634 = arith.index_cast %add3A_1176 : i32 to index
          %swap3A_1635 = arith.index_cast %swap3A_1632 : i32 to index
          %swap3A_1636 = arith.constant 80 : index
          %swap3A_1637 = tpu.vector_load %arg8[%swap3A_1633, %swap3A_1634, %swap3A_1635, %swap3A_1636] {strides = array<i32>} : memref<2x16x8x128xf32, #tpu.memory_space<vmem>>, vector<16xf32>,
          tpu.vector_store %arg8[%swap3A_1633, %swap3A_1634, %swap3A_1635, %swap3A_1636], %gather3A_1385 {strides = array<i32>} : memref<2x16x8x128xf32, #tpu.memory_space<vmem>>, vector<16xf32>,
          %swap3A_1638 = arith.constant 1 : i32
          %swap3A_1639 = arith.constant 7 : i32
          %swap3A_1640 = arith.index_cast %swap3A_1638 : i32 to index
          %swap3A_1641 = arith.index_cast %add3A_1176 : i32 to index
          %swap3A_1642 = arith.index_cast %swap3A_1639 : i32 to index
          %swap3A_1643 = arith.constant 80 : index
          %swap3A_1644 = tpu.vector_load %arg8[%swap3A_1640, %swap3A_1641, %swap3A_1642, %swap3A_1643] {strides = array<i32>} : memref<2x16x8x128xf32, #tpu.memory_space<vmem>>, vector<16xf32>,
          tpu.vector_store %arg8[%swap3A_1640, %swap3A_1641, %swap3A_1642, %swap3A_1643], %gather3A_1386 {strides = array<i32>} : memref<2x16x8x128xf32, #tpu.memory_space<vmem>>, vector<16xf32>,
          %swap3A_1645 = arith.constant 1 : i32
          %swap3A_1646 = arith.constant 0 : i32
          %swap3A_1647 = arith.index_cast %swap3A_1645 : i32 to index
          %swap3A_1648 = arith.index_cast %add3A_1176 : i32 to index
          %swap3A_1649 = arith.index_cast %swap3A_1646 : i32 to index
          %swap3A_1650 = arith.constant 96 : index
          %swap3A_1651 = tpu.vector_load %arg8[%swap3A_1647, %swap3A_1648, %swap3A_1649, %swap3A_1650] {strides = array<i32>} : memref<2x16x8x128xf32, #tpu.memory_space<vmem>>, vector<16xf32>,
          tpu.vector_store %arg8[%swap3A_1647, %swap3A_1648, %swap3A_1649, %swap3A_1650], %gather3A_1508 {strides = array<i32>} : memref<2x16x8x128xf32, #tpu.memory_space<vmem>>, vector<16xf32>,
          %swap3A_1652 = arith.constant 1 : i32
          %swap3A_1653 = arith.constant 1 : i32
          %swap3A_1654 = arith.index_cast %swap3A_1652 : i32 to index
          %swap3A_1655 = arith.index_cast %add3A_1176 : i32 to index
          %swap3A_1656 = arith.index_cast %swap3A_1653 : i32 to index
          %swap3A_1657 = arith.constant 96 : index
          %swap3A_1658 = tpu.vector_load %arg8[%swap3A_1654, %swap3A_1655, %swap3A_1656, %swap3A_1657] {strides = array<i32>} : memref<2x16x8x128xf32, #tpu.memory_space<vmem>>, vector<16xf32>,
          tpu.vector_store %arg8[%swap3A_1654, %swap3A_1655, %swap3A_1656, %swap3A_1657], %gather3A_1509 {strides = array<i32>} : memref<2x16x8x128xf32, #tpu.memory_space<vmem>>, vector<16xf32>,
          %swap3A_1659 = arith.constant 1 : i32
          %swap3A_1660 = arith.constant 2 : i32
          %swap3A_1661 = arith.index_cast %swap3A_1659 : i32 to index
          %swap3A_1662 = arith.index_cast %add3A_1176 : i32 to index
          %swap3A_1663 = arith.index_cast %swap3A_1660 : i32 to index
          %swap3A_1664 = arith.constant 96 : index
          %swap3A_1665 = tpu.vector_load %arg8[%swap3A_1661, %swap3A_1662, %swap3A_1663, %swap3A_1664] {strides = array<i32>} : memref<2x16x8x128xf32, #tpu.memory_space<vmem>>, vector<16xf32>,
          tpu.vector_store %arg8[%swap3A_1661, %swap3A_1662, %swap3A_1663, %swap3A_1664], %gather3A_1510 {strides = array<i32>} : memref<2x16x8x128xf32, #tpu.memory_space<vmem>>, vector<16xf32>,
          %swap3A_1666 = arith.constant 1 : i32
          %swap3A_1667 = arith.constant 3 : i32
          %swap3A_1668 = arith.index_cast %swap3A_1666 : i32 to index
          %swap3A_1669 = arith.index_cast %add3A_1176 : i32 to index
          %swap3A_1670 = arith.index_cast %swap3A_1667 : i32 to index
          %swap3A_1671 = arith.constant 96 : index
          %swap3A_1672 = tpu.vector_load %arg8[%swap3A_1668, %swap3A_1669, %swap3A_1670, %swap3A_1671] {strides = array<i32>} : memref<2x16x8x128xf32, #tpu.memory_space<vmem>>, vector<16xf32>,
          tpu.vector_store %arg8[%swap3A_1668, %swap3A_1669, %swap3A_1670, %swap3A_1671], %gather3A_1511 {strides = array<i32>} : memref<2x16x8x128xf32, #tpu.memory_space<vmem>>, vector<16xf32>,
          %swap3A_1673 = arith.constant 1 : i32
          %swap3A_1674 = arith.constant 4 : i32
          %swap3A_1675 = arith.index_cast %swap3A_1673 : i32 to index
          %swap3A_1676 = arith.index_cast %add3A_1176 : i32 to index
          %swap3A_1677 = arith.index_cast %swap3A_1674 : i32 to index
          %swap3A_1678 = arith.constant 96 : index
          %swap3A_1679 = tpu.vector_load %arg8[%swap3A_1675, %swap3A_1676, %swap3A_1677, %swap3A_1678] {strides = array<i32>} : memref<2x16x8x128xf32, #tpu.memory_space<vmem>>, vector<16xf32>,
          tpu.vector_store %arg8[%swap3A_1675, %swap3A_1676, %swap3A_1677, %swap3A_1678], %gather3A_1512 {strides = array<i32>} : memref<2x16x8x128xf32, #tpu.memory_space<vmem>>, vector<16xf32>,
          %swap3A_1680 = arith.constant 1 : i32
          %swap3A_1681 = arith.constant 5 : i32
          %swap3A_1682 = arith.index_cast %swap3A_1680 : i32 to index
          %swap3A_1683 = arith.index_cast %add3A_1176 : i32 to index
          %swap3A_1684 = arith.index_cast %swap3A_1681 : i32 to index
          %swap3A_1685 = arith.constant 96 : index
          %swap3A_1686 = tpu.vector_load %arg8[%swap3A_1682, %swap3A_1683, %swap3A_1684, %swap3A_1685] {strides = array<i32>} : memref<2x16x8x128xf32, #tpu.memory_space<vmem>>, vector<16xf32>,
          tpu.vector_store %arg8[%swap3A_1682, %swap3A_1683, %swap3A_1684, %swap3A_1685], %gather3A_1513 {strides = array<i32>} : memref<2x16x8x128xf32, #tpu.memory_space<vmem>>, vector<16xf32>,
          %swap3A_1687 = arith.constant 1 : i32
          %swap3A_1688 = arith.constant 6 : i32
          %swap3A_1689 = arith.index_cast %swap3A_1687 : i32 to index
          %swap3A_1690 = arith.index_cast %add3A_1176 : i32 to index
          %swap3A_1691 = arith.index_cast %swap3A_1688 : i32 to index
          %swap3A_1692 = arith.constant 96 : index
          %swap3A_1693 = tpu.vector_load %arg8[%swap3A_1689, %swap3A_1690, %swap3A_1691, %swap3A_1692] {strides = array<i32>} : memref<2x16x8x128xf32, #tpu.memory_space<vmem>>, vector<16xf32>,
          tpu.vector_store %arg8[%swap3A_1689, %swap3A_1690, %swap3A_1691, %swap3A_1692], %gather3A_1514 {strides = array<i32>} : memref<2x16x8x128xf32, #tpu.memory_space<vmem>>, vector<16xf32>,
          %swap3A_1694 = arith.constant 1 : i32
          %swap3A_1695 = arith.constant 7 : i32
          %swap3A_1696 = arith.index_cast %swap3A_1694 : i32 to index
          %swap3A_1697 = arith.index_cast %add3A_1176 : i32 to index
          %swap3A_1698 = arith.index_cast %swap3A_1695 : i32 to index
          %swap3A_1699 = arith.constant 96 : index
          %swap3A_1700 = tpu.vector_load %arg8[%swap3A_1696, %swap3A_1697, %swap3A_1698, %swap3A_1699] {strides = array<i32>} : memref<2x16x8x128xf32, #tpu.memory_space<vmem>>, vector<16xf32>,
          tpu.vector_store %arg8[%swap3A_1696, %swap3A_1697, %swap3A_1698, %swap3A_1699], %gather3A_1515 {strides = array<i32>} : memref<2x16x8x128xf32, #tpu.memory_space<vmem>>, vector<16xf32>,
          %swap3A_1701 = arith.constant 1 : i32
          %swap3A_1702 = arith.constant 0 : i32
          %swap3A_1703 = arith.index_cast %swap3A_1701 : i32 to index
          %swap3A_1704 = arith.index_cast %add3A_1176 : i32 to index
          %swap3A_1705 = arith.index_cast %swap3A_1702 : i32 to index
          %swap3A_1706 = arith.constant 112 : index
          %swap3A_1707 = tpu.vector_load %arg8[%swap3A_1703, %swap3A_1704, %swap3A_1705, %swap3A_1706] {strides = array<i32>} : memref<2x16x8x128xf32, #tpu.memory_space<vmem>>, vector<16xf32>,
          tpu.vector_store %arg8[%swap3A_1703, %swap3A_1704, %swap3A_1705, %swap3A_1706], %gather3A_1525 {strides = array<i32>} : memref<2x16x8x128xf32, #tpu.memory_space<vmem>>, vector<16xf32>,
          %swap3A_1708 = arith.constant 1 : i32
          %swap3A_1709 = arith.constant 1 : i32
          %swap3A_1710 = arith.index_cast %swap3A_1708 : i32 to index
          %swap3A_1711 = arith.index_cast %add3A_1176 : i32 to index
          %swap3A_1712 = arith.index_cast %swap3A_1709 : i32 to index
          %swap3A_1713 = arith.constant 112 : index
          %swap3A_1714 = tpu.vector_load %arg8[%swap3A_1710, %swap3A_1711, %swap3A_1712, %swap3A_1713] {strides = array<i32>} : memref<2x16x8x128xf32, #tpu.memory_space<vmem>>, vector<16xf32>,
          tpu.vector_store %arg8[%swap3A_1710, %swap3A_1711, %swap3A_1712, %swap3A_1713], %gather3A_1526 {strides = array<i32>} : memref<2x16x8x128xf32, #tpu.memory_space<vmem>>, vector<16xf32>,
          %swap3A_1715 = arith.constant 1 : i32
          %swap3A_1716 = arith.constant 2 : i32
          %swap3A_1717 = arith.index_cast %swap3A_1715 : i32 to index
          %swap3A_1718 = arith.index_cast %add3A_1176 : i32 to index
          %swap3A_1719 = arith.index_cast %swap3A_1716 : i32 to index
          %swap3A_1720 = arith.constant 112 : index
          %swap3A_1721 = tpu.vector_load %arg8[%swap3A_1717, %swap3A_1718, %swap3A_1719, %swap3A_1720] {strides = array<i32>} : memref<2x16x8x128xf32, #tpu.memory_space<vmem>>, vector<16xf32>,
          tpu.vector_store %arg8[%swap3A_1717, %swap3A_1718, %swap3A_1719, %swap3A_1720], %gather3A_1527 {strides = array<i32>} : memref<2x16x8x128xf32, #tpu.memory_space<vmem>>, vector<16xf32>,
          %swap3A_1722 = arith.constant 1 : i32
          %swap3A_1723 = arith.constant 3 : i32
          %swap3A_1724 = arith.index_cast %swap3A_1722 : i32 to index
          %swap3A_1725 = arith.index_cast %add3A_1176 : i32 to index
          %swap3A_1726 = arith.index_cast %swap3A_1723 : i32 to index
          %swap3A_1727 = arith.constant 112 : index
          %swap3A_1728 = tpu.vector_load %arg8[%swap3A_1724, %swap3A_1725, %swap3A_1726, %swap3A_1727] {strides = array<i32>} : memref<2x16x8x128xf32, #tpu.memory_space<vmem>>, vector<16xf32>,
          tpu.vector_store %arg8[%swap3A_1724, %swap3A_1725, %swap3A_1726, %swap3A_1727], %gather3A_1528 {strides = array<i32>} : memref<2x16x8x128xf32, #tpu.memory_space<vmem>>, vector<16xf32>,
          %swap3A_1729 = arith.constant 1 : i32
          %swap3A_1730 = arith.constant 4 : i32
          %swap3A_1731 = arith.index_cast %swap3A_1729 : i32 to index
          %swap3A_1732 = arith.index_cast %add3A_1176 : i32 to index
          %swap3A_1733 = arith.index_cast %swap3A_1730 : i32 to index
          %swap3A_1734 = arith.constant 112 : index
          %swap3A_1735 = tpu.vector_load %arg8[%swap3A_1731, %swap3A_1732, %swap3A_1733, %swap3A_1734] {strides = array<i32>} : memref<2x16x8x128xf32, #tpu.memory_space<vmem>>, vector<16xf32>,
          tpu.vector_store %arg8[%swap3A_1731, %swap3A_1732, %swap3A_1733, %swap3A_1734], %gather3A_1529 {strides = array<i32>} : memref<2x16x8x128xf32, #tpu.memory_space<vmem>>, vector<16xf32>,
          %swap3A_1736 = arith.constant 1 : i32
          %swap3A_1737 = arith.constant 5 : i32
          %swap3A_1738 = arith.index_cast %swap3A_1736 : i32 to index
          %swap3A_1739 = arith.index_cast %add3A_1176 : i32 to index
          %swap3A_1740 = arith.index_cast %swap3A_1737 : i32 to index
          %swap3A_1741 = arith.constant 112 : index
          %swap3A_1742 = tpu.vector_load %arg8[%swap3A_1738, %swap3A_1739, %swap3A_1740, %swap3A_1741] {strides = array<i32>} : memref<2x16x8x128xf32, #tpu.memory_space<vmem>>, vector<16xf32>,
          tpu.vector_store %arg8[%swap3A_1738, %swap3A_1739, %swap3A_1740, %swap3A_1741], %gather3A_1530 {strides = array<i32>} : memref<2x16x8x128xf32, #tpu.memory_space<vmem>>, vector<16xf32>,
          %swap3A_1743 = arith.constant 1 : i32
          %swap3A_1744 = arith.constant 6 : i32
          %swap3A_1745 = arith.index_cast %swap3A_1743 : i32 to index
          %swap3A_1746 = arith.index_cast %add3A_1176 : i32 to index
          %swap3A_1747 = arith.index_cast %swap3A_1744 : i32 to index
          %swap3A_1748 = arith.constant 112 : index
          %swap3A_1749 = tpu.vector_load %arg8[%swap3A_1745, %swap3A_1746, %swap3A_1747, %swap3A_1748] {strides = array<i32>} : memref<2x16x8x128xf32, #tpu.memory_space<vmem>>, vector<16xf32>,
          tpu.vector_store %arg8[%swap3A_1745, %swap3A_1746, %swap3A_1747, %swap3A_1748], %gather3A_1531 {strides = array<i32>} : memref<2x16x8x128xf32, #tpu.memory_space<vmem>>, vector<16xf32>,
          %swap3A_1750 = arith.constant 1 : i32
          %swap3A_1751 = arith.constant 7 : i32
          %swap3A_1752 = arith.index_cast %swap3A_1750 : i32 to index
          %swap3A_1753 = arith.index_cast %add3A_1176 : i32 to index
          %swap3A_1754 = arith.index_cast %swap3A_1751 : i32 to index
          %swap3A_1755 = arith.constant 112 : index
          %swap3A_1756 = tpu.vector_load %arg8[%swap3A_1752, %swap3A_1753, %swap3A_1754, %swap3A_1755] {strides = array<i32>} : memref<2x16x8x128xf32, #tpu.memory_space<vmem>>, vector<16xf32>,
          tpu.vector_store %arg8[%swap3A_1752, %swap3A_1753, %swap3A_1754, %swap3A_1755], %gather3A_1532 {strides = array<i32>} : memref<2x16x8x128xf32, #tpu.memory_space<vmem>>, vector<16xf32>,
        }
        %scan3A_1140 = arith.constant 16 : i32
        %mul3A_1141 = arith.constant 8 : i32
        %mul3A_1142 = arith.muli %select_n3A, %mul3A_1141 : i32
        %add3A_1143 = arith.addi %mul3A_29, %mul3A_1142 : i32
        %add3A_1144 = arith.addi %add3A_1143, %add3A_962 : i32
        %mul3A_1145 = arith.constant 8 : i32
        %mul3A_1146 = arith.muli %add3A_1144, %mul3A_1145 : i32
        %add3A_1147 = arith.addi %mul3A_1146, %select_n3A_28 : i32
        %mul3A_1148 = arith.constant 16 : i32
        %mul3A_1149 = arith.muli %add3A_1088, %mul3A_1148 : i32
        %dma_start3A_1150 = arith.constant 1 : i32
        %dma_start3A_1151 = arith.constant 1 : i32
        %dma_start3A_1152 = arith.constant 0 : i32
        %dma_start3A_1153 = arith.constant 0 : i32
        %dma_start3A_1154 = arith.constant 0 : i32
        %dma_start3A_1155 = tpu.memref_slice %arg8[%dma_start3A_1150, %dma_start3A_1152, %dma_start3A_1153, %dma_start3A_1154] : memref<2x16x8x128xf32, #tpu.memory_space<vmem>> -> memref<1x16x8x128xf32, #tpu.memory_space<vmem>>
        %dma_start3A_1156 = tpu.memref_squeeze %dma_start3A_1155 : memref<1x16x8x128xf32, #tpu.memory_space<vmem>> -> memref<16x8x128xf32, #tpu.memory_space<vmem>>
        %dma_start3A_1157 = arith.constant 0 : i32
        %dma_start3A_1158 = arith.constant 0 : i32
        %dma_start3A_1159 = tpu.memref_slice %arg4[%add3A_1147, %mul3A_1149, %dma_start3A_1157, %dma_start3A_1158] : memref<256x128x8x128xf32, #tpu.memory_space<hbm>> -> memref<1x16x8x128xf32, #tpu.memory_space<hbm>>
        %dma_start3A_1160 = tpu.memref_squeeze %dma_start3A_1159 : memref<1x16x8x128xf32, #tpu.memory_space<hbm>> -> memref<16x8x128xf32, #tpu.memory_space<hbm>>
        %dma_start3A_1161 = tpu.memref_slice %arg13[%dma_start3A_1151] : memref<2x!tpu.dma_semaphore, #tpu.memory_space<semaphore_mem>> -> memref<1x!tpu.dma_semaphore, #tpu.memory_space<semaphore_mem>>
        %dma_start3A_1162 = tpu.memref_squeeze %dma_start3A_1161 : memref<1x!tpu.dma_semaphore, #tpu.memory_space<semaphore_mem>> -> memref<!tpu.dma_semaphore, #tpu.memory_space<semaphore_mem>>
        %dma_start3A_1163 = arith.constant 0 : i32
        %dma_start3A_1164 = arith.constant 0 : i32
        %dma_start3A_1165 = tpu.memref_slice %arg4[%add3A_1147, %mul3A_1149, %dma_start3A_1163, %dma_start3A_1164] : memref<256x128x8x128xf32, #tpu.memory_space<hbm>> -> memref<1x16x8x128xf32, #tpu.memory_space<hbm>>
        %dma_start3A_1166 = tpu.memref_squeeze %dma_start3A_1165 : memref<1x16x8x128xf32, #tpu.memory_space<hbm>> -> memref<16x8x128xf32, #tpu.memory_space<hbm>>
        %dma_start3A_1167 = arith.constant 0 : i32
        %dma_start3A_1168 = arith.constant 0 : i32
        %dma_start3A_1169 = arith.constant 0 : i32
        %dma_start3A_1170 = tpu.memref_slice %arg8[%dma_start3A_1150, %dma_start3A_1167, %dma_start3A_1168, %dma_start3A_1169] : memref<2x16x8x128xf32, #tpu.memory_space<vmem>> -> memref<1x16x8x128xf32, #tpu.memory_space<vmem>>
        %dma_start3A_1171 = tpu.memref_squeeze %dma_start3A_1170 : memref<1x16x8x128xf32, #tpu.memory_space<vmem>> -> memref<16x8x128xf32, #tpu.memory_space<vmem>>
        tpu.enqueue_dma source(%dma_start3A_1171 : memref<16x8x128xf32, #tpu.memory_space<vmem>>) target(%dma_start3A_1166 : memref<16x8x128xf32, #tpu.memory_space<hbm>>) target_semaphore(%dma_start3A_1162 : memref<!tpu.dma_semaphore, #tpu.memory_space<semaphore_mem>>)
      }
      %scan3A_982 = arith.constant 4 : i32
      %add3A_983 = arith.constant 1 : i32
      %add3A_984 = arith.addi %add3A_962, %add3A_983 : i32
      %lt3A_985 = arith.constant 8 : i32
      %lt3A_986 = arith.cmpi slt, %add3A_984, %lt3A_985 : i32
      %convert_element_type3A = arith.extui %lt3A_986 : i1 to i32
      %cond3A = arith.constant 0 : i32
      %cond3A_987 = arith.cmpi ne, %convert_element_type3A, %cond3A : i32
      scf.if %cond3A_987 {
        %add3A_988 = arith.constant 1 : i32
        %add3A_989 = arith.addi %add3A_962, %add3A_988 : i32
        %mul3A_990 = arith.constant 8 : i32
        %mul3A_991 = arith.muli %select_n3A, %mul3A_990 : i32
        %add3A_992 = arith.addi %mul3A_29, %mul3A_991 : i32
        %add3A_993 = arith.addi %add3A_992, %add3A_989 : i32
        %dma_start3A_994 = arith.constant 0 : i32
        %dma_start3A_995 = arith.constant 0 : i32
        %dma_start3A_996 = arith.constant 0 : i32
        %dma_start3A_997 = tpu.memref_slice %arg3[%add3A_993, %select_n3A_28, %dma_start3A_994, %dma_start3A_995, %dma_start3A_996] : memref<32x8x64x8x128xf32, #tpu.memory_space<hbm>> -> memref<1x1x64x8x128xf32, #tpu.memory_space<hbm>>
        %dma_start3A_998 = tpu.memref_squeeze %dma_start3A_997 : memref<1x1x64x8x128xf32, #tpu.memory_space<hbm>> -> memref<64x8x128xf32, #tpu.memory_space<hbm>>
        %dma_start3A_999 = arith.constant 0 : i32
        %dma_start3A_1000 = arith.constant 0 : i32
        %dma_start3A_1001 = arith.constant 0 : i32
        %dma_start3A_1002 = tpu.memref_slice %arg3[%add3A_993, %select_n3A_28, %dma_start3A_999, %dma_start3A_1000, %dma_start3A_1001] : memref<32x8x64x8x128xf32, #tpu.memory_space<hbm>> -> memref<1x1x64x8x128xf32, #tpu.memory_space<hbm>>
        %dma_start3A_1003 = tpu.memref_squeeze %dma_start3A_1002 : memref<1x1x64x8x128xf32, #tpu.memory_space<hbm>> -> memref<64x8x128xf32, #tpu.memory_space<hbm>>
        tpu.enqueue_dma source(%dma_start3A_1003 : memref<64x8x128xf32, #tpu.memory_space<hbm>>) target(%arg6 : memref<64x8x128xf32, #tpu.memory_space<vmem>>) target_semaphore(%arg11 : memref<!tpu.dma_semaphore, #tpu.memory_space<semaphore_mem>>)
      } else {
      }
    }
    %scan3A_893 = arith.constant 8 : i32
    %mul3A_894 = arith.constant 8 : i32
    %mul3A_895 = arith.muli %select_n3A, %mul3A_894 : i32
    %add3A_896 = arith.addi %mul3A_29, %mul3A_895 : i32
    %add3A_897 = arith.constant 0 : i32
    %add3A_898 = arith.addi %add3A_896, %add3A_897 : i32
    %mul3A_899 = arith.constant 8 : i32
    %mul3A_900 = arith.muli %add3A_898, %mul3A_899 : i32
    %add3A_901 = arith.addi %mul3A_900, %select_n3A_28 : i32
    %dma_wait3A_902 = arith.constant 0 : i32
    %dma_wait3A_903 = arith.constant 0 : i32
    %dma_wait3A_904 = arith.constant 0 : i32
    %dma_wait3A_905 = arith.constant 0 : i32
    %dma_wait3A_906 = arith.constant 0 : i32
    %dma_wait3A_907 = tpu.memref_slice %arg8[%dma_wait3A_902, %dma_wait3A_904, %dma_wait3A_905, %dma_wait3A_906] : memref<2x16x8x128xf32, #tpu.memory_space<vmem>> -> memref<1x16x8x128xf32, #tpu.memory_space<vmem>>
    %dma_wait3A_908 = tpu.memref_squeeze %dma_wait3A_907 : memref<1x16x8x128xf32, #tpu.memory_space<vmem>> -> memref<16x8x128xf32, #tpu.memory_space<vmem>>
    %dma_wait3A_909 = arith.constant 0 : i32
    %dma_wait3A_910 = arith.constant 0 : i32
    %dma_wait3A_911 = arith.constant 0 : i32
    %dma_wait3A_912 = tpu.memref_slice %arg4[%add3A_901, %dma_wait3A_909, %dma_wait3A_910, %dma_wait3A_911] : memref<256x128x8x128xf32, #tpu.memory_space<hbm>> -> memref<1x16x8x128xf32, #tpu.memory_space<hbm>>
    %dma_wait3A_913 = tpu.memref_squeeze %dma_wait3A_912 : memref<1x16x8x128xf32, #tpu.memory_space<hbm>> -> memref<16x8x128xf32, #tpu.memory_space<hbm>>
    %dma_wait3A_914 = tpu.memref_slice %arg13[%dma_wait3A_903] : memref<2x!tpu.dma_semaphore, #tpu.memory_space<semaphore_mem>> -> memref<1x!tpu.dma_semaphore, #tpu.memory_space<semaphore_mem>>
    %dma_wait3A_915 = tpu.memref_squeeze %dma_wait3A_914 : memref<1x!tpu.dma_semaphore, #tpu.memory_space<semaphore_mem>> -> memref<!tpu.dma_semaphore, #tpu.memory_space<semaphore_mem>>
    %dma_wait3A_916 = arith.constant 0 : i32
    %dma_wait3A_917 = arith.constant 0 : i32
    %dma_wait3A_918 = arith.constant 0 : i32
    %dma_wait3A_919 = tpu.memref_slice %arg4[%add3A_901, %dma_wait3A_916, %dma_wait3A_917, %dma_wait3A_918] : memref<256x128x8x128xf32, #tpu.memory_space<hbm>> -> memref<1x16x8x128xf32, #tpu.memory_space<hbm>>
    %dma_wait3A_920 = tpu.memref_squeeze %dma_wait3A_919 : memref<1x16x8x128xf32, #tpu.memory_space<hbm>> -> memref<16x8x128xf32, #tpu.memory_space<hbm>>
    %dma_wait3A_921 = arith.constant 0 : i32
    %dma_wait3A_922 = arith.constant 0 : i32
    %dma_wait3A_923 = arith.constant 0 : i32
    %dma_wait3A_924 = tpu.memref_slice %arg8[%dma_wait3A_902, %dma_wait3A_921, %dma_wait3A_922, %dma_wait3A_923] : memref<2x16x8x128xf32, #tpu.memory_space<vmem>> -> memref<1x16x8x128xf32, #tpu.memory_space<vmem>>
    %dma_wait3A_925 = tpu.memref_squeeze %dma_wait3A_924 : memref<1x16x8x128xf32, #tpu.memory_space<vmem>> -> memref<16x8x128xf32, #tpu.memory_space<vmem>>
    tpu.wait_dma2 semaphore(%dma_wait3A_915 : memref<!tpu.dma_semaphore, #tpu.memory_space<semaphore_mem>>) src(%dma_wait3A_925 : memref<16x8x128xf32, #tpu.memory_space<vmem>>) dst(%dma_wait3A_920 : memref<16x8x128xf32, #tpu.memory_space<hbm>>)
    %mul3A_926 = arith.constant 8 : i32
    %mul3A_927 = arith.muli %select_n3A, %mul3A_926 : i32
    %add3A_928 = arith.addi %mul3A_29, %mul3A_927 : i32
    %add3A_929 = arith.constant 0 : i32
    %add3A_930 = arith.addi %add3A_928, %add3A_929 : i32
    %mul3A_931 = arith.constant 8 : i32
    %mul3A_932 = arith.muli %add3A_930, %mul3A_931 : i32
    %add3A_933 = arith.addi %mul3A_932, %select_n3A_28 : i32
    %dma_wait3A_934 = arith.constant 1 : i32
    %dma_wait3A_935 = arith.constant 1 : i32
    %dma_wait3A_936 = arith.constant 0 : i32
    %dma_wait3A_937 = arith.constant 0 : i32
    %dma_wait3A_938 = arith.constant 0 : i32
    %dma_wait3A_939 = tpu.memref_slice %arg8[%dma_wait3A_934, %dma_wait3A_936, %dma_wait3A_937, %dma_wait3A_938] : memref<2x16x8x128xf32, #tpu.memory_space<vmem>> -> memref<1x16x8x128xf32, #tpu.memory_space<vmem>>
    %dma_wait3A_940 = tpu.memref_squeeze %dma_wait3A_939 : memref<1x16x8x128xf32, #tpu.memory_space<vmem>> -> memref<16x8x128xf32, #tpu.memory_space<vmem>>
    %dma_wait3A_941 = arith.constant 0 : i32
    %dma_wait3A_942 = arith.constant 0 : i32
    %dma_wait3A_943 = arith.constant 0 : i32
    %dma_wait3A_944 = tpu.memref_slice %arg4[%add3A_933, %dma_wait3A_941, %dma_wait3A_942, %dma_wait3A_943] : memref<256x128x8x128xf32, #tpu.memory_space<hbm>> -> memref<1x16x8x128xf32, #tpu.memory_space<hbm>>
    %dma_wait3A_945 = tpu.memref_squeeze %dma_wait3A_944 : memref<1x16x8x128xf32, #tpu.memory_space<hbm>> -> memref<16x8x128xf32, #tpu.memory_space<hbm>>
    %dma_wait3A_946 = tpu.memref_slice %arg13[%dma_wait3A_935] : memref<2x!tpu.dma_semaphore, #tpu.memory_space<semaphore_mem>> -> memref<1x!tpu.dma_semaphore, #tpu.memory_space<semaphore_mem>>
    %dma_wait3A_947 = tpu.memref_squeeze %dma_wait3A_946 : memref<1x!tpu.dma_semaphore, #tpu.memory_space<semaphore_mem>> -> memref<!tpu.dma_semaphore, #tpu.memory_space<semaphore_mem>>
    %dma_wait3A_948 = arith.constant 0 : i32
    %dma_wait3A_949 = arith.constant 0 : i32
    %dma_wait3A_950 = arith.constant 0 : i32
    %dma_wait3A_951 = tpu.memref_slice %arg4[%add3A_933, %dma_wait3A_948, %dma_wait3A_949, %dma_wait3A_950] : memref<256x128x8x128xf32, #tpu.memory_space<hbm>> -> memref<1x16x8x128xf32, #tpu.memory_space<hbm>>
    %dma_wait3A_952 = tpu.memref_squeeze %dma_wait3A_951 : memref<1x16x8x128xf32, #tpu.memory_space<hbm>> -> memref<16x8x128xf32, #tpu.memory_space<hbm>>
    %dma_wait3A_953 = arith.constant 0 : i32
    %dma_wait3A_954 = arith.constant 0 : i32
    %dma_wait3A_955 = arith.constant 0 : i32
    %dma_wait3A_956 = tpu.memref_slice %arg8[%dma_wait3A_934, %dma_wait3A_953, %dma_wait3A_954, %dma_wait3A_955] : memref<2x16x8x128xf32, #tpu.memory_space<vmem>> -> memref<1x16x8x128xf32, #tpu.memory_space<vmem>>
    %dma_wait3A_957 = tpu.memref_squeeze %dma_wait3A_956 : memref<1x16x8x128xf32, #tpu.memory_space<vmem>> -> memref<16x8x128xf32, #tpu.memory_space<vmem>>
    tpu.wait_dma2 semaphore(%dma_wait3A_947 : memref<!tpu.dma_semaphore, #tpu.memory_space<semaphore_mem>>) src(%dma_wait3A_957 : memref<16x8x128xf32, #tpu.memory_space<vmem>>) dst(%dma_wait3A_952 : memref<16x8x128xf32, #tpu.memory_space<hbm>>)
    return
  }
}

</mosaic_0001>

<sc_bundles>
// kernel: kernel.3.cloned.1.call-start
scs
__scs_entry_jumppad:
0x0: {  	(pc) =	sbr.rel $0x88, $3  }
0x1: {  	(tag) =	ssettag $0x0;
	lr =	simm.s32 $0x1  }
0x2: {  	[smem:$0x3F9F] =	sst lr;
	_ =	strace $0xD0000000  }
0x3: {  	_ = 	snop  }
0x4: {  	_ = 	snop  }
0x5: {  	_ = 	snop  }
0x6: {  	_ = 	snop  }
0x7: {  	_ = 	snop  }
__scs_overlays_trampoline_lowered:
0x8: {  	[smem:$0x3FAE] =	sst s0  }
0x9: {  	[smem:$0x3FAF] =	sst s1  }
0xa: {  	[smem:$0x3FB0] =	sst s2  }
0xb: {  	[smem:$0x3FB1] =	sst s3  }
0xc: {  	[smem:$0x3FB2] =	sst s4  }
0xd: {  	[smem:$0x3FB3] =	sst s5  }
0xe: {  	[smem:$0x3FB4] =	sst s6  }
0xf: {  	[smem:$0x3FB5] =	sst s7  }
0x10: {  	[smem:$0x3FB6] =	sst s8  }
0x11: {  	[smem:$0x3FB7] =	sst s9;
	s0 =	simm.s32 @!p0 $0x0  }
0x12: {  	s1 =	sld [smem:$0x3F9D];
	s0 =	simm.s32 @p0 $0x1  }
0x13: {  	[smem:$0x3FB8] =	sst s0;
	s0 =	simm.s32 @!p1 $0x0  }
0x14: {  	s2 =	sld [smem:$0x3F9C];
	s0 =	simm.s32 @p1 $0x1  }
0x15: {  	[smem:$0x3FB9] =	sst s0;
	s0 =	simm.s32 @!p2 $0x0  }
0x16: {  	s3 =	sld [smem:$0x3FDB];
	s0 =	simm.s32 @p2 $0x1  }
0x17: {  	s4 =	simm.s32 $0x1BF5;
	[smem:$0x3FBB] =	sst s0  }
0x18: {  	s0 =	sld [smem:$0x3F9E];
	_ =	swait.ge [sflag:s4], $0x0  }
0x19: {  	s7 =	sld [smem:$0x3F9F]  }
0x1a: {  	s8 =	sadd.s32 $0xFFFFE003, lr  }
0x1b: {  	s9 =	sadd.s32 $0xFFFFFEF7, lr;
	s5 =	simm.s32 $0xFFFFFFFF;
	p2 =	slt.u32 s8, $0xFFFFF086  }
0x1c: {  	p1 =	slt.u32 s9, $0xF7A;
	s5 =	simm.s32 @!p2 $0x0  }
0x1d: {  	s5 =	simm.s32 @p1 $0x1;
	p0 =	seq.s32 s7, s2  }
0x1e: {  	s7 =	smul.u32 @!p0 $0xF7A, s2;
	p2 =	seq.s32 @!p0 s5, $0x0  }
0x1f: {  	s9 =	smul.u32 $0xF7A, s1;
	s8 =	simm.s32 @!p0 $0x1BF5;
	p2 =	por !p2, p0  }
0x20: {  	[sflag:s8] =	ssyncset.s32 @!p0 $0xFFFFF086;
	s6 =	sadd.s32 @!p0 s3, s7;
	s7 =	simm.s32 @!p0 $0x108  }
0x21: {  	s3 =	sadd.s32 s3, s9;
	s6 =	sadd.s32 @!p0 $0x88, s6;
	s7 =	simm.s32 @p2 $0x1082  }
0x22: {  	[simem:s7], [sflag:s8] =	dma.local @!p0 [hbm:s6], $0xF7A  }
0x23: {  	s9 =	sor.u32 $0xD0000000, s2;
	s6 =	simm.s32 $0x108;
	_ =	swait.ge @!p0 [sflag:s8], $0x0  }
0x24: {  	s3 =	sadd.s32 $0x88, s3;
	s6 =	simm.s32 @!p1 $0x1082;
	[sflag:s4] =	ssyncset.s32 $0xFFFFF086  }
0x25: {  	[simem:s6], [sflag:s4] =	dma.local [hbm:s3], $0xF7A  }
0x26: {  	[smem:$0x3F9F] =	sst s1;
	(tag) =	ssettag s2;
	_ =	strace s9  }
0x27: {  	s1 =	sld [smem:$0x3FAF]  }
0x28: {  	s2 =	sld [smem:$0x3FB0]  }
0x29: {  	s4 =	sld [smem:$0x3FB2]  }
0x2a: {  	p0 =	seq.s32 s5, $0x0;
	s5 =	sld [smem:$0x3FB3]  }
0x2b: {  	s6 =	sld [smem:$0x3FB4]  }
0x2c: {  	s7 =	sld [smem:$0x3FB5]  }
0x2d: {  	s3 =	simm.s32 $0x108;
	s8 =	sld [smem:$0x3FB6]  }
0x2e: {  	s3 =	simm.s32 @!p0 $0x1082;
	s9 =	sld [smem:$0x3FB7]  }
0x2f: {  	lr =	sadd.s32 s0, s3;
	s0 =	sld [smem:$0x3FAE]  }
0x30: {  	s3 =	sld [smem:$0x3FB1]  }
0x31: {  	[smem:$0x3FBA] =	sst s10  }
0x32: {  	s10 =	sld [smem:$0x3FB8];
	_ =	sdelay $0x3  }
0x33: {  	p0 =	seq.s32 s10, $0x1;
	s10 =	sld [smem:$0x3FBA];
	_ =	sdelay $0x3  }
0x34: {  	[smem:$0x3FBA] =	sst s10  }
0x35: {  	s10 =	sld [smem:$0x3FB9];
	_ =	sdelay $0x3  }
0x36: {  	p1 =	seq.s32 s10, $0x1;
	s10 =	sld [smem:$0x3FBA];
	_ =	sdelay $0x3  }
0x37: {  	[smem:$0x3FBA] =	sst s10  }
0x38: {  	s10 =	sld [smem:$0x3FBB]  }
0x39: {  	_ = 	snop;
	(pc) =	sbr.ind lr, $3  }
0x3a: {  	_ = 	snop  }
0x3b: {  	_ = 	snop  }
0x3c: {  	p2 =	seq.s32 s10, $0x1;
	s10 =	sld [smem:$0x3FBA]  }
0x3d: {  	_ =	shalt  }
0x3e: {  	_ =	shalt  }
0x3f: {  	_ =	shalt  }
0x40: {  	_ =	shalt  }
0x41: {  	_ =	shalt  }
0x42: {  	_ =	shalt  }
0x43: {  	_ =	shalt  }
0x44: {  	_ =	shalt  }
0x45: {  	_ =	shalt  }
0x46: {  	_ =	shalt  }
0x47: {  	_ =	shalt  }
0x48: {  	_ =	shalt  }
0x49: {  	_ =	shalt  }
0x4a: {  	_ =	shalt  }
0x4b: {  	_ =	shalt  }
0x4c: {  	_ =	shalt  }
0x4d: {  	_ =	shalt  }
0x4e: {  	_ =	shalt  }
0x4f: {  	_ =	shalt  }
0x50: {  	_ =	shalt  }
0x51: {  	_ =	shalt  }
0x52: {  	_ =	shalt  }
0x53: {  	_ =	shalt  }
0x54: {  	_ =	shalt  }
0x55: {  	_ =	shalt  }
0x56: {  	_ =	shalt  }
0x57: {  	_ =	shalt  }
0x58: {  	_ =	shalt  }
0x59: {  	_ =	shalt  }
0x5a: {  	_ =	shalt  }
0x5b: {  	_ =	shalt  }
0x5c: {  	_ =	shalt  }
0x5d: {  	_ =	shalt  }
0x5e: {  	_ =	shalt  }
0x5f: {  	_ =	shalt  }
0x60: {  	_ =	shalt  }
0x61: {  	_ =	shalt  }
0x62: {  	_ =	shalt  }
0x63: {  	_ =	shalt  }
0x64: {  	_ =	shalt  }
0x65: {  	_ =	shalt  }
0x66: {  	_ =	shalt  }
0x67: {  	_ =	shalt  }
0x68: {  	_ =	shalt  }
0x69: {  	_ =	shalt  }
0x6a: {  	_ =	shalt  }
0x6b: {  	_ =	shalt  }
0x6c: {  	_ =	shalt  }
0x6d: {  	_ =	shalt  }
0x6e: {  	_ =	shalt  }
0x6f: {  	_ =	shalt  }
0x70: {  	_ =	shalt  }
0x71: {  	_ =	shalt  }
0x72: {  	_ =	shalt  }
0x73: {  	_ =	shalt  }
0x74: {  	_ =	shalt  }
0x75: {  	_ =	shalt  }
0x76: {  	_ =	shalt  }
0x77: {  	_ =	shalt  }
0x78: {  	_ =	shalt  }
0x79: {  	_ =	shalt  }
0x7a: {  	_ =	shalt  }
0x7b: {  	_ =	shalt  }
0x7c: {  	_ =	shalt  }
0x7d: {  	_ =	shalt  }
0x7e: {  	_ =	shalt  }
0x7f: {  	_ =	shalt  }
0x80: {  	_ =	shalt  }
0x81: {  	_ =	shalt  }
0x82: {  	_ =	shalt  }
0x83: {  	_ =	shalt  }
0x84: {  	_ =	shalt  }
0x85: {  	_ =	shalt  }
0x86: {  	_ =	shalt  }
0x87: {  	_ =	shalt  }
.Lfunc_end0:
.L_simem_size_0:
called_computation_lowered:
.L_overlay_start_0:
0x88: {  	s2 =	sld [smem:$0x3FD9]  }
0x89: {  	s3 =	sld [smem:$0x3FFE];
	_ =	sdelay $0x1  }
0x8a: {  	s1 =	srdreg.scid  }
0x8b: {  	s0 =	sand.u32 $0x1, s1  }
0x8c: {  	s18 =	sshll.u32 s0, $0xA;
	s2 =	sadd.s32 s3, s2  }
0x8d: {  	s2 =	sadd.s32 s2, s18  }
0x8e: {  	[smem:$0x3FC6] =	sst s2  }
0x8f: {  	_ = 	snop  }
0x90: {  	s2 =	sld [smem:$0x3FC9]  }
0x91: {  	s19 =	sld [smem:$0x3FC8]  }
0x92: {  	s4 =	sld [smem:$0x3FD0];
	(tm) =	ssettm $0x1  }
0x93: {  	s5 =	sld [smem:$0x3FFB];
	_ =	sdelay $0x3  }
0x94: {  	_ =	strace s5  }
0x95: {  	s5 =	sld [smem:$0x3FFC];
	_ =	sdelay $0x3  }
0x96: {  	_ =	strace s5  }
0x97: {  	s5 =	sld [smem:$0x3FFD];
	_ =	sdelay $0x3  }
0x98: {  	_ =	strace s5  }
0x99: {  	_ =	strace $0x8FFFFFFF  }
0x9a: {  	s20 =	sld [smem:$0x3FDB];
	_ =	sdelay $0x1  }
0x9b: {  	s6 =	simm.s32 $_scs_section_size  }
0x9c: {  	s7 =	simm.s32 $_size__tile_overlayer_lowered;
	s8 =	simm.s32 $_tile_overlayer_lowered  }
0x9d: {  	s23 =	simm.s32 $0x1BFF;
	s22 =	sshll.u32 s8, $0x1;
	s5 =	sadd.s32 s6, s20  }
0x9e: {  	s9 =	simm.s32 $0x0;
	s21 =	sshll.u32 s7, $0x1;
	s7 =	sadd.s32 s22, s5  }
0x9f: {  	[timem:s9], [sflag:s23] =	dma.local [hbm:s7], s21  }
0xa0: {  	_ =	swait.ge [sflag:s23], s21  }
0xa1: {  	s6 =	ssub.s32 $0x0, s21;
	[sflag:s23] =	ssyncset.done $0x0  }
0xa2: {  	[sflag:s23] =	ssyncadd.s32 s6;
	_ =	sdelay $0x1  }
0xa3: {  	s24 =	simm.s32 $0x1B8B  }
0xa4: {  	_ =	swait.ge [sflag:s24], $0x1  }
0xa5: {  	[sflag:s24] =	ssyncset.done $0x0  }
0xa6: {  	s25 =	simm.s32 $0x1B8E;
	[sflag:s24] =	ssyncadd.s32 $0xFFFFFFFF  }
0xa7: {  	s26 =	simm.s32 $execute0_lowered;
	[smem:$0x3FD2] =	sst s25  }
0xa8: {  	s6 =	sshll.u32 s26, $0x1;
	_ =	strace $0x80000046;
	[dreg:$0x1] =	wrdreg $0xFFFFFFFF  }
0xa9: {  	s28 =	simm.s32 $_size_execute0_lowered;
	s5 =	sadd.s32 s5, s6;
	[dreg:$0x0] =	wrdreg $0x0  }
0xaa: {  	s6 =	sshll.u32 s28, $0x1;
	[dreg:$0x2] =	wrdreg s5  }
0xab: {  	[dreg:$0x3] =	wrdreg s6  }
0xac: {  	[dreg:$0x4] =	wrdreg $0xC0  }
0xad: {  	_ =	task [dreg:s9], $0x5FFFF  }
0xae: {  	[dreg:$0x1] =	wrdreg $0xFFFFFFFF  }
0xaf: {  	[dreg:$0x0] =	wrdreg $0x60  }
0xb0: {  	[dreg:$0x2] =	wrdreg s2  }
0xb1: {  	[dreg:$0x3] =	wrdreg s19  }
0xb2: {  	[dreg:$0x4] =	wrdreg s4  }
0xb3: {  	[dreg:$0x5] =	wrdreg $0x1B0000  }
0xb4: {  	[dreg:$0x6] =	wrdreg $0x9  }
0xb5: {  	_ =	task.clear_ibuf [dreg:s9], $0x7FFFF;
	_ =	strace $0x90000046  }
0xb6: {  	s29 =	simm.s32 $0x9;
	_ =	strace $0x80000048  }
0xb7: {  	_ =	swait.ge [sflag:s29], $0x1  }
0xb8: {  	[sflag:s29] =	ssyncadd.s32 $0xFFFFFFFF  }
0xb9: {  	_ =	strace $0x90000048  }
0xba: {  	_ =	sfence  }
0xbb: {  	s30 =	sld [smem:$0x0];
	_ =	sdelay $0x2  }
0xbc: {  	s31 =	sshll.u32 s1, $0xD;
	s1 =	sshrl.u32 s1, $0x2  }
0xbd: {  	s3 =	sand.u32 $0x4000, s31;
	s1 =	sadd.s32 s1, s30  }
0xbe: {  	s0 =	sor.u32 s3, s0;
	s1 =	sshll.u32 s1, $0x11  }
0xbf: {  	s0 =	sor.u32 s1, s0  }
0xc0: {  	s0 =	sadd.s32 $0x8F2B, s0  }
0xc1: {  	[sflag:s0] =	ssyncadd.remote.s32 $0x1  }
0xc2: {  	_ =	sfence.sel $0xFFFF  }
0xc3: {  	[dreg:$0x0] =	wrdreg $0xFFFFFFFF;
	(pc) =	sbr.abs _section_cstart, $3  }
0xc4: {  	[dreg:$0x1] =	wrdreg $0xFFFFFFFF  }
0xc5: {  	_ =	task.clear_ibuf [dreg:s9], $0x2FFFF;
	_ =	strace $0x9FFFFFFF  }
0xc6: {  	(tm) =	ssettm $0x7FFFFFFF  }
0xc7: {  	_ =	shalt  }
tec
execute0_lowered:
.L_overlay_start_1:
0x0: {  	(tag) =	ssettag $0x1  }
0x1: {  	s0 =	rddreg [dreg:$0x0]  }
0x2: {  	s1 =	rddreg [dreg:$0x1]  }
0x3: {  	s2 =	rddreg [dreg:$0x2]  }
0x4: {  	s3 =	rddreg [dreg:$0x3]  }
0x5: {  	s5 =	srdreg.scid;
	s4 =	simm.s32 $0x0;
	s13 =	stileid.u32  }
0x6: {  	s5 =	sand.u32 $0x1, s5;
	[smem:$0x7FF] =	sst s4;
	s9 =	sand.u32 $0x7, s13  }
0x7: {  	s6 =	sand.u32 $0x8, s13;
	s12 =	sshll.u32 s13, $0x4;
	s13 =	sshll.u32 s13, $0xE  }
0x8: {  	s7 =	ssub.s32 $0x2, s5;
	_ =	strace $0x80000047;
	s10 =	sshll.u32 s5, $0x4  }
0x9: {  	s5 =	sshll.u32 s5, $0x12;
	s13 =	sand.u32 $0x20000, s13;
	s12 =	sand.u32 $0x70, s12  }
0xa: {  	s8 =	sshrl.u32 s7, $0x1;
	s5 =	sor.u32 s5, s13;
	s14 =	sshll.u32 s12, $0xA  }
0xb: {  	s15 =	sshll.u32 s12, $0x7;
	s16 =	sadd.s32 s13, s3;
	s12 =	sor.u32 $0x8, s12  }
0xc: {  	s11 =	ssub.s32 s7, s8;
	s7 =	sor.u32 s6, s10;
	s8 =	sshll.u32 s9, $0x10  }
0xd: {  	s14 =	sor.u32 s14, s5;
	s26 =	sshll.u32 s12, $0xA;
	s12 =	sshll.u32 s12, $0x7  }
0xe: {  	[dreg:$0x5] =	wrdreg s16;
	s14 =	sshrl.u32 s14, $0x3;
	s12 =	sadd.s32 s12, s16  }
0xf: {  	s10 =	sshll.u32 s7, $0x13;
	s20 =	sadd.s32 s0, s14;
	[smem:$0x7FC] =	sst s12  }
0x10: {  	s5 =	sor.u32 s5, s26;
	s14 =	sadd.s32 $0x8000, s12;
	[dreg:$0x7] =	wrdreg s20  }
0x11: {  	s10 =	sor.u32 s8, s10;
	s17 =	sadd.s32 $0x10000, s12;
	[dreg:$0x11] =	wrdreg s14  }
0x12: {  	s5 =	sshrl.u32 s5, $0x3;
	s18 =	sadd.s32 $0x14000, s12;
	[dreg:$0x14] =	wrdreg s17  }
0x13: {  	s19 =	sshrl.u32 s10, $0x3;
	s0 =	sadd.s32 s0, s5;
	[dreg:$0x15] =	wrdreg s18  }
0x14: {  	s10 =	sadd.s32 s15, s16;
	s15 =	smax.u32 s11, $0x1;
	[dreg:$0xf] =	wrdreg s0  }
0x15: {  	s16 =	sadd.s32 $0xC000, s12;
	[dreg:$0x12] =	wrdreg s15  }
0x16: {  	s20 =	sadd.s32 $0x1C000, s12;
	[dreg:$0x13] =	wrdreg s16  }
0x17: {  	[dreg:$0x17] =	wrdreg s20  }
0x18: {  	s13 =	sadd.s32 s1, s19;
	[smem:$0x7C3] =	sst s10  }
0x19: {  	s21 =	sadd.s32 $0x4000, s10;
	[dreg:$0x6] =	wrdreg s13  }
0x1a: {  	s22 =	sadd.s32 $0x8000, s10;
	[dreg:$0x8] =	wrdreg s21  }
0x1b: {  	s23 =	sadd.s32 $0xC000, s10;
	[dreg:$0x9] =	wrdreg s22  }
0x1c: {  	s24 =	sadd.s32 $0x10000, s10;
	[dreg:$0xa] =	wrdreg s23  }
0x1d: {  	s25 =	sadd.s32 $0x14000, s10;
	[dreg:$0xb] =	wrdreg s24  }
0x1e: {  	s28 =	sadd.s32 $0x18000, s10;
	[dreg:$0xc] =	wrdreg s25  }
0x1f: {  	s29 =	sadd.s32 $0x1C000, s10;
	[dreg:$0xd] =	wrdreg s28  }
0x20: {  	s19 =	sadd.s32 $0x18000, s12;
	[dreg:$0xe] =	wrdreg s29  }
0x21: {  	s26 =	sadd.s32 $0x280, s10;
	[dreg:$0x16] =	wrdreg s19  }
0x22: {  	s11 =	sadd.s32 $0x4100, s10;
	[dreg:$0x1c] =	wrdreg s26  }
0x23: {  	s14 =	sadd.s32 $0x4200, s10;
	[smem:$0x794] =	sst s11  }
0x24: {  	s15 =	sadd.s32 $0x4280, s10;
	[smem:$0x796] =	sst s14  }
0x25: {  	s16 =	sadd.s32 $0x4300, s10;
	[smem:$0x797] =	sst s15  }
0x26: {  	s17 =	sadd.s32 $0x4380, s10;
	[smem:$0x798] =	sst s16  }
0x27: {  	s18 =	sadd.s32 $0x8080, s10;
	[smem:$0x799] =	sst s17  }
0x28: {  	s20 =	sadd.s32 $0x8180, s10;
	[smem:$0x79A] =	sst s18  }
0x29: {  	s13 =	sadd.s32 $0x4000, s12;
	[smem:$0x79C] =	sst s20  }
0x2a: {  	s21 =	sadd.s32 $0x80, s10;
	[dreg:$0x10] =	wrdreg s13  }
0x2b: {  	s22 =	sadd.s32 $0x100, s10;
	[dreg:$0x18] =	wrdreg s21  }
0x2c: {  	s23 =	sadd.s32 $0x180, s10;
	[dreg:$0x19] =	wrdreg s22  }
0x2d: {  	s25 =	sadd.s32 $0x200, s10;
	[dreg:$0x1a] =	wrdreg s23  }
0x2e: {  	s28 =	sadd.s32 $0x300, s10;
	[dreg:$0x1b] =	wrdreg s25  }
0x2f: {  	s29 =	sadd.s32 $0x380, s10;
	[dreg:$0x1d] =	wrdreg s28  }
0x30: {  	s24 =	sshll.u32 s9, $0x11;
	s9 =	sadd.s32 $0x4080, s10;
	[dreg:$0x1e] =	wrdreg s29  }
0x31: {  	s19 =	sadd.s32 $0x8100, s10;
	[dreg:$0x1f] =	wrdreg s9  }
0x32: {  	s26 =	sadd.s32 $0xC080, s10;
	[smem:$0x79B] =	sst s19  }
0x33: {  	s11 =	sadd.s32 $0xC280, s10;
	[smem:$0x7A1] =	sst s26  }
0x34: {  	s14 =	sadd.s32 $0xC380, s10;
	[smem:$0x7A5] =	sst s11  }
0x35: {  	s15 =	sadd.s32 $0x10080, s10;
	[smem:$0x7A7] =	sst s14  }
0x36: {  	s16 =	sadd.s32 $0x10100, s10;
	[smem:$0x7A8] =	sst s15  }
0x37: {  	s17 =	sadd.s32 $0x10180, s10;
	[smem:$0x7A9] =	sst s16  }
0x38: {  	s18 =	sadd.s32 $0x10200, s10;
	[smem:$0x7AA] =	sst s17  }
0x39: {  	s20 =	sadd.s32 $0x10300, s10;
	[smem:$0x7AB] =	sst s18  }
0x3a: {  	s13 =	sadd.s32 $0x4180, s10;
	[smem:$0x7AD] =	sst s20  }
0x3b: {  	s21 =	sadd.s32 $0x8200, s10;
	[smem:$0x795] =	sst s13  }
0x3c: {  	s22 =	sadd.s32 $0x8280, s10;
	[smem:$0x79D] =	sst s21  }
0x3d: {  	s23 =	sadd.s32 $0x8300, s10;
	[smem:$0x79E] =	sst s22  }
0x3e: {  	s25 =	sadd.s32 $0x8380, s10;
	[smem:$0x79F] =	sst s23  }
0x3f: {  	s28 =	sadd.s32 $0xC100, s10;
	[smem:$0x7A0] =	sst s25  }
0x40: {  	s29 =	sadd.s32 $0xC180, s10;
	[smem:$0x7A2] =	sst s28  }
0x41: {  	s9 =	sadd.s32 $0xC200, s10;
	[smem:$0x7A3] =	sst s29  }
0x42: {  	s19 =	sadd.s32 $0x10280, s10;
	[smem:$0x7A4] =	sst s9  }
0x43: {  	s26 =	sadd.s32 $0x14200, s10;
	[smem:$0x7AC] =	sst s19  }
0x44: {  	s11 =	sadd.s32 $0x18080, s10;
	[smem:$0x7B2] =	sst s26  }
0x45: {  	s14 =	sadd.s32 $0x18180, s10;
	[smem:$0x7B6] =	sst s11  }
0x46: {  	s15 =	sadd.s32 $0x18200, s10;
	[smem:$0x7B8] =	sst s14  }
0x47: {  	s16 =	sadd.s32 $0x18280, s10;
	[smem:$0x7B9] =	sst s15  }
0x48: {  	s17 =	sadd.s32 $0x18300, s10;
	[smem:$0x7BA] =	sst s16  }
0x49: {  	s18 =	sadd.s32 $0x18380, s10;
	[smem:$0x7BB] =	sst s17  }
0x4a: {  	s20 =	sadd.s32 $0x1C100, s10;
	[smem:$0x7BC] =	sst s18  }
0x4b: {  	s13 =	sadd.s32 $0xC300, s10;
	[smem:$0x7BE] =	sst s20  }
0x4c: {  	s21 =	sadd.s32 $0x10380, s10;
	[smem:$0x7A6] =	sst s13  }
0x4d: {  	s22 =	sadd.s32 $0x14080, s10;
	[smem:$0x7AE] =	sst s21  }
0x4e: {  	s23 =	sadd.s32 $0x14100, s10;
	[smem:$0x7AF] =	sst s22  }
0x4f: {  	s25 =	sadd.s32 $0x14180, s10;
	[smem:$0x7B0] =	sst s23  }
0x50: {  	s28 =	sadd.s32 $0x14280, s10;
	[smem:$0x7B1] =	sst s25  }
0x51: {  	s29 =	sadd.s32 $0x14300, s10;
	[smem:$0x7B3] =	sst s28  }
0x52: {  	s9 =	sadd.s32 $0x14380, s10;
	[smem:$0x7B4] =	sst s29  }
0x53: {  	s19 =	sadd.s32 $0x1C080, s10;
	[smem:$0x7B5] =	sst s9  }
0x54: {  	s26 =	sadd.s32 $0x1C380, s10;
	[smem:$0x7BD] =	sst s19  }
0x55: {  	s11 =	sadd.s32 $0x280, s12;
	[smem:$0x7C4] =	sst s26  }
0x56: {  	s14 =	sadd.s32 $0x380, s12;
	[smem:$0x7C9] =	sst s11  }
0x57: {  	s15 =	sadd.s32 $0x4080, s12;
	[smem:$0x7CB] =	sst s14  }
0x58: {  	s16 =	sadd.s32 $0x4100, s12;
	[smem:$0x7CC] =	sst s15  }
0x59: {  	s17 =	sadd.s32 $0x4180, s12;
	[smem:$0x7CD] =	sst s16  }
0x5a: {  	s18 =	sadd.s32 $0x4200, s12;
	[smem:$0x7CE] =	sst s17  }
0x5b: {  	s20 =	sadd.s32 $0x4300, s12;
	[smem:$0x7CF] =	sst s18  }
0x5c: {  	s13 =	sadd.s32 $0x18100, s10;
	[smem:$0x7D1] =	sst s20  }
0x5d: {  	s21 =	sadd.s32 $0x1C180, s10;
	[smem:$0x7B7] =	sst s13  }
0x5e: {  	s22 =	sadd.s32 $0x1C200, s10;
	[smem:$0x7BF] =	sst s21  }
0x5f: {  	s23 =	sadd.s32 $0x1C280, s10;
	[smem:$0x7C0] =	sst s22  }
0x60: {  	s25 =	sadd.s32 $0x1C300, s10;
	[smem:$0x7C1] =	sst s23  }
0x61: {  	s28 =	sadd.s32 $0x80, s12;
	[smem:$0x7C2] =	sst s25  }
0x62: {  	s29 =	sadd.s32 $0x100, s12;
	[smem:$0x7C5] =	sst s28  }
0x63: {  	s9 =	sadd.s32 $0x180, s12;
	[smem:$0x7C6] =	sst s29  }
0x64: {  	s10 =	sadd.s32 $0x200, s12;
	[smem:$0x7C7] =	sst s9  }
0x65: {  	s19 =	sadd.s32 $0x4280, s12;
	[smem:$0x7C8] =	sst s10  }
0x66: {  	s26 =	sadd.s32 $0x8200, s12;
	[smem:$0x7D0] =	sst s19  }
0x67: {  	s11 =	sadd.s32 $0xC100, s12;
	[smem:$0x7D6] =	sst s26  }
0x68: {  	s14 =	sadd.s32 $0xC200, s12;
	[smem:$0x7DB] =	sst s11  }
0x69: {  	s15 =	sadd.s32 $0xC280, s12;
	[smem:$0x7DD] =	sst s14  }
0x6a: {  	s16 =	sadd.s32 $0xC300, s12;
	[smem:$0x7DE] =	sst s15  }
0x6b: {  	s17 =	sadd.s32 $0xC380, s12;
	[smem:$0x7DF] =	sst s16  }
0x6c: {  	s18 =	sadd.s32 $0x10080, s12;
	[smem:$0x7E0] =	sst s17  }
0x6d: {  	s20 =	sadd.s32 $0x10180, s12;
	[smem:$0x7E1] =	sst s18  }
0x6e: {  	s13 =	sadd.s32 $0x300, s12;
	[smem:$0x7E3] =	sst s20  }
0x6f: {  	s21 =	sadd.s32 $0x4380, s12;
	[smem:$0x7CA] =	sst s13  }
0x70: {  	s22 =	sadd.s32 $0x8080, s12;
	[smem:$0x7D2] =	sst s21  }
0x71: {  	s23 =	sadd.s32 $0x8100, s12;
	[smem:$0x7D3] =	sst s22  }
0x72: {  	s25 =	sadd.s32 $0x8180, s12;
	[smem:$0x7D4] =	sst s23  }
0x73: {  	s28 =	sadd.s32 $0x8280, s12;
	[smem:$0x7D5] =	sst s25  }
0x74: {  	s29 =	sadd.s32 $0x8300, s12;
	[smem:$0x7D7] =	sst s28  }
0x75: {  	s9 =	sadd.s32 $0x8380, s12;
	[smem:$0x7D8] =	sst s29  }
0x76: {  	s10 =	sadd.s32 $0xC080, s12;
	[smem:$0x7D9] =	sst s9  }
0x77: {  	s19 =	sadd.s32 $0x10100, s12;
	[smem:$0x7DA] =	sst s10  }
0x78: {  	s26 =	sadd.s32 $0x14080, s12;
	[smem:$0x7E2] =	sst s19  }
0x79: {  	s11 =	sadd.s32 $0x14300, s12;
	[smem:$0x7E8] =	sst s26  }
0x7a: {  	s14 =	sadd.s32 $0x18080, s12;
	[smem:$0x7ED] =	sst s11  }
0x7b: {  	s15 =	sadd.s32 $0x18100, s12;
	[smem:$0x7EF] =	sst s14  }
0x7c: {  	s16 =	sadd.s32 $0x18180, s12;
	[smem:$0x7F0] =	sst s15  }
0x7d: {  	s17 =	sadd.s32 $0x18200, s12;
	[smem:$0x7F1] =	sst s16  }
0x7e: {  	s18 =	sadd.s32 $0x18280, s12;
	[smem:$0x7F2] =	sst s17  }
0x7f: {  	s20 =	sadd.s32 $0x18380, s12;
	[smem:$0x7F3] =	sst s18  }
0x80: {  	s13 =	sadd.s32 $0xC180, s12;
	[smem:$0x7F5] =	sst s20  }
0x81: {  	s21 =	sadd.s32 $0x10200, s12;
	[smem:$0x7DC] =	sst s13  }
0x82: {  	s22 =	sadd.s32 $0x10280, s12;
	[smem:$0x7E4] =	sst s21  }
0x83: {  	s23 =	sadd.s32 $0x10300, s12;
	[smem:$0x7E5] =	sst s22  }
0x84: {  	s25 =	sadd.s32 $0x10380, s12;
	[smem:$0x7E6] =	sst s23  }
0x85: {  	s28 =	sadd.s32 $0x14100, s12;
	[smem:$0x7E7] =	sst s25  }
0x86: {  	s29 =	sadd.s32 $0x14180, s12;
	[smem:$0x7E9] =	sst s28  }
0x87: {  	s30 =	simm.s32 $0x3;
	s9 =	sadd.s32 $0x14200, s12;
	[smem:$0x7EA] =	sst s29  }
0x88: {  	s31 =	simm.s32 $0x13000;
	s10 =	sadd.s32 $0x14280, s12;
	[smem:$0x7EB] =	sst s9  }
0x89: {  	s5 =	simm.s32 $0x17000;
	s19 =	sadd.s32 $0x18300, s12;
	[smem:$0x7EC] =	sst s10  }
0x8a: {  	s0 =	sor.u32 $0x1, s6;
	s26 =	sadd.s32 $0x1C280, s12;
	[smem:$0x7F4] =	sst s19  }
0x8b: {  	s14 =	simm.s32 $0x2;
	s13 =	sadd.s32 $0x14380, s12;
	[smem:$0x7FA] =	sst s26  }
0x8c: {  	s15 =	simm.s32 $0x12800;
	s21 =	sadd.s32 $0x1C080, s12;
	[smem:$0x7EE] =	sst s13  }
0x8d: {  	s16 =	simm.s32 $0x4;
	s22 =	sadd.s32 $0x1C100, s12;
	[smem:$0x7F6] =	sst s21  }
0x8e: {  	s20 =	simm.s32 $0xC80;
	s23 =	sadd.s32 $0x1C180, s12;
	[smem:$0x7F7] =	sst s22  }
0x8f: {  	s11 =	simm.s32 $0x1080;
	s25 =	sadd.s32 $0x1C200, s12;
	[smem:$0x7F8] =	sst s23  }
0x90: {  	s28 =	sadd.s32 $0x1C300, s12;
	s29 =	sadd.s32 $0x1C380, s12;
	[smem:$0x7F9] =	sst s25  }
0x91: {  	s26 =	simm.s32 $0x1;
	s10 =	simm.s32 $0x0;
	[smem:$0x7FB] =	sst s28  }
0x92: {  	[smem:$0x7FD] =	sst s29;
	s25 =	simm.s32 $0x2000;
	s23 =	simm.s32 $0x12000  }
.LBB2_1:
0x93: {  	[smem:$0x793] =	sst s10  }
0x94: {  	s12 =	rddreg [dreg:$0x6]  }
0x95: {  	[tilespmem:s25], [sflag:$0x2] =	stream.linear.gather [hbm4b:s12+s4], $0x10000, $0x38;
	[tilespmem:$0x1F000] =	vst v63  }
0x96: {  	s17 =	rddreg [dreg:$0x7]  }
0x97: {  	[tilespmem:s4], [sflag:$0x1] =	stream.linear.gather [hbm4b:s17+s4], $0x2000, $0x38;
	[tilespmem:$0x1F000] =	vst v63  }
0x98: {  	_ =	swait.ge [sflag:s26], $0x2000  }
0x99: {  	s9 =	sld [smem:$0x7C3]  }
0x9a: {  	[sflag:s26] =	ssyncset.done $0x0  }
0x9b: {  	[sflag:s26] =	ssyncadd.s32 $0xFFFFE000  }
0x9c: {  	[spmem:s9] =	stream.linear.scatter [tilespmem:s4], [sflag:$0x1], $0x80, $0x38;
	[tilespmem:$0x1F000] =	vst v63  }
0x9d: {  	s13 =	simm.s32 $0x400;
	s18 =	rddreg [dreg:$0x18]  }
0x9e: {  	[spmem:s18] =	stream.linear.scatter [tilespmem:s13], [sflag:$0x1], $0x80, $0x38;
	[tilespmem:$0x1F000] =	vst v63  }
0x9f: {  	s17 =	simm.s32 $0x800;
	s19 =	rddreg [dreg:$0x19]  }
0xa0: {  	[spmem:s19] =	stream.linear.scatter [tilespmem:s17], [sflag:$0x1], $0x80, $0x38;
	[tilespmem:$0x1F000] =	vst v63  }
0xa1: {  	s21 =	rddreg [dreg:$0x1a];
	s18 =	simm.s32 $0xC00  }
0xa2: {  	[spmem:s21] =	stream.linear.scatter [tilespmem:s18], [sflag:$0x1], $0x80, $0x38;
	[tilespmem:$0x1F000] =	vst v63  }
0xa3: {  	s22 =	rddreg [dreg:$0x1b];
	s19 =	simm.s32 $0x1000  }
0xa4: {  	[spmem:s22] =	stream.linear.scatter [tilespmem:s19], [sflag:$0x1], $0x80, $0x38;
	[tilespmem:$0x1F000] =	vst v63  }
0xa5: {  	s28 =	rddreg [dreg:$0x1c];
	s21 =	simm.s32 $0x1400  }
0xa6: {  	[spmem:s28] =	stream.linear.scatter [tilespmem:s21], [sflag:$0x1], $0x80, $0x38;
	[tilespmem:$0x1F000] =	vst v63  }
0xa7: {  	s29 =	rddreg [dreg:$0x1d];
	s22 =	simm.s32 $0x1800  }
0xa8: {  	[spmem:s29] =	stream.linear.scatter [tilespmem:s22], [sflag:$0x1], $0x80, $0x38;
	[tilespmem:$0x1F000] =	vst v63  }
0xa9: {  	s9 =	rddreg [dreg:$0x1e];
	s28 =	simm.s32 $0x1C00  }
0xaa: {  	[spmem:s9] =	stream.linear.scatter [tilespmem:s28], [sflag:$0x1], $0x80, $0x38;
	[tilespmem:$0x1F000] =	vst v63  }
0xab: {  	s10 =	rddreg [dreg:$0x8];
	s29 =	simm.s32 $0x80  }
0xac: {  	[spmem:s10] =	stream.linear.scatter [tilespmem:s29], [sflag:$0x1], $0x80, $0x38;
	[tilespmem:$0x1F000] =	vst v63  }
0xad: {  	s9 =	rddreg [dreg:$0x1f];
	s10 =	simm.s32 $0x480  }
0xae: {  	[spmem:s9] =	stream.linear.scatter [tilespmem:s10], [sflag:$0x1], $0x80, $0x38;
	[tilespmem:$0x1F000] =	vst v63  }
0xaf: {  	s9 =	sld [smem:$0x794];
	_ =	sdelay $0x1  }
0xb0: {  	s10 =	simm.s32 $0x880  }
0xb1: {  	[spmem:s9] =	stream.linear.scatter [tilespmem:s10], [sflag:$0x1], $0x80, $0x38;
	[tilespmem:$0x1F000] =	vst v63  }
0xb2: {  	s9 =	sld [smem:$0x795];
	_ =	sdelay $0x2  }
0xb3: {  	[spmem:s9] =	stream.linear.scatter [tilespmem:s20], [sflag:$0x1], $0x80, $0x38;
	[tilespmem:$0x1F000] =	vst v63  }
0xb4: {  	s9 =	sld [smem:$0x796];
	_ =	sdelay $0x1  }
0xb5: {  	s12 =	sld [smem:$0x797]  }
0xb6: {  	[spmem:s9] =	stream.linear.scatter [tilespmem:s11], [sflag:$0x1], $0x80, $0x38;
	[tilespmem:$0x1F000] =	vst v63  }
0xb7: {  	s9 =	simm.s32 $0x1480  }
0xb8: {  	[spmem:s12] =	stream.linear.scatter [tilespmem:s9], [sflag:$0x1], $0x80, $0x38;
	[tilespmem:$0x1F000] =	vst v63  }
0xb9: {  	s12 =	sld [smem:$0x798];
	_ =	sdelay $0x1  }
0xba: {  	s9 =	simm.s32 $0x1880  }
0xbb: {  	[spmem:s12] =	stream.linear.scatter [tilespmem:s9], [sflag:$0x1], $0x80, $0x38;
	[tilespmem:$0x1F000] =	vst v63  }
0xbc: {  	s12 =	sld [smem:$0x799];
	_ =	sdelay $0x1  }
0xbd: {  	s9 =	simm.s32 $0x1C80  }
0xbe: {  	[spmem:s12] =	stream.linear.scatter [tilespmem:s9], [sflag:$0x1], $0x80, $0x38;
	[tilespmem:$0x1F000] =	vst v63  }
0xbf: {  	s12 =	rddreg [dreg:$0x9];
	s9 =	simm.s32 $0x100  }
0xc0: {  	[spmem:s12] =	stream.linear.scatter [tilespmem:s9], [sflag:$0x1], $0x80, $0x38;
	[tilespmem:$0x1F000] =	vst v63  }
0xc1: {  	s12 =	sld [smem:$0x79A];
	_ =	sdelay $0x1  }
0xc2: {  	s9 =	simm.s32 $0x500  }
0xc3: {  	[spmem:s12] =	stream.linear.scatter [tilespmem:s9], [sflag:$0x1], $0x80, $0x38;
	[tilespmem:$0x1F000] =	vst v63  }
0xc4: {  	s12 =	sld [smem:$0x79B];
	_ =	sdelay $0x1  }
0xc5: {  	s9 =	simm.s32 $0x900  }
0xc6: {  	[spmem:s12] =	stream.linear.scatter [tilespmem:s9], [sflag:$0x1], $0x80, $0x38;
	[tilespmem:$0x1F000] =	vst v63  }
0xc7: {  	s12 =	sld [smem:$0x79C];
	_ =	sdelay $0x1  }
0xc8: {  	s9 =	simm.s32 $0xD00  }
0xc9: {  	[spmem:s12] =	stream.linear.scatter [tilespmem:s9], [sflag:$0x1], $0x80, $0x38;
	[tilespmem:$0x1F000] =	vst v63  }
0xca: {  	s12 =	sld [smem:$0x79D];
	_ =	sdelay $0x1  }
0xcb: {  	s9 =	simm.s32 $0x1100  }
0xcc: {  	[spmem:s12] =	stream.linear.scatter [tilespmem:s9], [sflag:$0x1], $0x80, $0x38;
	[tilespmem:$0x1F000] =	vst v63  }
0xcd: {  	s12 =	sld [smem:$0x79E];
	_ =	sdelay $0x1  }
0xce: {  	s9 =	simm.s32 $0x1500  }
0xcf: {  	[spmem:s12] =	stream.linear.scatter [tilespmem:s9], [sflag:$0x1], $0x80, $0x38;
	[tilespmem:$0x1F000] =	vst v63  }
0xd0: {  	s12 =	sld [smem:$0x79F];
	_ =	sdelay $0x1  }
0xd1: {  	s9 =	simm.s32 $0x1900  }
0xd2: {  	[spmem:s12] =	stream.linear.scatter [tilespmem:s9], [sflag:$0x1], $0x80, $0x38;
	[tilespmem:$0x1F000] =	vst v63  }
0xd3: {  	s12 =	sld [smem:$0x7A0];
	_ =	sdelay $0x1  }
0xd4: {  	s9 =	simm.s32 $0x1D00  }
0xd5: {  	[spmem:s12] =	stream.linear.scatter [tilespmem:s9], [sflag:$0x1], $0x80, $0x38;
	[tilespmem:$0x1F000] =	vst v63  }
0xd6: {  	s12 =	rddreg [dreg:$0xa];
	s9 =	simm.s32 $0x180  }
0xd7: {  	[spmem:s12] =	stream.linear.scatter [tilespmem:s9], [sflag:$0x1], $0x80, $0x38;
	[tilespmem:$0x1F000] =	vst v63  }
0xd8: {  	s12 =	sld [smem:$0x7A1];
	_ =	sdelay $0x1  }
0xd9: {  	s9 =	simm.s32 $0x580  }
0xda: {  	[spmem:s12] =	stream.linear.scatter [tilespmem:s9], [sflag:$0x1], $0x80, $0x38;
	[tilespmem:$0x1F000] =	vst v63  }
0xdb: {  	s12 =	sld [smem:$0x7A2];
	_ =	sdelay $0x1  }
0xdc: {  	s9 =	simm.s32 $0x980  }
0xdd: {  	[spmem:s12] =	stream.linear.scatter [tilespmem:s9], [sflag:$0x1], $0x80, $0x38;
	[tilespmem:$0x1F000] =	vst v63  }
0xde: {  	s12 =	sld [smem:$0x7A3];
	_ =	sdelay $0x1  }
0xdf: {  	s9 =	simm.s32 $0xD80  }
0xe0: {  	[spmem:s12] =	stream.linear.scatter [tilespmem:s9], [sflag:$0x1], $0x80, $0x38;
	[tilespmem:$0x1F000] =	vst v63  }
0xe1: {  	s12 =	sld [smem:$0x7A4];
	_ =	sdelay $0x1  }
0xe2: {  	s9 =	simm.s32 $0x1180  }
0xe3: {  	[spmem:s12] =	stream.linear.scatter [tilespmem:s9], [sflag:$0x1], $0x80, $0x38;
	[tilespmem:$0x1F000] =	vst v63  }
0xe4: {  	s12 =	sld [smem:$0x7A5];
	_ =	sdelay $0x1  }
0xe5: {  	s9 =	simm.s32 $0x1580  }
0xe6: {  	[spmem:s12] =	stream.linear.scatter [tilespmem:s9], [sflag:$0x1], $0x80, $0x38;
	[tilespmem:$0x1F000] =	vst v63  }
0xe7: {  	s12 =	sld [smem:$0x7A6];
	_ =	sdelay $0x1  }
0xe8: {  	s9 =	simm.s32 $0x1980  }
0xe9: {  	[spmem:s12] =	stream.linear.scatter [tilespmem:s9], [sflag:$0x1], $0x80, $0x38;
	[tilespmem:$0x1F000] =	vst v63  }
0xea: {  	s12 =	sld [smem:$0x7A7];
	_ =	sdelay $0x1  }
0xeb: {  	s9 =	simm.s32 $0x1D80  }
0xec: {  	[spmem:s12] =	stream.linear.scatter [tilespmem:s9], [sflag:$0x1], $0x80, $0x38;
	[tilespmem:$0x1F000] =	vst v63  }
0xed: {  	s12 =	rddreg [dreg:$0xb];
	s9 =	simm.s32 $0x200  }
0xee: {  	[spmem:s12] =	stream.linear.scatter [tilespmem:s9], [sflag:$0x1], $0x80, $0x38;
	[tilespmem:$0x1F000] =	vst v63  }
0xef: {  	s12 =	sld [smem:$0x7A8];
	_ =	sdelay $0x1  }
0xf0: {  	s9 =	simm.s32 $0x600  }
0xf1: {  	[spmem:s12] =	stream.linear.scatter [tilespmem:s9], [sflag:$0x1], $0x80, $0x38;
	[tilespmem:$0x1F000] =	vst v63  }
0xf2: {  	s12 =	sld [smem:$0x7A9];
	_ =	sdelay $0x1  }
0xf3: {  	s9 =	simm.s32 $0xA00  }
0xf4: {  	[spmem:s12] =	stream.linear.scatter [tilespmem:s9], [sflag:$0x1], $0x80, $0x38;
	[tilespmem:$0x1F000] =	vst v63  }
0xf5: {  	s12 =	sld [smem:$0x7AA];
	_ =	sdelay $0x1  }
0xf6: {  	s9 =	simm.s32 $0xE00  }
0xf7: {  	[spmem:s12] =	stream.linear.scatter [tilespmem:s9], [sflag:$0x1], $0x80, $0x38;
	[tilespmem:$0x1F000] =	vst v63  }
0xf8: {  	s12 =	sld [smem:$0x7AB];
	_ =	sdelay $0x1  }
0xf9: {  	s9 =	simm.s32 $0x1200  }
0xfa: {  	[spmem:s12] =	stream.linear.scatter [tilespmem:s9], [sflag:$0x1], $0x80, $0x38;
	[tilespmem:$0x1F000] =	vst v63  }
0xfb: {  	s12 =	sld [smem:$0x7AC];
	_ =	sdelay $0x1  }
0xfc: {  	s9 =	simm.s32 $0x1600  }
0xfd: {  	[spmem:s12] =	stream.linear.scatter [tilespmem:s9], [sflag:$0x1], $0x80, $0x38;
	[tilespmem:$0x1F000] =	vst v63  }
0xfe: {  	s12 =	sld [smem:$0x7AD];
	_ =	sdelay $0x1  }
0xff: {  	s9 =	simm.s32 $0x1A00  }
0x100: {  	[spmem:s12] =	stream.linear.scatter [tilespmem:s9], [sflag:$0x1], $0x80, $0x38;
	[tilespmem:$0x1F000] =	vst v63  }
0x101: {  	s12 =	sld [smem:$0x7AE];
	_ =	sdelay $0x1  }
0x102: {  	s9 =	simm.s32 $0x1E00  }
0x103: {  	[spmem:s12] =	stream.linear.scatter [tilespmem:s9], [sflag:$0x1], $0x80, $0x38;
	[tilespmem:$0x1F000] =	vst v63  }
0x104: {  	s12 =	rddreg [dreg:$0xc];
	s9 =	simm.s32 $0x280  }
0x105: {  	[spmem:s12] =	stream.linear.scatter [tilespmem:s9], [sflag:$0x1], $0x80, $0x38;
	[tilespmem:$0x1F000] =	vst v63  }
0x106: {  	s12 =	sld [smem:$0x7AF];
	_ =	sdelay $0x1  }
0x107: {  	s9 =	simm.s32 $0x680  }
0x108: {  	[spmem:s12] =	stream.linear.scatter [tilespmem:s9], [sflag:$0x1], $0x80, $0x38;
	[tilespmem:$0x1F000] =	vst v63  }
0x109: {  	s12 =	sld [smem:$0x7B0];
	_ =	sdelay $0x1  }
0x10a: {  	s9 =	simm.s32 $0xA80  }
0x10b: {  	[spmem:s12] =	stream.linear.scatter [tilespmem:s9], [sflag:$0x1], $0x80, $0x38;
	[tilespmem:$0x1F000] =	vst v63  }
0x10c: {  	s12 =	sld [smem:$0x7B1];
	_ =	sdelay $0x1  }
0x10d: {  	s9 =	simm.s32 $0xE80  }
0x10e: {  	[spmem:s12] =	stream.linear.scatter [tilespmem:s9], [sflag:$0x1], $0x80, $0x38;
	[tilespmem:$0x1F000] =	vst v63  }
0x10f: {  	s12 =	sld [smem:$0x7B2];
	_ =	sdelay $0x1  }
0x110: {  	s9 =	simm.s32 $0x1280  }
0x111: {  	[spmem:s12] =	stream.linear.scatter [tilespmem:s9], [sflag:$0x1], $0x80, $0x38;
	[tilespmem:$0x1F000] =	vst v63  }
0x112: {  	s12 =	sld [smem:$0x7B3];
	_ =	sdelay $0x1  }
0x113: {  	s9 =	simm.s32 $0x1680  }
0x114: {  	[spmem:s12] =	stream.linear.scatter [tilespmem:s9], [sflag:$0x1], $0x80, $0x38;
	[tilespmem:$0x1F000] =	vst v63  }
0x115: {  	s12 =	sld [smem:$0x7B4];
	_ =	sdelay $0x1  }
0x116: {  	s9 =	simm.s32 $0x1A80  }
0x117: {  	[spmem:s12] =	stream.linear.scatter [tilespmem:s9], [sflag:$0x1], $0x80, $0x38;
	[tilespmem:$0x1F000] =	vst v63  }
0x118: {  	s12 =	sld [smem:$0x7B5];
	_ =	sdelay $0x1  }
0x119: {  	s9 =	simm.s32 $0x1E80  }
0x11a: {  	[spmem:s12] =	stream.linear.scatter [tilespmem:s9], [sflag:$0x1], $0x80, $0x38;
	[tilespmem:$0x1F000] =	vst v63  }
0x11b: {  	s12 =	rddreg [dreg:$0xd];
	s9 =	simm.s32 $0x300  }
0x11c: {  	[spmem:s12] =	stream.linear.scatter [tilespmem:s9], [sflag:$0x1], $0x80, $0x38;
	[tilespmem:$0x1F000] =	vst v63  }
0x11d: {  	s12 =	sld [smem:$0x7B6];
	_ =	sdelay $0x1  }
0x11e: {  	s9 =	simm.s32 $0x700  }
0x11f: {  	[spmem:s12] =	stream.linear.scatter [tilespmem:s9], [sflag:$0x1], $0x80, $0x38;
	[tilespmem:$0x1F000] =	vst v63  }
0x120: {  	s12 =	sld [smem:$0x7B7];
	_ =	sdelay $0x1  }
0x121: {  	s9 =	simm.s32 $0xB00  }
0x122: {  	[spmem:s12] =	stream.linear.scatter [tilespmem:s9], [sflag:$0x1], $0x80, $0x38;
	[tilespmem:$0x1F000] =	vst v63  }
0x123: {  	s12 =	sld [smem:$0x7B8];
	_ =	sdelay $0x1  }
0x124: {  	s9 =	simm.s32 $0xF00  }
0x125: {  	[spmem:s12] =	stream.linear.scatter [tilespmem:s9], [sflag:$0x1], $0x80, $0x38;
	[tilespmem:$0x1F000] =	vst v63  }
0x126: {  	s12 =	sld [smem:$0x7B9];
	_ =	sdelay $0x1  }
0x127: {  	s9 =	simm.s32 $0x1300  }
0x128: {  	[spmem:s12] =	stream.linear.scatter [tilespmem:s9], [sflag:$0x1], $0x80, $0x38;
	[tilespmem:$0x1F000] =	vst v63  }
0x129: {  	s12 =	sld [smem:$0x7BA];
	_ =	sdelay $0x1  }
0x12a: {  	s9 =	simm.s32 $0x1700  }
0x12b: {  	[spmem:s12] =	stream.linear.scatter [tilespmem:s9], [sflag:$0x1], $0x80, $0x38;
	[tilespmem:$0x1F000] =	vst v63  }
0x12c: {  	s12 =	sld [smem:$0x7BB];
	_ =	sdelay $0x1  }
0x12d: {  	s9 =	simm.s32 $0x1B00  }
0x12e: {  	[spmem:s12] =	stream.linear.scatter [tilespmem:s9], [sflag:$0x1], $0x80, $0x38;
	[tilespmem:$0x1F000] =	vst v63  }
0x12f: {  	s12 =	sld [smem:$0x7BC];
	_ =	sdelay $0x1  }
0x130: {  	s9 =	simm.s32 $0x1F00  }
0x131: {  	[spmem:s12] =	stream.linear.scatter [tilespmem:s9], [sflag:$0x1], $0x80, $0x38;
	[tilespmem:$0x1F000] =	vst v63  }
0x132: {  	s12 =	rddreg [dreg:$0xe];
	s9 =	simm.s32 $0x380  }
0x133: {  	[spmem:s12] =	stream.linear.scatter [tilespmem:s9], [sflag:$0x1], $0x80, $0x38;
	[tilespmem:$0x1F000] =	vst v63  }
0x134: {  	s12 =	sld [smem:$0x7BD];
	_ =	sdelay $0x1  }
0x135: {  	s9 =	simm.s32 $0x780  }
0x136: {  	[spmem:s12] =	stream.linear.scatter [tilespmem:s9], [sflag:$0x1], $0x80, $0x38;
	[tilespmem:$0x1F000] =	vst v63  }
0x137: {  	s12 =	sld [smem:$0x7BE];
	_ =	sdelay $0x1  }
0x138: {  	s9 =	simm.s32 $0xB80  }
0x139: {  	[spmem:s12] =	stream.linear.scatter [tilespmem:s9], [sflag:$0x1], $0x80, $0x38;
	[tilespmem:$0x1F000] =	vst v63  }
0x13a: {  	s12 =	sld [smem:$0x7BF];
	_ =	sdelay $0x1  }
0x13b: {  	s9 =	simm.s32 $0xF80  }
0x13c: {  	[spmem:s12] =	stream.linear.scatter [tilespmem:s9], [sflag:$0x1], $0x80, $0x38;
	[tilespmem:$0x1F000] =	vst v63  }
0x13d: {  	s12 =	sld [smem:$0x7C0];
	_ =	sdelay $0x1  }
0x13e: {  	s9 =	simm.s32 $0x1380  }
0x13f: {  	[spmem:s12] =	stream.linear.scatter [tilespmem:s9], [sflag:$0x1], $0x80, $0x38;
	[tilespmem:$0x1F000] =	vst v63  }
0x140: {  	s12 =	sld [smem:$0x7C1];
	_ =	sdelay $0x1  }
0x141: {  	s9 =	simm.s32 $0x1780  }
0x142: {  	[spmem:s12] =	stream.linear.scatter [tilespmem:s9], [sflag:$0x1], $0x80, $0x38;
	[tilespmem:$0x1F000] =	vst v63  }
0x143: {  	s12 =	sld [smem:$0x7C2];
	_ =	sdelay $0x1  }
0x144: {  	s9 =	simm.s32 $0x1B80  }
0x145: {  	[spmem:s12] =	stream.linear.scatter [tilespmem:s9], [sflag:$0x1], $0x80, $0x38;
	[tilespmem:$0x1F000] =	vst v63  }
0x146: {  	s12 =	sld [smem:$0x7C4];
	_ =	sdelay $0x1  }
0x147: {  	s9 =	simm.s32 $0x1F80  }
0x148: {  	[spmem:s12] =	stream.linear.scatter [tilespmem:s9], [sflag:$0x1], $0x80, $0x38;
	[tilespmem:$0x1F000] =	vst v63  }
0x149: {  	_ =	swait.ge [sflag:s26], $0x400  }
0x14a: {  	[sflag:s26] =	ssyncset.done $0x0  }
0x14b: {  	[sflag:s26] =	ssyncadd.s32 $0xFFFFFC00  }
0x14c: {  	_ =	swait.ge [sflag:s26], $0x400  }
0x14d: {  	[sflag:s26] =	ssyncset.done $0x0  }
0x14e: {  	[sflag:s26] =	ssyncadd.s32 $0xFFFFFC00  }
0x14f: {  	_ =	swait.ge [sflag:s26], $0x400  }
0x150: {  	[sflag:s26] =	ssyncset.done $0x0  }
0x151: {  	[sflag:s26] =	ssyncadd.s32 $0xFFFFFC00  }
0x152: {  	_ =	swait.ge [sflag:s26], $0x400  }
0x153: {  	[sflag:s26] =	ssyncset.done $0x0  }
0x154: {  	[sflag:s26] =	ssyncadd.s32 $0xFFFFFC00  }
0x155: {  	_ =	swait.ge [sflag:s26], $0x400  }
0x156: {  	[sflag:s26] =	ssyncset.done $0x0  }
0x157: {  	[sflag:s26] =	ssyncadd.s32 $0xFFFFFC00  }
0x158: {  	_ =	swait.ge [sflag:s26], $0x400  }
0x159: {  	[sflag:s26] =	ssyncset.done $0x0  }
0x15a: {  	[sflag:s26] =	ssyncadd.s32 $0xFFFFFC00  }
0x15b: {  	_ =	swait.ge [sflag:s26], $0x400  }
0x15c: {  	[sflag:s26] =	ssyncset.done $0x0  }
0x15d: {  	[sflag:s26] =	ssyncadd.s32 $0xFFFFFC00  }
0x15e: {  	_ =	swait.ge [sflag:s26], $0x400  }
0x15f: {  	[sflag:s26] =	ssyncset.done $0x0  }
0x160: {  	s9 =	rddreg [dreg:$0xf];
	[sflag:s26] =	ssyncadd.s32 $0xFFFFFC00  }
0x161: {  	[tilespmem:s4], [sflag:$0x1] =	stream.linear.gather [hbm4b:s9+s4], $0x2000, $0x38;
	[tilespmem:$0x1F000] =	vst v63  }
0x162: {  	_ =	swait.ge [sflag:s26], $0x2000  }
0x163: {  	s9 =	sld [smem:$0x7FC]  }
0x164: {  	[sflag:s26] =	ssyncset.done $0x0  }
0x165: {  	[sflag:s26] =	ssyncadd.s32 $0xFFFFE000  }
0x166: {  	[spmem:s9] =	stream.linear.scatter [tilespmem:s4], [sflag:$0x1], $0x80, $0x38;
	[tilespmem:$0x1F000] =	vst v63  }
0x167: {  	s9 =	sld [smem:$0x7C5];
	_ =	sdelay $0x2  }
0x168: {  	[spmem:s9] =	stream.linear.scatter [tilespmem:s13], [sflag:$0x1], $0x80, $0x38;
	[tilespmem:$0x1F000] =	vst v63  }
0x169: {  	s9 =	sld [smem:$0x7C6];
	_ =	sdelay $0x1  }
0x16a: {  	s13 =	sld [smem:$0x7C7]  }
0x16b: {  	[spmem:s9] =	stream.linear.scatter [tilespmem:s17], [sflag:$0x1], $0x80, $0x38;
	[tilespmem:$0x1F000] =	vst v63  }
0x16c: {  	s17 =	sld [smem:$0x7C8]  }
0x16d: {  	[spmem:s13] =	stream.linear.scatter [tilespmem:s18], [sflag:$0x1], $0x80, $0x38;
	[tilespmem:$0x1F000] =	vst v63  }
0x16e: {  	s18 =	sld [smem:$0x7C9]  }
0x16f: {  	[spmem:s17] =	stream.linear.scatter [tilespmem:s19], [sflag:$0x1], $0x80, $0x38;
	[tilespmem:$0x1F000] =	vst v63  }
0x170: {  	s19 =	sld [smem:$0x7CA]  }
0x171: {  	[spmem:s18] =	stream.linear.scatter [tilespmem:s21], [sflag:$0x1], $0x80, $0x38;
	[tilespmem:$0x1F000] =	vst v63  }
0x172: {  	s21 =	sld [smem:$0x7CB]  }
0x173: {  	[spmem:s19] =	stream.linear.scatter [tilespmem:s22], [sflag:$0x1], $0x80, $0x38;
	[tilespmem:$0x1F000] =	vst v63  }
0x174: {  	s22 =	rddreg [dreg:$0x10]  }
0x175: {  	[spmem:s21] =	stream.linear.scatter [tilespmem:s28], [sflag:$0x1], $0x80, $0x38;
	[tilespmem:$0x1F000] =	vst v63  }
0x176: {  	s28 =	sld [smem:$0x7CC]  }
0x177: {  	[spmem:s22] =	stream.linear.scatter [tilespmem:s29], [sflag:$0x1], $0x80, $0x38;
	[tilespmem:$0x1F000] =	vst v63  }
0x178: {  	s9 =	sld [smem:$0x7CD];
	s29 =	simm.s32 $0x480  }
0x179: {  	[spmem:s28] =	stream.linear.scatter [tilespmem:s29], [sflag:$0x1], $0x80, $0x38;
	[tilespmem:$0x1F000] =	vst v63  }
0x17a: {  	s13 =	sld [smem:$0x7CE]  }
0x17b: {  	[spmem:s9] =	stream.linear.scatter [tilespmem:s10], [sflag:$0x1], $0x80, $0x38;
	[tilespmem:$0x1F000] =	vst v63  }
0x17c: {  	s17 =	sld [smem:$0x7CF]  }
0x17d: {  	[spmem:s13] =	stream.linear.scatter [tilespmem:s20], [sflag:$0x1], $0x80, $0x38;
	[tilespmem:$0x1F000] =	vst v63  }
0x17e: {  	s18 =	sld [smem:$0x7D0]  }
0x17f: {  	[spmem:s17] =	stream.linear.scatter [tilespmem:s11], [sflag:$0x1], $0x80, $0x38;
	[tilespmem:$0x1F000] =	vst v63  }
0x180: {  	s19 =	simm.s32 $0x1480;
	s21 =	sld [smem:$0x7D1]  }
0x181: {  	[spmem:s18] =	stream.linear.scatter [tilespmem:s19], [sflag:$0x1], $0x80, $0x38;
	[tilespmem:$0x1F000] =	vst v63  }
0x182: {  	s22 =	simm.s32 $0x1880;
	s28 =	sld [smem:$0x7D2]  }
0x183: {  	[spmem:s21] =	stream.linear.scatter [tilespmem:s22], [sflag:$0x1], $0x80, $0x38;
	[tilespmem:$0x1F000] =	vst v63  }
0x184: {  	s29 =	simm.s32 $0x1C80;
	s13 =	rddreg [dreg:$0x11]  }
0x185: {  	[spmem:s28] =	stream.linear.scatter [tilespmem:s29], [sflag:$0x1], $0x80, $0x38;
	[tilespmem:$0x1F000] =	vst v63  }
0x186: {  	s17 =	simm.s32 $0x100;
	s18 =	sld [smem:$0x7D3]  }
0x187: {  	[spmem:s13] =	stream.linear.scatter [tilespmem:s17], [sflag:$0x1], $0x80, $0x38;
	[tilespmem:$0x1F000] =	vst v63  }
0x188: {  	s19 =	simm.s32 $0x500;
	s21 =	sld [smem:$0x7D4]  }
0x189: {  	[spmem:s18] =	stream.linear.scatter [tilespmem:s19], [sflag:$0x1], $0x80, $0x38;
	[tilespmem:$0x1F000] =	vst v63  }
0x18a: {  	s22 =	simm.s32 $0x900;
	s28 =	sld [smem:$0x7D5]  }
0x18b: {  	[spmem:s21] =	stream.linear.scatter [tilespmem:s22], [sflag:$0x1], $0x80, $0x38;
	[tilespmem:$0x1F000] =	vst v63  }
0x18c: {  	s29 =	simm.s32 $0xD00;
	s13 =	sld [smem:$0x7D6]  }
0x18d: {  	[spmem:s28] =	stream.linear.scatter [tilespmem:s29], [sflag:$0x1], $0x80, $0x38;
	[tilespmem:$0x1F000] =	vst v63  }
0x18e: {  	s17 =	simm.s32 $0x1100;
	s18 =	sld [smem:$0x7D7]  }
0x18f: {  	[spmem:s13] =	stream.linear.scatter [tilespmem:s17], [sflag:$0x1], $0x80, $0x38;
	[tilespmem:$0x1F000] =	vst v63  }
0x190: {  	s19 =	simm.s32 $0x1500;
	s21 =	sld [smem:$0x7D8]  }
0x191: {  	[spmem:s18] =	stream.linear.scatter [tilespmem:s19], [sflag:$0x1], $0x80, $0x38;
	[tilespmem:$0x1F000] =	vst v63  }
0x192: {  	s22 =	simm.s32 $0x1900;
	s28 =	sld [smem:$0x7D9]  }
0x193: {  	[spmem:s21] =	stream.linear.scatter [tilespmem:s22], [sflag:$0x1], $0x80, $0x38;
	[tilespmem:$0x1F000] =	vst v63  }
0x194: {  	s29 =	simm.s32 $0x1D00;
	s13 =	rddreg [dreg:$0x13]  }
0x195: {  	[spmem:s28] =	stream.linear.scatter [tilespmem:s29], [sflag:$0x1], $0x80, $0x38;
	[tilespmem:$0x1F000] =	vst v63  }
0x196: {  	s17 =	simm.s32 $0x180;
	s18 =	sld [smem:$0x7DA]  }
0x197: {  	[spmem:s13] =	stream.linear.scatter [tilespmem:s17], [sflag:$0x1], $0x80, $0x38;
	[tilespmem:$0x1F000] =	vst v63  }
0x198: {  	s19 =	simm.s32 $0x580;
	s21 =	sld [smem:$0x7DB]  }
0x199: {  	[spmem:s18] =	stream.linear.scatter [tilespmem:s19], [sflag:$0x1], $0x80, $0x38;
	[tilespmem:$0x1F000] =	vst v63  }
0x19a: {  	s22 =	simm.s32 $0x980;
	s28 =	sld [smem:$0x7DC]  }
0x19b: {  	[spmem:s21] =	stream.linear.scatter [tilespmem:s22], [sflag:$0x1], $0x80, $0x38;
	[tilespmem:$0x1F000] =	vst v63  }
0x19c: {  	s29 =	simm.s32 $0xD80;
	s13 =	sld [smem:$0x7DD]  }
0x19d: {  	[spmem:s28] =	stream.linear.scatter [tilespmem:s29], [sflag:$0x1], $0x80, $0x38;
	[tilespmem:$0x1F000] =	vst v63  }
0x19e: {  	s17 =	simm.s32 $0x1180;
	s18 =	sld [smem:$0x7DE]  }
0x19f: {  	[spmem:s13] =	stream.linear.scatter [tilespmem:s17], [sflag:$0x1], $0x80, $0x38;
	[tilespmem:$0x1F000] =	vst v63  }
0x1a0: {  	s19 =	simm.s32 $0x1580;
	s21 =	sld [smem:$0x7DF]  }
0x1a1: {  	[spmem:s18] =	stream.linear.scatter [tilespmem:s19], [sflag:$0x1], $0x80, $0x38;
	[tilespmem:$0x1F000] =	vst v63  }
0x1a2: {  	s22 =	simm.s32 $0x1980;
	s28 =	sld [smem:$0x7E0]  }
0x1a3: {  	[spmem:s21] =	stream.linear.scatter [tilespmem:s22], [sflag:$0x1], $0x80, $0x38;
	[tilespmem:$0x1F000] =	vst v63  }
0x1a4: {  	s29 =	simm.s32 $0x1D80;
	s13 =	rddreg [dreg:$0x14]  }
0x1a5: {  	[spmem:s28] =	stream.linear.scatter [tilespmem:s29], [sflag:$0x1], $0x80, $0x38;
	[tilespmem:$0x1F000] =	vst v63  }
0x1a6: {  	s17 =	simm.s32 $0x200;
	s18 =	sld [smem:$0x7E1]  }
0x1a7: {  	[spmem:s13] =	stream.linear.scatter [tilespmem:s17], [sflag:$0x1], $0x80, $0x38;
	[tilespmem:$0x1F000] =	vst v63  }
0x1a8: {  	s19 =	simm.s32 $0x600;
	s21 =	sld [smem:$0x7E2]  }
0x1a9: {  	[spmem:s18] =	stream.linear.scatter [tilespmem:s19], [sflag:$0x1], $0x80, $0x38;
	[tilespmem:$0x1F000] =	vst v63  }
0x1aa: {  	s22 =	simm.s32 $0xA00;
	s28 =	sld [smem:$0x7E3]  }
0x1ab: {  	[spmem:s21] =	stream.linear.scatter [tilespmem:s22], [sflag:$0x1], $0x80, $0x38;
	[tilespmem:$0x1F000] =	vst v63  }
0x1ac: {  	s29 =	simm.s32 $0xE00;
	s13 =	sld [smem:$0x7E4]  }
0x1ad: {  	[spmem:s28] =	stream.linear.scatter [tilespmem:s29], [sflag:$0x1], $0x80, $0x38;
	[tilespmem:$0x1F000] =	vst v63  }
0x1ae: {  	s17 =	simm.s32 $0x1200;
	s18 =	sld [smem:$0x7E5]  }
0x1af: {  	[spmem:s13] =	stream.linear.scatter [tilespmem:s17], [sflag:$0x1], $0x80, $0x38;
	[tilespmem:$0x1F000] =	vst v63  }
0x1b0: {  	s19 =	simm.s32 $0x1600;
	s21 =	sld [smem:$0x7E6]  }
0x1b1: {  	[spmem:s18] =	stream.linear.scatter [tilespmem:s19], [sflag:$0x1], $0x80, $0x38;
	[tilespmem:$0x1F000] =	vst v63  }
0x1b2: {  	s22 =	simm.s32 $0x1A00;
	s28 =	sld [smem:$0x7E7]  }
0x1b3: {  	[spmem:s21] =	stream.linear.scatter [tilespmem:s22], [sflag:$0x1], $0x80, $0x38;
	[tilespmem:$0x1F000] =	vst v63  }
0x1b4: {  	s29 =	simm.s32 $0x1E00;
	s13 =	rddreg [dreg:$0x15]  }
0x1b5: {  	[spmem:s28] =	stream.linear.scatter [tilespmem:s29], [sflag:$0x1], $0x80, $0x38;
	[tilespmem:$0x1F000] =	vst v63  }
0x1b6: {  	s17 =	simm.s32 $0x280;
	s18 =	sld [smem:$0x7E8]  }
0x1b7: {  	[spmem:s13] =	stream.linear.scatter [tilespmem:s17], [sflag:$0x1], $0x80, $0x38;
	[tilespmem:$0x1F000] =	vst v63  }
0x1b8: {  	s19 =	simm.s32 $0x680;
	s21 =	sld [smem:$0x7E9]  }
0x1b9: {  	[spmem:s18] =	stream.linear.scatter [tilespmem:s19], [sflag:$0x1], $0x80, $0x38;
	[tilespmem:$0x1F000] =	vst v63  }
0x1ba: {  	s22 =	simm.s32 $0xA80;
	s28 =	sld [smem:$0x7EA]  }
0x1bb: {  	[spmem:s21] =	stream.linear.scatter [tilespmem:s22], [sflag:$0x1], $0x80, $0x38;
	[tilespmem:$0x1F000] =	vst v63  }
0x1bc: {  	s29 =	simm.s32 $0xE80;
	s13 =	sld [smem:$0x7EB]  }
0x1bd: {  	[spmem:s28] =	stream.linear.scatter [tilespmem:s29], [sflag:$0x1], $0x80, $0x38;
	[tilespmem:$0x1F000] =	vst v63  }
0x1be: {  	s17 =	simm.s32 $0x1280;
	s18 =	sld [smem:$0x7EC]  }
0x1bf: {  	[spmem:s13] =	stream.linear.scatter [tilespmem:s17], [sflag:$0x1], $0x80, $0x38;
	[tilespmem:$0x1F000] =	vst v63  }
0x1c0: {  	s19 =	simm.s32 $0x1680;
	s21 =	sld [smem:$0x7ED]  }
0x1c1: {  	[spmem:s18] =	stream.linear.scatter [tilespmem:s19], [sflag:$0x1], $0x80, $0x38;
	[tilespmem:$0x1F000] =	vst v63  }
0x1c2: {  	s22 =	simm.s32 $0x1A80;
	s28 =	sld [smem:$0x7EE]  }
0x1c3: {  	[spmem:s21] =	stream.linear.scatter [tilespmem:s22], [sflag:$0x1], $0x80, $0x38;
	[tilespmem:$0x1F000] =	vst v63  }
0x1c4: {  	s29 =	simm.s32 $0x1E80;
	s13 =	rddreg [dreg:$0x16]  }
0x1c5: {  	[spmem:s28] =	stream.linear.scatter [tilespmem:s29], [sflag:$0x1], $0x80, $0x38;
	[tilespmem:$0x1F000] =	vst v63  }
0x1c6: {  	s17 =	simm.s32 $0x300;
	s18 =	sld [smem:$0x7EF]  }
0x1c7: {  	[spmem:s13] =	stream.linear.scatter [tilespmem:s17], [sflag:$0x1], $0x80, $0x38;
	[tilespmem:$0x1F000] =	vst v63  }
0x1c8: {  	s19 =	simm.s32 $0x700;
	s21 =	sld [smem:$0x7F0]  }
0x1c9: {  	[spmem:s18] =	stream.linear.scatter [tilespmem:s19], [sflag:$0x1], $0x80, $0x38;
	[tilespmem:$0x1F000] =	vst v63  }
0x1ca: {  	s22 =	simm.s32 $0xB00;
	s28 =	sld [smem:$0x7F1]  }
0x1cb: {  	[spmem:s21] =	stream.linear.scatter [tilespmem:s22], [sflag:$0x1], $0x80, $0x38;
	[tilespmem:$0x1F000] =	vst v63  }
0x1cc: {  	s29 =	simm.s32 $0xF00;
	s13 =	sld [smem:$0x7F2]  }
0x1cd: {  	[spmem:s28] =	stream.linear.scatter [tilespmem:s29], [sflag:$0x1], $0x80, $0x38;
	[tilespmem:$0x1F000] =	vst v63  }
0x1ce: {  	s17 =	simm.s32 $0x1300;
	s18 =	sld [smem:$0x7F3]  }
0x1cf: {  	[spmem:s13] =	stream.linear.scatter [tilespmem:s17], [sflag:$0x1], $0x80, $0x38;
	[tilespmem:$0x1F000] =	vst v63  }
0x1d0: {  	s19 =	simm.s32 $0x1700;
	s21 =	sld [smem:$0x7F4]  }
0x1d1: {  	[spmem:s18] =	stream.linear.scatter [tilespmem:s19], [sflag:$0x1], $0x80, $0x38;
	[tilespmem:$0x1F000] =	vst v63  }
0x1d2: {  	s22 =	simm.s32 $0x1B00;
	s28 =	sld [smem:$0x7F5]  }
0x1d3: {  	[spmem:s21] =	stream.linear.scatter [tilespmem:s22], [sflag:$0x1], $0x80, $0x38;
	[tilespmem:$0x1F000] =	vst v63  }
0x1d4: {  	s29 =	simm.s32 $0x1F00;
	s13 =	rddreg [dreg:$0x17]  }
0x1d5: {  	[spmem:s28] =	stream.linear.scatter [tilespmem:s29], [sflag:$0x1], $0x80, $0x38;
	[tilespmem:$0x1F000] =	vst v63  }
0x1d6: {  	s17 =	simm.s32 $0x380;
	s18 =	sld [smem:$0x7F6]  }
0x1d7: {  	[spmem:s13] =	stream.linear.scatter [tilespmem:s17], [sflag:$0x1], $0x80, $0x38;
	[tilespmem:$0x1F000] =	vst v63  }
0x1d8: {  	s19 =	simm.s32 $0x780;
	s21 =	sld [smem:$0x7F7]  }
0x1d9: {  	[spmem:s18] =	stream.linear.scatter [tilespmem:s19], [sflag:$0x1], $0x80, $0x38;
	[tilespmem:$0x1F000] =	vst v63  }
0x1da: {  	s22 =	simm.s32 $0xB80;
	s28 =	sld [smem:$0x7F8]  }
0x1db: {  	[spmem:s21] =	stream.linear.scatter [tilespmem:s22], [sflag:$0x1], $0x80, $0x38;
	[tilespmem:$0x1F000] =	vst v63  }
0x1dc: {  	s9 =	sld [smem:$0x7F9];
	s29 =	simm.s32 $0xF80  }
0x1dd: {  	[spmem:s28] =	stream.linear.scatter [tilespmem:s29], [sflag:$0x1], $0x80, $0x38;
	[tilespmem:$0x1F000] =	vst v63  }
0x1de: {  	s13 =	simm.s32 $0x1380;
	s17 =	sld [smem:$0x7FA]  }
0x1df: {  	[spmem:s9] =	stream.linear.scatter [tilespmem:s13], [sflag:$0x1], $0x80, $0x38;
	[tilespmem:$0x1F000] =	vst v63  }
0x1e0: {  	s18 =	simm.s32 $0x1780;
	s19 =	sld [smem:$0x7FB]  }
0x1e1: {  	[spmem:s17] =	stream.linear.scatter [tilespmem:s18], [sflag:$0x1], $0x80, $0x38;
	[tilespmem:$0x1F000] =	vst v63  }
0x1e2: {  	s21 =	simm.s32 $0x1B80;
	s22 =	sld [smem:$0x7FD]  }
0x1e3: {  	[spmem:s19] =	stream.linear.scatter [tilespmem:s21], [sflag:$0x1], $0x80, $0x38;
	[tilespmem:$0x1F000] =	vst v63  }
0x1e4: {  	s28 =	simm.s32 $0x1F80  }
0x1e5: {  	[spmem:s22] =	stream.linear.scatter [tilespmem:s28], [sflag:$0x1], $0x80, $0x38;
	[tilespmem:$0x1F000] =	vst v63  }
0x1e6: {  	s10 =	sld [smem:$0x793];
	_ =	swait.ge [sflag:s26], $0x400  }
0x1e7: {  	[sflag:s26] =	ssyncset.done $0x0  }
0x1e8: {  	[sflag:s26] =	ssyncadd.s32 $0xFFFFFC00  }
0x1e9: {  	_ =	swait.ge [sflag:s26], $0x400  }
0x1ea: {  	[sflag:s26] =	ssyncset.done $0x0  }
0x1eb: {  	[sflag:s26] =	ssyncadd.s32 $0xFFFFFC00  }
0x1ec: {  	_ =	swait.ge [sflag:s26], $0x400  }
0x1ed: {  	[sflag:s26] =	ssyncset.done $0x0  }
0x1ee: {  	[sflag:s26] =	ssyncadd.s32 $0xFFFFFC00  }
0x1ef: {  	_ =	swait.ge [sflag:s26], $0x400  }
0x1f0: {  	[sflag:s26] =	ssyncset.done $0x0  }
0x1f1: {  	[sflag:s26] =	ssyncadd.s32 $0xFFFFFC00  }
0x1f2: {  	_ =	swait.ge [sflag:s26], $0x400  }
0x1f3: {  	[sflag:s26] =	ssyncset.done $0x0  }
0x1f4: {  	[sflag:s26] =	ssyncadd.s32 $0xFFFFFC00  }
0x1f5: {  	_ =	swait.ge [sflag:s26], $0x400  }
0x1f6: {  	[sflag:s26] =	ssyncset.done $0x0  }
0x1f7: {  	[sflag:s26] =	ssyncadd.s32 $0xFFFFFC00  }
0x1f8: {  	_ =	swait.ge [sflag:s26], $0x400  }
0x1f9: {  	[sflag:s26] =	ssyncset.done $0x0  }
0x1fa: {  	[sflag:s26] =	ssyncadd.s32 $0xFFFFFC00  }
0x1fb: {  	_ =	swait.ge [sflag:s26], $0x400  }
0x1fc: {  	[sflag:s26] =	ssyncset.done $0x0  }
0x1fd: {  	[sflag:s26] =	ssyncadd.s32 $0xFFFFFC00  }
0x1fe: {  	[bflag:$0x0] =	sbarrier.arrive $0xFFFF  }
0x1ff: {  	s18 =	simm.s32 $0x0;
	s29 =	rddreg [dreg:$0x5]  }
0x200: {  	[tilespmem:s23], [sflag:$0x3] =	stream.linear.gather [spmem:s29], $0x800, $0x38;
	[tilespmem:$0x1F000] =	vst v63  }
.LBB2_2:
0x201: {  	_ =	swait.ge [sflag:s14], $0x10000  }
0x202: {  	s12 =	sadd.s32 s6, s18;
	s13 =	sadd.s32 s7, s18;
	s17 =	sadd.s32 s18, s0  }
0x203: {  	s21 =	simm.s32 $0x0;
	p0 =	seq.s32 s18, $0x7;
	[sflag:s14] =	ssyncset.done $0x0  }
0x204: {  	s12 =	sshll.u32 s12, $0xE;
	s13 =	sshll.u32 s13, $0x14;
	s17 =	sshll.u32 s17, $0xE  }
0x205: {  	[sflag:s14] =	ssyncadd.s32 $0xFFFF0000;
	s12 =	sand.u32 $0x3FFFC000, s12;
	s29 =	sand.u32 $0x3FFFC000, s17  }
0x206: {  	s19 =	sor.u32 s24, s13;
	s12 =	sadd.s32 s12, s3;
	s28 =	sadd.s32 s29, s3  }
.LBB2_3:
0x207: {  	s13 =	sshll.u32 s21, $0x5  }
0x208: {  	s13 =	sor.u32 $0x10, s13  }
0x209: {  	_ =	swait.ge [sflag:s30], $0x800;
	s17 =	sshll.u32 s13, $0x7  }
0x20a: {  	s22 =	sor.u32 s18, s21;
	[sflag:s30] =	ssyncset.done $0x0;
	s17 =	sand.u32 $0x3FFFF800, s17  }
0x20b: {  	p1 =	seq.s32 s22, $0x0;
	[sflag:s30] =	ssyncadd.s32 $0xFFFFF800;
	s17 =	sadd.s32 s17, s12  }
0x20c: {  	[tilespmem:s15], [sflag:$0x4] =	stream.linear.gather [spmem:s17], $0x800, $0x38;
	[tilespmem:$0x1F000] =	vst v63  }
0x20d: {  	s17 =	simm.s32 @!p1 $0x5  }
0x20e: {  	_ =	swait.ge @!p1 [sflag:s17], $0x4000  }
0x20f: {  	[sflag:s17] =	ssyncset.done @!p1 $0x0  }
0x210: {  	s29 =	simm.s32 $0x0;
	s22 =	simm.s32 $0x13200;
	[sflag:s17] =	ssyncadd.s32 @!p1 $0xFFFFC000  }
.LBB2_4:
0x211: {  	s17 =	sshra.s32 s29, $0x2  }
0x212: {  	v0 =	vld [tilespmem:s17+$0x12000]  }
0x213: {  	v3 =	vld [tilespmem:s17+$0x12010]  }
0x214: {  	v11 =	vld [tilespmem:s17+$0x12020];
	_ =	sdelay $0x1  }
0x215: {  	v18 =	vld [tilespmem:s17+$0x12030];
	_ =	sdelay $0x1  }
0x216: {  	v1 =	vshll.u32 v0, $0x3;
	v0 =	vand.u32 $0x7F, v0;
	v9 =	vshll.u32 v3, $0x3  }
0x217: {  	v3 =	vand.u32 $0x7F, v3;
	v17 =	vshll.u32 v11, $0x3;
	v1 =	vand.u32 $0xFFFFFC00, v1  }
0x218: {  	v11 =	vand.u32 $0x7F, v11;
	v9 =	vand.u32 $0xFFFFFC00, v9;
	v0 =	vor.u32 v0, v1  }
0x219: {  	v25 =	vshll.u32 v18, $0x3;
	v17 =	vand.u32 $0xFFFFFC00, v17;
	v3 =	vor.u32 v3, v9  }
0x21a: {  	v18 =	vand.u32 $0x7F, v18;
	v25 =	vand.u32 $0xFFFFFC00, v25;
	v11 =	vor.u32 v11, v17  }
0x21b: {  	v18 =	vor.u32 v18, v25  }
0x21c: {  	v1 =	vor.u32 $0x80, v0  }
0x21d: {  	v2 =	vor.u32 $0x100, v0;
	v6 =	vld.idx.msk [tilespmem:v0+s25+$0x0], $0xffff  }
0x21e: {  	v4 =	vor.u32 $0x180, v0;
	v14 =	vld.idx.msk [tilespmem:v3+s25+$0x0], $0xffff  }
0x21f: {  	v5 =	vor.u32 $0x200, v0;
	v22 =	vld.idx.msk [tilespmem:v11+s25+$0x0], $0xffff  }
0x220: {  	v7 =	vor.u32 $0x280, v0;
	v29 =	vld.idx.msk [tilespmem:v18+s25+$0x0], $0xffff  }
0x221: {  	v8 =	vor.u32 $0x300, v0;
	v1 =	vld.idx.msk [tilespmem:v1+s25+$0x0], $0xffff  }
0x222: {  	v9 =	vor.u32 $0x80, v3;
	v2 =	vld.idx.msk [tilespmem:v2+s25+$0x0], $0xffff  }
0x223: {  	v10 =	vor.u32 $0x100, v3;
	v4 =	vld.idx.msk [tilespmem:v4+s25+$0x0], $0xffff  }
0x224: {  	v12 =	vor.u32 $0x180, v3;
	v5 =	vld.idx.msk [tilespmem:v5+s25+$0x0], $0xffff  }
0x225: {  	v13 =	vor.u32 $0x200, v3;
	v7 =	vld.idx.msk [tilespmem:v7+s25+$0x0], $0xffff  }
0x226: {  	v15 =	vor.u32 $0x280, v3;
	v8 =	vld.idx.msk [tilespmem:v8+s25+$0x0], $0xffff  }
0x227: {  	v16 =	vor.u32 $0x300, v3;
	v9 =	vld.idx.msk [tilespmem:v9+s25+$0x0], $0xffff  }
0x228: {  	v17 =	vor.u32 $0x80, v11;
	v10 =	vld.idx.msk [tilespmem:v10+s25+$0x0], $0xffff  }
0x229: {  	v19 =	vor.u32 $0x100, v11;
	v12 =	vld.idx.msk [tilespmem:v12+s25+$0x0], $0xffff  }
0x22a: {  	v20 =	vor.u32 $0x180, v11;
	v13 =	vld.idx.msk [tilespmem:v13+s25+$0x0], $0xffff  }
0x22b: {  	v21 =	vor.u32 $0x200, v11;
	v15 =	vld.idx.msk [tilespmem:v15+s25+$0x0], $0xffff  }
0x22c: {  	v23 =	vor.u32 $0x280, v11;
	v16 =	vld.idx.msk [tilespmem:v16+s25+$0x0], $0xffff  }
0x22d: {  	v24 =	vor.u32 $0x300, v11;
	v17 =	vld.idx.msk [tilespmem:v17+s25+$0x0], $0xffff  }
0x22e: {  	v25 =	vor.u32 $0x80, v18;
	v19 =	vld.idx.msk [tilespmem:v19+s25+$0x0], $0xffff  }
0x22f: {  	v26 =	vor.u32 $0x100, v18;
	v20 =	vld.idx.msk [tilespmem:v20+s25+$0x0], $0xffff  }
0x230: {  	v27 =	vor.u32 $0x180, v18;
	v21 =	vld.idx.msk [tilespmem:v21+s25+$0x0], $0xffff  }
0x231: {  	v28 =	vor.u32 $0x200, v18;
	v23 =	vld.idx.msk [tilespmem:v23+s25+$0x0], $0xffff  }
0x232: {  	v30 =	vor.u32 $0x280, v18;
	v24 =	vld.idx.msk [tilespmem:v24+s25+$0x0], $0xffff  }
0x233: {  	v31 =	vor.u32 $0x300, v18;
	v25 =	vld.idx.msk [tilespmem:v25+s25+$0x0], $0xffff  }
0x234: {  	v0 =	vor.u32 $0x380, v0;
	v26 =	vld.idx.msk [tilespmem:v26+s25+$0x0], $0xffff  }
0x235: {  	v3 =	vor.u32 $0x380, v3;
	v27 =	vld.idx.msk [tilespmem:v27+s25+$0x0], $0xffff  }
0x236: {  	v11 =	vor.u32 $0x380, v11;
	v28 =	vld.idx.msk [tilespmem:v28+s25+$0x0], $0xffff  }
0x237: {  	v18 =	vor.u32 $0x380, v18;
	v30 =	vld.idx.msk [tilespmem:v30+s25+$0x0], $0xffff  }
0x238: {  	v31 =	vld.idx.msk [tilespmem:v31+s25+$0x0], $0xffff  }
0x239: {  	v0 =	vld.idx.msk [tilespmem:v0+s25+$0x0], $0xffff  }
0x23a: {  	v3 =	vld.idx.msk [tilespmem:v3+s25+$0x0], $0xffff  }
0x23b: {  	v11 =	vld.idx.msk [tilespmem:v11+s25+$0x0], $0xffff  }
0x23c: {  	v18 =	vld.idx.msk [tilespmem:v18+s25+$0x0], $0xffff;
	[tilespmem:s22+$0xFFFFFE00] =	vst v6  }
0x23d: {  	[tilespmem:s22+$0xFFFFFE10] =	vst v14  }
0x23e: {  	[tilespmem:s22+$0xFFFFFE80] =	vst v1  }
0x23f: {  	[tilespmem:s22+$0xFFFFFF00] =	vst v2  }
0x240: {  	[tilespmem:s22+$0xFFFFFF80] =	vst v4  }
0x241: {  	[tilespmem:s22+$0x0] =	vst v5  }
0x242: {  	[tilespmem:s22+$0x80] =	vst v7  }
0x243: {  	[tilespmem:s22+$0x100] =	vst v8  }
0x244: {  	[tilespmem:s22+$0xFFFFFE90] =	vst v9  }
0x245: {  	[tilespmem:s22+$0xFFFFFF10] =	vst v10  }
0x246: {  	[tilespmem:s22+$0xFFFFFF90] =	vst v12  }
0x247: {  	[tilespmem:s22+$0x10] =	vst v13  }
0x248: {  	[tilespmem:s22+$0x90] =	vst v15  }
0x249: {  	[tilespmem:s22+$0x110] =	vst v16  }
0x24a: {  	[tilespmem:s22+$0x180] =	vst v0  }
0x24b: {  	[tilespmem:s22+$0x190] =	vst v3  }
0x24c: {  	v0 =	vld [tilespmem:s17+$0x12040]  }
0x24d: {  	v2 =	vld [tilespmem:s17+$0x12050];
	_ =	sdelay $0x3  }
0x24e: {  	v40 =	vshll.u32 v0, $0x3  }
0x24f: {  	v0 =	vand.u32 $0x7F, v0;
	v46 =	vshll.u32 v2, $0x3;
	v1 =	vand.u32 $0xFFFFFC00, v40  }
0x250: {  	v2 =	vand.u32 $0x7F, v2;
	v9 =	vand.u32 $0xFFFFFC00, v46;
	v0 =	vor.u32 v0, v1  }
0x251: {  	v2 =	vor.u32 v2, v9  }
0x252: {  	v1 =	vor.u32 $0x80, v0  }
0x253: {  	v41 =	vor.u32 $0x100, v0  }
0x254: {  	v42 =	vor.u32 $0x180, v0  }
0x255: {  	v43 =	vor.u32 $0x200, v0;
	v6 =	vld.idx.msk [tilespmem:v0+s25+$0x0], $0xffff  }
0x256: {  	v44 =	vor.u32 $0x280, v0;
	v14 =	vld.idx.msk [tilespmem:v2+s25+$0x0], $0xffff  }
0x257: {  	v45 =	vor.u32 $0x300, v0;
	v1 =	vld.idx.msk [tilespmem:v1+s25+$0x0], $0xffff  }
0x258: {  	v9 =	vor.u32 $0x80, v2;
	v3 =	vld.idx.msk [tilespmem:v41+s25+$0x0], $0xffff  }
0x259: {  	v47 =	vor.u32 $0x100, v2;
	v4 =	vld.idx.msk [tilespmem:v42+s25+$0x0], $0xffff  }
0x25a: {  	v48 =	vor.u32 $0x180, v2;
	v5 =	vld.idx.msk [tilespmem:v43+s25+$0x0], $0xffff  }
0x25b: {  	v49 =	vor.u32 $0x200, v2;
	v7 =	vld.idx.msk [tilespmem:v44+s25+$0x0], $0xffff  }
0x25c: {  	v50 =	vor.u32 $0x280, v2;
	v8 =	vld.idx.msk [tilespmem:v45+s25+$0x0], $0xffff  }
0x25d: {  	v51 =	vor.u32 $0x300, v2;
	v9 =	vld.idx.msk [tilespmem:v9+s25+$0x0], $0xffff  }
0x25e: {  	v0 =	vor.u32 $0x380, v0;
	v10 =	vld.idx.msk [tilespmem:v47+s25+$0x0], $0xffff  }
0x25f: {  	v2 =	vor.u32 $0x380, v2;
	v12 =	vld.idx.msk [tilespmem:v48+s25+$0x0], $0xffff  }
0x260: {  	v13 =	vld.idx.msk [tilespmem:v49+s25+$0x0], $0xffff  }
0x261: {  	v15 =	vld.idx.msk [tilespmem:v50+s25+$0x0], $0xffff  }
0x262: {  	v16 =	vld.idx.msk [tilespmem:v51+s25+$0x0], $0xffff  }
0x263: {  	v0 =	vld.idx.msk [tilespmem:v0+s25+$0x0], $0xffff  }
0x264: {  	v2 =	vld.idx.msk [tilespmem:v2+s25+$0x0], $0xffff;
	[tilespmem:s22+$0xFFFFFE20] =	vst v22  }
0x265: {  	[tilespmem:s22+$0xFFFFFEA0] =	vst v17  }
0x266: {  	[tilespmem:s22+$0xFFFFFF20] =	vst v19  }
0x267: {  	[tilespmem:s22+$0xFFFFFFA0] =	vst v20  }
0x268: {  	[tilespmem:s22+$0x20] =	vst v21  }
0x269: {  	[tilespmem:s22+$0xA0] =	vst v23  }
0x26a: {  	[tilespmem:s22+$0x120] =	vst v24  }
0x26b: {  	[tilespmem:s22+$0x1A0] =	vst v11  }
0x26c: {  	[tilespmem:s22+$0xFFFFFE30] =	vst v29  }
0x26d: {  	[tilespmem:s22+$0xFFFFFEB0] =	vst v25  }
0x26e: {  	[tilespmem:s22+$0xFFFFFF30] =	vst v26  }
0x26f: {  	[tilespmem:s22+$0xFFFFFFB0] =	vst v27  }
0x270: {  	[tilespmem:s22+$0x30] =	vst v28  }
0x271: {  	[tilespmem:s22+$0xB0] =	vst v30  }
0x272: {  	[tilespmem:s22+$0x130] =	vst v31  }
0x273: {  	[tilespmem:s22+$0x1B0] =	vst v18  }
0x274: {  	v11 =	vld [tilespmem:s17+$0x12060]  }
0x275: {  	v18 =	vld [tilespmem:s17+$0x12070];
	_ =	sdelay $0x3  }
0x276: {  	v52 =	vshll.u32 v11, $0x3  }
0x277: {  	v11 =	vand.u32 $0x7F, v11;
	v58 =	vshll.u32 v18, $0x3;
	v17 =	vand.u32 $0xFFFFFC00, v52  }
0x278: {  	v18 =	vand.u32 $0x7F, v18;
	v25 =	vand.u32 $0xFFFFFC00, v58;
	v11 =	vor.u32 v11, v17  }
0x279: {  	v18 =	vor.u32 v18, v25  }
0x27a: {  	v17 =	vor.u32 $0x80, v11  }
0x27b: {  	v53 =	vor.u32 $0x100, v11  }
0x27c: {  	v54 =	vor.u32 $0x180, v11  }
0x27d: {  	v55 =	vor.u32 $0x200, v11;
	v22 =	vld.idx.msk [tilespmem:v11+s25+$0x0], $0xffff  }
0x27e: {  	v56 =	vor.u32 $0x280, v11;
	v29 =	vld.idx.msk [tilespmem:v18+s25+$0x0], $0xffff  }
0x27f: {  	v57 =	vor.u32 $0x300, v11;
	v17 =	vld.idx.msk [tilespmem:v17+s25+$0x0], $0xffff  }
0x280: {  	v25 =	vor.u32 $0x80, v18;
	v19 =	vld.idx.msk [tilespmem:v53+s25+$0x0], $0xffff  }
0x281: {  	v59 =	vor.u32 $0x100, v18;
	v20 =	vld.idx.msk [tilespmem:v54+s25+$0x0], $0xffff  }
0x282: {  	v60 =	vor.u32 $0x180, v18;
	v21 =	vld.idx.msk [tilespmem:v55+s25+$0x0], $0xffff  }
0x283: {  	v61 =	vor.u32 $0x200, v18;
	v23 =	vld.idx.msk [tilespmem:v56+s25+$0x0], $0xffff  }
0x284: {  	v62 =	vor.u32 $0x280, v18;
	v24 =	vld.idx.msk [tilespmem:v57+s25+$0x0], $0xffff  }
0x285: {  	v63 =	vor.u32 $0x300, v18;
	v25 =	vld.idx.msk [tilespmem:v25+s25+$0x0], $0xffff  }
0x286: {  	v11 =	vor.u32 $0x380, v11;
	v26 =	vld.idx.msk [tilespmem:v59+s25+$0x0], $0xffff  }
0x287: {  	v18 =	vor.u32 $0x380, v18;
	v27 =	vld.idx.msk [tilespmem:v60+s25+$0x0], $0xffff  }
0x288: {  	v28 =	vld.idx.msk [tilespmem:v61+s25+$0x0], $0xffff  }
0x289: {  	v30 =	vld.idx.msk [tilespmem:v62+s25+$0x0], $0xffff  }
0x28a: {  	v31 =	vld.idx.msk [tilespmem:v63+s25+$0x0], $0xffff  }
0x28b: {  	v11 =	vld.idx.msk [tilespmem:v11+s25+$0x0], $0xffff  }
0x28c: {  	v18 =	vld.idx.msk [tilespmem:v18+s25+$0x0], $0xffff;
	[tilespmem:s22+$0xFFFFFE40] =	vst v6  }
0x28d: {  	[tilespmem:s22+$0xFFFFFEC0] =	vst v1  }
0x28e: {  	[tilespmem:s22+$0xFFFFFF40] =	vst v3  }
0x28f: {  	[tilespmem:s22+$0xFFFFFFC0] =	vst v4  }
0x290: {  	[tilespmem:s22+$0x40] =	vst v5  }
0x291: {  	[tilespmem:s22+$0xC0] =	vst v7  }
0x292: {  	[tilespmem:s22+$0x140] =	vst v8  }
0x293: {  	[tilespmem:s22+$0x1C0] =	vst v0  }
0x294: {  	[tilespmem:s22+$0xFFFFFE50] =	vst v14  }
0x295: {  	[tilespmem:s22+$0xFFFFFED0] =	vst v9  }
0x296: {  	[tilespmem:s22+$0xFFFFFF50] =	vst v10  }
0x297: {  	[tilespmem:s22+$0xFFFFFFD0] =	vst v12  }
0x298: {  	[tilespmem:s22+$0x50] =	vst v13  }
0x299: {  	[tilespmem:s22+$0xD0] =	vst v15  }
0x29a: {  	[tilespmem:s22+$0x150] =	vst v16  }
0x29b: {  	[tilespmem:s22+$0x1D0] =	vst v2  }
0x29c: {  	[tilespmem:s22+$0xFFFFFE60] =	vst v22  }
0x29d: {  	[tilespmem:s22+$0xFFFFFE70] =	vst v29  }
0x29e: {  	[tilespmem:s22+$0xFFFFFEE0] =	vst v17  }
0x29f: {  	[tilespmem:s22+$0xFFFFFF60] =	vst v19  }
0x2a0: {  	[tilespmem:s22+$0xFFFFFFE0] =	vst v20  }
0x2a1: {  	[tilespmem:s22+$0x60] =	vst v21  }
0x2a2: {  	[tilespmem:s22+$0xE0] =	vst v23  }
0x2a3: {  	[tilespmem:s22+$0x160] =	vst v24  }
0x2a4: {  	[tilespmem:s22+$0xFFFFFEF0] =	vst v25  }
0x2a5: {  	[tilespmem:s22+$0xFFFFFF70] =	vst v26  }
0x2a6: {  	p2 =	sne.s32 s29, $0x1E00;
	[tilespmem:s22+$0xFFFFFFF0] =	vst v27  }
.Ltmp0:
0x2a7: {  	[tilespmem:s22+$0x70] =	vst v28;
	(pc) =	sbr.rel @p2 .LBB2_4-.Ltmp0, $4  }
0x2a8: {  	[tilespmem:s22+$0xF0] =	vst v30  }
0x2a9: {  	[tilespmem:s22+$0x170] =	vst v31  }
0x2aa: {  	[tilespmem:s22+$0x1E0] =	vst v11  }
0x2ab: {  	s29 =	sadd.s32 $0x200, s29;
	[tilespmem:s22+$0x1F0] =	vst v18;
	s22 =	sadd.s32 $0x400, s22  }
0x2ac: {  	s17 =	sshll.u32 s21, $0xF  }
0x2ad: {  	s17 =	sadd.s32 s19, s17  }
0x2ae: {  	p2 =	seq.s32 s21, $0x3;
	s17 =	sshrl.u32 s17, $0x3  }
.Ltmp1:
0x2af: {  	s17 =	sadd.s32 s2, s17;
	(pc) =	sbr.rel @!p2 .LBB2_6-.Ltmp1, $4  }
0x2b0: {  	[hbm4b:s17+s4] =	stream.linear.scatter [tilespmem:s31], [sflag:$0x5], $0x4000, $0x38;
	[tilespmem:$0x1F000] =	vst v63  }
0x2b1: {  	_ =	swait.ge [sflag:s16], $0x800  }
0x2b2: {  	[sflag:s16] =	ssyncset.done $0x0  }
0x2b3: {  	[sflag:s16] =	ssyncadd.s32 $0xFFFFF800  }
.Ltmp2:
0x2b4: {  	(pc) =	sbr.rel @p0 .LBB2_9-.Ltmp2, $4  }
.Ltmp3:
0x2b5: {  	(pc) =	sbr.rel @!p0 .LBB2_8-.Ltmp3, $4  }
0x2b6: {  	_ = 	snop  }
0x2b7: {  	_ = 	snop  }
0x2b8: {  	s17 =	smov.u32 s28  }
0x2b9: {  	_ = 	snop  }
.LBB2_6:
0x2ba: {  	s17 =	sshll.u32 s21, $0xC  }
0x2bb: {  	s17 =	sand.u32 $0x3FFFF000, s17  }
0x2bc: {  	s17 =	sadd.s32 s17, s12  }
0x2bd: {  	s17 =	sadd.s32 $0x1000, s17  }
.LBB2_8:
0x2be: {  	[tilespmem:s23], [sflag:$0x3] =	stream.linear.gather [spmem:s17], $0x800, $0x38;
	[tilespmem:$0x1F000] =	vst v63  }
.LBB2_9:
0x2bf: {  	s17 =	simm.s32 @!p1 $0x6  }
0x2c0: {  	_ =	swait.ge @!p1 [sflag:s17], $0x4000  }
0x2c1: {  	[sflag:s17] =	ssyncset.done @!p1 $0x0  }
0x2c2: {  	s22 =	simm.s32 $0x0;
	s29 =	simm.s32 $0x12870;
	[sflag:s17] =	ssyncadd.s32 @!p1 $0xFFFFC000  }
.LBB2_10:
0x2c3: {  	v0 =	vld [tilespmem:s29+$0xFFFFFF90]  }
0x2c4: {  	v3 =	vld [tilespmem:s29+$0xFFFFFFA0]  }
0x2c5: {  	v11 =	vld [tilespmem:s29+$0xFFFFFFB0];
	_ =	sdelay $0x1  }
0x2c6: {  	v18 =	vld [tilespmem:s29+$0xFFFFFFC0];
	_ =	sdelay $0x1  }
0x2c7: {  	v1 =	vshll.u32 v0, $0x3;
	v0 =	vand.u32 $0x7F, v0;
	v9 =	vshll.u32 v3, $0x3  }
0x2c8: {  	v3 =	vand.u32 $0x7F, v3;
	v17 =	vshll.u32 v11, $0x3;
	v1 =	vand.u32 $0xFFFFFC00, v1  }
0x2c9: {  	v11 =	vand.u32 $0x7F, v11;
	v9 =	vand.u32 $0xFFFFFC00, v9;
	v0 =	vor.u32 v0, v1  }
0x2ca: {  	v25 =	vshll.u32 v18, $0x3;
	v17 =	vand.u32 $0xFFFFFC00, v17;
	v3 =	vor.u32 v3, v9  }
0x2cb: {  	v18 =	vand.u32 $0x7F, v18;
	v25 =	vand.u32 $0xFFFFFC00, v25;
	v11 =	vor.u32 v11, v17  }
0x2cc: {  	v18 =	vor.u32 v18, v25  }
0x2cd: {  	v1 =	vor.u32 $0x80, v0  }
0x2ce: {  	v2 =	vor.u32 $0x100, v0;
	v6 =	vld.idx.msk [tilespmem:v0+s25+$0x0], $0xffff  }
0x2cf: {  	v4 =	vor.u32 $0x180, v0;
	v14 =	vld.idx.msk [tilespmem:v3+s25+$0x0], $0xffff  }
0x2d0: {  	v5 =	vor.u32 $0x200, v0;
	v22 =	vld.idx.msk [tilespmem:v11+s25+$0x0], $0xffff  }
0x2d1: {  	v7 =	vor.u32 $0x280, v0;
	v29 =	vld.idx.msk [tilespmem:v18+s25+$0x0], $0xffff  }
0x2d2: {  	v8 =	vor.u32 $0x300, v0;
	v1 =	vld.idx.msk [tilespmem:v1+s25+$0x0], $0xffff  }
0x2d3: {  	v9 =	vor.u32 $0x80, v3;
	v2 =	vld.idx.msk [tilespmem:v2+s25+$0x0], $0xffff  }
0x2d4: {  	v10 =	vor.u32 $0x100, v3;
	v4 =	vld.idx.msk [tilespmem:v4+s25+$0x0], $0xffff  }
0x2d5: {  	v12 =	vor.u32 $0x180, v3;
	v5 =	vld.idx.msk [tilespmem:v5+s25+$0x0], $0xffff  }
0x2d6: {  	v13 =	vor.u32 $0x200, v3;
	v7 =	vld.idx.msk [tilespmem:v7+s25+$0x0], $0xffff  }
0x2d7: {  	v15 =	vor.u32 $0x280, v3;
	v8 =	vld.idx.msk [tilespmem:v8+s25+$0x0], $0xffff  }
0x2d8: {  	v16 =	vor.u32 $0x300, v3;
	v9 =	vld.idx.msk [tilespmem:v9+s25+$0x0], $0xffff  }
0x2d9: {  	v17 =	vor.u32 $0x80, v11;
	v10 =	vld.idx.msk [tilespmem:v10+s25+$0x0], $0xffff  }
0x2da: {  	v19 =	vor.u32 $0x100, v11;
	v12 =	vld.idx.msk [tilespmem:v12+s25+$0x0], $0xffff  }
0x2db: {  	v20 =	vor.u32 $0x180, v11;
	v13 =	vld.idx.msk [tilespmem:v13+s25+$0x0], $0xffff  }
0x2dc: {  	v21 =	vor.u32 $0x200, v11;
	v15 =	vld.idx.msk [tilespmem:v15+s25+$0x0], $0xffff  }
0x2dd: {  	v23 =	vor.u32 $0x280, v11;
	v16 =	vld.idx.msk [tilespmem:v16+s25+$0x0], $0xffff  }
0x2de: {  	v24 =	vor.u32 $0x300, v11;
	v17 =	vld.idx.msk [tilespmem:v17+s25+$0x0], $0xffff  }
0x2df: {  	v25 =	vor.u32 $0x80, v18;
	v19 =	vld.idx.msk [tilespmem:v19+s25+$0x0], $0xffff  }
0x2e0: {  	v26 =	vor.u32 $0x100, v18;
	v20 =	vld.idx.msk [tilespmem:v20+s25+$0x0], $0xffff  }
0x2e1: {  	v27 =	vor.u32 $0x180, v18;
	v21 =	vld.idx.msk [tilespmem:v21+s25+$0x0], $0xffff  }
0x2e2: {  	v28 =	vor.u32 $0x200, v18;
	v23 =	vld.idx.msk [tilespmem:v23+s25+$0x0], $0xffff  }
0x2e3: {  	v30 =	vor.u32 $0x280, v18;
	v24 =	vld.idx.msk [tilespmem:v24+s25+$0x0], $0xffff  }
0x2e4: {  	v31 =	vor.u32 $0x300, v18;
	v25 =	vld.idx.msk [tilespmem:v25+s25+$0x0], $0xffff  }
0x2e5: {  	v0 =	vor.u32 $0x380, v0;
	v26 =	vld.idx.msk [tilespmem:v26+s25+$0x0], $0xffff  }
0x2e6: {  	v3 =	vor.u32 $0x380, v3;
	v27 =	vld.idx.msk [tilespmem:v27+s25+$0x0], $0xffff  }
0x2e7: {  	v11 =	vor.u32 $0x380, v11;
	v28 =	vld.idx.msk [tilespmem:v28+s25+$0x0], $0xffff  }
0x2e8: {  	v18 =	vor.u32 $0x380, v18;
	v30 =	vld.idx.msk [tilespmem:v30+s25+$0x0], $0xffff  }
0x2e9: {  	v31 =	vld.idx.msk [tilespmem:v31+s25+$0x0], $0xffff  }
0x2ea: {  	v0 =	vld.idx.msk [tilespmem:v0+s25+$0x0], $0xffff  }
0x2eb: {  	v3 =	vld.idx.msk [tilespmem:v3+s25+$0x0], $0xffff  }
0x2ec: {  	s17 =	sshra.s32 s22, $0x2;
	v11 =	vld.idx.msk [tilespmem:v11+s25+$0x0], $0xffff  }
0x2ed: {  	v18 =	vld.idx.msk [tilespmem:v18+s25+$0x0], $0xffff;
	[tilespmem:s17+$0x17000] =	vst v6  }
0x2ee: {  	[tilespmem:s17+$0x17010] =	vst v14  }
0x2ef: {  	[tilespmem:s17+$0x17080] =	vst v1  }
0x2f0: {  	[tilespmem:s17+$0x17100] =	vst v2  }
0x2f1: {  	[tilespmem:s17+$0x17180] =	vst v4  }
0x2f2: {  	[tilespmem:s17+$0x17200] =	vst v5  }
0x2f3: {  	[tilespmem:s17+$0x17280] =	vst v7  }
0x2f4: {  	[tilespmem:s17+$0x17300] =	vst v8  }
0x2f5: {  	[tilespmem:s17+$0x17090] =	vst v9  }
0x2f6: {  	[tilespmem:s17+$0x17110] =	vst v10  }
0x2f7: {  	[tilespmem:s17+$0x17190] =	vst v12  }
0x2f8: {  	[tilespmem:s17+$0x17210] =	vst v13  }
0x2f9: {  	[tilespmem:s17+$0x17290] =	vst v15  }
0x2fa: {  	[tilespmem:s17+$0x17310] =	vst v16  }
0x2fb: {  	[tilespmem:s17+$0x17380] =	vst v0  }
0x2fc: {  	[tilespmem:s17+$0x17390] =	vst v3  }
0x2fd: {  	v0 =	vld [tilespmem:s29+$0xFFFFFFD0]  }
0x2fe: {  	v2 =	vld [tilespmem:s29+$0xFFFFFFE0];
	_ =	sdelay $0x3  }
0x2ff: {  	v40 =	vshll.u32 v0, $0x3  }
0x300: {  	v0 =	vand.u32 $0x7F, v0;
	v46 =	vshll.u32 v2, $0x3;
	v1 =	vand.u32 $0xFFFFFC00, v40  }
0x301: {  	v2 =	vand.u32 $0x7F, v2;
	v9 =	vand.u32 $0xFFFFFC00, v46;
	v0 =	vor.u32 v0, v1  }
0x302: {  	v2 =	vor.u32 v2, v9  }
0x303: {  	v1 =	vor.u32 $0x80, v0  }
0x304: {  	v41 =	vor.u32 $0x100, v0  }
0x305: {  	v42 =	vor.u32 $0x180, v0  }
0x306: {  	v43 =	vor.u32 $0x200, v0;
	v6 =	vld.idx.msk [tilespmem:v0+s25+$0x0], $0xffff  }
0x307: {  	v44 =	vor.u32 $0x280, v0;
	v14 =	vld.idx.msk [tilespmem:v2+s25+$0x0], $0xffff  }
0x308: {  	v45 =	vor.u32 $0x300, v0;
	v1 =	vld.idx.msk [tilespmem:v1+s25+$0x0], $0xffff  }
0x309: {  	v9 =	vor.u32 $0x80, v2;
	v3 =	vld.idx.msk [tilespmem:v41+s25+$0x0], $0xffff  }
0x30a: {  	v47 =	vor.u32 $0x100, v2;
	v4 =	vld.idx.msk [tilespmem:v42+s25+$0x0], $0xffff  }
0x30b: {  	v48 =	vor.u32 $0x180, v2;
	v5 =	vld.idx.msk [tilespmem:v43+s25+$0x0], $0xffff  }
0x30c: {  	v49 =	vor.u32 $0x200, v2;
	v7 =	vld.idx.msk [tilespmem:v44+s25+$0x0], $0xffff  }
0x30d: {  	v50 =	vor.u32 $0x280, v2;
	v8 =	vld.idx.msk [tilespmem:v45+s25+$0x0], $0xffff  }
0x30e: {  	v51 =	vor.u32 $0x300, v2;
	v9 =	vld.idx.msk [tilespmem:v9+s25+$0x0], $0xffff  }
0x30f: {  	v0 =	vor.u32 $0x380, v0;
	v10 =	vld.idx.msk [tilespmem:v47+s25+$0x0], $0xffff  }
0x310: {  	v2 =	vor.u32 $0x380, v2;
	v12 =	vld.idx.msk [tilespmem:v48+s25+$0x0], $0xffff  }
0x311: {  	v13 =	vld.idx.msk [tilespmem:v49+s25+$0x0], $0xffff  }
0x312: {  	v15 =	vld.idx.msk [tilespmem:v50+s25+$0x0], $0xffff  }
0x313: {  	v16 =	vld.idx.msk [tilespmem:v51+s25+$0x0], $0xffff  }
0x314: {  	v0 =	vld.idx.msk [tilespmem:v0+s25+$0x0], $0xffff  }
0x315: {  	v2 =	vld.idx.msk [tilespmem:v2+s25+$0x0], $0xffff;
	[tilespmem:s17+$0x17020] =	vst v22  }
0x316: {  	[tilespmem:s17+$0x170A0] =	vst v17  }
0x317: {  	[tilespmem:s17+$0x17120] =	vst v19  }
0x318: {  	[tilespmem:s17+$0x171A0] =	vst v20  }
0x319: {  	[tilespmem:s17+$0x17220] =	vst v21  }
0x31a: {  	[tilespmem:s17+$0x172A0] =	vst v23  }
0x31b: {  	[tilespmem:s17+$0x17320] =	vst v24  }
0x31c: {  	[tilespmem:s17+$0x173A0] =	vst v11  }
0x31d: {  	[tilespmem:s17+$0x17030] =	vst v29  }
0x31e: {  	[tilespmem:s17+$0x170B0] =	vst v25  }
0x31f: {  	[tilespmem:s17+$0x17130] =	vst v26  }
0x320: {  	[tilespmem:s17+$0x171B0] =	vst v27  }
0x321: {  	[tilespmem:s17+$0x17230] =	vst v28  }
0x322: {  	[tilespmem:s17+$0x172B0] =	vst v30  }
0x323: {  	[tilespmem:s17+$0x17330] =	vst v31  }
0x324: {  	[tilespmem:s17+$0x173B0] =	vst v18  }
0x325: {  	v11 =	vld [tilespmem:s29+$0xFFFFFFF0]  }
0x326: {  	v18 =	vld [tilespmem:s29+$0x0];
	_ =	sdelay $0x3  }
0x327: {  	v52 =	vshll.u32 v11, $0x3  }
0x328: {  	v11 =	vand.u32 $0x7F, v11;
	v58 =	vshll.u32 v18, $0x3;
	v17 =	vand.u32 $0xFFFFFC00, v52  }
0x329: {  	v18 =	vand.u32 $0x7F, v18;
	v25 =	vand.u32 $0xFFFFFC00, v58;
	v11 =	vor.u32 v11, v17  }
0x32a: {  	v18 =	vor.u32 v18, v25  }
0x32b: {  	v17 =	vor.u32 $0x80, v11  }
0x32c: {  	v53 =	vor.u32 $0x100, v11  }
0x32d: {  	v54 =	vor.u32 $0x180, v11  }
0x32e: {  	v55 =	vor.u32 $0x200, v11;
	v22 =	vld.idx.msk [tilespmem:v11+s25+$0x0], $0xffff  }
0x32f: {  	v56 =	vor.u32 $0x280, v11;
	v29 =	vld.idx.msk [tilespmem:v18+s25+$0x0], $0xffff  }
0x330: {  	v57 =	vor.u32 $0x300, v11;
	v17 =	vld.idx.msk [tilespmem:v17+s25+$0x0], $0xffff  }
0x331: {  	v25 =	vor.u32 $0x80, v18;
	v19 =	vld.idx.msk [tilespmem:v53+s25+$0x0], $0xffff  }
0x332: {  	v59 =	vor.u32 $0x100, v18;
	v20 =	vld.idx.msk [tilespmem:v54+s25+$0x0], $0xffff  }
0x333: {  	v60 =	vor.u32 $0x180, v18;
	v21 =	vld.idx.msk [tilespmem:v55+s25+$0x0], $0xffff  }
0x334: {  	v61 =	vor.u32 $0x200, v18;
	v23 =	vld.idx.msk [tilespmem:v56+s25+$0x0], $0xffff  }
0x335: {  	v62 =	vor.u32 $0x280, v18;
	v24 =	vld.idx.msk [tilespmem:v57+s25+$0x0], $0xffff  }
0x336: {  	v63 =	vor.u32 $0x300, v18;
	v25 =	vld.idx.msk [tilespmem:v25+s25+$0x0], $0xffff  }
0x337: {  	v11 =	vor.u32 $0x380, v11;
	v26 =	vld.idx.msk [tilespmem:v59+s25+$0x0], $0xffff  }
0x338: {  	v18 =	vor.u32 $0x380, v18;
	v27 =	vld.idx.msk [tilespmem:v60+s25+$0x0], $0xffff  }
0x339: {  	v28 =	vld.idx.msk [tilespmem:v61+s25+$0x0], $0xffff  }
0x33a: {  	v30 =	vld.idx.msk [tilespmem:v62+s25+$0x0], $0xffff  }
0x33b: {  	v31 =	vld.idx.msk [tilespmem:v63+s25+$0x0], $0xffff  }
0x33c: {  	v11 =	vld.idx.msk [tilespmem:v11+s25+$0x0], $0xffff  }
0x33d: {  	v18 =	vld.idx.msk [tilespmem:v18+s25+$0x0], $0xffff;
	[tilespmem:s17+$0x17040] =	vst v6  }
0x33e: {  	[tilespmem:s17+$0x170C0] =	vst v1  }
0x33f: {  	[tilespmem:s17+$0x17140] =	vst v3  }
0x340: {  	[tilespmem:s17+$0x171C0] =	vst v4  }
0x341: {  	[tilespmem:s17+$0x17240] =	vst v5  }
0x342: {  	[tilespmem:s17+$0x172C0] =	vst v7  }
0x343: {  	[tilespmem:s17+$0x17340] =	vst v8  }
0x344: {  	[tilespmem:s17+$0x173C0] =	vst v0  }
0x345: {  	[tilespmem:s17+$0x17050] =	vst v14  }
0x346: {  	[tilespmem:s17+$0x170D0] =	vst v9  }
0x347: {  	[tilespmem:s17+$0x17150] =	vst v10  }
0x348: {  	[tilespmem:s17+$0x171D0] =	vst v12  }
0x349: {  	[tilespmem:s17+$0x17250] =	vst v13  }
0x34a: {  	[tilespmem:s17+$0x172D0] =	vst v15  }
0x34b: {  	[tilespmem:s17+$0x17350] =	vst v16  }
0x34c: {  	[tilespmem:s17+$0x173D0] =	vst v2  }
0x34d: {  	[tilespmem:s17+$0x17060] =	vst v22  }
0x34e: {  	[tilespmem:s17+$0x17070] =	vst v29  }
0x34f: {  	[tilespmem:s17+$0x170E0] =	vst v17  }
0x350: {  	[tilespmem:s17+$0x17160] =	vst v19  }
0x351: {  	[tilespmem:s17+$0x171E0] =	vst v20  }
0x352: {  	[tilespmem:s17+$0x17260] =	vst v21  }
0x353: {  	[tilespmem:s17+$0x172E0] =	vst v23  }
0x354: {  	[tilespmem:s17+$0x17360] =	vst v24  }
0x355: {  	[tilespmem:s17+$0x170F0] =	vst v25  }
0x356: {  	[tilespmem:s17+$0x17170] =	vst v26  }
0x357: {  	p1 =	sne.s32 s22, $0xF000;
	[tilespmem:s17+$0x171F0] =	vst v27  }
.Ltmp4:
0x358: {  	[tilespmem:s17+$0x17270] =	vst v28;
	(pc) =	sbr.rel @p1 .LBB2_10-.Ltmp4, $4  }
0x359: {  	[tilespmem:s17+$0x172F0] =	vst v30  }
0x35a: {  	[tilespmem:s17+$0x17370] =	vst v31  }
0x35b: {  	[tilespmem:s17+$0x173E0] =	vst v11  }
0x35c: {  	s22 =	sadd.s32 $0x1000, s22;
	s29 =	sadd.s32 $0x80, s29;
	[tilespmem:s17+$0x173F0] =	vst v18  }
0x35d: {  	s21 =	sadd.s32 $0x1, s21  }
0x35e: {  	p1 =	sne.s32 s21, $0x4  }
.Ltmp5:
0x35f: {  	s13 =	sshll.u32 s13, $0xA;
	(pc) =	sbr.rel @p1 .LBB2_3-.Ltmp5, $4  }
0x360: {  	s13 =	sadd.s32 s19, s13  }
0x361: {  	s13 =	sshrl.u32 s13, $0x3  }
0x362: {  	s13 =	sadd.s32 s2, s13  }
0x363: {  	[hbm4b:s13+s4] =	stream.linear.scatter [tilespmem:s5], [sflag:$0x6], $0x4000, $0x38;
	[tilespmem:$0x1F000] =	vst v63  }
0x364: {  	s18 =	sadd.s32 @!p0 $0x1, s18  }
0x365: {  	s12 =	sadd.s32 @!p0 s7, s18  }
0x366: {  	s12 =	sshll.u32 @!p0 s12, $0x13  }
0x367: {  	s12 =	sor.u32 @!p0 s8, s12  }
0x368: {  	s13 =	simm.s32 @!p0 $0x0;
	s12 =	sshrl.u32 @!p0 s12, $0x3  }
0x369: {  	s17 =	simm.s32 @!p0 $0x2000;
	p1 =	sne.s32 @!p0 s18, $0x8;
	s12 =	sadd.s32 @!p0 s1, s12  }
0x36a: {  	[tilespmem:s17], [sflag:$0x2] =	stream.linear.gather @!p0 [hbm4b:s12+s13], $0x10000, $0x38;
	[tilespmem:$0x1F000] =	vst v63  }
0x36b: {  	p0 =	por p0, !p1  }
.Ltmp6:
0x36c: {  	_ = 	snop;
	(pc) =	sbr.rel @!p0 .LBB2_2-.Ltmp6, $1  }
0x36d: {  	_ =	sdelay $0x3  }
0x36e: {  	s9 =	simm.s32 $0x5  }
0x36f: {  	_ =	swait.ge [sflag:s9], $0x4000  }
0x370: {  	[sflag:s9] =	ssyncset.done $0x0  }
0x371: {  	s29 =	simm.s32 $0x6;
	[sflag:s9] =	ssyncadd.s32 $0xFFFFC000  }
0x372: {  	_ =	swait.ge [sflag:s29], $0x4000  }
0x373: {  	s10 =	sadd.s32 $0x1, s10;
	s12 =	rddreg [dreg:$0x12]  }
0x374: {  	p0 =	sne.s32 s10, s12  }
.Ltmp7:
0x375: {  	_ = 	snop;
	(pc) =	sbr.rel @p0 .LBB2_1-.Ltmp7, $3  }
0x376: {  	_ =	sdelay $0x1  }
0x377: {  	[sflag:s29] =	ssyncset.done $0x0  }
0x378: {  	[sflag:s29] =	ssyncadd.s32 $0xFFFFC000  }
0x379: {  	_ =	sfence.sel $0x180000  }
0x37a: {  	[bflag:$0x0] =	sbarrier.arrive $0xFFFF  }
0x37b: {  	_ =	strace $0x90000047  }
0x37c: {  	s0 =	stileid.u32;
	[bflag:$0x2] =	sbarrier.arrive $0xFFFF  }
0x37d: {  	p0 =	sne.s32 s0, $0x0;
	s0 =	rddreg [dreg:$0x4]  }
0x37e: {  	s0 =	sadd.s32 @!p0 $0x100000, s0  }
0x37f: {  	[sflag:s0] =	ssyncadd.tile.s32 @!p0 $0x1;
	_ =	shalt  }
.Lfunc_end2:
_tile_overlayer_lowered:
.L_overlay_start_2:
0x380: {  	(tag) =	ssettag $0x2  }
0x381: {  	s0 =	rddreg [dreg:$0x0];
	s2 =	stileid.u32  }
0x382: {  	s1 =	rddreg [dreg:$0x1];
	p0 =	sne.s32 s2, $0x0  }
0x383: {  	s3 =	rddreg [dreg:$0x2];
	[bflag:$0x3] =	sbarrier.arrive $0xFFFF;
	s2 =	simm.s32 @!p0 $0x1C07  }
0x384: {  	[timem:s3], [sflag:s2] =	dma.local @!p0 [hbm:s0], s1  }
0x385: {  	s0 =	simm.s32 @!p0 $0x7  }
0x386: {  	_ =	swait.ge @!p0 [sflag:s0], s1  }
0x387: {  	s1 =	ssub.s32 @!p0 $0x0, s1;
	[sflag:s0] =	ssyncset.done @!p0 $0x0  }
0x388: {  	[sflag:s0] =	ssyncadd.s32 @!p0 s1  }
0x389: {  	[bflag:$0x3] =	sbarrier.arrive $0xFFFF  }
0x38a: {  	_ =	shalt  }

</sc_bundles>
